<compile_context>
chip_gen: v7x
topology: tpu7x:2x2x1
jax: 0.10.2.dev20260603
libtpu: 0.0.44.dev20260713+nightly
codegen_flags: <defaults>
</compile_context>

<pallas_src>
import jax
import jax.numpy as jnp
from jax import lax
from jax.experimental import pallas as pl
from jax.experimental.pallas import tpu as pltpu
from jax.experimental.pallas import tpu_sc as plsc

_N = 10000
_E = 320000
_H = 128
_CH = 128
_NCH = 2560
_E_PAD = _NCH * _CH
_ACC_ROWS = 10240
_ZPT = _ACC_ROWS // 16
_OPT = 624
_BR = 2000


def _make_agg(F, feature_split, const_ones=False):
  mesh = plsc.VectorSubcoreMesh(core_axis_name="c", subcore_axis_name="s")
  cpt = (_NCH // 16) if feature_split else (_NCH // 32)
  n_groups = 4 if feature_split else 2

  def body(y_hbm, src_hbm, dst_hbm, out_hbm, src_v, dst_v, b0, b1, b2, b3,
           acc, g0, g1, g2, g3, s0, s1, s2, s3):
    bufs = (b0, b1, b2, b3)
    gsem = (g0, g1, g2, g3)
    ssem = (s0, s1, s2, s3)
    c = lax.axis_index("c")
    s = lax.axis_index("s")
    if feature_split:
      base = s * cpt
    else:
      base = c * (_NCH // 2) + s * cpt
    if not const_ones:
      pltpu.sync_copy(src_hbm.at[pl.ds(base, cpt)], src_v)
    pltpu.sync_copy(dst_hbm.at[pl.ds(base, cpt)], dst_v)

    def add_src_offset(off):
      offv = jnp.zeros((16,), jnp.int32) + off

      @pl.loop(0, cpt)
      def _addoff(i):
        for j in range(_CH // 16):
          src_v[i, pl.ds(j * 16, 16)] = src_v[i, pl.ds(j * 16, 16)] + offv

    def run_phase(out_group):
      @pl.loop(0, _CH)
      def _zero_fill(i):
        for j in range(F // 16):
          b0[i, pl.ds(j * 16, 16)] = jnp.zeros((16,), jnp.float32)

      z0 = s * _ZPT
      for r in range(_ZPT // _CH):
        pltpu.sync_copy(b0, acc.at[pl.ds(z0 + r * _CH, _CH)])
      plsc.subcore_barrier()

      if const_ones:
        @pl.loop(0, _CH)
        def _one_fill(i):
          for j in range(F // 16):
            b1[i, pl.ds(j * 16, 16)] = jnp.ones((16,), jnp.float32)

        for b in range(4):
          pltpu.async_copy(b1, acc.at[dst_v.at[b]], ssem[b], add=True)

        @pl.loop(0, (cpt - 4) // 4)
        def _cchunks(k):
          j0 = k * 4
          for b in range(4):
            pltpu.make_async_copy(b1, acc.at[dst_v.at[0]], ssem[b]).wait()
            pltpu.async_copy(b1, acc.at[dst_v.at[j0 + 4 + b]], ssem[b],
                             add=True)

        for b in range(4):
          pltpu.make_async_copy(b1, acc.at[dst_v.at[0]], ssem[b]).wait()
        for t in range(cpt % 4):
          pltpu.sync_copy(b1, acc.at[dst_v.at[cpt - cpt % 4 + t]], add=True)
        plsc.subcore_barrier()
      else:
        for b in range(4):
          pltpu.async_copy(y_hbm.at[src_v.at[b]], bufs[b], gsem[b])

        @pl.loop(0, cpt // 4)
        def _chunks(k):
          j0 = k * 4
          for b in range(4):
            pltpu.make_async_copy(y_hbm.at[src_v.at[0]], bufs[b],
                                  gsem[b]).wait()
            pltpu.async_copy(bufs[b], acc.at[dst_v.at[j0 + b]], ssem[b],
                             add=True)
          for b in range(4):

            @pl.when(j0 + b + 4 < cpt)
            def _():
              pltpu.make_async_copy(bufs[b], acc.at[dst_v.at[0]],
                                    ssem[b]).wait()
              pltpu.async_copy(y_hbm.at[src_v.at[j0 + b + 4]], bufs[b],
                               gsem[b])

        for b in range(4):
          pltpu.make_async_copy(bufs[b], acc.at[dst_v.at[0]],
                                ssem[b]).wait()
        for t in range(cpt % 4):
          pltpu.make_async_copy(y_hbm.at[src_v.at[0]], bufs[t],
                                gsem[t]).wait()
          pltpu.sync_copy(bufs[t], acc.at[dst_v.at[cpt - cpt % 4 + t]],
                          add=True)
        plsc.subcore_barrier()
      o0 = s * _OPT
      pltpu.sync_copy(acc.at[pl.ds(o0, _OPT)],
                      out_hbm.at[out_group, pl.ds(o0, _OPT)])

      @pl.when(s == 15)
      def _tail():
        t0 = 16 * _OPT
        pltpu.sync_copy(acc.at[pl.ds(t0, _N - 16 * _OPT)],
                        out_hbm.at[out_group, pl.ds(t0, _N - 16 * _OPT)])

    if feature_split:
      add_src_offset(c * _N)
      run_phase(c)
      plsc.subcore_barrier()
      add_src_offset(2 * _N)
      run_phase(2 + c)
    else:
      run_phase(c)

  return pl.kernel(
      body,
      out_type=jax.ShapeDtypeStruct((n_groups, _N, F), jnp.float32),
      mesh=mesh,
      compiler_params=pltpu.CompilerParams(use_tc_tiling_on_sc=False),
      scratch_types=[
          pltpu.VMEM((cpt, _CH), jnp.int32),
          pltpu.VMEM((cpt, _CH), jnp.int32),
          pltpu.VMEM((_CH, F), jnp.float32),
          pltpu.VMEM((_CH, F), jnp.float32),
          pltpu.VMEM((_CH, F), jnp.float32),
          pltpu.VMEM((_CH, F), jnp.float32),
          pltpu.VMEM_SHARED((_ACC_ROWS, F), jnp.float32),
      ] + [pltpu.SemaphoreType.DMA] * 8,
  )


def _t_matmul(x, w):

  def body(xr, wr, o_ref):
    o_ref[...] = jnp.dot(xr[...], wr[...], preferred_element_type=jnp.float32)

  return pl.pallas_call(
      body,
      grid=(_N // _BR,),
      in_specs=[
          pl.BlockSpec((_BR, _H), lambda i: (i, 0)),
          pl.BlockSpec((_H, _H), lambda i: (0, 0)),
      ],
      out_specs=pl.BlockSpec((_BR, _H), lambda i: (i, 0)),
      out_shape=jax.ShapeDtypeStruct((_N, _H), jnp.float32),
  )(x, w)


def _t_scale(degp, xw):

  def body(dp, xwr, y_ref, dis_ref):
    v = dp[...]
    deg = v[0, :, 0:1] + v[1, :, 0:1] + 1.0
    dis = lax.rsqrt(deg)
    y = xwr[...] * dis
    y_ref[...] = jnp.stack(
        [y[:, 32 * g:32 * g + 32] for g in range(4)], axis=0)
    dis_ref[...] = dis

  return pl.pallas_call(
      body,
      grid=(_N // _BR,),
      in_specs=[
          pl.BlockSpec((2, _BR, 16), lambda i: (0, i, 0)),
          pl.BlockSpec((_BR, _H), lambda i: (i, 0)),
      ],
      out_specs=[
          pl.BlockSpec((4, _BR, 32), lambda i: (0, i, 0)),
          pl.BlockSpec((_BR, 1), lambda i: (i, 0)),
      ],
      out_shape=[
          jax.ShapeDtypeStruct((4, _N, 32), jnp.float32),
          jax.ShapeDtypeStruct((_N, 1), jnp.float32),
      ],
  )(degp, xw)


def _t_mid(p, y, dis, b, w, grouped_out):

  def body(pr, yr, dr, br, wr, o_ref):
    vp, vy = pr[...], yr[...]
    agg = jnp.concatenate([vp[g] + vy[g] for g in range(4)], axis=1)
    dis_v = dr[...]
    h = jnp.maximum(agg * dis_v + br[...], 0.0)
    hw = jnp.dot(h, wr[...], preferred_element_type=jnp.float32) * dis_v
    if grouped_out:
      o_ref[...] = jnp.stack(
          [hw[:, 32 * g:32 * g + 32] for g in range(4)], axis=0)
    else:
      o_ref[...] = hw

  fo = w.shape[1]
  if grouped_out:
    out_spec = pl.BlockSpec((4, _BR, 32), lambda i: (0, i, 0))
    out_shape = jax.ShapeDtypeStruct((4, _N, 32), jnp.float32)
  else:
    out_spec = pl.BlockSpec((_BR, fo), lambda i: (i, 0))
    out_shape = jax.ShapeDtypeStruct((_N, fo), jnp.float32)
  return pl.pallas_call(
      body,
      grid=(_N // _BR,),
      in_specs=[
          pl.BlockSpec((4, _BR, 32), lambda i: (0, i, 0)),
          pl.BlockSpec((4, _BR, 32), lambda i: (0, i, 0)),
          pl.BlockSpec((_BR, 1), lambda i: (i, 0)),
          pl.BlockSpec((1, _H), lambda i: (0, 0)),
          pl.BlockSpec((_H, fo), lambda i: (0, 0)),
      ],
      out_specs=out_spec,
      out_shape=out_shape,
  )(p, y, dis, b, w)


def _t_last(p, y, dis, b3p, wcp, bcr):

  def body(pr, yr, dr, br, wr, bcref, o_ref):
    v = pr[...]
    h = jnp.maximum((v[0] + v[1] + yr[...]) * dr[...] + br[...], 0.0)
    o_ref[...] = jnp.dot(h, wr[...],
                         preferred_element_type=jnp.float32) + bcref[...]

  return pl.pallas_call(
      body,
      grid=(_N // _BR,),
      in_specs=[
          pl.BlockSpec((2, _BR, 16), lambda i: (0, i, 0)),
          pl.BlockSpec((_BR, 16), lambda i: (i, 0)),
          pl.BlockSpec((_BR, 1), lambda i: (i, 0)),
          pl.BlockSpec((1, 16), lambda i: (0, 0)),
          pl.BlockSpec((16, 16), lambda i: (0, 0)),
          pl.BlockSpec((1, 16), lambda i: (0, 0)),
      ],
      out_specs=pl.BlockSpec((_BR, 16), lambda i: (i, 0)),
      out_shape=jax.ShapeDtypeStruct((_N, 16), jnp.float32),
  )(p, y, dis, b3p, wcp, bcr)


def kernel(x, edge_index, W1, b1, W2, b2, W3, b3, Wc, bc):
  src = edge_index[0]
  dst = edge_index[1]
  pad = _E_PAD - _E
  src_p = jnp.concatenate(
      [src, jnp.zeros((pad,), jnp.int32)]).reshape(_NCH, _CH)
  dst_p = jnp.concatenate(
      [dst, jnp.full((pad,), _N, jnp.int32)]).reshape(_NCH, _CH)

  agg16 = _make_agg(16, feature_split=False)
  agg32 = _make_agg(32, feature_split=True)
  deg_agg = _make_agg(16, feature_split=False, const_ones=True)

  degp = deg_agg(jnp.zeros((16, 16), jnp.float32), src_p, dst_p)
  xw1 = _t_matmul(x, W1)
  y1, dis = _t_scale(degp, xw1)
  p1 = agg32(y1.reshape(4 * _N, 32), src_p, dst_p)
  y2 = _t_mid(p1, y1, dis, b1.reshape(1, _H), W2, grouped_out=True)
  p2 = agg32(y2.reshape(4 * _N, 32), src_p, dst_p)
  w3p = jnp.pad(W3, ((0, 0), (0, 8)))
  y3 = _t_mid(p2, y2, dis, b2.reshape(1, _H), w3p, grouped_out=False)
  p3 = agg16(y3, src_p, dst_p)
  out = _t_last(p3, y3, dis,
                jnp.pad(b3, (0, 8)).reshape(1, 16),
                jnp.pad(Wc, ((0, 8), (0, 0))),
                bc.reshape(1, 16))
  return out

# --- scband reference (transcript-rebuilt; emitter-appended) ---
"""Pipeline reference for scband-route-gnn-76149770158376 (READ-ONLY COPY).

The authoritative reference and input builder live on the scoring server;
editing this copy changes nothing except your own understanding.
"""

import jax, jax.numpy as jnp
import numpy as np

N = 10000
E = 320000
F_IN = 128
H = 128
O3 = 8
C = 16


def setup_inputs(seed: int = 0) -> dict:
    key = jax.random.key(seed)
    ks = jax.random.split(key, 10)
    x = jax.random.normal(ks[0], (N, F_IN), dtype=jnp.float32)
    edge_index = jax.random.randint(ks[1], (2, E), 0, N, dtype=jnp.int32)
    W1 = jax.random.normal(ks[2], (F_IN, H), dtype=jnp.float32) / np.sqrt(F_IN)
    b1 = jnp.zeros((H,), dtype=jnp.float32)
    W2 = jax.random.normal(ks[3], (H, H), dtype=jnp.float32) / np.sqrt(H)
    b2 = jnp.zeros((H,), dtype=jnp.float32)
    W3 = jax.random.normal(ks[4], (H, O3), dtype=jnp.float32) / np.sqrt(H)
    b3 = jnp.zeros((O3,), dtype=jnp.float32)
    Wc = jax.random.normal(ks[5], (O3, C), dtype=jnp.float32) / np.sqrt(O3)
    bc = jnp.zeros((C,), dtype=jnp.float32)
    return {"x": x, "edge_index": edge_index, "W1": W1, "b1": b1, "W2": W2, "b2": b2, "W3": W3, "b3": b3, "Wc": Wc, "bc": bc}


def _gcn_conv(x, edge_index, W, b, num_nodes):
    # PyG-style GCNConv: out = D^{-1/2} (A + I) D^{-1/2} X W + b
    loop = jnp.arange(num_nodes, dtype=edge_index.dtype)
    src = jnp.concatenate([edge_index[0], loop])
    dst = jnp.concatenate([edge_index[1], loop])
    deg = jnp.zeros((num_nodes,), dtype=x.dtype).at[dst].add(1.0)
    deg_inv_sqrt = jnp.where(deg > 0, jax.lax.rsqrt(jnp.maximum(deg, 1e-12)), 0.0)
    norm = deg_inv_sqrt[src] * deg_inv_sqrt[dst]
    xw = x @ W
    msg = xw[src] * norm[:, None]
    out = jnp.zeros((num_nodes, W.shape[1]), dtype=x.dtype).at[dst].add(msg)
    return out + b


def reference(x, edge_index, W1, b1, W2, b2, W3, b3, Wc, bc):
    h = jax.nn.relu(_gcn_conv(x, edge_index, W1, b1, N))
    h = jax.nn.relu(_gcn_conv(h, edge_index, W2, b2, N))
    h = jax.nn.relu(_gcn_conv(h, edge_index, W3, b3, N))
    out = h @ Wc + bc
    return out

if __name__ == "__main__":
    import jax
    _d = setup_inputs()
    print(jax.jit(kernel)(*tuple(_d.values())))

</pallas_src>

<mosaic_0001>
#map = affine_map<(d0, d1) -> (0, 0)>
#map1 = affine_map<(d0, d1) -> (0, 0, 0)>
module attributes {stable_mosaic.version = 14 : i64} {
  func.func @body(%arg0: i32, %arg1: i32, %arg2: memref<40000x32xf32, #tpu.memory_space<hbm>>, %arg3: memref<2560x128xi32, #tpu.memory_space<hbm>>, %arg4: memref<2560x128xi32, #tpu.memory_space<hbm>>, %arg5: memref<4x10000x32xf32, #tpu.memory_space<hbm>>, %arg6: memref<160x128xi32, #tpu.memory_space<vmem>>, %arg7: memref<160x128xi32, #tpu.memory_space<vmem>>, %arg8: memref<128x32xf32, #tpu.memory_space<vmem>>, %arg9: memref<128x32xf32, #tpu.memory_space<vmem>>, %arg10: memref<128x32xf32, #tpu.memory_space<vmem>>, %arg11: memref<128x32xf32, #tpu.memory_space<vmem>>, %arg12: memref<10240x32xf32, #tpu.memory_space<vmem_shared>>, %arg13: memref<!tpu.dma_semaphore, #tpu.memory_space<semaphore_mem>>, %arg14: memref<!tpu.dma_semaphore, #tpu.memory_space<semaphore_mem>>, %arg15: memref<!tpu.dma_semaphore, #tpu.memory_space<semaphore_mem>>, %arg16: memref<!tpu.dma_semaphore, #tpu.memory_space<semaphore_mem>>, %arg17: memref<!tpu.dma_semaphore, #tpu.memory_space<semaphore_mem>>, %arg18: memref<!tpu.dma_semaphore, #tpu.memory_space<semaphore_mem>>, %arg19: memref<!tpu.dma_semaphore, #tpu.memory_space<semaphore_mem>>, %arg20: memref<!tpu.dma_semaphore, #tpu.memory_space<semaphore_mem>>) attributes {dimension_semantics = [#tpu.dimension_semantics<core_parallel>, #tpu.dimension_semantics<subcore_parallel>], iteration_bounds = array<i64: 2, 16>, scalar_prefetch = 0 : i64, scratch_operands = 15 : i64, tpu.core_type = #tpu.core_type<sc_vector_subcore>, window_params = [{transform_indices = #map}, {transform_indices = #map}, {transform_indices = #map}, {transform_indices = #map1}]} {
    %mul3A = arith.constant 160 : i32
    %mul3A_0 = arith.muli %arg1, %mul3A : i32
    "tpu.region"() ({
      %run_scoped3A = tpu.sem_alloc : memref<!tpu.dma_semaphore, #tpu.memory_space<semaphore_mem>>
      %dma_start3A_190 = arith.constant 0 : i32
      %dma_start3A_191 = tpu.memref_slice %arg3[%mul3A_0, %dma_start3A_190] : memref<2560x128xi32, #tpu.memory_space<hbm>> -> memref<160x128xi32, #tpu.memory_space<hbm>>
      %dma_start3A_192 = arith.constant 0 : i32
      %dma_start3A_193 = tpu.memref_slice %arg3[%mul3A_0, %dma_start3A_192] : memref<2560x128xi32, #tpu.memory_space<hbm>> -> memref<160x128xi32, #tpu.memory_space<hbm>>
      tpu.enqueue_dma source(%dma_start3A_193 : memref<160x128xi32, #tpu.memory_space<hbm>>) target(%arg6 : memref<160x128xi32, #tpu.memory_space<vmem>>) target_semaphore(%run_scoped3A : memref<!tpu.dma_semaphore, #tpu.memory_space<semaphore_mem>>)
      %dma_wait3A_194 = arith.constant 0 : i32
      %dma_wait3A_195 = tpu.memref_slice %arg3[%mul3A_0, %dma_wait3A_194] : memref<2560x128xi32, #tpu.memory_space<hbm>> -> memref<160x128xi32, #tpu.memory_space<hbm>>
      %dma_wait3A_196 = arith.constant 0 : i32
      %dma_wait3A_197 = tpu.memref_slice %arg3[%mul3A_0, %dma_wait3A_196] : memref<2560x128xi32, #tpu.memory_space<hbm>> -> memref<160x128xi32, #tpu.memory_space<hbm>>
      tpu.wait_dma2 semaphore(%run_scoped3A : memref<!tpu.dma_semaphore, #tpu.memory_space<semaphore_mem>>) src(%dma_wait3A_197 : memref<160x128xi32, #tpu.memory_space<hbm>>) dst(%arg6 : memref<160x128xi32, #tpu.memory_space<vmem>>)
      tpu.yield
    }) : () -> ()
    "tpu.region"() ({
      %run_scoped3A = tpu.sem_alloc : memref<!tpu.dma_semaphore, #tpu.memory_space<semaphore_mem>>
      %dma_start3A_190 = arith.constant 0 : i32
      %dma_start3A_191 = tpu.memref_slice %arg4[%mul3A_0, %dma_start3A_190] : memref<2560x128xi32, #tpu.memory_space<hbm>> -> memref<160x128xi32, #tpu.memory_space<hbm>>
      %dma_start3A_192 = arith.constant 0 : i32
      %dma_start3A_193 = tpu.memref_slice %arg4[%mul3A_0, %dma_start3A_192] : memref<2560x128xi32, #tpu.memory_space<hbm>> -> memref<160x128xi32, #tpu.memory_space<hbm>>
      tpu.enqueue_dma source(%dma_start3A_193 : memref<160x128xi32, #tpu.memory_space<hbm>>) target(%arg7 : memref<160x128xi32, #tpu.memory_space<vmem>>) target_semaphore(%run_scoped3A : memref<!tpu.dma_semaphore, #tpu.memory_space<semaphore_mem>>)
      %dma_wait3A_194 = arith.constant 0 : i32
      %dma_wait3A_195 = tpu.memref_slice %arg4[%mul3A_0, %dma_wait3A_194] : memref<2560x128xi32, #tpu.memory_space<hbm>> -> memref<160x128xi32, #tpu.memory_space<hbm>>
      %dma_wait3A_196 = arith.constant 0 : i32
      %dma_wait3A_197 = tpu.memref_slice %arg4[%mul3A_0, %dma_wait3A_196] : memref<2560x128xi32, #tpu.memory_space<hbm>> -> memref<160x128xi32, #tpu.memory_space<hbm>>
      tpu.wait_dma2 semaphore(%run_scoped3A : memref<!tpu.dma_semaphore, #tpu.memory_space<semaphore_mem>>) src(%dma_wait3A_197 : memref<160x128xi32, #tpu.memory_space<hbm>>) dst(%arg7 : memref<160x128xi32, #tpu.memory_space<vmem>>)
      tpu.yield
    }) : () -> ()
    %mul3A_1 = arith.constant 10000 : i32
    %mul3A_2 = arith.muli %arg0, %mul3A_1 : i32
    %broadcast_in_dim3A = arith.constant 0 : i32
    %broadcast_in_dim3A_3 = vector.broadcast %broadcast_in_dim3A : i32 to vector<16xi32>
    %add3A = vector.broadcast %mul3A_2 : i32 to vector<16xi32>
    %add3A_4 = arith.addi %broadcast_in_dim3A_3, %add3A : vector<16xi32>
    %scan3A = arith.constant 0 : i32
    %scan3A_5 = arith.constant 160 : i32
    %scan3A_6 = arith.addi %scan3A, %scan3A_5 : i32
    %scan3A_7 = arith.constant 1 : i32
    scf.for %scan3A_190 = %scan3A to %scan3A_6 step %scan3A_7  : i32 {
      %mul3A_191 = arith.constant 1 : i32
      %mul3A_192 = arith.muli %scan3A_190, %mul3A_191 : i32
      %add3A_193 = arith.constant 0 : i32
      %add3A_194 = arith.addi %add3A_193, %mul3A_192 : i32
      %get3A = arith.index_cast %add3A_194 : i32 to index
      %get3A_195 = arith.constant 0 : index
      %get3A_196 = tpu.vector_load %arg6[%get3A, %get3A_195] {strides = array<i32>} : memref<160x128xi32, #tpu.memory_space<vmem>>, vector<1x16xi32>,
      %get3A_197 = vector.shape_cast %get3A_196 : vector<1x16xi32> to vector<16xi32>
      %add3A_198 = arith.addi %get3A_197, %add3A_4 : vector<16xi32>
      %swap3A = arith.index_cast %add3A_194 : i32 to index
      %swap3A_199 = arith.constant 0 : index
      %swap3A_200 = tpu.vector_load %arg6[%swap3A, %swap3A_199] {strides = array<i32>} : memref<160x128xi32, #tpu.memory_space<vmem>>, vector<1x16xi32>,
      %swap3A_201 = vector.shape_cast %swap3A_200 : vector<1x16xi32> to vector<16xi32>
      %swap3A_202 = vector.shape_cast %add3A_198 : vector<16xi32> to vector<1x16xi32>
      tpu.vector_store %arg6[%swap3A, %swap3A_199], %swap3A_202 {strides = array<i32>} : memref<160x128xi32, #tpu.memory_space<vmem>>, vector<1x16xi32>,
      %get3A_203 = arith.index_cast %add3A_194 : i32 to index
      %get3A_204 = arith.constant 16 : index
      %get3A_205 = tpu.vector_load %arg6[%get3A_203, %get3A_204] {strides = array<i32>} : memref<160x128xi32, #tpu.memory_space<vmem>>, vector<1x16xi32>,
      %get3A_206 = vector.shape_cast %get3A_205 : vector<1x16xi32> to vector<16xi32>
      %add3A_207 = arith.addi %get3A_206, %add3A_4 : vector<16xi32>
      %swap3A_208 = arith.index_cast %add3A_194 : i32 to index
      %swap3A_209 = arith.constant 16 : index
      %swap3A_210 = tpu.vector_load %arg6[%swap3A_208, %swap3A_209] {strides = array<i32>} : memref<160x128xi32, #tpu.memory_space<vmem>>, vector<1x16xi32>,
      %swap3A_211 = vector.shape_cast %swap3A_210 : vector<1x16xi32> to vector<16xi32>
      %swap3A_212 = vector.shape_cast %add3A_207 : vector<16xi32> to vector<1x16xi32>
      tpu.vector_store %arg6[%swap3A_208, %swap3A_209], %swap3A_212 {strides = array<i32>} : memref<160x128xi32, #tpu.memory_space<vmem>>, vector<1x16xi32>,
      %get3A_213 = arith.index_cast %add3A_194 : i32 to index
      %get3A_214 = arith.constant 32 : index
      %get3A_215 = tpu.vector_load %arg6[%get3A_213, %get3A_214] {strides = array<i32>} : memref<160x128xi32, #tpu.memory_space<vmem>>, vector<1x16xi32>,
      %get3A_216 = vector.shape_cast %get3A_215 : vector<1x16xi32> to vector<16xi32>
      %add3A_217 = arith.addi %get3A_216, %add3A_4 : vector<16xi32>
      %swap3A_218 = arith.index_cast %add3A_194 : i32 to index
      %swap3A_219 = arith.constant 32 : index
      %swap3A_220 = tpu.vector_load %arg6[%swap3A_218, %swap3A_219] {strides = array<i32>} : memref<160x128xi32, #tpu.memory_space<vmem>>, vector<1x16xi32>,
      %swap3A_221 = vector.shape_cast %swap3A_220 : vector<1x16xi32> to vector<16xi32>
      %swap3A_222 = vector.shape_cast %add3A_217 : vector<16xi32> to vector<1x16xi32>
      tpu.vector_store %arg6[%swap3A_218, %swap3A_219], %swap3A_222 {strides = array<i32>} : memref<160x128xi32, #tpu.memory_space<vmem>>, vector<1x16xi32>,
      %get3A_223 = arith.index_cast %add3A_194 : i32 to index
      %get3A_224 = arith.constant 48 : index
      %get3A_225 = tpu.vector_load %arg6[%get3A_223, %get3A_224] {strides = array<i32>} : memref<160x128xi32, #tpu.memory_space<vmem>>, vector<1x16xi32>,
      %get3A_226 = vector.shape_cast %get3A_225 : vector<1x16xi32> to vector<16xi32>
      %add3A_227 = arith.addi %get3A_226, %add3A_4 : vector<16xi32>
      %swap3A_228 = arith.index_cast %add3A_194 : i32 to index
      %swap3A_229 = arith.constant 48 : index
      %swap3A_230 = tpu.vector_load %arg6[%swap3A_228, %swap3A_229] {strides = array<i32>} : memref<160x128xi32, #tpu.memory_space<vmem>>, vector<1x16xi32>,
      %swap3A_231 = vector.shape_cast %swap3A_230 : vector<1x16xi32> to vector<16xi32>
      %swap3A_232 = vector.shape_cast %add3A_227 : vector<16xi32> to vector<1x16xi32>
      tpu.vector_store %arg6[%swap3A_228, %swap3A_229], %swap3A_232 {strides = array<i32>} : memref<160x128xi32, #tpu.memory_space<vmem>>, vector<1x16xi32>,
      %get3A_233 = arith.index_cast %add3A_194 : i32 to index
      %get3A_234 = arith.constant 64 : index
      %get3A_235 = tpu.vector_load %arg6[%get3A_233, %get3A_234] {strides = array<i32>} : memref<160x128xi32, #tpu.memory_space<vmem>>, vector<1x16xi32>,
      %get3A_236 = vector.shape_cast %get3A_235 : vector<1x16xi32> to vector<16xi32>
      %add3A_237 = arith.addi %get3A_236, %add3A_4 : vector<16xi32>
      %swap3A_238 = arith.index_cast %add3A_194 : i32 to index
      %swap3A_239 = arith.constant 64 : index
      %swap3A_240 = tpu.vector_load %arg6[%swap3A_238, %swap3A_239] {strides = array<i32>} : memref<160x128xi32, #tpu.memory_space<vmem>>, vector<1x16xi32>,
      %swap3A_241 = vector.shape_cast %swap3A_240 : vector<1x16xi32> to vector<16xi32>
      %swap3A_242 = vector.shape_cast %add3A_237 : vector<16xi32> to vector<1x16xi32>
      tpu.vector_store %arg6[%swap3A_238, %swap3A_239], %swap3A_242 {strides = array<i32>} : memref<160x128xi32, #tpu.memory_space<vmem>>, vector<1x16xi32>,
      %get3A_243 = arith.index_cast %add3A_194 : i32 to index
      %get3A_244 = arith.constant 80 : index
      %get3A_245 = tpu.vector_load %arg6[%get3A_243, %get3A_244] {strides = array<i32>} : memref<160x128xi32, #tpu.memory_space<vmem>>, vector<1x16xi32>,
      %get3A_246 = vector.shape_cast %get3A_245 : vector<1x16xi32> to vector<16xi32>
      %add3A_247 = arith.addi %get3A_246, %add3A_4 : vector<16xi32>
      %swap3A_248 = arith.index_cast %add3A_194 : i32 to index
      %swap3A_249 = arith.constant 80 : index
      %swap3A_250 = tpu.vector_load %arg6[%swap3A_248, %swap3A_249] {strides = array<i32>} : memref<160x128xi32, #tpu.memory_space<vmem>>, vector<1x16xi32>,
      %swap3A_251 = vector.shape_cast %swap3A_250 : vector<1x16xi32> to vector<16xi32>
      %swap3A_252 = vector.shape_cast %add3A_247 : vector<16xi32> to vector<1x16xi32>
      tpu.vector_store %arg6[%swap3A_248, %swap3A_249], %swap3A_252 {strides = array<i32>} : memref<160x128xi32, #tpu.memory_space<vmem>>, vector<1x16xi32>,
      %get3A_253 = arith.index_cast %add3A_194 : i32 to index
      %get3A_254 = arith.constant 96 : index
      %get3A_255 = tpu.vector_load %arg6[%get3A_253, %get3A_254] {strides = array<i32>} : memref<160x128xi32, #tpu.memory_space<vmem>>, vector<1x16xi32>,
      %get3A_256 = vector.shape_cast %get3A_255 : vector<1x16xi32> to vector<16xi32>
      %add3A_257 = arith.addi %get3A_256, %add3A_4 : vector<16xi32>
      %swap3A_258 = arith.index_cast %add3A_194 : i32 to index
      %swap3A_259 = arith.constant 96 : index
      %swap3A_260 = tpu.vector_load %arg6[%swap3A_258, %swap3A_259] {strides = array<i32>} : memref<160x128xi32, #tpu.memory_space<vmem>>, vector<1x16xi32>,
      %swap3A_261 = vector.shape_cast %swap3A_260 : vector<1x16xi32> to vector<16xi32>
      %swap3A_262 = vector.shape_cast %add3A_257 : vector<16xi32> to vector<1x16xi32>
      tpu.vector_store %arg6[%swap3A_258, %swap3A_259], %swap3A_262 {strides = array<i32>} : memref<160x128xi32, #tpu.memory_space<vmem>>, vector<1x16xi32>,
      %get3A_263 = arith.index_cast %add3A_194 : i32 to index
      %get3A_264 = arith.constant 112 : index
      %get3A_265 = tpu.vector_load %arg6[%get3A_263, %get3A_264] {strides = array<i32>} : memref<160x128xi32, #tpu.memory_space<vmem>>, vector<1x16xi32>,
      %get3A_266 = vector.shape_cast %get3A_265 : vector<1x16xi32> to vector<16xi32>
      %add3A_267 = arith.addi %get3A_266, %add3A_4 : vector<16xi32>
      %swap3A_268 = arith.index_cast %add3A_194 : i32 to index
      %swap3A_269 = arith.constant 112 : index
      %swap3A_270 = tpu.vector_load %arg6[%swap3A_268, %swap3A_269] {strides = array<i32>} : memref<160x128xi32, #tpu.memory_space<vmem>>, vector<1x16xi32>,
      %swap3A_271 = vector.shape_cast %swap3A_270 : vector<1x16xi32> to vector<16xi32>
      %swap3A_272 = vector.shape_cast %add3A_267 : vector<16xi32> to vector<1x16xi32>
      tpu.vector_store %arg6[%swap3A_268, %swap3A_269], %swap3A_272 {strides = array<i32>} : memref<160x128xi32, #tpu.memory_space<vmem>>, vector<1x16xi32>,
    }
    %scan3A_8 = arith.constant 160 : i32
    %scan3A_9 = arith.constant 0 : i32
    %scan3A_10 = arith.constant 128 : i32
    %scan3A_11 = arith.addi %scan3A_9, %scan3A_10 : i32
    %scan3A_12 = arith.constant 1 : i32
    scf.for %scan3A_190 = %scan3A_9 to %scan3A_11 step %scan3A_12  : i32 {
      %mul3A_191 = arith.constant 1 : i32
      %mul3A_192 = arith.muli %scan3A_190, %mul3A_191 : i32
      %add3A_193 = arith.constant 0 : i32
      %add3A_194 = arith.addi %add3A_193, %mul3A_192 : i32
      %broadcast_in_dim3A_195 = arith.constant 0.000000e+00 : f32
      %broadcast_in_dim3A_196 = vector.broadcast %broadcast_in_dim3A_195 : f32 to vector<16xf32>
      %swap3A = arith.index_cast %add3A_194 : i32 to index
      %swap3A_197 = arith.constant 0 : index
      %swap3A_198 = tpu.vector_load %arg8[%swap3A, %swap3A_197] {strides = array<i32>} : memref<128x32xf32, #tpu.memory_space<vmem>>, vector<1x16xf32>,
      %swap3A_199 = vector.shape_cast %swap3A_198 : vector<1x16xf32> to vector<16xf32>
      %swap3A_200 = vector.shape_cast %broadcast_in_dim3A_196 : vector<16xf32> to vector<1x16xf32>
      tpu.vector_store %arg8[%swap3A, %swap3A_197], %swap3A_200 {strides = array<i32>} : memref<128x32xf32, #tpu.memory_space<vmem>>, vector<1x16xf32>,
      %broadcast_in_dim3A_201 = arith.constant 0.000000e+00 : f32
      %broadcast_in_dim3A_202 = vector.broadcast %broadcast_in_dim3A_201 : f32 to vector<16xf32>
      %swap3A_203 = arith.index_cast %add3A_194 : i32 to index
      %swap3A_204 = arith.constant 16 : index
      %swap3A_205 = tpu.vector_load %arg8[%swap3A_203, %swap3A_204] {strides = array<i32>} : memref<128x32xf32, #tpu.memory_space<vmem>>, vector<1x16xf32>,
      %swap3A_206 = vector.shape_cast %swap3A_205 : vector<1x16xf32> to vector<16xf32>
      %swap3A_207 = vector.shape_cast %broadcast_in_dim3A_202 : vector<16xf32> to vector<1x16xf32>
      tpu.vector_store %arg8[%swap3A_203, %swap3A_204], %swap3A_207 {strides = array<i32>} : memref<128x32xf32, #tpu.memory_space<vmem>>, vector<1x16xf32>,
    }
    %scan3A_13 = arith.constant 128 : i32
    %mul3A_14 = arith.constant 640 : i32
    %mul3A_15 = arith.muli %arg1, %mul3A_14 : i32
    %add3A_16 = arith.constant 0 : i32
    %add3A_17 = arith.addi %mul3A_15, %add3A_16 : i32
    "tpu.region"() ({
      %run_scoped3A = tpu.sem_alloc : memref<!tpu.dma_semaphore, #tpu.memory_space<semaphore_mem>>
      %dma_start3A_190 = arith.constant 0 : i32
      %dma_start3A_191 = tpu.memref_slice %arg12[%add3A_17, %dma_start3A_190] : memref<10240x32xf32, #tpu.memory_space<vmem_shared>> -> memref<128x32xf32, #tpu.memory_space<vmem_shared>>
      %dma_start3A_192 = arith.constant 0 : i32
      %dma_start3A_193 = tpu.memref_slice %arg12[%add3A_17, %dma_start3A_192] : memref<10240x32xf32, #tpu.memory_space<vmem_shared>> -> memref<128x32xf32, #tpu.memory_space<vmem_shared>>
      tpu.enqueue_dma source(%arg8 : memref<128x32xf32, #tpu.memory_space<vmem>>) target(%dma_start3A_193 : memref<128x32xf32, #tpu.memory_space<vmem_shared>>) target_semaphore(%run_scoped3A : memref<!tpu.dma_semaphore, #tpu.memory_space<semaphore_mem>>)
      %dma_wait3A_194 = arith.constant 0 : i32
      %dma_wait3A_195 = tpu.memref_slice %arg12[%add3A_17, %dma_wait3A_194] : memref<10240x32xf32, #tpu.memory_space<vmem_shared>> -> memref<128x32xf32, #tpu.memory_space<vmem_shared>>
      %dma_wait3A_196 = arith.constant 0 : i32
      %dma_wait3A_197 = tpu.memref_slice %arg12[%add3A_17, %dma_wait3A_196] : memref<10240x32xf32, #tpu.memory_space<vmem_shared>> -> memref<128x32xf32, #tpu.memory_space<vmem_shared>>
      tpu.wait_dma2 semaphore(%run_scoped3A : memref<!tpu.dma_semaphore, #tpu.memory_space<semaphore_mem>>) src(%arg8 : memref<128x32xf32, #tpu.memory_space<vmem>>) dst(%dma_wait3A_197 : memref<128x32xf32, #tpu.memory_space<vmem_shared>>)
      tpu.yield
    }) : () -> ()
    %add3A_18 = arith.constant 128 : i32
    %add3A_19 = arith.addi %mul3A_15, %add3A_18 : i32
    "tpu.region"() ({
      %run_scoped3A = tpu.sem_alloc : memref<!tpu.dma_semaphore, #tpu.memory_space<semaphore_mem>>
      %dma_start3A_190 = arith.constant 0 : i32
      %dma_start3A_191 = tpu.memref_slice %arg12[%add3A_19, %dma_start3A_190] : memref<10240x32xf32, #tpu.memory_space<vmem_shared>> -> memref<128x32xf32, #tpu.memory_space<vmem_shared>>
      %dma_start3A_192 = arith.constant 0 : i32
      %dma_start3A_193 = tpu.memref_slice %arg12[%add3A_19, %dma_start3A_192] : memref<10240x32xf32, #tpu.memory_space<vmem_shared>> -> memref<128x32xf32, #tpu.memory_space<vmem_shared>>
      tpu.enqueue_dma source(%arg8 : memref<128x32xf32, #tpu.memory_space<vmem>>) target(%dma_start3A_193 : memref<128x32xf32, #tpu.memory_space<vmem_shared>>) target_semaphore(%run_scoped3A : memref<!tpu.dma_semaphore, #tpu.memory_space<semaphore_mem>>)
      %dma_wait3A_194 = arith.constant 0 : i32
      %dma_wait3A_195 = tpu.memref_slice %arg12[%add3A_19, %dma_wait3A_194] : memref<10240x32xf32, #tpu.memory_space<vmem_shared>> -> memref<128x32xf32, #tpu.memory_space<vmem_shared>>
      %dma_wait3A_196 = arith.constant 0 : i32
      %dma_wait3A_197 = tpu.memref_slice %arg12[%add3A_19, %dma_wait3A_196] : memref<10240x32xf32, #tpu.memory_space<vmem_shared>> -> memref<128x32xf32, #tpu.memory_space<vmem_shared>>
      tpu.wait_dma2 semaphore(%run_scoped3A : memref<!tpu.dma_semaphore, #tpu.memory_space<semaphore_mem>>) src(%arg8 : memref<128x32xf32, #tpu.memory_space<vmem>>) dst(%dma_wait3A_197 : memref<128x32xf32, #tpu.memory_space<vmem_shared>>)
      tpu.yield
    }) : () -> ()
    %add3A_20 = arith.constant 256 : i32
    %add3A_21 = arith.addi %mul3A_15, %add3A_20 : i32
    "tpu.region"() ({
      %run_scoped3A = tpu.sem_alloc : memref<!tpu.dma_semaphore, #tpu.memory_space<semaphore_mem>>
      %dma_start3A_190 = arith.constant 0 : i32
      %dma_start3A_191 = tpu.memref_slice %arg12[%add3A_21, %dma_start3A_190] : memref<10240x32xf32, #tpu.memory_space<vmem_shared>> -> memref<128x32xf32, #tpu.memory_space<vmem_shared>>
      %dma_start3A_192 = arith.constant 0 : i32
      %dma_start3A_193 = tpu.memref_slice %arg12[%add3A_21, %dma_start3A_192] : memref<10240x32xf32, #tpu.memory_space<vmem_shared>> -> memref<128x32xf32, #tpu.memory_space<vmem_shared>>
      tpu.enqueue_dma source(%arg8 : memref<128x32xf32, #tpu.memory_space<vmem>>) target(%dma_start3A_193 : memref<128x32xf32, #tpu.memory_space<vmem_shared>>) target_semaphore(%run_scoped3A : memref<!tpu.dma_semaphore, #tpu.memory_space<semaphore_mem>>)
      %dma_wait3A_194 = arith.constant 0 : i32
      %dma_wait3A_195 = tpu.memref_slice %arg12[%add3A_21, %dma_wait3A_194] : memref<10240x32xf32, #tpu.memory_space<vmem_shared>> -> memref<128x32xf32, #tpu.memory_space<vmem_shared>>
      %dma_wait3A_196 = arith.constant 0 : i32
      %dma_wait3A_197 = tpu.memref_slice %arg12[%add3A_21, %dma_wait3A_196] : memref<10240x32xf32, #tpu.memory_space<vmem_shared>> -> memref<128x32xf32, #tpu.memory_space<vmem_shared>>
      tpu.wait_dma2 semaphore(%run_scoped3A : memref<!tpu.dma_semaphore, #tpu.memory_space<semaphore_mem>>) src(%arg8 : memref<128x32xf32, #tpu.memory_space<vmem>>) dst(%dma_wait3A_197 : memref<128x32xf32, #tpu.memory_space<vmem_shared>>)
      tpu.yield
    }) : () -> ()
    %add3A_22 = arith.constant 384 : i32
    %add3A_23 = arith.addi %mul3A_15, %add3A_22 : i32
    "tpu.region"() ({
      %run_scoped3A = tpu.sem_alloc : memref<!tpu.dma_semaphore, #tpu.memory_space<semaphore_mem>>
      %dma_start3A_190 = arith.constant 0 : i32
      %dma_start3A_191 = tpu.memref_slice %arg12[%add3A_23, %dma_start3A_190] : memref<10240x32xf32, #tpu.memory_space<vmem_shared>> -> memref<128x32xf32, #tpu.memory_space<vmem_shared>>
      %dma_start3A_192 = arith.constant 0 : i32
      %dma_start3A_193 = tpu.memref_slice %arg12[%add3A_23, %dma_start3A_192] : memref<10240x32xf32, #tpu.memory_space<vmem_shared>> -> memref<128x32xf32, #tpu.memory_space<vmem_shared>>
      tpu.enqueue_dma source(%arg8 : memref<128x32xf32, #tpu.memory_space<vmem>>) target(%dma_start3A_193 : memref<128x32xf32, #tpu.memory_space<vmem_shared>>) target_semaphore(%run_scoped3A : memref<!tpu.dma_semaphore, #tpu.memory_space<semaphore_mem>>)
      %dma_wait3A_194 = arith.constant 0 : i32
      %dma_wait3A_195 = tpu.memref_slice %arg12[%add3A_23, %dma_wait3A_194] : memref<10240x32xf32, #tpu.memory_space<vmem_shared>> -> memref<128x32xf32, #tpu.memory_space<vmem_shared>>
      %dma_wait3A_196 = arith.constant 0 : i32
      %dma_wait3A_197 = tpu.memref_slice %arg12[%add3A_23, %dma_wait3A_196] : memref<10240x32xf32, #tpu.memory_space<vmem_shared>> -> memref<128x32xf32, #tpu.memory_space<vmem_shared>>
      tpu.wait_dma2 semaphore(%run_scoped3A : memref<!tpu.dma_semaphore, #tpu.memory_space<semaphore_mem>>) src(%arg8 : memref<128x32xf32, #tpu.memory_space<vmem>>) dst(%dma_wait3A_197 : memref<128x32xf32, #tpu.memory_space<vmem_shared>>)
      tpu.yield
    }) : () -> ()
    %add3A_24 = arith.constant 512 : i32
    %add3A_25 = arith.addi %mul3A_15, %add3A_24 : i32
    "tpu.region"() ({
      %run_scoped3A = tpu.sem_alloc : memref<!tpu.dma_semaphore, #tpu.memory_space<semaphore_mem>>
      %dma_start3A_190 = arith.constant 0 : i32
      %dma_start3A_191 = tpu.memref_slice %arg12[%add3A_25, %dma_start3A_190] : memref<10240x32xf32, #tpu.memory_space<vmem_shared>> -> memref<128x32xf32, #tpu.memory_space<vmem_shared>>
      %dma_start3A_192 = arith.constant 0 : i32
      %dma_start3A_193 = tpu.memref_slice %arg12[%add3A_25, %dma_start3A_192] : memref<10240x32xf32, #tpu.memory_space<vmem_shared>> -> memref<128x32xf32, #tpu.memory_space<vmem_shared>>
      tpu.enqueue_dma source(%arg8 : memref<128x32xf32, #tpu.memory_space<vmem>>) target(%dma_start3A_193 : memref<128x32xf32, #tpu.memory_space<vmem_shared>>) target_semaphore(%run_scoped3A : memref<!tpu.dma_semaphore, #tpu.memory_space<semaphore_mem>>)
      %dma_wait3A_194 = arith.constant 0 : i32
      %dma_wait3A_195 = tpu.memref_slice %arg12[%add3A_25, %dma_wait3A_194] : memref<10240x32xf32, #tpu.memory_space<vmem_shared>> -> memref<128x32xf32, #tpu.memory_space<vmem_shared>>
      %dma_wait3A_196 = arith.constant 0 : i32
      %dma_wait3A_197 = tpu.memref_slice %arg12[%add3A_25, %dma_wait3A_196] : memref<10240x32xf32, #tpu.memory_space<vmem_shared>> -> memref<128x32xf32, #tpu.memory_space<vmem_shared>>
      tpu.wait_dma2 semaphore(%run_scoped3A : memref<!tpu.dma_semaphore, #tpu.memory_space<semaphore_mem>>) src(%arg8 : memref<128x32xf32, #tpu.memory_space<vmem>>) dst(%dma_wait3A_197 : memref<128x32xf32, #tpu.memory_space<vmem_shared>>)
      tpu.yield
    }) : () -> ()
    %barrier3A = arith.constant 0 : index
    tpu.barrier barrier_id(%barrier3A)
    %dma_start3A = arith.constant 0 : i32
    %dma_start3A_26 = arith.constant 0 : i32
    %dma_start3A_27 = tpu.memref_slice %arg6[%dma_start3A, %dma_start3A_26] : memref<160x128xi32, #tpu.memory_space<vmem>> -> memref<1x128xi32, #tpu.memory_space<vmem>>
    %dma_start3A_28 = tpu.memref_squeeze %dma_start3A_27 : memref<1x128xi32, #tpu.memory_space<vmem>> -> memref<128xi32, #tpu.memory_space<vmem>>
    %dma_start3A_29 = arith.constant 0 : i32
    %dma_start3A_30 = arith.constant 0 : i32
    %dma_start3A_31 = tpu.memref_slice %arg2[%dma_start3A_29, %dma_start3A_30] : memref<40000x32xf32, #tpu.memory_space<hbm>> -> memref<40000x32xf32, #tpu.memory_space<hbm>>
    tpu.enqueue_indirect_dma source(%dma_start3A_31 : memref<40000x32xf32, #tpu.memory_space<hbm>>) target(%arg8 : memref<128x32xf32, #tpu.memory_space<vmem>>) offsets(%dma_start3A_28 : memref<128xi32, #tpu.memory_space<vmem>>) semaphore(%arg13 : memref<!tpu.dma_semaphore, #tpu.memory_space<semaphore_mem>>)
    %dma_start3A_32 = arith.constant 1 : i32
    %dma_start3A_33 = arith.constant 0 : i32
    %dma_start3A_34 = tpu.memref_slice %arg6[%dma_start3A_32, %dma_start3A_33] : memref<160x128xi32, #tpu.memory_space<vmem>> -> memref<1x128xi32, #tpu.memory_space<vmem>>
    %dma_start3A_35 = tpu.memref_squeeze %dma_start3A_34 : memref<1x128xi32, #tpu.memory_space<vmem>> -> memref<128xi32, #tpu.memory_space<vmem>>
    %dma_start3A_36 = arith.constant 0 : i32
    %dma_start3A_37 = arith.constant 0 : i32
    %dma_start3A_38 = tpu.memref_slice %arg2[%dma_start3A_36, %dma_start3A_37] : memref<40000x32xf32, #tpu.memory_space<hbm>> -> memref<40000x32xf32, #tpu.memory_space<hbm>>
    tpu.enqueue_indirect_dma source(%dma_start3A_38 : memref<40000x32xf32, #tpu.memory_space<hbm>>) target(%arg9 : memref<128x32xf32, #tpu.memory_space<vmem>>) offsets(%dma_start3A_35 : memref<128xi32, #tpu.memory_space<vmem>>) semaphore(%arg14 : memref<!tpu.dma_semaphore, #tpu.memory_space<semaphore_mem>>)
    %dma_start3A_39 = arith.constant 2 : i32
    %dma_start3A_40 = arith.constant 0 : i32
    %dma_start3A_41 = tpu.memref_slice %arg6[%dma_start3A_39, %dma_start3A_40] : memref<160x128xi32, #tpu.memory_space<vmem>> -> memref<1x128xi32, #tpu.memory_space<vmem>>
    %dma_start3A_42 = tpu.memref_squeeze %dma_start3A_41 : memref<1x128xi32, #tpu.memory_space<vmem>> -> memref<128xi32, #tpu.memory_space<vmem>>
    %dma_start3A_43 = arith.constant 0 : i32
    %dma_start3A_44 = arith.constant 0 : i32
    %dma_start3A_45 = tpu.memref_slice %arg2[%dma_start3A_43, %dma_start3A_44] : memref<40000x32xf32, #tpu.memory_space<hbm>> -> memref<40000x32xf32, #tpu.memory_space<hbm>>
    tpu.enqueue_indirect_dma source(%dma_start3A_45 : memref<40000x32xf32, #tpu.memory_space<hbm>>) target(%arg10 : memref<128x32xf32, #tpu.memory_space<vmem>>) offsets(%dma_start3A_42 : memref<128xi32, #tpu.memory_space<vmem>>) semaphore(%arg15 : memref<!tpu.dma_semaphore, #tpu.memory_space<semaphore_mem>>)
    %dma_start3A_46 = arith.constant 3 : i32
    %dma_start3A_47 = arith.constant 0 : i32
    %dma_start3A_48 = tpu.memref_slice %arg6[%dma_start3A_46, %dma_start3A_47] : memref<160x128xi32, #tpu.memory_space<vmem>> -> memref<1x128xi32, #tpu.memory_space<vmem>>
    %dma_start3A_49 = tpu.memref_squeeze %dma_start3A_48 : memref<1x128xi32, #tpu.memory_space<vmem>> -> memref<128xi32, #tpu.memory_space<vmem>>
    %dma_start3A_50 = arith.constant 0 : i32
    %dma_start3A_51 = arith.constant 0 : i32
    %dma_start3A_52 = tpu.memref_slice %arg2[%dma_start3A_50, %dma_start3A_51] : memref<40000x32xf32, #tpu.memory_space<hbm>> -> memref<40000x32xf32, #tpu.memory_space<hbm>>
    tpu.enqueue_indirect_dma source(%dma_start3A_52 : memref<40000x32xf32, #tpu.memory_space<hbm>>) target(%arg11 : memref<128x32xf32, #tpu.memory_space<vmem>>) offsets(%dma_start3A_49 : memref<128xi32, #tpu.memory_space<vmem>>) semaphore(%arg16 : memref<!tpu.dma_semaphore, #tpu.memory_space<semaphore_mem>>)
    %scan3A_53 = arith.constant 0 : i32
    %scan3A_54 = arith.constant 40 : i32
    %scan3A_55 = arith.addi %scan3A_53, %scan3A_54 : i32
    %scan3A_56 = arith.constant 1 : i32
    scf.for %scan3A_190 = %scan3A_53 to %scan3A_55 step %scan3A_56  : i32 {
      %mul3A_191 = arith.constant 1 : i32
      %mul3A_192 = arith.muli %scan3A_190, %mul3A_191 : i32
      %add3A_193 = arith.constant 0 : i32
      %add3A_194 = arith.addi %add3A_193, %mul3A_192 : i32
      %mul3A_195 = arith.constant 4 : i32
      %mul3A_196 = arith.muli %add3A_194, %mul3A_195 : i32
      %dma_wait3A_197 = arith.constant 0 : i32
      %dma_wait3A_198 = arith.constant 0 : i32
      %dma_wait3A_199 = tpu.memref_slice %arg6[%dma_wait3A_197, %dma_wait3A_198] : memref<160x128xi32, #tpu.memory_space<vmem>> -> memref<1x128xi32, #tpu.memory_space<vmem>>
      %dma_wait3A_200 = tpu.memref_squeeze %dma_wait3A_199 : memref<1x128xi32, #tpu.memory_space<vmem>> -> memref<128xi32, #tpu.memory_space<vmem>>
      %dma_wait3A_201 = arith.constant 0 : i32
      %dma_wait3A_202 = arith.constant 0 : i32
      %dma_wait3A_203 = tpu.memref_slice %arg2[%dma_wait3A_201, %dma_wait3A_202] : memref<40000x32xf32, #tpu.memory_space<hbm>> -> memref<40000x32xf32, #tpu.memory_space<hbm>>
      tpu.wait_indirect_dma semaphore(%arg13 : memref<!tpu.dma_semaphore, #tpu.memory_space<semaphore_mem>>) src(%dma_wait3A_203 : memref<40000x32xf32, #tpu.memory_space<hbm>>) dst(%arg8 : memref<128x32xf32, #tpu.memory_space<vmem>>)
      %add3A_204 = arith.constant 0 : i32
      %add3A_205 = arith.addi %mul3A_196, %add3A_204 : i32
      %dma_start3A_206 = arith.constant 0 : i32
      %dma_start3A_207 = tpu.memref_slice %arg7[%add3A_205, %dma_start3A_206] : memref<160x128xi32, #tpu.memory_space<vmem>> -> memref<1x128xi32, #tpu.memory_space<vmem>>
      %dma_start3A_208 = tpu.memref_squeeze %dma_start3A_207 : memref<1x128xi32, #tpu.memory_space<vmem>> -> memref<128xi32, #tpu.memory_space<vmem>>
      %dma_start3A_209 = arith.constant 0 : i32
      %dma_start3A_210 = arith.constant 0 : i32
      %dma_start3A_211 = tpu.memref_slice %arg12[%dma_start3A_209, %dma_start3A_210] : memref<10240x32xf32, #tpu.memory_space<vmem_shared>> -> memref<10240x32xf32, #tpu.memory_space<vmem_shared>>
      tpu.enqueue_indirect_dma source(%arg8 : memref<128x32xf32, #tpu.memory_space<vmem>>) target(%dma_start3A_211 : memref<10240x32xf32, #tpu.memory_space<vmem_shared>>) offsets(%dma_start3A_208 : memref<128xi32, #tpu.memory_space<vmem>>) semaphore(%arg17 : memref<!tpu.dma_semaphore, #tpu.memory_space<semaphore_mem>>) {add = true}
      %dma_wait3A_212 = arith.constant 0 : i32
      %dma_wait3A_213 = arith.constant 0 : i32
      %dma_wait3A_214 = tpu.memref_slice %arg6[%dma_wait3A_212, %dma_wait3A_213] : memref<160x128xi32, #tpu.memory_space<vmem>> -> memref<1x128xi32, #tpu.memory_space<vmem>>
      %dma_wait3A_215 = tpu.memref_squeeze %dma_wait3A_214 : memref<1x128xi32, #tpu.memory_space<vmem>> -> memref<128xi32, #tpu.memory_space<vmem>>
      %dma_wait3A_216 = arith.constant 0 : i32
      %dma_wait3A_217 = arith.constant 0 : i32
      %dma_wait3A_218 = tpu.memref_slice %arg2[%dma_wait3A_216, %dma_wait3A_217] : memref<40000x32xf32, #tpu.memory_space<hbm>> -> memref<40000x32xf32, #tpu.memory_space<hbm>>
      tpu.wait_indirect_dma semaphore(%arg14 : memref<!tpu.dma_semaphore, #tpu.memory_space<semaphore_mem>>) src(%dma_wait3A_218 : memref<40000x32xf32, #tpu.memory_space<hbm>>) dst(%arg9 : memref<128x32xf32, #tpu.memory_space<vmem>>)
      %add3A_219 = arith.constant 1 : i32
      %add3A_220 = arith.addi %mul3A_196, %add3A_219 : i32
      %dma_start3A_221 = arith.constant 0 : i32
      %dma_start3A_222 = tpu.memref_slice %arg7[%add3A_220, %dma_start3A_221] : memref<160x128xi32, #tpu.memory_space<vmem>> -> memref<1x128xi32, #tpu.memory_space<vmem>>
      %dma_start3A_223 = tpu.memref_squeeze %dma_start3A_222 : memref<1x128xi32, #tpu.memory_space<vmem>> -> memref<128xi32, #tpu.memory_space<vmem>>
      %dma_start3A_224 = arith.constant 0 : i32
      %dma_start3A_225 = arith.constant 0 : i32
      %dma_start3A_226 = tpu.memref_slice %arg12[%dma_start3A_224, %dma_start3A_225] : memref<10240x32xf32, #tpu.memory_space<vmem_shared>> -> memref<10240x32xf32, #tpu.memory_space<vmem_shared>>
      tpu.enqueue_indirect_dma source(%arg9 : memref<128x32xf32, #tpu.memory_space<vmem>>) target(%dma_start3A_226 : memref<10240x32xf32, #tpu.memory_space<vmem_shared>>) offsets(%dma_start3A_223 : memref<128xi32, #tpu.memory_space<vmem>>) semaphore(%arg18 : memref<!tpu.dma_semaphore, #tpu.memory_space<semaphore_mem>>) {add = true}
      %dma_wait3A_227 = arith.constant 0 : i32
      %dma_wait3A_228 = arith.constant 0 : i32
      %dma_wait3A_229 = tpu.memref_slice %arg6[%dma_wait3A_227, %dma_wait3A_228] : memref<160x128xi32, #tpu.memory_space<vmem>> -> memref<1x128xi32, #tpu.memory_space<vmem>>
      %dma_wait3A_230 = tpu.memref_squeeze %dma_wait3A_229 : memref<1x128xi32, #tpu.memory_space<vmem>> -> memref<128xi32, #tpu.memory_space<vmem>>
      %dma_wait3A_231 = arith.constant 0 : i32
      %dma_wait3A_232 = arith.constant 0 : i32
      %dma_wait3A_233 = tpu.memref_slice %arg2[%dma_wait3A_231, %dma_wait3A_232] : memref<40000x32xf32, #tpu.memory_space<hbm>> -> memref<40000x32xf32, #tpu.memory_space<hbm>>
      tpu.wait_indirect_dma semaphore(%arg15 : memref<!tpu.dma_semaphore, #tpu.memory_space<semaphore_mem>>) src(%dma_wait3A_233 : memref<40000x32xf32, #tpu.memory_space<hbm>>) dst(%arg10 : memref<128x32xf32, #tpu.memory_space<vmem>>)
      %add3A_234 = arith.constant 2 : i32
      %add3A_235 = arith.addi %mul3A_196, %add3A_234 : i32
      %dma_start3A_236 = arith.constant 0 : i32
      %dma_start3A_237 = tpu.memref_slice %arg7[%add3A_235, %dma_start3A_236] : memref<160x128xi32, #tpu.memory_space<vmem>> -> memref<1x128xi32, #tpu.memory_space<vmem>>
      %dma_start3A_238 = tpu.memref_squeeze %dma_start3A_237 : memref<1x128xi32, #tpu.memory_space<vmem>> -> memref<128xi32, #tpu.memory_space<vmem>>
      %dma_start3A_239 = arith.constant 0 : i32
      %dma_start3A_240 = arith.constant 0 : i32
      %dma_start3A_241 = tpu.memref_slice %arg12[%dma_start3A_239, %dma_start3A_240] : memref<10240x32xf32, #tpu.memory_space<vmem_shared>> -> memref<10240x32xf32, #tpu.memory_space<vmem_shared>>
      tpu.enqueue_indirect_dma source(%arg10 : memref<128x32xf32, #tpu.memory_space<vmem>>) target(%dma_start3A_241 : memref<10240x32xf32, #tpu.memory_space<vmem_shared>>) offsets(%dma_start3A_238 : memref<128xi32, #tpu.memory_space<vmem>>) semaphore(%arg19 : memref<!tpu.dma_semaphore, #tpu.memory_space<semaphore_mem>>) {add = true}
      %dma_wait3A_242 = arith.constant 0 : i32
      %dma_wait3A_243 = arith.constant 0 : i32
      %dma_wait3A_244 = tpu.memref_slice %arg6[%dma_wait3A_242, %dma_wait3A_243] : memref<160x128xi32, #tpu.memory_space<vmem>> -> memref<1x128xi32, #tpu.memory_space<vmem>>
      %dma_wait3A_245 = tpu.memref_squeeze %dma_wait3A_244 : memref<1x128xi32, #tpu.memory_space<vmem>> -> memref<128xi32, #tpu.memory_space<vmem>>
      %dma_wait3A_246 = arith.constant 0 : i32
      %dma_wait3A_247 = arith.constant 0 : i32
      %dma_wait3A_248 = tpu.memref_slice %arg2[%dma_wait3A_246, %dma_wait3A_247] : memref<40000x32xf32, #tpu.memory_space<hbm>> -> memref<40000x32xf32, #tpu.memory_space<hbm>>
      tpu.wait_indirect_dma semaphore(%arg16 : memref<!tpu.dma_semaphore, #tpu.memory_space<semaphore_mem>>) src(%dma_wait3A_248 : memref<40000x32xf32, #tpu.memory_space<hbm>>) dst(%arg11 : memref<128x32xf32, #tpu.memory_space<vmem>>)
      %add3A_249 = arith.constant 3 : i32
      %add3A_250 = arith.addi %mul3A_196, %add3A_249 : i32
      %dma_start3A_251 = arith.constant 0 : i32
      %dma_start3A_252 = tpu.memref_slice %arg7[%add3A_250, %dma_start3A_251] : memref<160x128xi32, #tpu.memory_space<vmem>> -> memref<1x128xi32, #tpu.memory_space<vmem>>
      %dma_start3A_253 = tpu.memref_squeeze %dma_start3A_252 : memref<1x128xi32, #tpu.memory_space<vmem>> -> memref<128xi32, #tpu.memory_space<vmem>>
      %dma_start3A_254 = arith.constant 0 : i32
      %dma_start3A_255 = arith.constant 0 : i32
      %dma_start3A_256 = tpu.memref_slice %arg12[%dma_start3A_254, %dma_start3A_255] : memref<10240x32xf32, #tpu.memory_space<vmem_shared>> -> memref<10240x32xf32, #tpu.memory_space<vmem_shared>>
      tpu.enqueue_indirect_dma source(%arg11 : memref<128x32xf32, #tpu.memory_space<vmem>>) target(%dma_start3A_256 : memref<10240x32xf32, #tpu.memory_space<vmem_shared>>) offsets(%dma_start3A_253 : memref<128xi32, #tpu.memory_space<vmem>>) semaphore(%arg20 : memref<!tpu.dma_semaphore, #tpu.memory_space<semaphore_mem>>) {add = true}
      %add3A_257 = arith.constant 0 : i32
      %add3A_258 = arith.addi %mul3A_196, %add3A_257 : i32
      %add3A_259 = arith.constant 4 : i32
      %add3A_260 = arith.addi %add3A_258, %add3A_259 : i32
      %lt3A = arith.constant 160 : i32
      %lt3A_261 = arith.cmpi slt, %add3A_260, %lt3A : i32
      %convert_element_type3A_262 = arith.extui %lt3A_261 : i1 to i32
      %cond3A_263 = arith.constant 0 : i32
      %cond3A_264 = arith.cmpi ne, %convert_element_type3A_262, %cond3A_263 : i32
      scf.if %cond3A_264 {
        %dma_wait3A_292 = arith.constant 0 : i32
        %dma_wait3A_293 = arith.constant 0 : i32
        %dma_wait3A_294 = tpu.memref_slice %arg7[%dma_wait3A_292, %dma_wait3A_293] : memref<160x128xi32, #tpu.memory_space<vmem>> -> memref<1x128xi32, #tpu.memory_space<vmem>>
        %dma_wait3A_295 = tpu.memref_squeeze %dma_wait3A_294 : memref<1x128xi32, #tpu.memory_space<vmem>> -> memref<128xi32, #tpu.memory_space<vmem>>
        %dma_wait3A_296 = arith.constant 0 : i32
        %dma_wait3A_297 = arith.constant 0 : i32
        %dma_wait3A_298 = tpu.memref_slice %arg12[%dma_wait3A_296, %dma_wait3A_297] : memref<10240x32xf32, #tpu.memory_space<vmem_shared>> -> memref<10240x32xf32, #tpu.memory_space<vmem_shared>>
        tpu.wait_indirect_dma semaphore(%arg17 : memref<!tpu.dma_semaphore, #tpu.memory_space<semaphore_mem>>) src(%arg8 : memref<128x32xf32, #tpu.memory_space<vmem>>) dst(%dma_wait3A_298 : memref<10240x32xf32, #tpu.memory_space<vmem_shared>>)
        %add3A_299 = arith.constant 0 : i32
        %add3A_300 = arith.addi %mul3A_196, %add3A_299 : i32
        %add3A_301 = arith.constant 4 : i32
        %add3A_302 = arith.addi %add3A_300, %add3A_301 : i32
        %dma_start3A_303 = arith.constant 0 : i32
        %dma_start3A_304 = tpu.memref_slice %arg6[%add3A_302, %dma_start3A_303] : memref<160x128xi32, #tpu.memory_space<vmem>> -> memref<1x128xi32, #tpu.memory_space<vmem>>
        %dma_start3A_305 = tpu.memref_squeeze %dma_start3A_304 : memref<1x128xi32, #tpu.memory_space<vmem>> -> memref<128xi32, #tpu.memory_space<vmem>>
        %dma_start3A_306 = arith.constant 0 : i32
        %dma_start3A_307 = arith.constant 0 : i32
        %dma_start3A_308 = tpu.memref_slice %arg2[%dma_start3A_306, %dma_start3A_307] : memref<40000x32xf32, #tpu.memory_space<hbm>> -> memref<40000x32xf32, #tpu.memory_space<hbm>>
        tpu.enqueue_indirect_dma source(%dma_start3A_308 : memref<40000x32xf32, #tpu.memory_space<hbm>>) target(%arg8 : memref<128x32xf32, #tpu.memory_space<vmem>>) offsets(%dma_start3A_305 : memref<128xi32, #tpu.memory_space<vmem>>) semaphore(%arg13 : memref<!tpu.dma_semaphore, #tpu.memory_space<semaphore_mem>>)
      } else {
      }
      %add3A_265 = arith.constant 1 : i32
      %add3A_266 = arith.addi %mul3A_196, %add3A_265 : i32
      %add3A_267 = arith.constant 4 : i32
      %add3A_268 = arith.addi %add3A_266, %add3A_267 : i32
      %lt3A_269 = arith.constant 160 : i32
      %lt3A_270 = arith.cmpi slt, %add3A_268, %lt3A_269 : i32
      %convert_element_type3A_271 = arith.extui %lt3A_270 : i1 to i32
      %cond3A_272 = arith.constant 0 : i32
      %cond3A_273 = arith.cmpi ne, %convert_element_type3A_271, %cond3A_272 : i32
      scf.if %cond3A_273 {
        %dma_wait3A_292 = arith.constant 0 : i32
        %dma_wait3A_293 = arith.constant 0 : i32
        %dma_wait3A_294 = tpu.memref_slice %arg7[%dma_wait3A_292, %dma_wait3A_293] : memref<160x128xi32, #tpu.memory_space<vmem>> -> memref<1x128xi32, #tpu.memory_space<vmem>>
        %dma_wait3A_295 = tpu.memref_squeeze %dma_wait3A_294 : memref<1x128xi32, #tpu.memory_space<vmem>> -> memref<128xi32, #tpu.memory_space<vmem>>
        %dma_wait3A_296 = arith.constant 0 : i32
        %dma_wait3A_297 = arith.constant 0 : i32
        %dma_wait3A_298 = tpu.memref_slice %arg12[%dma_wait3A_296, %dma_wait3A_297] : memref<10240x32xf32, #tpu.memory_space<vmem_shared>> -> memref<10240x32xf32, #tpu.memory_space<vmem_shared>>
        tpu.wait_indirect_dma semaphore(%arg18 : memref<!tpu.dma_semaphore, #tpu.memory_space<semaphore_mem>>) src(%arg9 : memref<128x32xf32, #tpu.memory_space<vmem>>) dst(%dma_wait3A_298 : memref<10240x32xf32, #tpu.memory_space<vmem_shared>>)
        %add3A_299 = arith.constant 1 : i32
        %add3A_300 = arith.addi %mul3A_196, %add3A_299 : i32
        %add3A_301 = arith.constant 4 : i32
        %add3A_302 = arith.addi %add3A_300, %add3A_301 : i32
        %dma_start3A_303 = arith.constant 0 : i32
        %dma_start3A_304 = tpu.memref_slice %arg6[%add3A_302, %dma_start3A_303] : memref<160x128xi32, #tpu.memory_space<vmem>> -> memref<1x128xi32, #tpu.memory_space<vmem>>
        %dma_start3A_305 = tpu.memref_squeeze %dma_start3A_304 : memref<1x128xi32, #tpu.memory_space<vmem>> -> memref<128xi32, #tpu.memory_space<vmem>>
        %dma_start3A_306 = arith.constant 0 : i32
        %dma_start3A_307 = arith.constant 0 : i32
        %dma_start3A_308 = tpu.memref_slice %arg2[%dma_start3A_306, %dma_start3A_307] : memref<40000x32xf32, #tpu.memory_space<hbm>> -> memref<40000x32xf32, #tpu.memory_space<hbm>>
        tpu.enqueue_indirect_dma source(%dma_start3A_308 : memref<40000x32xf32, #tpu.memory_space<hbm>>) target(%arg9 : memref<128x32xf32, #tpu.memory_space<vmem>>) offsets(%dma_start3A_305 : memref<128xi32, #tpu.memory_space<vmem>>) semaphore(%arg14 : memref<!tpu.dma_semaphore, #tpu.memory_space<semaphore_mem>>)
      } else {
      }
      %add3A_274 = arith.constant 2 : i32
      %add3A_275 = arith.addi %mul3A_196, %add3A_274 : i32
      %add3A_276 = arith.constant 4 : i32
      %add3A_277 = arith.addi %add3A_275, %add3A_276 : i32
      %lt3A_278 = arith.constant 160 : i32
      %lt3A_279 = arith.cmpi slt, %add3A_277, %lt3A_278 : i32
      %convert_element_type3A_280 = arith.extui %lt3A_279 : i1 to i32
      %cond3A_281 = arith.constant 0 : i32
      %cond3A_282 = arith.cmpi ne, %convert_element_type3A_280, %cond3A_281 : i32
      scf.if %cond3A_282 {
        %dma_wait3A_292 = arith.constant 0 : i32
        %dma_wait3A_293 = arith.constant 0 : i32
        %dma_wait3A_294 = tpu.memref_slice %arg7[%dma_wait3A_292, %dma_wait3A_293] : memref<160x128xi32, #tpu.memory_space<vmem>> -> memref<1x128xi32, #tpu.memory_space<vmem>>
        %dma_wait3A_295 = tpu.memref_squeeze %dma_wait3A_294 : memref<1x128xi32, #tpu.memory_space<vmem>> -> memref<128xi32, #tpu.memory_space<vmem>>
        %dma_wait3A_296 = arith.constant 0 : i32
        %dma_wait3A_297 = arith.constant 0 : i32
        %dma_wait3A_298 = tpu.memref_slice %arg12[%dma_wait3A_296, %dma_wait3A_297] : memref<10240x32xf32, #tpu.memory_space<vmem_shared>> -> memref<10240x32xf32, #tpu.memory_space<vmem_shared>>
        tpu.wait_indirect_dma semaphore(%arg19 : memref<!tpu.dma_semaphore, #tpu.memory_space<semaphore_mem>>) src(%arg10 : memref<128x32xf32, #tpu.memory_space<vmem>>) dst(%dma_wait3A_298 : memref<10240x32xf32, #tpu.memory_space<vmem_shared>>)
        %add3A_299 = arith.constant 2 : i32
        %add3A_300 = arith.addi %mul3A_196, %add3A_299 : i32
        %add3A_301 = arith.constant 4 : i32
        %add3A_302 = arith.addi %add3A_300, %add3A_301 : i32
        %dma_start3A_303 = arith.constant 0 : i32
        %dma_start3A_304 = tpu.memref_slice %arg6[%add3A_302, %dma_start3A_303] : memref<160x128xi32, #tpu.memory_space<vmem>> -> memref<1x128xi32, #tpu.memory_space<vmem>>
        %dma_start3A_305 = tpu.memref_squeeze %dma_start3A_304 : memref<1x128xi32, #tpu.memory_space<vmem>> -> memref<128xi32, #tpu.memory_space<vmem>>
        %dma_start3A_306 = arith.constant 0 : i32
        %dma_start3A_307 = arith.constant 0 : i32
        %dma_start3A_308 = tpu.memref_slice %arg2[%dma_start3A_306, %dma_start3A_307] : memref<40000x32xf32, #tpu.memory_space<hbm>> -> memref<40000x32xf32, #tpu.memory_space<hbm>>
        tpu.enqueue_indirect_dma source(%dma_start3A_308 : memref<40000x32xf32, #tpu.memory_space<hbm>>) target(%arg10 : memref<128x32xf32, #tpu.memory_space<vmem>>) offsets(%dma_start3A_305 : memref<128xi32, #tpu.memory_space<vmem>>) semaphore(%arg15 : memref<!tpu.dma_semaphore, #tpu.memory_space<semaphore_mem>>)
      } else {
      }
      %add3A_283 = arith.constant 3 : i32
      %add3A_284 = arith.addi %mul3A_196, %add3A_283 : i32
      %add3A_285 = arith.constant 4 : i32
      %add3A_286 = arith.addi %add3A_284, %add3A_285 : i32
      %lt3A_287 = arith.constant 160 : i32
      %lt3A_288 = arith.cmpi slt, %add3A_286, %lt3A_287 : i32
      %convert_element_type3A_289 = arith.extui %lt3A_288 : i1 to i32
      %cond3A_290 = arith.constant 0 : i32
      %cond3A_291 = arith.cmpi ne, %convert_element_type3A_289, %cond3A_290 : i32
      scf.if %cond3A_291 {
        %dma_wait3A_292 = arith.constant 0 : i32
        %dma_wait3A_293 = arith.constant 0 : i32
        %dma_wait3A_294 = tpu.memref_slice %arg7[%dma_wait3A_292, %dma_wait3A_293] : memref<160x128xi32, #tpu.memory_space<vmem>> -> memref<1x128xi32, #tpu.memory_space<vmem>>
        %dma_wait3A_295 = tpu.memref_squeeze %dma_wait3A_294 : memref<1x128xi32, #tpu.memory_space<vmem>> -> memref<128xi32, #tpu.memory_space<vmem>>
        %dma_wait3A_296 = arith.constant 0 : i32
        %dma_wait3A_297 = arith.constant 0 : i32
        %dma_wait3A_298 = tpu.memref_slice %arg12[%dma_wait3A_296, %dma_wait3A_297] : memref<10240x32xf32, #tpu.memory_space<vmem_shared>> -> memref<10240x32xf32, #tpu.memory_space<vmem_shared>>
        tpu.wait_indirect_dma semaphore(%arg20 : memref<!tpu.dma_semaphore, #tpu.memory_space<semaphore_mem>>) src(%arg11 : memref<128x32xf32, #tpu.memory_space<vmem>>) dst(%dma_wait3A_298 : memref<10240x32xf32, #tpu.memory_space<vmem_shared>>)
        %add3A_299 = arith.constant 3 : i32
        %add3A_300 = arith.addi %mul3A_196, %add3A_299 : i32
        %add3A_301 = arith.constant 4 : i32
        %add3A_302 = arith.addi %add3A_300, %add3A_301 : i32
        %dma_start3A_303 = arith.constant 0 : i32
        %dma_start3A_304 = tpu.memref_slice %arg6[%add3A_302, %dma_start3A_303] : memref<160x128xi32, #tpu.memory_space<vmem>> -> memref<1x128xi32, #tpu.memory_space<vmem>>
        %dma_start3A_305 = tpu.memref_squeeze %dma_start3A_304 : memref<1x128xi32, #tpu.memory_space<vmem>> -> memref<128xi32, #tpu.memory_space<vmem>>
        %dma_start3A_306 = arith.constant 0 : i32
        %dma_start3A_307 = arith.constant 0 : i32
        %dma_start3A_308 = tpu.memref_slice %arg2[%dma_start3A_306, %dma_start3A_307] : memref<40000x32xf32, #tpu.memory_space<hbm>> -> memref<40000x32xf32, #tpu.memory_space<hbm>>
        tpu.enqueue_indirect_dma source(%dma_start3A_308 : memref<40000x32xf32, #tpu.memory_space<hbm>>) target(%arg11 : memref<128x32xf32, #tpu.memory_space<vmem>>) offsets(%dma_start3A_305 : memref<128xi32, #tpu.memory_space<vmem>>) semaphore(%arg16 : memref<!tpu.dma_semaphore, #tpu.memory_space<semaphore_mem>>)
      } else {
      }
    }
    %scan3A_57 = arith.constant 40 : i32
    %dma_wait3A = arith.constant 0 : i32
    %dma_wait3A_58 = arith.constant 0 : i32
    %dma_wait3A_59 = tpu.memref_slice %arg7[%dma_wait3A, %dma_wait3A_58] : memref<160x128xi32, #tpu.memory_space<vmem>> -> memref<1x128xi32, #tpu.memory_space<vmem>>
    %dma_wait3A_60 = tpu.memref_squeeze %dma_wait3A_59 : memref<1x128xi32, #tpu.memory_space<vmem>> -> memref<128xi32, #tpu.memory_space<vmem>>
    %dma_wait3A_61 = arith.constant 0 : i32
    %dma_wait3A_62 = arith.constant 0 : i32
    %dma_wait3A_63 = tpu.memref_slice %arg12[%dma_wait3A_61, %dma_wait3A_62] : memref<10240x32xf32, #tpu.memory_space<vmem_shared>> -> memref<10240x32xf32, #tpu.memory_space<vmem_shared>>
    tpu.wait_indirect_dma semaphore(%arg17 : memref<!tpu.dma_semaphore, #tpu.memory_space<semaphore_mem>>) src(%arg8 : memref<128x32xf32, #tpu.memory_space<vmem>>) dst(%dma_wait3A_63 : memref<10240x32xf32, #tpu.memory_space<vmem_shared>>)
    %dma_wait3A_64 = arith.constant 0 : i32
    %dma_wait3A_65 = arith.constant 0 : i32
    %dma_wait3A_66 = tpu.memref_slice %arg7[%dma_wait3A_64, %dma_wait3A_65] : memref<160x128xi32, #tpu.memory_space<vmem>> -> memref<1x128xi32, #tpu.memory_space<vmem>>
    %dma_wait3A_67 = tpu.memref_squeeze %dma_wait3A_66 : memref<1x128xi32, #tpu.memory_space<vmem>> -> memref<128xi32, #tpu.memory_space<vmem>>
    %dma_wait3A_68 = arith.constant 0 : i32
    %dma_wait3A_69 = arith.constant 0 : i32
    %dma_wait3A_70 = tpu.memref_slice %arg12[%dma_wait3A_68, %dma_wait3A_69] : memref<10240x32xf32, #tpu.memory_space<vmem_shared>> -> memref<10240x32xf32, #tpu.memory_space<vmem_shared>>
    tpu.wait_indirect_dma semaphore(%arg18 : memref<!tpu.dma_semaphore, #tpu.memory_space<semaphore_mem>>) src(%arg9 : memref<128x32xf32, #tpu.memory_space<vmem>>) dst(%dma_wait3A_70 : memref<10240x32xf32, #tpu.memory_space<vmem_shared>>)
    %dma_wait3A_71 = arith.constant 0 : i32
    %dma_wait3A_72 = arith.constant 0 : i32
    %dma_wait3A_73 = tpu.memref_slice %arg7[%dma_wait3A_71, %dma_wait3A_72] : memref<160x128xi32, #tpu.memory_space<vmem>> -> memref<1x128xi32, #tpu.memory_space<vmem>>
    %dma_wait3A_74 = tpu.memref_squeeze %dma_wait3A_73 : memref<1x128xi32, #tpu.memory_space<vmem>> -> memref<128xi32, #tpu.memory_space<vmem>>
    %dma_wait3A_75 = arith.constant 0 : i32
    %dma_wait3A_76 = arith.constant 0 : i32
    %dma_wait3A_77 = tpu.memref_slice %arg12[%dma_wait3A_75, %dma_wait3A_76] : memref<10240x32xf32, #tpu.memory_space<vmem_shared>> -> memref<10240x32xf32, #tpu.memory_space<vmem_shared>>
    tpu.wait_indirect_dma semaphore(%arg19 : memref<!tpu.dma_semaphore, #tpu.memory_space<semaphore_mem>>) src(%arg10 : memref<128x32xf32, #tpu.memory_space<vmem>>) dst(%dma_wait3A_77 : memref<10240x32xf32, #tpu.memory_space<vmem_shared>>)
    %dma_wait3A_78 = arith.constant 0 : i32
    %dma_wait3A_79 = arith.constant 0 : i32
    %dma_wait3A_80 = tpu.memref_slice %arg7[%dma_wait3A_78, %dma_wait3A_79] : memref<160x128xi32, #tpu.memory_space<vmem>> -> memref<1x128xi32, #tpu.memory_space<vmem>>
    %dma_wait3A_81 = tpu.memref_squeeze %dma_wait3A_80 : memref<1x128xi32, #tpu.memory_space<vmem>> -> memref<128xi32, #tpu.memory_space<vmem>>
    %dma_wait3A_82 = arith.constant 0 : i32
    %dma_wait3A_83 = arith.constant 0 : i32
    %dma_wait3A_84 = tpu.memref_slice %arg12[%dma_wait3A_82, %dma_wait3A_83] : memref<10240x32xf32, #tpu.memory_space<vmem_shared>> -> memref<10240x32xf32, #tpu.memory_space<vmem_shared>>
    tpu.wait_indirect_dma semaphore(%arg20 : memref<!tpu.dma_semaphore, #tpu.memory_space<semaphore_mem>>) src(%arg11 : memref<128x32xf32, #tpu.memory_space<vmem>>) dst(%dma_wait3A_84 : memref<10240x32xf32, #tpu.memory_space<vmem_shared>>)
    %barrier3A_85 = arith.constant 0 : index
    tpu.barrier barrier_id(%barrier3A_85)
    %mul3A_86 = arith.constant 624 : i32
    %mul3A_87 = arith.muli %arg1, %mul3A_86 : i32
    "tpu.region"() ({
      %run_scoped3A = tpu.sem_alloc : memref<!tpu.dma_semaphore, #tpu.memory_space<semaphore_mem>>
      %dma_start3A_190 = arith.constant 0 : i32
      %dma_start3A_191 = tpu.memref_slice %arg5[%arg0, %mul3A_87, %dma_start3A_190] : memref<4x10000x32xf32, #tpu.memory_space<hbm>> -> memref<1x624x32xf32, #tpu.memory_space<hbm>>
      %dma_start3A_192 = tpu.memref_squeeze %dma_start3A_191 : memref<1x624x32xf32, #tpu.memory_space<hbm>> -> memref<624x32xf32, #tpu.memory_space<hbm>>
      %dma_start3A_193 = arith.constant 0 : i32
      %dma_start3A_194 = tpu.memref_slice %arg12[%mul3A_87, %dma_start3A_193] : memref<10240x32xf32, #tpu.memory_space<vmem_shared>> -> memref<624x32xf32, #tpu.memory_space<vmem_shared>>
      tpu.enqueue_dma source(%dma_start3A_194 : memref<624x32xf32, #tpu.memory_space<vmem_shared>>) target(%dma_start3A_192 : memref<624x32xf32, #tpu.memory_space<hbm>>) target_semaphore(%run_scoped3A : memref<!tpu.dma_semaphore, #tpu.memory_space<semaphore_mem>>)
      %dma_wait3A_195 = arith.constant 0 : i32
      %dma_wait3A_196 = tpu.memref_slice %arg5[%arg0, %mul3A_87, %dma_wait3A_195] : memref<4x10000x32xf32, #tpu.memory_space<hbm>> -> memref<1x624x32xf32, #tpu.memory_space<hbm>>
      %dma_wait3A_197 = tpu.memref_squeeze %dma_wait3A_196 : memref<1x624x32xf32, #tpu.memory_space<hbm>> -> memref<624x32xf32, #tpu.memory_space<hbm>>
      %dma_wait3A_198 = arith.constant 0 : i32
      %dma_wait3A_199 = tpu.memref_slice %arg12[%mul3A_87, %dma_wait3A_198] : memref<10240x32xf32, #tpu.memory_space<vmem_shared>> -> memref<624x32xf32, #tpu.memory_space<vmem_shared>>
      tpu.wait_dma2 semaphore(%run_scoped3A : memref<!tpu.dma_semaphore, #tpu.memory_space<semaphore_mem>>) src(%dma_wait3A_199 : memref<624x32xf32, #tpu.memory_space<vmem_shared>>) dst(%dma_wait3A_197 : memref<624x32xf32, #tpu.memory_space<hbm>>)
      tpu.yield
    }) : () -> ()
    %eq3A = arith.constant 15 : i32
    %eq3A_88 = arith.cmpi eq, %arg1, %eq3A : i32
    %convert_element_type3A = arith.extui %eq3A_88 : i1 to i32
    %cond3A = arith.constant 0 : i32
    %cond3A_89 = arith.cmpi ne, %convert_element_type3A, %cond3A : i32
    scf.if %cond3A_89 {
      "tpu.region"() ({
        %run_scoped3A = tpu.sem_alloc : memref<!tpu.dma_semaphore, #tpu.memory_space<semaphore_mem>>
        %dma_start3A_190 = arith.constant 9984 : i32
        %dma_start3A_191 = arith.constant 0 : i32
        %dma_start3A_192 = tpu.memref_slice %arg5[%arg0, %dma_start3A_190, %dma_start3A_191] : memref<4x10000x32xf32, #tpu.memory_space<hbm>> -> memref<1x16x32xf32, #tpu.memory_space<hbm>>
        %dma_start3A_193 = tpu.memref_squeeze %dma_start3A_192 : memref<1x16x32xf32, #tpu.memory_space<hbm>> -> memref<16x32xf32, #tpu.memory_space<hbm>>
        %dma_start3A_194 = arith.constant 9984 : i32
        %dma_start3A_195 = arith.constant 0 : i32
        %dma_start3A_196 = tpu.memref_slice %arg12[%dma_start3A_194, %dma_start3A_195] : memref<10240x32xf32, #tpu.memory_space<vmem_shared>> -> memref<16x32xf32, #tpu.memory_space<vmem_shared>>
        tpu.enqueue_dma source(%dma_start3A_196 : memref<16x32xf32, #tpu.memory_space<vmem_shared>>) target(%dma_start3A_193 : memref<16x32xf32, #tpu.memory_space<hbm>>) target_semaphore(%run_scoped3A : memref<!tpu.dma_semaphore, #tpu.memory_space<semaphore_mem>>)
        %dma_wait3A_197 = arith.constant 9984 : i32
        %dma_wait3A_198 = arith.constant 0 : i32
        %dma_wait3A_199 = tpu.memref_slice %arg5[%arg0, %dma_wait3A_197, %dma_wait3A_198] : memref<4x10000x32xf32, #tpu.memory_space<hbm>> -> memref<1x16x32xf32, #tpu.memory_space<hbm>>
        %dma_wait3A_200 = tpu.memref_squeeze %dma_wait3A_199 : memref<1x16x32xf32, #tpu.memory_space<hbm>> -> memref<16x32xf32, #tpu.memory_space<hbm>>
        %dma_wait3A_201 = arith.constant 9984 : i32
        %dma_wait3A_202 = arith.constant 0 : i32
        %dma_wait3A_203 = tpu.memref_slice %arg12[%dma_wait3A_201, %dma_wait3A_202] : memref<10240x32xf32, #tpu.memory_space<vmem_shared>> -> memref<16x32xf32, #tpu.memory_space<vmem_shared>>
        tpu.wait_dma2 semaphore(%run_scoped3A : memref<!tpu.dma_semaphore, #tpu.memory_space<semaphore_mem>>) src(%dma_wait3A_203 : memref<16x32xf32, #tpu.memory_space<vmem_shared>>) dst(%dma_wait3A_200 : memref<16x32xf32, #tpu.memory_space<hbm>>)
        tpu.yield
      }) : () -> ()
    } else {
    }
    %barrier3A_90 = arith.constant 0 : index
    tpu.barrier barrier_id(%barrier3A_90)
    %broadcast_in_dim3A_91 = arith.constant 0 : i32
    %broadcast_in_dim3A_92 = vector.broadcast %broadcast_in_dim3A_91 : i32 to vector<16xi32>
    %add3A_93 = arith.constant 20000 : i32
    %add3A_94 = vector.broadcast %add3A_93 : i32 to vector<16xi32>
    %add3A_95 = arith.addi %broadcast_in_dim3A_92, %add3A_94 : vector<16xi32>
    %scan3A_96 = arith.constant 0 : i32
    %scan3A_97 = arith.constant 160 : i32
    %scan3A_98 = arith.addi %scan3A_96, %scan3A_97 : i32
    %scan3A_99 = arith.constant 1 : i32
    scf.for %scan3A_190 = %scan3A_96 to %scan3A_98 step %scan3A_99  : i32 {
      %mul3A_191 = arith.constant 1 : i32
      %mul3A_192 = arith.muli %scan3A_190, %mul3A_191 : i32
      %add3A_193 = arith.constant 0 : i32
      %add3A_194 = arith.addi %add3A_193, %mul3A_192 : i32
      %get3A = arith.index_cast %add3A_194 : i32 to index
      %get3A_195 = arith.constant 0 : index
      %get3A_196 = tpu.vector_load %arg6[%get3A, %get3A_195] {strides = array<i32>} : memref<160x128xi32, #tpu.memory_space<vmem>>, vector<1x16xi32>,
      %get3A_197 = vector.shape_cast %get3A_196 : vector<1x16xi32> to vector<16xi32>
      %add3A_198 = arith.addi %get3A_197, %add3A_95 : vector<16xi32>
      %swap3A = arith.index_cast %add3A_194 : i32 to index
      %swap3A_199 = arith.constant 0 : index
      %swap3A_200 = tpu.vector_load %arg6[%swap3A, %swap3A_199] {strides = array<i32>} : memref<160x128xi32, #tpu.memory_space<vmem>>, vector<1x16xi32>,
      %swap3A_201 = vector.shape_cast %swap3A_200 : vector<1x16xi32> to vector<16xi32>
      %swap3A_202 = vector.shape_cast %add3A_198 : vector<16xi32> to vector<1x16xi32>
      tpu.vector_store %arg6[%swap3A, %swap3A_199], %swap3A_202 {strides = array<i32>} : memref<160x128xi32, #tpu.memory_space<vmem>>, vector<1x16xi32>,
      %get3A_203 = arith.index_cast %add3A_194 : i32 to index
      %get3A_204 = arith.constant 16 : index
      %get3A_205 = tpu.vector_load %arg6[%get3A_203, %get3A_204] {strides = array<i32>} : memref<160x128xi32, #tpu.memory_space<vmem>>, vector<1x16xi32>,
      %get3A_206 = vector.shape_cast %get3A_205 : vector<1x16xi32> to vector<16xi32>
      %add3A_207 = arith.addi %get3A_206, %add3A_95 : vector<16xi32>
      %swap3A_208 = arith.index_cast %add3A_194 : i32 to index
      %swap3A_209 = arith.constant 16 : index
      %swap3A_210 = tpu.vector_load %arg6[%swap3A_208, %swap3A_209] {strides = array<i32>} : memref<160x128xi32, #tpu.memory_space<vmem>>, vector<1x16xi32>,
      %swap3A_211 = vector.shape_cast %swap3A_210 : vector<1x16xi32> to vector<16xi32>
      %swap3A_212 = vector.shape_cast %add3A_207 : vector<16xi32> to vector<1x16xi32>
      tpu.vector_store %arg6[%swap3A_208, %swap3A_209], %swap3A_212 {strides = array<i32>} : memref<160x128xi32, #tpu.memory_space<vmem>>, vector<1x16xi32>,
      %get3A_213 = arith.index_cast %add3A_194 : i32 to index
      %get3A_214 = arith.constant 32 : index
      %get3A_215 = tpu.vector_load %arg6[%get3A_213, %get3A_214] {strides = array<i32>} : memref<160x128xi32, #tpu.memory_space<vmem>>, vector<1x16xi32>,
      %get3A_216 = vector.shape_cast %get3A_215 : vector<1x16xi32> to vector<16xi32>
      %add3A_217 = arith.addi %get3A_216, %add3A_95 : vector<16xi32>
      %swap3A_218 = arith.index_cast %add3A_194 : i32 to index
      %swap3A_219 = arith.constant 32 : index
      %swap3A_220 = tpu.vector_load %arg6[%swap3A_218, %swap3A_219] {strides = array<i32>} : memref<160x128xi32, #tpu.memory_space<vmem>>, vector<1x16xi32>,
      %swap3A_221 = vector.shape_cast %swap3A_220 : vector<1x16xi32> to vector<16xi32>
      %swap3A_222 = vector.shape_cast %add3A_217 : vector<16xi32> to vector<1x16xi32>
      tpu.vector_store %arg6[%swap3A_218, %swap3A_219], %swap3A_222 {strides = array<i32>} : memref<160x128xi32, #tpu.memory_space<vmem>>, vector<1x16xi32>,
      %get3A_223 = arith.index_cast %add3A_194 : i32 to index
      %get3A_224 = arith.constant 48 : index
      %get3A_225 = tpu.vector_load %arg6[%get3A_223, %get3A_224] {strides = array<i32>} : memref<160x128xi32, #tpu.memory_space<vmem>>, vector<1x16xi32>,
      %get3A_226 = vector.shape_cast %get3A_225 : vector<1x16xi32> to vector<16xi32>
      %add3A_227 = arith.addi %get3A_226, %add3A_95 : vector<16xi32>
      %swap3A_228 = arith.index_cast %add3A_194 : i32 to index
      %swap3A_229 = arith.constant 48 : index
      %swap3A_230 = tpu.vector_load %arg6[%swap3A_228, %swap3A_229] {strides = array<i32>} : memref<160x128xi32, #tpu.memory_space<vmem>>, vector<1x16xi32>,
      %swap3A_231 = vector.shape_cast %swap3A_230 : vector<1x16xi32> to vector<16xi32>
      %swap3A_232 = vector.shape_cast %add3A_227 : vector<16xi32> to vector<1x16xi32>
      tpu.vector_store %arg6[%swap3A_228, %swap3A_229], %swap3A_232 {strides = array<i32>} : memref<160x128xi32, #tpu.memory_space<vmem>>, vector<1x16xi32>,
      %get3A_233 = arith.index_cast %add3A_194 : i32 to index
      %get3A_234 = arith.constant 64 : index
      %get3A_235 = tpu.vector_load %arg6[%get3A_233, %get3A_234] {strides = array<i32>} : memref<160x128xi32, #tpu.memory_space<vmem>>, vector<1x16xi32>,
      %get3A_236 = vector.shape_cast %get3A_235 : vector<1x16xi32> to vector<16xi32>
      %add3A_237 = arith.addi %get3A_236, %add3A_95 : vector<16xi32>
      %swap3A_238 = arith.index_cast %add3A_194 : i32 to index
      %swap3A_239 = arith.constant 64 : index
      %swap3A_240 = tpu.vector_load %arg6[%swap3A_238, %swap3A_239] {strides = array<i32>} : memref<160x128xi32, #tpu.memory_space<vmem>>, vector<1x16xi32>,
      %swap3A_241 = vector.shape_cast %swap3A_240 : vector<1x16xi32> to vector<16xi32>
      %swap3A_242 = vector.shape_cast %add3A_237 : vector<16xi32> to vector<1x16xi32>
      tpu.vector_store %arg6[%swap3A_238, %swap3A_239], %swap3A_242 {strides = array<i32>} : memref<160x128xi32, #tpu.memory_space<vmem>>, vector<1x16xi32>,
      %get3A_243 = arith.index_cast %add3A_194 : i32 to index
      %get3A_244 = arith.constant 80 : index
      %get3A_245 = tpu.vector_load %arg6[%get3A_243, %get3A_244] {strides = array<i32>} : memref<160x128xi32, #tpu.memory_space<vmem>>, vector<1x16xi32>,
      %get3A_246 = vector.shape_cast %get3A_245 : vector<1x16xi32> to vector<16xi32>
      %add3A_247 = arith.addi %get3A_246, %add3A_95 : vector<16xi32>
      %swap3A_248 = arith.index_cast %add3A_194 : i32 to index
      %swap3A_249 = arith.constant 80 : index
      %swap3A_250 = tpu.vector_load %arg6[%swap3A_248, %swap3A_249] {strides = array<i32>} : memref<160x128xi32, #tpu.memory_space<vmem>>, vector<1x16xi32>,
      %swap3A_251 = vector.shape_cast %swap3A_250 : vector<1x16xi32> to vector<16xi32>
      %swap3A_252 = vector.shape_cast %add3A_247 : vector<16xi32> to vector<1x16xi32>
      tpu.vector_store %arg6[%swap3A_248, %swap3A_249], %swap3A_252 {strides = array<i32>} : memref<160x128xi32, #tpu.memory_space<vmem>>, vector<1x16xi32>,
      %get3A_253 = arith.index_cast %add3A_194 : i32 to index
      %get3A_254 = arith.constant 96 : index
      %get3A_255 = tpu.vector_load %arg6[%get3A_253, %get3A_254] {strides = array<i32>} : memref<160x128xi32, #tpu.memory_space<vmem>>, vector<1x16xi32>,
      %get3A_256 = vector.shape_cast %get3A_255 : vector<1x16xi32> to vector<16xi32>
      %add3A_257 = arith.addi %get3A_256, %add3A_95 : vector<16xi32>
      %swap3A_258 = arith.index_cast %add3A_194 : i32 to index
      %swap3A_259 = arith.constant 96 : index
      %swap3A_260 = tpu.vector_load %arg6[%swap3A_258, %swap3A_259] {strides = array<i32>} : memref<160x128xi32, #tpu.memory_space<vmem>>, vector<1x16xi32>,
      %swap3A_261 = vector.shape_cast %swap3A_260 : vector<1x16xi32> to vector<16xi32>
      %swap3A_262 = vector.shape_cast %add3A_257 : vector<16xi32> to vector<1x16xi32>
      tpu.vector_store %arg6[%swap3A_258, %swap3A_259], %swap3A_262 {strides = array<i32>} : memref<160x128xi32, #tpu.memory_space<vmem>>, vector<1x16xi32>,
      %get3A_263 = arith.index_cast %add3A_194 : i32 to index
      %get3A_264 = arith.constant 112 : index
      %get3A_265 = tpu.vector_load %arg6[%get3A_263, %get3A_264] {strides = array<i32>} : memref<160x128xi32, #tpu.memory_space<vmem>>, vector<1x16xi32>,
      %get3A_266 = vector.shape_cast %get3A_265 : vector<1x16xi32> to vector<16xi32>
      %add3A_267 = arith.addi %get3A_266, %add3A_95 : vector<16xi32>
      %swap3A_268 = arith.index_cast %add3A_194 : i32 to index
      %swap3A_269 = arith.constant 112 : index
      %swap3A_270 = tpu.vector_load %arg6[%swap3A_268, %swap3A_269] {strides = array<i32>} : memref<160x128xi32, #tpu.memory_space<vmem>>, vector<1x16xi32>,
      %swap3A_271 = vector.shape_cast %swap3A_270 : vector<1x16xi32> to vector<16xi32>
      %swap3A_272 = vector.shape_cast %add3A_267 : vector<16xi32> to vector<1x16xi32>
      tpu.vector_store %arg6[%swap3A_268, %swap3A_269], %swap3A_272 {strides = array<i32>} : memref<160x128xi32, #tpu.memory_space<vmem>>, vector<1x16xi32>,
    }
    %scan3A_100 = arith.constant 160 : i32
    %add3A_101 = arith.constant 2 : i32
    %add3A_102 = arith.addi %add3A_101, %arg0 : i32
    %scan3A_103 = arith.constant 0 : i32
    %scan3A_104 = arith.constant 128 : i32
    %scan3A_105 = arith.addi %scan3A_103, %scan3A_104 : i32
    %scan3A_106 = arith.constant 1 : i32
    scf.for %scan3A_190 = %scan3A_103 to %scan3A_105 step %scan3A_106  : i32 {
      %mul3A_191 = arith.constant 1 : i32
      %mul3A_192 = arith.muli %scan3A_190, %mul3A_191 : i32
      %add3A_193 = arith.constant 0 : i32
      %add3A_194 = arith.addi %add3A_193, %mul3A_192 : i32
      %broadcast_in_dim3A_195 = arith.constant 0.000000e+00 : f32
      %broadcast_in_dim3A_196 = vector.broadcast %broadcast_in_dim3A_195 : f32 to vector<16xf32>
      %swap3A = arith.index_cast %add3A_194 : i32 to index
      %swap3A_197 = arith.constant 0 : index
      %swap3A_198 = tpu.vector_load %arg8[%swap3A, %swap3A_197] {strides = array<i32>} : memref<128x32xf32, #tpu.memory_space<vmem>>, vector<1x16xf32>,
      %swap3A_199 = vector.shape_cast %swap3A_198 : vector<1x16xf32> to vector<16xf32>
      %swap3A_200 = vector.shape_cast %broadcast_in_dim3A_196 : vector<16xf32> to vector<1x16xf32>
      tpu.vector_store %arg8[%swap3A, %swap3A_197], %swap3A_200 {strides = array<i32>} : memref<128x32xf32, #tpu.memory_space<vmem>>, vector<1x16xf32>,
      %broadcast_in_dim3A_201 = arith.constant 0.000000e+00 : f32
      %broadcast_in_dim3A_202 = vector.broadcast %broadcast_in_dim3A_201 : f32 to vector<16xf32>
      %swap3A_203 = arith.index_cast %add3A_194 : i32 to index
      %swap3A_204 = arith.constant 16 : index
      %swap3A_205 = tpu.vector_load %arg8[%swap3A_203, %swap3A_204] {strides = array<i32>} : memref<128x32xf32, #tpu.memory_space<vmem>>, vector<1x16xf32>,
      %swap3A_206 = vector.shape_cast %swap3A_205 : vector<1x16xf32> to vector<16xf32>
      %swap3A_207 = vector.shape_cast %broadcast_in_dim3A_202 : vector<16xf32> to vector<1x16xf32>
      tpu.vector_store %arg8[%swap3A_203, %swap3A_204], %swap3A_207 {strides = array<i32>} : memref<128x32xf32, #tpu.memory_space<vmem>>, vector<1x16xf32>,
    }
    %scan3A_107 = arith.constant 128 : i32
    %mul3A_108 = arith.constant 640 : i32
    %mul3A_109 = arith.muli %arg1, %mul3A_108 : i32
    %add3A_110 = arith.constant 0 : i32
    %add3A_111 = arith.addi %mul3A_109, %add3A_110 : i32
    "tpu.region"() ({
      %run_scoped3A = tpu.sem_alloc : memref<!tpu.dma_semaphore, #tpu.memory_space<semaphore_mem>>
      %dma_start3A_190 = arith.constant 0 : i32
      %dma_start3A_191 = tpu.memref_slice %arg12[%add3A_111, %dma_start3A_190] : memref<10240x32xf32, #tpu.memory_space<vmem_shared>> -> memref<128x32xf32, #tpu.memory_space<vmem_shared>>
      %dma_start3A_192 = arith.constant 0 : i32
      %dma_start3A_193 = tpu.memref_slice %arg12[%add3A_111, %dma_start3A_192] : memref<10240x32xf32, #tpu.memory_space<vmem_shared>> -> memref<128x32xf32, #tpu.memory_space<vmem_shared>>
      tpu.enqueue_dma source(%arg8 : memref<128x32xf32, #tpu.memory_space<vmem>>) target(%dma_start3A_193 : memref<128x32xf32, #tpu.memory_space<vmem_shared>>) target_semaphore(%run_scoped3A : memref<!tpu.dma_semaphore, #tpu.memory_space<semaphore_mem>>)
      %dma_wait3A_194 = arith.constant 0 : i32
      %dma_wait3A_195 = tpu.memref_slice %arg12[%add3A_111, %dma_wait3A_194] : memref<10240x32xf32, #tpu.memory_space<vmem_shared>> -> memref<128x32xf32, #tpu.memory_space<vmem_shared>>
      %dma_wait3A_196 = arith.constant 0 : i32
      %dma_wait3A_197 = tpu.memref_slice %arg12[%add3A_111, %dma_wait3A_196] : memref<10240x32xf32, #tpu.memory_space<vmem_shared>> -> memref<128x32xf32, #tpu.memory_space<vmem_shared>>
      tpu.wait_dma2 semaphore(%run_scoped3A : memref<!tpu.dma_semaphore, #tpu.memory_space<semaphore_mem>>) src(%arg8 : memref<128x32xf32, #tpu.memory_space<vmem>>) dst(%dma_wait3A_197 : memref<128x32xf32, #tpu.memory_space<vmem_shared>>)
      tpu.yield
    }) : () -> ()
    %add3A_112 = arith.constant 128 : i32
    %add3A_113 = arith.addi %mul3A_109, %add3A_112 : i32
    "tpu.region"() ({
      %run_scoped3A = tpu.sem_alloc : memref<!tpu.dma_semaphore, #tpu.memory_space<semaphore_mem>>
      %dma_start3A_190 = arith.constant 0 : i32
      %dma_start3A_191 = tpu.memref_slice %arg12[%add3A_113, %dma_start3A_190] : memref<10240x32xf32, #tpu.memory_space<vmem_shared>> -> memref<128x32xf32, #tpu.memory_space<vmem_shared>>
      %dma_start3A_192 = arith.constant 0 : i32
      %dma_start3A_193 = tpu.memref_slice %arg12[%add3A_113, %dma_start3A_192] : memref<10240x32xf32, #tpu.memory_space<vmem_shared>> -> memref<128x32xf32, #tpu.memory_space<vmem_shared>>
      tpu.enqueue_dma source(%arg8 : memref<128x32xf32, #tpu.memory_space<vmem>>) target(%dma_start3A_193 : memref<128x32xf32, #tpu.memory_space<vmem_shared>>) target_semaphore(%run_scoped3A : memref<!tpu.dma_semaphore, #tpu.memory_space<semaphore_mem>>)
      %dma_wait3A_194 = arith.constant 0 : i32
      %dma_wait3A_195 = tpu.memref_slice %arg12[%add3A_113, %dma_wait3A_194] : memref<10240x32xf32, #tpu.memory_space<vmem_shared>> -> memref<128x32xf32, #tpu.memory_space<vmem_shared>>
      %dma_wait3A_196 = arith.constant 0 : i32
      %dma_wait3A_197 = tpu.memref_slice %arg12[%add3A_113, %dma_wait3A_196] : memref<10240x32xf32, #tpu.memory_space<vmem_shared>> -> memref<128x32xf32, #tpu.memory_space<vmem_shared>>
      tpu.wait_dma2 semaphore(%run_scoped3A : memref<!tpu.dma_semaphore, #tpu.memory_space<semaphore_mem>>) src(%arg8 : memref<128x32xf32, #tpu.memory_space<vmem>>) dst(%dma_wait3A_197 : memref<128x32xf32, #tpu.memory_space<vmem_shared>>)
      tpu.yield
    }) : () -> ()
    %add3A_114 = arith.constant 256 : i32
    %add3A_115 = arith.addi %mul3A_109, %add3A_114 : i32
    "tpu.region"() ({
      %run_scoped3A = tpu.sem_alloc : memref<!tpu.dma_semaphore, #tpu.memory_space<semaphore_mem>>
      %dma_start3A_190 = arith.constant 0 : i32
      %dma_start3A_191 = tpu.memref_slice %arg12[%add3A_115, %dma_start3A_190] : memref<10240x32xf32, #tpu.memory_space<vmem_shared>> -> memref<128x32xf32, #tpu.memory_space<vmem_shared>>
      %dma_start3A_192 = arith.constant 0 : i32
      %dma_start3A_193 = tpu.memref_slice %arg12[%add3A_115, %dma_start3A_192] : memref<10240x32xf32, #tpu.memory_space<vmem_shared>> -> memref<128x32xf32, #tpu.memory_space<vmem_shared>>
      tpu.enqueue_dma source(%arg8 : memref<128x32xf32, #tpu.memory_space<vmem>>) target(%dma_start3A_193 : memref<128x32xf32, #tpu.memory_space<vmem_shared>>) target_semaphore(%run_scoped3A : memref<!tpu.dma_semaphore, #tpu.memory_space<semaphore_mem>>)
      %dma_wait3A_194 = arith.constant 0 : i32
      %dma_wait3A_195 = tpu.memref_slice %arg12[%add3A_115, %dma_wait3A_194] : memref<10240x32xf32, #tpu.memory_space<vmem_shared>> -> memref<128x32xf32, #tpu.memory_space<vmem_shared>>
      %dma_wait3A_196 = arith.constant 0 : i32
      %dma_wait3A_197 = tpu.memref_slice %arg12[%add3A_115, %dma_wait3A_196] : memref<10240x32xf32, #tpu.memory_space<vmem_shared>> -> memref<128x32xf32, #tpu.memory_space<vmem_shared>>
      tpu.wait_dma2 semaphore(%run_scoped3A : memref<!tpu.dma_semaphore, #tpu.memory_space<semaphore_mem>>) src(%arg8 : memref<128x32xf32, #tpu.memory_space<vmem>>) dst(%dma_wait3A_197 : memref<128x32xf32, #tpu.memory_space<vmem_shared>>)
      tpu.yield
    }) : () -> ()
    %add3A_116 = arith.constant 384 : i32
    %add3A_117 = arith.addi %mul3A_109, %add3A_116 : i32
    "tpu.region"() ({
      %run_scoped3A = tpu.sem_alloc : memref<!tpu.dma_semaphore, #tpu.memory_space<semaphore_mem>>
      %dma_start3A_190 = arith.constant 0 : i32
      %dma_start3A_191 = tpu.memref_slice %arg12[%add3A_117, %dma_start3A_190] : memref<10240x32xf32, #tpu.memory_space<vmem_shared>> -> memref<128x32xf32, #tpu.memory_space<vmem_shared>>
      %dma_start3A_192 = arith.constant 0 : i32
      %dma_start3A_193 = tpu.memref_slice %arg12[%add3A_117, %dma_start3A_192] : memref<10240x32xf32, #tpu.memory_space<vmem_shared>> -> memref<128x32xf32, #tpu.memory_space<vmem_shared>>
      tpu.enqueue_dma source(%arg8 : memref<128x32xf32, #tpu.memory_space<vmem>>) target(%dma_start3A_193 : memref<128x32xf32, #tpu.memory_space<vmem_shared>>) target_semaphore(%run_scoped3A : memref<!tpu.dma_semaphore, #tpu.memory_space<semaphore_mem>>)
      %dma_wait3A_194 = arith.constant 0 : i32
      %dma_wait3A_195 = tpu.memref_slice %arg12[%add3A_117, %dma_wait3A_194] : memref<10240x32xf32, #tpu.memory_space<vmem_shared>> -> memref<128x32xf32, #tpu.memory_space<vmem_shared>>
      %dma_wait3A_196 = arith.constant 0 : i32
      %dma_wait3A_197 = tpu.memref_slice %arg12[%add3A_117, %dma_wait3A_196] : memref<10240x32xf32, #tpu.memory_space<vmem_shared>> -> memref<128x32xf32, #tpu.memory_space<vmem_shared>>
      tpu.wait_dma2 semaphore(%run_scoped3A : memref<!tpu.dma_semaphore, #tpu.memory_space<semaphore_mem>>) src(%arg8 : memref<128x32xf32, #tpu.memory_space<vmem>>) dst(%dma_wait3A_197 : memref<128x32xf32, #tpu.memory_space<vmem_shared>>)
      tpu.yield
    }) : () -> ()
    %add3A_118 = arith.constant 512 : i32
    %add3A_119 = arith.addi %mul3A_109, %add3A_118 : i32
    "tpu.region"() ({
      %run_scoped3A = tpu.sem_alloc : memref<!tpu.dma_semaphore, #tpu.memory_space<semaphore_mem>>
      %dma_start3A_190 = arith.constant 0 : i32
      %dma_start3A_191 = tpu.memref_slice %arg12[%add3A_119, %dma_start3A_190] : memref<10240x32xf32, #tpu.memory_space<vmem_shared>> -> memref<128x32xf32, #tpu.memory_space<vmem_shared>>
      %dma_start3A_192 = arith.constant 0 : i32
      %dma_start3A_193 = tpu.memref_slice %arg12[%add3A_119, %dma_start3A_192] : memref<10240x32xf32, #tpu.memory_space<vmem_shared>> -> memref<128x32xf32, #tpu.memory_space<vmem_shared>>
      tpu.enqueue_dma source(%arg8 : memref<128x32xf32, #tpu.memory_space<vmem>>) target(%dma_start3A_193 : memref<128x32xf32, #tpu.memory_space<vmem_shared>>) target_semaphore(%run_scoped3A : memref<!tpu.dma_semaphore, #tpu.memory_space<semaphore_mem>>)
      %dma_wait3A_194 = arith.constant 0 : i32
      %dma_wait3A_195 = tpu.memref_slice %arg12[%add3A_119, %dma_wait3A_194] : memref<10240x32xf32, #tpu.memory_space<vmem_shared>> -> memref<128x32xf32, #tpu.memory_space<vmem_shared>>
      %dma_wait3A_196 = arith.constant 0 : i32
      %dma_wait3A_197 = tpu.memref_slice %arg12[%add3A_119, %dma_wait3A_196] : memref<10240x32xf32, #tpu.memory_space<vmem_shared>> -> memref<128x32xf32, #tpu.memory_space<vmem_shared>>
      tpu.wait_dma2 semaphore(%run_scoped3A : memref<!tpu.dma_semaphore, #tpu.memory_space<semaphore_mem>>) src(%arg8 : memref<128x32xf32, #tpu.memory_space<vmem>>) dst(%dma_wait3A_197 : memref<128x32xf32, #tpu.memory_space<vmem_shared>>)
      tpu.yield
    }) : () -> ()
    %barrier3A_120 = arith.constant 0 : index
    tpu.barrier barrier_id(%barrier3A_120)
    %dma_start3A_121 = arith.constant 0 : i32
    %dma_start3A_122 = arith.constant 0 : i32
    %dma_start3A_123 = tpu.memref_slice %arg6[%dma_start3A_121, %dma_start3A_122] : memref<160x128xi32, #tpu.memory_space<vmem>> -> memref<1x128xi32, #tpu.memory_space<vmem>>
    %dma_start3A_124 = tpu.memref_squeeze %dma_start3A_123 : memref<1x128xi32, #tpu.memory_space<vmem>> -> memref<128xi32, #tpu.memory_space<vmem>>
    %dma_start3A_125 = arith.constant 0 : i32
    %dma_start3A_126 = arith.constant 0 : i32
    %dma_start3A_127 = tpu.memref_slice %arg2[%dma_start3A_125, %dma_start3A_126] : memref<40000x32xf32, #tpu.memory_space<hbm>> -> memref<40000x32xf32, #tpu.memory_space<hbm>>
    tpu.enqueue_indirect_dma source(%dma_start3A_127 : memref<40000x32xf32, #tpu.memory_space<hbm>>) target(%arg8 : memref<128x32xf32, #tpu.memory_space<vmem>>) offsets(%dma_start3A_124 : memref<128xi32, #tpu.memory_space<vmem>>) semaphore(%arg13 : memref<!tpu.dma_semaphore, #tpu.memory_space<semaphore_mem>>)
    %dma_start3A_128 = arith.constant 1 : i32
    %dma_start3A_129 = arith.constant 0 : i32
    %dma_start3A_130 = tpu.memref_slice %arg6[%dma_start3A_128, %dma_start3A_129] : memref<160x128xi32, #tpu.memory_space<vmem>> -> memref<1x128xi32, #tpu.memory_space<vmem>>
    %dma_start3A_131 = tpu.memref_squeeze %dma_start3A_130 : memref<1x128xi32, #tpu.memory_space<vmem>> -> memref<128xi32, #tpu.memory_space<vmem>>
    %dma_start3A_132 = arith.constant 0 : i32
    %dma_start3A_133 = arith.constant 0 : i32
    %dma_start3A_134 = tpu.memref_slice %arg2[%dma_start3A_132, %dma_start3A_133] : memref<40000x32xf32, #tpu.memory_space<hbm>> -> memref<40000x32xf32, #tpu.memory_space<hbm>>
    tpu.enqueue_indirect_dma source(%dma_start3A_134 : memref<40000x32xf32, #tpu.memory_space<hbm>>) target(%arg9 : memref<128x32xf32, #tpu.memory_space<vmem>>) offsets(%dma_start3A_131 : memref<128xi32, #tpu.memory_space<vmem>>) semaphore(%arg14 : memref<!tpu.dma_semaphore, #tpu.memory_space<semaphore_mem>>)
    %dma_start3A_135 = arith.constant 2 : i32
    %dma_start3A_136 = arith.constant 0 : i32
    %dma_start3A_137 = tpu.memref_slice %arg6[%dma_start3A_135, %dma_start3A_136] : memref<160x128xi32, #tpu.memory_space<vmem>> -> memref<1x128xi32, #tpu.memory_space<vmem>>
    %dma_start3A_138 = tpu.memref_squeeze %dma_start3A_137 : memref<1x128xi32, #tpu.memory_space<vmem>> -> memref<128xi32, #tpu.memory_space<vmem>>
    %dma_start3A_139 = arith.constant 0 : i32
    %dma_start3A_140 = arith.constant 0 : i32
    %dma_start3A_141 = tpu.memref_slice %arg2[%dma_start3A_139, %dma_start3A_140] : memref<40000x32xf32, #tpu.memory_space<hbm>> -> memref<40000x32xf32, #tpu.memory_space<hbm>>
    tpu.enqueue_indirect_dma source(%dma_start3A_141 : memref<40000x32xf32, #tpu.memory_space<hbm>>) target(%arg10 : memref<128x32xf32, #tpu.memory_space<vmem>>) offsets(%dma_start3A_138 : memref<128xi32, #tpu.memory_space<vmem>>) semaphore(%arg15 : memref<!tpu.dma_semaphore, #tpu.memory_space<semaphore_mem>>)
    %dma_start3A_142 = arith.constant 3 : i32
    %dma_start3A_143 = arith.constant 0 : i32
    %dma_start3A_144 = tpu.memref_slice %arg6[%dma_start3A_142, %dma_start3A_143] : memref<160x128xi32, #tpu.memory_space<vmem>> -> memref<1x128xi32, #tpu.memory_space<vmem>>
    %dma_start3A_145 = tpu.memref_squeeze %dma_start3A_144 : memref<1x128xi32, #tpu.memory_space<vmem>> -> memref<128xi32, #tpu.memory_space<vmem>>
    %dma_start3A_146 = arith.constant 0 : i32
    %dma_start3A_147 = arith.constant 0 : i32
    %dma_start3A_148 = tpu.memref_slice %arg2[%dma_start3A_146, %dma_start3A_147] : memref<40000x32xf32, #tpu.memory_space<hbm>> -> memref<40000x32xf32, #tpu.memory_space<hbm>>
    tpu.enqueue_indirect_dma source(%dma_start3A_148 : memref<40000x32xf32, #tpu.memory_space<hbm>>) target(%arg11 : memref<128x32xf32, #tpu.memory_space<vmem>>) offsets(%dma_start3A_145 : memref<128xi32, #tpu.memory_space<vmem>>) semaphore(%arg16 : memref<!tpu.dma_semaphore, #tpu.memory_space<semaphore_mem>>)
    %scan3A_149 = arith.constant 0 : i32
    %scan3A_150 = arith.constant 40 : i32
    %scan3A_151 = arith.addi %scan3A_149, %scan3A_150 : i32
    %scan3A_152 = arith.constant 1 : i32
    scf.for %scan3A_190 = %scan3A_149 to %scan3A_151 step %scan3A_152  : i32 {
      %mul3A_191 = arith.constant 1 : i32
      %mul3A_192 = arith.muli %scan3A_190, %mul3A_191 : i32
      %add3A_193 = arith.constant 0 : i32
      %add3A_194 = arith.addi %add3A_193, %mul3A_192 : i32
      %mul3A_195 = arith.constant 4 : i32
      %mul3A_196 = arith.muli %add3A_194, %mul3A_195 : i32
      %dma_wait3A_197 = arith.constant 0 : i32
      %dma_wait3A_198 = arith.constant 0 : i32
      %dma_wait3A_199 = tpu.memref_slice %arg6[%dma_wait3A_197, %dma_wait3A_198] : memref<160x128xi32, #tpu.memory_space<vmem>> -> memref<1x128xi32, #tpu.memory_space<vmem>>
      %dma_wait3A_200 = tpu.memref_squeeze %dma_wait3A_199 : memref<1x128xi32, #tpu.memory_space<vmem>> -> memref<128xi32, #tpu.memory_space<vmem>>
      %dma_wait3A_201 = arith.constant 0 : i32
      %dma_wait3A_202 = arith.constant 0 : i32
      %dma_wait3A_203 = tpu.memref_slice %arg2[%dma_wait3A_201, %dma_wait3A_202] : memref<40000x32xf32, #tpu.memory_space<hbm>> -> memref<40000x32xf32, #tpu.memory_space<hbm>>
      tpu.wait_indirect_dma semaphore(%arg13 : memref<!tpu.dma_semaphore, #tpu.memory_space<semaphore_mem>>) src(%dma_wait3A_203 : memref<40000x32xf32, #tpu.memory_space<hbm>>) dst(%arg8 : memref<128x32xf32, #tpu.memory_space<vmem>>)
      %add3A_204 = arith.constant 0 : i32
      %add3A_205 = arith.addi %mul3A_196, %add3A_204 : i32
      %dma_start3A_206 = arith.constant 0 : i32
      %dma_start3A_207 = tpu.memref_slice %arg7[%add3A_205, %dma_start3A_206] : memref<160x128xi32, #tpu.memory_space<vmem>> -> memref<1x128xi32, #tpu.memory_space<vmem>>
      %dma_start3A_208 = tpu.memref_squeeze %dma_start3A_207 : memref<1x128xi32, #tpu.memory_space<vmem>> -> memref<128xi32, #tpu.memory_space<vmem>>
      %dma_start3A_209 = arith.constant 0 : i32
      %dma_start3A_210 = arith.constant 0 : i32
      %dma_start3A_211 = tpu.memref_slice %arg12[%dma_start3A_209, %dma_start3A_210] : memref<10240x32xf32, #tpu.memory_space<vmem_shared>> -> memref<10240x32xf32, #tpu.memory_space<vmem_shared>>
      tpu.enqueue_indirect_dma source(%arg8 : memref<128x32xf32, #tpu.memory_space<vmem>>) target(%dma_start3A_211 : memref<10240x32xf32, #tpu.memory_space<vmem_shared>>) offsets(%dma_start3A_208 : memref<128xi32, #tpu.memory_space<vmem>>) semaphore(%arg17 : memref<!tpu.dma_semaphore, #tpu.memory_space<semaphore_mem>>) {add = true}
      %dma_wait3A_212 = arith.constant 0 : i32
      %dma_wait3A_213 = arith.constant 0 : i32
      %dma_wait3A_214 = tpu.memref_slice %arg6[%dma_wait3A_212, %dma_wait3A_213] : memref<160x128xi32, #tpu.memory_space<vmem>> -> memref<1x128xi32, #tpu.memory_space<vmem>>
      %dma_wait3A_215 = tpu.memref_squeeze %dma_wait3A_214 : memref<1x128xi32, #tpu.memory_space<vmem>> -> memref<128xi32, #tpu.memory_space<vmem>>
      %dma_wait3A_216 = arith.constant 0 : i32
      %dma_wait3A_217 = arith.constant 0 : i32
      %dma_wait3A_218 = tpu.memref_slice %arg2[%dma_wait3A_216, %dma_wait3A_217] : memref<40000x32xf32, #tpu.memory_space<hbm>> -> memref<40000x32xf32, #tpu.memory_space<hbm>>
      tpu.wait_indirect_dma semaphore(%arg14 : memref<!tpu.dma_semaphore, #tpu.memory_space<semaphore_mem>>) src(%dma_wait3A_218 : memref<40000x32xf32, #tpu.memory_space<hbm>>) dst(%arg9 : memref<128x32xf32, #tpu.memory_space<vmem>>)
      %add3A_219 = arith.constant 1 : i32
      %add3A_220 = arith.addi %mul3A_196, %add3A_219 : i32
      %dma_start3A_221 = arith.constant 0 : i32
      %dma_start3A_222 = tpu.memref_slice %arg7[%add3A_220, %dma_start3A_221] : memref<160x128xi32, #tpu.memory_space<vmem>> -> memref<1x128xi32, #tpu.memory_space<vmem>>
      %dma_start3A_223 = tpu.memref_squeeze %dma_start3A_222 : memref<1x128xi32, #tpu.memory_space<vmem>> -> memref<128xi32, #tpu.memory_space<vmem>>
      %dma_start3A_224 = arith.constant 0 : i32
      %dma_start3A_225 = arith.constant 0 : i32
      %dma_start3A_226 = tpu.memref_slice %arg12[%dma_start3A_224, %dma_start3A_225] : memref<10240x32xf32, #tpu.memory_space<vmem_shared>> -> memref<10240x32xf32, #tpu.memory_space<vmem_shared>>
      tpu.enqueue_indirect_dma source(%arg9 : memref<128x32xf32, #tpu.memory_space<vmem>>) target(%dma_start3A_226 : memref<10240x32xf32, #tpu.memory_space<vmem_shared>>) offsets(%dma_start3A_223 : memref<128xi32, #tpu.memory_space<vmem>>) semaphore(%arg18 : memref<!tpu.dma_semaphore, #tpu.memory_space<semaphore_mem>>) {add = true}
      %dma_wait3A_227 = arith.constant 0 : i32
      %dma_wait3A_228 = arith.constant 0 : i32
      %dma_wait3A_229 = tpu.memref_slice %arg6[%dma_wait3A_227, %dma_wait3A_228] : memref<160x128xi32, #tpu.memory_space<vmem>> -> memref<1x128xi32, #tpu.memory_space<vmem>>
      %dma_wait3A_230 = tpu.memref_squeeze %dma_wait3A_229 : memref<1x128xi32, #tpu.memory_space<vmem>> -> memref<128xi32, #tpu.memory_space<vmem>>
      %dma_wait3A_231 = arith.constant 0 : i32
      %dma_wait3A_232 = arith.constant 0 : i32
      %dma_wait3A_233 = tpu.memref_slice %arg2[%dma_wait3A_231, %dma_wait3A_232] : memref<40000x32xf32, #tpu.memory_space<hbm>> -> memref<40000x32xf32, #tpu.memory_space<hbm>>
      tpu.wait_indirect_dma semaphore(%arg15 : memref<!tpu.dma_semaphore, #tpu.memory_space<semaphore_mem>>) src(%dma_wait3A_233 : memref<40000x32xf32, #tpu.memory_space<hbm>>) dst(%arg10 : memref<128x32xf32, #tpu.memory_space<vmem>>)
      %add3A_234 = arith.constant 2 : i32
      %add3A_235 = arith.addi %mul3A_196, %add3A_234 : i32
      %dma_start3A_236 = arith.constant 0 : i32
      %dma_start3A_237 = tpu.memref_slice %arg7[%add3A_235, %dma_start3A_236] : memref<160x128xi32, #tpu.memory_space<vmem>> -> memref<1x128xi32, #tpu.memory_space<vmem>>
      %dma_start3A_238 = tpu.memref_squeeze %dma_start3A_237 : memref<1x128xi32, #tpu.memory_space<vmem>> -> memref<128xi32, #tpu.memory_space<vmem>>
      %dma_start3A_239 = arith.constant 0 : i32
      %dma_start3A_240 = arith.constant 0 : i32
      %dma_start3A_241 = tpu.memref_slice %arg12[%dma_start3A_239, %dma_start3A_240] : memref<10240x32xf32, #tpu.memory_space<vmem_shared>> -> memref<10240x32xf32, #tpu.memory_space<vmem_shared>>
      tpu.enqueue_indirect_dma source(%arg10 : memref<128x32xf32, #tpu.memory_space<vmem>>) target(%dma_start3A_241 : memref<10240x32xf32, #tpu.memory_space<vmem_shared>>) offsets(%dma_start3A_238 : memref<128xi32, #tpu.memory_space<vmem>>) semaphore(%arg19 : memref<!tpu.dma_semaphore, #tpu.memory_space<semaphore_mem>>) {add = true}
      %dma_wait3A_242 = arith.constant 0 : i32
      %dma_wait3A_243 = arith.constant 0 : i32
      %dma_wait3A_244 = tpu.memref_slice %arg6[%dma_wait3A_242, %dma_wait3A_243] : memref<160x128xi32, #tpu.memory_space<vmem>> -> memref<1x128xi32, #tpu.memory_space<vmem>>
      %dma_wait3A_245 = tpu.memref_squeeze %dma_wait3A_244 : memref<1x128xi32, #tpu.memory_space<vmem>> -> memref<128xi32, #tpu.memory_space<vmem>>
      %dma_wait3A_246 = arith.constant 0 : i32
      %dma_wait3A_247 = arith.constant 0 : i32
      %dma_wait3A_248 = tpu.memref_slice %arg2[%dma_wait3A_246, %dma_wait3A_247] : memref<40000x32xf32, #tpu.memory_space<hbm>> -> memref<40000x32xf32, #tpu.memory_space<hbm>>
      tpu.wait_indirect_dma semaphore(%arg16 : memref<!tpu.dma_semaphore, #tpu.memory_space<semaphore_mem>>) src(%dma_wait3A_248 : memref<40000x32xf32, #tpu.memory_space<hbm>>) dst(%arg11 : memref<128x32xf32, #tpu.memory_space<vmem>>)
      %add3A_249 = arith.constant 3 : i32
      %add3A_250 = arith.addi %mul3A_196, %add3A_249 : i32
      %dma_start3A_251 = arith.constant 0 : i32
      %dma_start3A_252 = tpu.memref_slice %arg7[%add3A_250, %dma_start3A_251] : memref<160x128xi32, #tpu.memory_space<vmem>> -> memref<1x128xi32, #tpu.memory_space<vmem>>
      %dma_start3A_253 = tpu.memref_squeeze %dma_start3A_252 : memref<1x128xi32, #tpu.memory_space<vmem>> -> memref<128xi32, #tpu.memory_space<vmem>>
      %dma_start3A_254 = arith.constant 0 : i32
      %dma_start3A_255 = arith.constant 0 : i32
      %dma_start3A_256 = tpu.memref_slice %arg12[%dma_start3A_254, %dma_start3A_255] : memref<10240x32xf32, #tpu.memory_space<vmem_shared>> -> memref<10240x32xf32, #tpu.memory_space<vmem_shared>>
      tpu.enqueue_indirect_dma source(%arg11 : memref<128x32xf32, #tpu.memory_space<vmem>>) target(%dma_start3A_256 : memref<10240x32xf32, #tpu.memory_space<vmem_shared>>) offsets(%dma_start3A_253 : memref<128xi32, #tpu.memory_space<vmem>>) semaphore(%arg20 : memref<!tpu.dma_semaphore, #tpu.memory_space<semaphore_mem>>) {add = true}
      %add3A_257 = arith.constant 0 : i32
      %add3A_258 = arith.addi %mul3A_196, %add3A_257 : i32
      %add3A_259 = arith.constant 4 : i32
      %add3A_260 = arith.addi %add3A_258, %add3A_259 : i32
      %lt3A = arith.constant 160 : i32
      %lt3A_261 = arith.cmpi slt, %add3A_260, %lt3A : i32
      %convert_element_type3A_262 = arith.extui %lt3A_261 : i1 to i32
      %cond3A_263 = arith.constant 0 : i32
      %cond3A_264 = arith.cmpi ne, %convert_element_type3A_262, %cond3A_263 : i32
      scf.if %cond3A_264 {
        %dma_wait3A_292 = arith.constant 0 : i32
        %dma_wait3A_293 = arith.constant 0 : i32
        %dma_wait3A_294 = tpu.memref_slice %arg7[%dma_wait3A_292, %dma_wait3A_293] : memref<160x128xi32, #tpu.memory_space<vmem>> -> memref<1x128xi32, #tpu.memory_space<vmem>>
        %dma_wait3A_295 = tpu.memref_squeeze %dma_wait3A_294 : memref<1x128xi32, #tpu.memory_space<vmem>> -> memref<128xi32, #tpu.memory_space<vmem>>
        %dma_wait3A_296 = arith.constant 0 : i32
        %dma_wait3A_297 = arith.constant 0 : i32
        %dma_wait3A_298 = tpu.memref_slice %arg12[%dma_wait3A_296, %dma_wait3A_297] : memref<10240x32xf32, #tpu.memory_space<vmem_shared>> -> memref<10240x32xf32, #tpu.memory_space<vmem_shared>>
        tpu.wait_indirect_dma semaphore(%arg17 : memref<!tpu.dma_semaphore, #tpu.memory_space<semaphore_mem>>) src(%arg8 : memref<128x32xf32, #tpu.memory_space<vmem>>) dst(%dma_wait3A_298 : memref<10240x32xf32, #tpu.memory_space<vmem_shared>>)
        %add3A_299 = arith.constant 0 : i32
        %add3A_300 = arith.addi %mul3A_196, %add3A_299 : i32
        %add3A_301 = arith.constant 4 : i32
        %add3A_302 = arith.addi %add3A_300, %add3A_301 : i32
        %dma_start3A_303 = arith.constant 0 : i32
        %dma_start3A_304 = tpu.memref_slice %arg6[%add3A_302, %dma_start3A_303] : memref<160x128xi32, #tpu.memory_space<vmem>> -> memref<1x128xi32, #tpu.memory_space<vmem>>
        %dma_start3A_305 = tpu.memref_squeeze %dma_start3A_304 : memref<1x128xi32, #tpu.memory_space<vmem>> -> memref<128xi32, #tpu.memory_space<vmem>>
        %dma_start3A_306 = arith.constant 0 : i32
        %dma_start3A_307 = arith.constant 0 : i32
        %dma_start3A_308 = tpu.memref_slice %arg2[%dma_start3A_306, %dma_start3A_307] : memref<40000x32xf32, #tpu.memory_space<hbm>> -> memref<40000x32xf32, #tpu.memory_space<hbm>>
        tpu.enqueue_indirect_dma source(%dma_start3A_308 : memref<40000x32xf32, #tpu.memory_space<hbm>>) target(%arg8 : memref<128x32xf32, #tpu.memory_space<vmem>>) offsets(%dma_start3A_305 : memref<128xi32, #tpu.memory_space<vmem>>) semaphore(%arg13 : memref<!tpu.dma_semaphore, #tpu.memory_space<semaphore_mem>>)
      } else {
      }
      %add3A_265 = arith.constant 1 : i32
      %add3A_266 = arith.addi %mul3A_196, %add3A_265 : i32
      %add3A_267 = arith.constant 4 : i32
      %add3A_268 = arith.addi %add3A_266, %add3A_267 : i32
      %lt3A_269 = arith.constant 160 : i32
      %lt3A_270 = arith.cmpi slt, %add3A_268, %lt3A_269 : i32
      %convert_element_type3A_271 = arith.extui %lt3A_270 : i1 to i32
      %cond3A_272 = arith.constant 0 : i32
      %cond3A_273 = arith.cmpi ne, %convert_element_type3A_271, %cond3A_272 : i32
      scf.if %cond3A_273 {
        %dma_wait3A_292 = arith.constant 0 : i32
        %dma_wait3A_293 = arith.constant 0 : i32
        %dma_wait3A_294 = tpu.memref_slice %arg7[%dma_wait3A_292, %dma_wait3A_293] : memref<160x128xi32, #tpu.memory_space<vmem>> -> memref<1x128xi32, #tpu.memory_space<vmem>>
        %dma_wait3A_295 = tpu.memref_squeeze %dma_wait3A_294 : memref<1x128xi32, #tpu.memory_space<vmem>> -> memref<128xi32, #tpu.memory_space<vmem>>
        %dma_wait3A_296 = arith.constant 0 : i32
        %dma_wait3A_297 = arith.constant 0 : i32
        %dma_wait3A_298 = tpu.memref_slice %arg12[%dma_wait3A_296, %dma_wait3A_297] : memref<10240x32xf32, #tpu.memory_space<vmem_shared>> -> memref<10240x32xf32, #tpu.memory_space<vmem_shared>>
        tpu.wait_indirect_dma semaphore(%arg18 : memref<!tpu.dma_semaphore, #tpu.memory_space<semaphore_mem>>) src(%arg9 : memref<128x32xf32, #tpu.memory_space<vmem>>) dst(%dma_wait3A_298 : memref<10240x32xf32, #tpu.memory_space<vmem_shared>>)
        %add3A_299 = arith.constant 1 : i32
        %add3A_300 = arith.addi %mul3A_196, %add3A_299 : i32
        %add3A_301 = arith.constant 4 : i32
        %add3A_302 = arith.addi %add3A_300, %add3A_301 : i32
        %dma_start3A_303 = arith.constant 0 : i32
        %dma_start3A_304 = tpu.memref_slice %arg6[%add3A_302, %dma_start3A_303] : memref<160x128xi32, #tpu.memory_space<vmem>> -> memref<1x128xi32, #tpu.memory_space<vmem>>
        %dma_start3A_305 = tpu.memref_squeeze %dma_start3A_304 : memref<1x128xi32, #tpu.memory_space<vmem>> -> memref<128xi32, #tpu.memory_space<vmem>>
        %dma_start3A_306 = arith.constant 0 : i32
        %dma_start3A_307 = arith.constant 0 : i32
        %dma_start3A_308 = tpu.memref_slice %arg2[%dma_start3A_306, %dma_start3A_307] : memref<40000x32xf32, #tpu.memory_space<hbm>> -> memref<40000x32xf32, #tpu.memory_space<hbm>>
        tpu.enqueue_indirect_dma source(%dma_start3A_308 : memref<40000x32xf32, #tpu.memory_space<hbm>>) target(%arg9 : memref<128x32xf32, #tpu.memory_space<vmem>>) offsets(%dma_start3A_305 : memref<128xi32, #tpu.memory_space<vmem>>) semaphore(%arg14 : memref<!tpu.dma_semaphore, #tpu.memory_space<semaphore_mem>>)
      } else {
      }
      %add3A_274 = arith.constant 2 : i32
      %add3A_275 = arith.addi %mul3A_196, %add3A_274 : i32
      %add3A_276 = arith.constant 4 : i32
      %add3A_277 = arith.addi %add3A_275, %add3A_276 : i32
      %lt3A_278 = arith.constant 160 : i32
      %lt3A_279 = arith.cmpi slt, %add3A_277, %lt3A_278 : i32
      %convert_element_type3A_280 = arith.extui %lt3A_279 : i1 to i32
      %cond3A_281 = arith.constant 0 : i32
      %cond3A_282 = arith.cmpi ne, %convert_element_type3A_280, %cond3A_281 : i32
      scf.if %cond3A_282 {
        %dma_wait3A_292 = arith.constant 0 : i32
        %dma_wait3A_293 = arith.constant 0 : i32
        %dma_wait3A_294 = tpu.memref_slice %arg7[%dma_wait3A_292, %dma_wait3A_293] : memref<160x128xi32, #tpu.memory_space<vmem>> -> memref<1x128xi32, #tpu.memory_space<vmem>>
        %dma_wait3A_295 = tpu.memref_squeeze %dma_wait3A_294 : memref<1x128xi32, #tpu.memory_space<vmem>> -> memref<128xi32, #tpu.memory_space<vmem>>
        %dma_wait3A_296 = arith.constant 0 : i32
        %dma_wait3A_297 = arith.constant 0 : i32
        %dma_wait3A_298 = tpu.memref_slice %arg12[%dma_wait3A_296, %dma_wait3A_297] : memref<10240x32xf32, #tpu.memory_space<vmem_shared>> -> memref<10240x32xf32, #tpu.memory_space<vmem_shared>>
        tpu.wait_indirect_dma semaphore(%arg19 : memref<!tpu.dma_semaphore, #tpu.memory_space<semaphore_mem>>) src(%arg10 : memref<128x32xf32, #tpu.memory_space<vmem>>) dst(%dma_wait3A_298 : memref<10240x32xf32, #tpu.memory_space<vmem_shared>>)
        %add3A_299 = arith.constant 2 : i32
        %add3A_300 = arith.addi %mul3A_196, %add3A_299 : i32
        %add3A_301 = arith.constant 4 : i32
        %add3A_302 = arith.addi %add3A_300, %add3A_301 : i32
        %dma_start3A_303 = arith.constant 0 : i32
        %dma_start3A_304 = tpu.memref_slice %arg6[%add3A_302, %dma_start3A_303] : memref<160x128xi32, #tpu.memory_space<vmem>> -> memref<1x128xi32, #tpu.memory_space<vmem>>
        %dma_start3A_305 = tpu.memref_squeeze %dma_start3A_304 : memref<1x128xi32, #tpu.memory_space<vmem>> -> memref<128xi32, #tpu.memory_space<vmem>>
        %dma_start3A_306 = arith.constant 0 : i32
        %dma_start3A_307 = arith.constant 0 : i32
        %dma_start3A_308 = tpu.memref_slice %arg2[%dma_start3A_306, %dma_start3A_307] : memref<40000x32xf32, #tpu.memory_space<hbm>> -> memref<40000x32xf32, #tpu.memory_space<hbm>>
        tpu.enqueue_indirect_dma source(%dma_start3A_308 : memref<40000x32xf32, #tpu.memory_space<hbm>>) target(%arg10 : memref<128x32xf32, #tpu.memory_space<vmem>>) offsets(%dma_start3A_305 : memref<128xi32, #tpu.memory_space<vmem>>) semaphore(%arg15 : memref<!tpu.dma_semaphore, #tpu.memory_space<semaphore_mem>>)
      } else {
      }
      %add3A_283 = arith.constant 3 : i32
      %add3A_284 = arith.addi %mul3A_196, %add3A_283 : i32
      %add3A_285 = arith.constant 4 : i32
      %add3A_286 = arith.addi %add3A_284, %add3A_285 : i32
      %lt3A_287 = arith.constant 160 : i32
      %lt3A_288 = arith.cmpi slt, %add3A_286, %lt3A_287 : i32
      %convert_element_type3A_289 = arith.extui %lt3A_288 : i1 to i32
      %cond3A_290 = arith.constant 0 : i32
      %cond3A_291 = arith.cmpi ne, %convert_element_type3A_289, %cond3A_290 : i32
      scf.if %cond3A_291 {
        %dma_wait3A_292 = arith.constant 0 : i32
        %dma_wait3A_293 = arith.constant 0 : i32
        %dma_wait3A_294 = tpu.memref_slice %arg7[%dma_wait3A_292, %dma_wait3A_293] : memref<160x128xi32, #tpu.memory_space<vmem>> -> memref<1x128xi32, #tpu.memory_space<vmem>>
        %dma_wait3A_295 = tpu.memref_squeeze %dma_wait3A_294 : memref<1x128xi32, #tpu.memory_space<vmem>> -> memref<128xi32, #tpu.memory_space<vmem>>
        %dma_wait3A_296 = arith.constant 0 : i32
        %dma_wait3A_297 = arith.constant 0 : i32
        %dma_wait3A_298 = tpu.memref_slice %arg12[%dma_wait3A_296, %dma_wait3A_297] : memref<10240x32xf32, #tpu.memory_space<vmem_shared>> -> memref<10240x32xf32, #tpu.memory_space<vmem_shared>>
        tpu.wait_indirect_dma semaphore(%arg20 : memref<!tpu.dma_semaphore, #tpu.memory_space<semaphore_mem>>) src(%arg11 : memref<128x32xf32, #tpu.memory_space<vmem>>) dst(%dma_wait3A_298 : memref<10240x32xf32, #tpu.memory_space<vmem_shared>>)
        %add3A_299 = arith.constant 3 : i32
        %add3A_300 = arith.addi %mul3A_196, %add3A_299 : i32
        %add3A_301 = arith.constant 4 : i32
        %add3A_302 = arith.addi %add3A_300, %add3A_301 : i32
        %dma_start3A_303 = arith.constant 0 : i32
        %dma_start3A_304 = tpu.memref_slice %arg6[%add3A_302, %dma_start3A_303] : memref<160x128xi32, #tpu.memory_space<vmem>> -> memref<1x128xi32, #tpu.memory_space<vmem>>
        %dma_start3A_305 = tpu.memref_squeeze %dma_start3A_304 : memref<1x128xi32, #tpu.memory_space<vmem>> -> memref<128xi32, #tpu.memory_space<vmem>>
        %dma_start3A_306 = arith.constant 0 : i32
        %dma_start3A_307 = arith.constant 0 : i32
        %dma_start3A_308 = tpu.memref_slice %arg2[%dma_start3A_306, %dma_start3A_307] : memref<40000x32xf32, #tpu.memory_space<hbm>> -> memref<40000x32xf32, #tpu.memory_space<hbm>>
        tpu.enqueue_indirect_dma source(%dma_start3A_308 : memref<40000x32xf32, #tpu.memory_space<hbm>>) target(%arg11 : memref<128x32xf32, #tpu.memory_space<vmem>>) offsets(%dma_start3A_305 : memref<128xi32, #tpu.memory_space<vmem>>) semaphore(%arg16 : memref<!tpu.dma_semaphore, #tpu.memory_space<semaphore_mem>>)
      } else {
      }
    }
    %scan3A_153 = arith.constant 40 : i32
    %dma_wait3A_154 = arith.constant 0 : i32
    %dma_wait3A_155 = arith.constant 0 : i32
    %dma_wait3A_156 = tpu.memref_slice %arg7[%dma_wait3A_154, %dma_wait3A_155] : memref<160x128xi32, #tpu.memory_space<vmem>> -> memref<1x128xi32, #tpu.memory_space<vmem>>
    %dma_wait3A_157 = tpu.memref_squeeze %dma_wait3A_156 : memref<1x128xi32, #tpu.memory_space<vmem>> -> memref<128xi32, #tpu.memory_space<vmem>>
    %dma_wait3A_158 = arith.constant 0 : i32
    %dma_wait3A_159 = arith.constant 0 : i32
    %dma_wait3A_160 = tpu.memref_slice %arg12[%dma_wait3A_158, %dma_wait3A_159] : memref<10240x32xf32, #tpu.memory_space<vmem_shared>> -> memref<10240x32xf32, #tpu.memory_space<vmem_shared>>
    tpu.wait_indirect_dma semaphore(%arg17 : memref<!tpu.dma_semaphore, #tpu.memory_space<semaphore_mem>>) src(%arg8 : memref<128x32xf32, #tpu.memory_space<vmem>>) dst(%dma_wait3A_160 : memref<10240x32xf32, #tpu.memory_space<vmem_shared>>)
    %dma_wait3A_161 = arith.constant 0 : i32
    %dma_wait3A_162 = arith.constant 0 : i32
    %dma_wait3A_163 = tpu.memref_slice %arg7[%dma_wait3A_161, %dma_wait3A_162] : memref<160x128xi32, #tpu.memory_space<vmem>> -> memref<1x128xi32, #tpu.memory_space<vmem>>
    %dma_wait3A_164 = tpu.memref_squeeze %dma_wait3A_163 : memref<1x128xi32, #tpu.memory_space<vmem>> -> memref<128xi32, #tpu.memory_space<vmem>>
    %dma_wait3A_165 = arith.constant 0 : i32
    %dma_wait3A_166 = arith.constant 0 : i32
    %dma_wait3A_167 = tpu.memref_slice %arg12[%dma_wait3A_165, %dma_wait3A_166] : memref<10240x32xf32, #tpu.memory_space<vmem_shared>> -> memref<10240x32xf32, #tpu.memory_space<vmem_shared>>
    tpu.wait_indirect_dma semaphore(%arg18 : memref<!tpu.dma_semaphore, #tpu.memory_space<semaphore_mem>>) src(%arg9 : memref<128x32xf32, #tpu.memory_space<vmem>>) dst(%dma_wait3A_167 : memref<10240x32xf32, #tpu.memory_space<vmem_shared>>)
    %dma_wait3A_168 = arith.constant 0 : i32
    %dma_wait3A_169 = arith.constant 0 : i32
    %dma_wait3A_170 = tpu.memref_slice %arg7[%dma_wait3A_168, %dma_wait3A_169] : memref<160x128xi32, #tpu.memory_space<vmem>> -> memref<1x128xi32, #tpu.memory_space<vmem>>
    %dma_wait3A_171 = tpu.memref_squeeze %dma_wait3A_170 : memref<1x128xi32, #tpu.memory_space<vmem>> -> memref<128xi32, #tpu.memory_space<vmem>>
    %dma_wait3A_172 = arith.constant 0 : i32
    %dma_wait3A_173 = arith.constant 0 : i32
    %dma_wait3A_174 = tpu.memref_slice %arg12[%dma_wait3A_172, %dma_wait3A_173] : memref<10240x32xf32, #tpu.memory_space<vmem_shared>> -> memref<10240x32xf32, #tpu.memory_space<vmem_shared>>
    tpu.wait_indirect_dma semaphore(%arg19 : memref<!tpu.dma_semaphore, #tpu.memory_space<semaphore_mem>>) src(%arg10 : memref<128x32xf32, #tpu.memory_space<vmem>>) dst(%dma_wait3A_174 : memref<10240x32xf32, #tpu.memory_space<vmem_shared>>)
    %dma_wait3A_175 = arith.constant 0 : i32
    %dma_wait3A_176 = arith.constant 0 : i32
    %dma_wait3A_177 = tpu.memref_slice %arg7[%dma_wait3A_175, %dma_wait3A_176] : memref<160x128xi32, #tpu.memory_space<vmem>> -> memref<1x128xi32, #tpu.memory_space<vmem>>
    %dma_wait3A_178 = tpu.memref_squeeze %dma_wait3A_177 : memref<1x128xi32, #tpu.memory_space<vmem>> -> memref<128xi32, #tpu.memory_space<vmem>>
    %dma_wait3A_179 = arith.constant 0 : i32
    %dma_wait3A_180 = arith.constant 0 : i32
    %dma_wait3A_181 = tpu.memref_slice %arg12[%dma_wait3A_179, %dma_wait3A_180] : memref<10240x32xf32, #tpu.memory_space<vmem_shared>> -> memref<10240x32xf32, #tpu.memory_space<vmem_shared>>
    tpu.wait_indirect_dma semaphore(%arg20 : memref<!tpu.dma_semaphore, #tpu.memory_space<semaphore_mem>>) src(%arg11 : memref<128x32xf32, #tpu.memory_space<vmem>>) dst(%dma_wait3A_181 : memref<10240x32xf32, #tpu.memory_space<vmem_shared>>)
    %barrier3A_182 = arith.constant 0 : index
    tpu.barrier barrier_id(%barrier3A_182)
    %mul3A_183 = arith.constant 624 : i32
    %mul3A_184 = arith.muli %arg1, %mul3A_183 : i32
    "tpu.region"() ({
      %run_scoped3A = tpu.sem_alloc : memref<!tpu.dma_semaphore, #tpu.memory_space<semaphore_mem>>
      %dma_start3A_190 = arith.constant 0 : i32
      %dma_start3A_191 = tpu.memref_slice %arg5[%add3A_102, %mul3A_184, %dma_start3A_190] : memref<4x10000x32xf32, #tpu.memory_space<hbm>> -> memref<1x624x32xf32, #tpu.memory_space<hbm>>
      %dma_start3A_192 = tpu.memref_squeeze %dma_start3A_191 : memref<1x624x32xf32, #tpu.memory_space<hbm>> -> memref<624x32xf32, #tpu.memory_space<hbm>>
      %dma_start3A_193 = arith.constant 0 : i32
      %dma_start3A_194 = tpu.memref_slice %arg12[%mul3A_184, %dma_start3A_193] : memref<10240x32xf32, #tpu.memory_space<vmem_shared>> -> memref<624x32xf32, #tpu.memory_space<vmem_shared>>
      tpu.enqueue_dma source(%dma_start3A_194 : memref<624x32xf32, #tpu.memory_space<vmem_shared>>) target(%dma_start3A_192 : memref<624x32xf32, #tpu.memory_space<hbm>>) target_semaphore(%run_scoped3A : memref<!tpu.dma_semaphore, #tpu.memory_space<semaphore_mem>>)
      %dma_wait3A_195 = arith.constant 0 : i32
      %dma_wait3A_196 = tpu.memref_slice %arg5[%add3A_102, %mul3A_184, %dma_wait3A_195] : memref<4x10000x32xf32, #tpu.memory_space<hbm>> -> memref<1x624x32xf32, #tpu.memory_space<hbm>>
      %dma_wait3A_197 = tpu.memref_squeeze %dma_wait3A_196 : memref<1x624x32xf32, #tpu.memory_space<hbm>> -> memref<624x32xf32, #tpu.memory_space<hbm>>
      %dma_wait3A_198 = arith.constant 0 : i32
      %dma_wait3A_199 = tpu.memref_slice %arg12[%mul3A_184, %dma_wait3A_198] : memref<10240x32xf32, #tpu.memory_space<vmem_shared>> -> memref<624x32xf32, #tpu.memory_space<vmem_shared>>
      tpu.wait_dma2 semaphore(%run_scoped3A : memref<!tpu.dma_semaphore, #tpu.memory_space<semaphore_mem>>) src(%dma_wait3A_199 : memref<624x32xf32, #tpu.memory_space<vmem_shared>>) dst(%dma_wait3A_197 : memref<624x32xf32, #tpu.memory_space<hbm>>)
      tpu.yield
    }) : () -> ()
    %eq3A_185 = arith.constant 15 : i32
    %eq3A_186 = arith.cmpi eq, %arg1, %eq3A_185 : i32
    %convert_element_type3A_187 = arith.extui %eq3A_186 : i1 to i32
    %cond3A_188 = arith.constant 0 : i32
    %cond3A_189 = arith.cmpi ne, %convert_element_type3A_187, %cond3A_188 : i32
    scf.if %cond3A_189 {
      "tpu.region"() ({
        %run_scoped3A = tpu.sem_alloc : memref<!tpu.dma_semaphore, #tpu.memory_space<semaphore_mem>>
        %dma_start3A_190 = arith.constant 9984 : i32
        %dma_start3A_191 = arith.constant 0 : i32
        %dma_start3A_192 = tpu.memref_slice %arg5[%add3A_102, %dma_start3A_190, %dma_start3A_191] : memref<4x10000x32xf32, #tpu.memory_space<hbm>> -> memref<1x16x32xf32, #tpu.memory_space<hbm>>
        %dma_start3A_193 = tpu.memref_squeeze %dma_start3A_192 : memref<1x16x32xf32, #tpu.memory_space<hbm>> -> memref<16x32xf32, #tpu.memory_space<hbm>>
        %dma_start3A_194 = arith.constant 9984 : i32
        %dma_start3A_195 = arith.constant 0 : i32
        %dma_start3A_196 = tpu.memref_slice %arg12[%dma_start3A_194, %dma_start3A_195] : memref<10240x32xf32, #tpu.memory_space<vmem_shared>> -> memref<16x32xf32, #tpu.memory_space<vmem_shared>>
        tpu.enqueue_dma source(%dma_start3A_196 : memref<16x32xf32, #tpu.memory_space<vmem_shared>>) target(%dma_start3A_193 : memref<16x32xf32, #tpu.memory_space<hbm>>) target_semaphore(%run_scoped3A : memref<!tpu.dma_semaphore, #tpu.memory_space<semaphore_mem>>)
        %dma_wait3A_197 = arith.constant 9984 : i32
        %dma_wait3A_198 = arith.constant 0 : i32
        %dma_wait3A_199 = tpu.memref_slice %arg5[%add3A_102, %dma_wait3A_197, %dma_wait3A_198] : memref<4x10000x32xf32, #tpu.memory_space<hbm>> -> memref<1x16x32xf32, #tpu.memory_space<hbm>>
        %dma_wait3A_200 = tpu.memref_squeeze %dma_wait3A_199 : memref<1x16x32xf32, #tpu.memory_space<hbm>> -> memref<16x32xf32, #tpu.memory_space<hbm>>
        %dma_wait3A_201 = arith.constant 9984 : i32
        %dma_wait3A_202 = arith.constant 0 : i32
        %dma_wait3A_203 = tpu.memref_slice %arg12[%dma_wait3A_201, %dma_wait3A_202] : memref<10240x32xf32, #tpu.memory_space<vmem_shared>> -> memref<16x32xf32, #tpu.memory_space<vmem_shared>>
        tpu.wait_dma2 semaphore(%run_scoped3A : memref<!tpu.dma_semaphore, #tpu.memory_space<semaphore_mem>>) src(%dma_wait3A_203 : memref<16x32xf32, #tpu.memory_space<vmem_shared>>) dst(%dma_wait3A_200 : memref<16x32xf32, #tpu.memory_space<hbm>>)
        tpu.yield
      }) : () -> ()
    } else {
    }
    return
  }
}

#map = affine_map<(d0, d1) -> (0, 0)>
#map1 = affine_map<(d0, d1) -> (0, 0, 0)>
module attributes {stable_mosaic.version = 14 : i64} {
  func.func @body(%arg0: i32, %arg1: i32, %arg2: memref<40000x32xf32, #tpu.memory_space<hbm>>, %arg3: memref<2560x128xi32, #tpu.memory_space<hbm>>, %arg4: memref<2560x128xi32, #tpu.memory_space<hbm>>, %arg5: memref<4x10000x32xf32, #tpu.memory_space<hbm>>, %arg6: memref<160x128xi32, #tpu.memory_space<vmem>>, %arg7: memref<160x128xi32, #tpu.memory_space<vmem>>, %arg8: memref<128x32xf32, #tpu.memory_space<vmem>>, %arg9: memref<128x32xf32, #tpu.memory_space<vmem>>, %arg10: memref<128x32xf32, #tpu.memory_space<vmem>>, %arg11: memref<128x32xf32, #tpu.memory_space<vmem>>, %arg12: memref<10240x32xf32, #tpu.memory_space<vmem_shared>>, %arg13: memref<!tpu.dma_semaphore, #tpu.memory_space<semaphore_mem>>, %arg14: memref<!tpu.dma_semaphore, #tpu.memory_space<semaphore_mem>>, %arg15: memref<!tpu.dma_semaphore, #tpu.memory_space<semaphore_mem>>, %arg16: memref<!tpu.dma_semaphore, #tpu.memory_space<semaphore_mem>>, %arg17: memref<!tpu.dma_semaphore, #tpu.memory_space<semaphore_mem>>, %arg18: memref<!tpu.dma_semaphore, #tpu.memory_space<semaphore_mem>>, %arg19: memref<!tpu.dma_semaphore, #tpu.memory_space<semaphore_mem>>, %arg20: memref<!tpu.dma_semaphore, #tpu.memory_space<semaphore_mem>>) attributes {dimension_semantics = [#tpu.dimension_semantics<core_parallel>, #tpu.dimension_semantics<subcore_parallel>], iteration_bounds = array<i64: 2, 16>, scalar_prefetch = 0 : i64, scratch_operands = 15 : i64, tpu.core_type = #tpu.core_type<sc_vector_subcore>, window_params = [{transform_indices = #map}, {transform_indices = #map}, {transform_indices = #map}, {transform_indices = #map1}]} {
    %mul3A = arith.constant 160 : i32
    %mul3A_0 = arith.muli %arg1, %mul3A : i32
    "tpu.region"() ({
      %run_scoped3A = tpu.sem_alloc : memref<!tpu.dma_semaphore, #tpu.memory_space<semaphore_mem>>
      %dma_start3A_190 = arith.constant 0 : i32
      %dma_start3A_191 = tpu.memref_slice %arg3[%mul3A_0, %dma_start3A_190] : memref<2560x128xi32, #tpu.memory_space<hbm>> -> memref<160x128xi32, #tpu.memory_space<hbm>>
      %dma_start3A_192 = arith.constant 0 : i32
      %dma_start3A_193 = tpu.memref_slice %arg3[%mul3A_0, %dma_start3A_192] : memref<2560x128xi32, #tpu.memory_space<hbm>> -> memref<160x128xi32, #tpu.memory_space<hbm>>
      tpu.enqueue_dma source(%dma_start3A_193 : memref<160x128xi32, #tpu.memory_space<hbm>>) target(%arg6 : memref<160x128xi32, #tpu.memory_space<vmem>>) target_semaphore(%run_scoped3A : memref<!tpu.dma_semaphore, #tpu.memory_space<semaphore_mem>>)
      %dma_wait3A_194 = arith.constant 0 : i32
      %dma_wait3A_195 = tpu.memref_slice %arg3[%mul3A_0, %dma_wait3A_194] : memref<2560x128xi32, #tpu.memory_space<hbm>> -> memref<160x128xi32, #tpu.memory_space<hbm>>
      %dma_wait3A_196 = arith.constant 0 : i32
      %dma_wait3A_197 = tpu.memref_slice %arg3[%mul3A_0, %dma_wait3A_196] : memref<2560x128xi32, #tpu.memory_space<hbm>> -> memref<160x128xi32, #tpu.memory_space<hbm>>
      tpu.wait_dma2 semaphore(%run_scoped3A : memref<!tpu.dma_semaphore, #tpu.memory_space<semaphore_mem>>) src(%dma_wait3A_197 : memref<160x128xi32, #tpu.memory_space<hbm>>) dst(%arg6 : memref<160x128xi32, #tpu.memory_space<vmem>>)
      tpu.yield
    }) : () -> ()
    "tpu.region"() ({
      %run_scoped3A = tpu.sem_alloc : memref<!tpu.dma_semaphore, #tpu.memory_space<semaphore_mem>>
      %dma_start3A_190 = arith.constant 0 : i32
      %dma_start3A_191 = tpu.memref_slice %arg4[%mul3A_0, %dma_start3A_190] : memref<2560x128xi32, #tpu.memory_space<hbm>> -> memref<160x128xi32, #tpu.memory_space<hbm>>
      %dma_start3A_192 = arith.constant 0 : i32
      %dma_start3A_193 = tpu.memref_slice %arg4[%mul3A_0, %dma_start3A_192] : memref<2560x128xi32, #tpu.memory_space<hbm>> -> memref<160x128xi32, #tpu.memory_space<hbm>>
      tpu.enqueue_dma source(%dma_start3A_193 : memref<160x128xi32, #tpu.memory_space<hbm>>) target(%arg7 : memref<160x128xi32, #tpu.memory_space<vmem>>) target_semaphore(%run_scoped3A : memref<!tpu.dma_semaphore, #tpu.memory_space<semaphore_mem>>)
      %dma_wait3A_194 = arith.constant 0 : i32
      %dma_wait3A_195 = tpu.memref_slice %arg4[%mul3A_0, %dma_wait3A_194] : memref<2560x128xi32, #tpu.memory_space<hbm>> -> memref<160x128xi32, #tpu.memory_space<hbm>>
      %dma_wait3A_196 = arith.constant 0 : i32
      %dma_wait3A_197 = tpu.memref_slice %arg4[%mul3A_0, %dma_wait3A_196] : memref<2560x128xi32, #tpu.memory_space<hbm>> -> memref<160x128xi32, #tpu.memory_space<hbm>>
      tpu.wait_dma2 semaphore(%run_scoped3A : memref<!tpu.dma_semaphore, #tpu.memory_space<semaphore_mem>>) src(%dma_wait3A_197 : memref<160x128xi32, #tpu.memory_space<hbm>>) dst(%arg7 : memref<160x128xi32, #tpu.memory_space<vmem>>)
      tpu.yield
    }) : () -> ()
    %mul3A_1 = arith.constant 10000 : i32
    %mul3A_2 = arith.muli %arg0, %mul3A_1 : i32
    %broadcast_in_dim3A = arith.constant 0 : i32
    %broadcast_in_dim3A_3 = vector.broadcast %broadcast_in_dim3A : i32 to vector<16xi32>
    %add3A = vector.broadcast %mul3A_2 : i32 to vector<16xi32>
    %add3A_4 = arith.addi %broadcast_in_dim3A_3, %add3A : vector<16xi32>
    %scan3A = arith.constant 0 : i32
    %scan3A_5 = arith.constant 160 : i32
    %scan3A_6 = arith.addi %scan3A, %scan3A_5 : i32
    %scan3A_7 = arith.constant 1 : i32
    scf.for %scan3A_190 = %scan3A to %scan3A_6 step %scan3A_7  : i32 {
      %mul3A_191 = arith.constant 1 : i32
      %mul3A_192 = arith.muli %scan3A_190, %mul3A_191 : i32
      %add3A_193 = arith.constant 0 : i32
      %add3A_194 = arith.addi %add3A_193, %mul3A_192 : i32
      %get3A = arith.index_cast %add3A_194 : i32 to index
      %get3A_195 = arith.constant 0 : index
      %get3A_196 = tpu.vector_load %arg6[%get3A, %get3A_195] {strides = array<i32>} : memref<160x128xi32, #tpu.memory_space<vmem>>, vector<1x16xi32>,
      %get3A_197 = vector.shape_cast %get3A_196 : vector<1x16xi32> to vector<16xi32>
      %add3A_198 = arith.addi %get3A_197, %add3A_4 : vector<16xi32>
      %swap3A = arith.index_cast %add3A_194 : i32 to index
      %swap3A_199 = arith.constant 0 : index
      %swap3A_200 = tpu.vector_load %arg6[%swap3A, %swap3A_199] {strides = array<i32>} : memref<160x128xi32, #tpu.memory_space<vmem>>, vector<1x16xi32>,
      %swap3A_201 = vector.shape_cast %swap3A_200 : vector<1x16xi32> to vector<16xi32>
      %swap3A_202 = vector.shape_cast %add3A_198 : vector<16xi32> to vector<1x16xi32>
      tpu.vector_store %arg6[%swap3A, %swap3A_199], %swap3A_202 {strides = array<i32>} : memref<160x128xi32, #tpu.memory_space<vmem>>, vector<1x16xi32>,
      %get3A_203 = arith.index_cast %add3A_194 : i32 to index
      %get3A_204 = arith.constant 16 : index
      %get3A_205 = tpu.vector_load %arg6[%get3A_203, %get3A_204] {strides = array<i32>} : memref<160x128xi32, #tpu.memory_space<vmem>>, vector<1x16xi32>,
      %get3A_206 = vector.shape_cast %get3A_205 : vector<1x16xi32> to vector<16xi32>
      %add3A_207 = arith.addi %get3A_206, %add3A_4 : vector<16xi32>
      %swap3A_208 = arith.index_cast %add3A_194 : i32 to index
      %swap3A_209 = arith.constant 16 : index
      %swap3A_210 = tpu.vector_load %arg6[%swap3A_208, %swap3A_209] {strides = array<i32>} : memref<160x128xi32, #tpu.memory_space<vmem>>, vector<1x16xi32>,
      %swap3A_211 = vector.shape_cast %swap3A_210 : vector<1x16xi32> to vector<16xi32>
      %swap3A_212 = vector.shape_cast %add3A_207 : vector<16xi32> to vector<1x16xi32>
      tpu.vector_store %arg6[%swap3A_208, %swap3A_209], %swap3A_212 {strides = array<i32>} : memref<160x128xi32, #tpu.memory_space<vmem>>, vector<1x16xi32>,
      %get3A_213 = arith.index_cast %add3A_194 : i32 to index
      %get3A_214 = arith.constant 32 : index
      %get3A_215 = tpu.vector_load %arg6[%get3A_213, %get3A_214] {strides = array<i32>} : memref<160x128xi32, #tpu.memory_space<vmem>>, vector<1x16xi32>,
      %get3A_216 = vector.shape_cast %get3A_215 : vector<1x16xi32> to vector<16xi32>
      %add3A_217 = arith.addi %get3A_216, %add3A_4 : vector<16xi32>
      %swap3A_218 = arith.index_cast %add3A_194 : i32 to index
      %swap3A_219 = arith.constant 32 : index
      %swap3A_220 = tpu.vector_load %arg6[%swap3A_218, %swap3A_219] {strides = array<i32>} : memref<160x128xi32, #tpu.memory_space<vmem>>, vector<1x16xi32>,
      %swap3A_221 = vector.shape_cast %swap3A_220 : vector<1x16xi32> to vector<16xi32>
      %swap3A_222 = vector.shape_cast %add3A_217 : vector<16xi32> to vector<1x16xi32>
      tpu.vector_store %arg6[%swap3A_218, %swap3A_219], %swap3A_222 {strides = array<i32>} : memref<160x128xi32, #tpu.memory_space<vmem>>, vector<1x16xi32>,
      %get3A_223 = arith.index_cast %add3A_194 : i32 to index
      %get3A_224 = arith.constant 48 : index
      %get3A_225 = tpu.vector_load %arg6[%get3A_223, %get3A_224] {strides = array<i32>} : memref<160x128xi32, #tpu.memory_space<vmem>>, vector<1x16xi32>,
      %get3A_226 = vector.shape_cast %get3A_225 : vector<1x16xi32> to vector<16xi32>
      %add3A_227 = arith.addi %get3A_226, %add3A_4 : vector<16xi32>
      %swap3A_228 = arith.index_cast %add3A_194 : i32 to index
      %swap3A_229 = arith.constant 48 : index
      %swap3A_230 = tpu.vector_load %arg6[%swap3A_228, %swap3A_229] {strides = array<i32>} : memref<160x128xi32, #tpu.memory_space<vmem>>, vector<1x16xi32>,
      %swap3A_231 = vector.shape_cast %swap3A_230 : vector<1x16xi32> to vector<16xi32>
      %swap3A_232 = vector.shape_cast %add3A_227 : vector<16xi32> to vector<1x16xi32>
      tpu.vector_store %arg6[%swap3A_228, %swap3A_229], %swap3A_232 {strides = array<i32>} : memref<160x128xi32, #tpu.memory_space<vmem>>, vector<1x16xi32>,
      %get3A_233 = arith.index_cast %add3A_194 : i32 to index
      %get3A_234 = arith.constant 64 : index
      %get3A_235 = tpu.vector_load %arg6[%get3A_233, %get3A_234] {strides = array<i32>} : memref<160x128xi32, #tpu.memory_space<vmem>>, vector<1x16xi32>,
      %get3A_236 = vector.shape_cast %get3A_235 : vector<1x16xi32> to vector<16xi32>
      %add3A_237 = arith.addi %get3A_236, %add3A_4 : vector<16xi32>
      %swap3A_238 = arith.index_cast %add3A_194 : i32 to index
      %swap3A_239 = arith.constant 64 : index
      %swap3A_240 = tpu.vector_load %arg6[%swap3A_238, %swap3A_239] {strides = array<i32>} : memref<160x128xi32, #tpu.memory_space<vmem>>, vector<1x16xi32>,
      %swap3A_241 = vector.shape_cast %swap3A_240 : vector<1x16xi32> to vector<16xi32>
      %swap3A_242 = vector.shape_cast %add3A_237 : vector<16xi32> to vector<1x16xi32>
      tpu.vector_store %arg6[%swap3A_238, %swap3A_239], %swap3A_242 {strides = array<i32>} : memref<160x128xi32, #tpu.memory_space<vmem>>, vector<1x16xi32>,
      %get3A_243 = arith.index_cast %add3A_194 : i32 to index
      %get3A_244 = arith.constant 80 : index
      %get3A_245 = tpu.vector_load %arg6[%get3A_243, %get3A_244] {strides = array<i32>} : memref<160x128xi32, #tpu.memory_space<vmem>>, vector<1x16xi32>,
      %get3A_246 = vector.shape_cast %get3A_245 : vector<1x16xi32> to vector<16xi32>
      %add3A_247 = arith.addi %get3A_246, %add3A_4 : vector<16xi32>
      %swap3A_248 = arith.index_cast %add3A_194 : i32 to index
      %swap3A_249 = arith.constant 80 : index
      %swap3A_250 = tpu.vector_load %arg6[%swap3A_248, %swap3A_249] {strides = array<i32>} : memref<160x128xi32, #tpu.memory_space<vmem>>, vector<1x16xi32>,
      %swap3A_251 = vector.shape_cast %swap3A_250 : vector<1x16xi32> to vector<16xi32>
      %swap3A_252 = vector.shape_cast %add3A_247 : vector<16xi32> to vector<1x16xi32>
      tpu.vector_store %arg6[%swap3A_248, %swap3A_249], %swap3A_252 {strides = array<i32>} : memref<160x128xi32, #tpu.memory_space<vmem>>, vector<1x16xi32>,
      %get3A_253 = arith.index_cast %add3A_194 : i32 to index
      %get3A_254 = arith.constant 96 : index
      %get3A_255 = tpu.vector_load %arg6[%get3A_253, %get3A_254] {strides = array<i32>} : memref<160x128xi32, #tpu.memory_space<vmem>>, vector<1x16xi32>,
      %get3A_256 = vector.shape_cast %get3A_255 : vector<1x16xi32> to vector<16xi32>
      %add3A_257 = arith.addi %get3A_256, %add3A_4 : vector<16xi32>
      %swap3A_258 = arith.index_cast %add3A_194 : i32 to index
      %swap3A_259 = arith.constant 96 : index
      %swap3A_260 = tpu.vector_load %arg6[%swap3A_258, %swap3A_259] {strides = array<i32>} : memref<160x128xi32, #tpu.memory_space<vmem>>, vector<1x16xi32>,
      %swap3A_261 = vector.shape_cast %swap3A_260 : vector<1x16xi32> to vector<16xi32>
      %swap3A_262 = vector.shape_cast %add3A_257 : vector<16xi32> to vector<1x16xi32>
      tpu.vector_store %arg6[%swap3A_258, %swap3A_259], %swap3A_262 {strides = array<i32>} : memref<160x128xi32, #tpu.memory_space<vmem>>, vector<1x16xi32>,
      %get3A_263 = arith.index_cast %add3A_194 : i32 to index
      %get3A_264 = arith.constant 112 : index
      %get3A_265 = tpu.vector_load %arg6[%get3A_263, %get3A_264] {strides = array<i32>} : memref<160x128xi32, #tpu.memory_space<vmem>>, vector<1x16xi32>,
      %get3A_266 = vector.shape_cast %get3A_265 : vector<1x16xi32> to vector<16xi32>
      %add3A_267 = arith.addi %get3A_266, %add3A_4 : vector<16xi32>
      %swap3A_268 = arith.index_cast %add3A_194 : i32 to index
      %swap3A_269 = arith.constant 112 : index
      %swap3A_270 = tpu.vector_load %arg6[%swap3A_268, %swap3A_269] {strides = array<i32>} : memref<160x128xi32, #tpu.memory_space<vmem>>, vector<1x16xi32>,
      %swap3A_271 = vector.shape_cast %swap3A_270 : vector<1x16xi32> to vector<16xi32>
      %swap3A_272 = vector.shape_cast %add3A_267 : vector<16xi32> to vector<1x16xi32>
      tpu.vector_store %arg6[%swap3A_268, %swap3A_269], %swap3A_272 {strides = array<i32>} : memref<160x128xi32, #tpu.memory_space<vmem>>, vector<1x16xi32>,
    }
    %scan3A_8 = arith.constant 160 : i32
    %scan3A_9 = arith.constant 0 : i32
    %scan3A_10 = arith.constant 128 : i32
    %scan3A_11 = arith.addi %scan3A_9, %scan3A_10 : i32
    %scan3A_12 = arith.constant 1 : i32
    scf.for %scan3A_190 = %scan3A_9 to %scan3A_11 step %scan3A_12  : i32 {
      %mul3A_191 = arith.constant 1 : i32
      %mul3A_192 = arith.muli %scan3A_190, %mul3A_191 : i32
      %add3A_193 = arith.constant 0 : i32
      %add3A_194 = arith.addi %add3A_193, %mul3A_192 : i32
      %broadcast_in_dim3A_195 = arith.constant 0.000000e+00 : f32
      %broadcast_in_dim3A_196 = vector.broadcast %broadcast_in_dim3A_195 : f32 to vector<16xf32>
      %swap3A = arith.index_cast %add3A_194 : i32 to index
      %swap3A_197 = arith.constant 0 : index
      %swap3A_198 = tpu.vector_load %arg8[%swap3A, %swap3A_197] {strides = array<i32>} : memref<128x32xf32, #tpu.memory_space<vmem>>, vector<1x16xf32>,
      %swap3A_199 = vector.shape_cast %swap3A_198 : vector<1x16xf32> to vector<16xf32>
      %swap3A_200 = vector.shape_cast %broadcast_in_dim3A_196 : vector<16xf32> to vector<1x16xf32>
      tpu.vector_store %arg8[%swap3A, %swap3A_197], %swap3A_200 {strides = array<i32>} : memref<128x32xf32, #tpu.memory_space<vmem>>, vector<1x16xf32>,
      %broadcast_in_dim3A_201 = arith.constant 0.000000e+00 : f32
      %broadcast_in_dim3A_202 = vector.broadcast %broadcast_in_dim3A_201 : f32 to vector<16xf32>
      %swap3A_203 = arith.index_cast %add3A_194 : i32 to index
      %swap3A_204 = arith.constant 16 : index
      %swap3A_205 = tpu.vector_load %arg8[%swap3A_203, %swap3A_204] {strides = array<i32>} : memref<128x32xf32, #tpu.memory_space<vmem>>, vector<1x16xf32>,
      %swap3A_206 = vector.shape_cast %swap3A_205 : vector<1x16xf32> to vector<16xf32>
      %swap3A_207 = vector.shape_cast %broadcast_in_dim3A_202 : vector<16xf32> to vector<1x16xf32>
      tpu.vector_store %arg8[%swap3A_203, %swap3A_204], %swap3A_207 {strides = array<i32>} : memref<128x32xf32, #tpu.memory_space<vmem>>, vector<1x16xf32>,
    }
    %scan3A_13 = arith.constant 128 : i32
    %mul3A_14 = arith.constant 640 : i32
    %mul3A_15 = arith.muli %arg1, %mul3A_14 : i32
    %add3A_16 = arith.constant 0 : i32
    %add3A_17 = arith.addi %mul3A_15, %add3A_16 : i32
    "tpu.region"() ({
      %run_scoped3A = tpu.sem_alloc : memref<!tpu.dma_semaphore, #tpu.memory_space<semaphore_mem>>
      %dma_start3A_190 = arith.constant 0 : i32
      %dma_start3A_191 = tpu.memref_slice %arg12[%add3A_17, %dma_start3A_190] : memref<10240x32xf32, #tpu.memory_space<vmem_shared>> -> memref<128x32xf32, #tpu.memory_space<vmem_shared>>
      %dma_start3A_192 = arith.constant 0 : i32
      %dma_start3A_193 = tpu.memref_slice %arg12[%add3A_17, %dma_start3A_192] : memref<10240x32xf32, #tpu.memory_space<vmem_shared>> -> memref<128x32xf32, #tpu.memory_space<vmem_shared>>
      tpu.enqueue_dma source(%arg8 : memref<128x32xf32, #tpu.memory_space<vmem>>) target(%dma_start3A_193 : memref<128x32xf32, #tpu.memory_space<vmem_shared>>) target_semaphore(%run_scoped3A : memref<!tpu.dma_semaphore, #tpu.memory_space<semaphore_mem>>)
      %dma_wait3A_194 = arith.constant 0 : i32
      %dma_wait3A_195 = tpu.memref_slice %arg12[%add3A_17, %dma_wait3A_194] : memref<10240x32xf32, #tpu.memory_space<vmem_shared>> -> memref<128x32xf32, #tpu.memory_space<vmem_shared>>
      %dma_wait3A_196 = arith.constant 0 : i32
      %dma_wait3A_197 = tpu.memref_slice %arg12[%add3A_17, %dma_wait3A_196] : memref<10240x32xf32, #tpu.memory_space<vmem_shared>> -> memref<128x32xf32, #tpu.memory_space<vmem_shared>>
      tpu.wait_dma2 semaphore(%run_scoped3A : memref<!tpu.dma_semaphore, #tpu.memory_space<semaphore_mem>>) src(%arg8 : memref<128x32xf32, #tpu.memory_space<vmem>>) dst(%dma_wait3A_197 : memref<128x32xf32, #tpu.memory_space<vmem_shared>>)
      tpu.yield
    }) : () -> ()
    %add3A_18 = arith.constant 128 : i32
    %add3A_19 = arith.addi %mul3A_15, %add3A_18 : i32
    "tpu.region"() ({
      %run_scoped3A = tpu.sem_alloc : memref<!tpu.dma_semaphore, #tpu.memory_space<semaphore_mem>>
      %dma_start3A_190 = arith.constant 0 : i32
      %dma_start3A_191 = tpu.memref_slice %arg12[%add3A_19, %dma_start3A_190] : memref<10240x32xf32, #tpu.memory_space<vmem_shared>> -> memref<128x32xf32, #tpu.memory_space<vmem_shared>>
      %dma_start3A_192 = arith.constant 0 : i32
      %dma_start3A_193 = tpu.memref_slice %arg12[%add3A_19, %dma_start3A_192] : memref<10240x32xf32, #tpu.memory_space<vmem_shared>> -> memref<128x32xf32, #tpu.memory_space<vmem_shared>>
      tpu.enqueue_dma source(%arg8 : memref<128x32xf32, #tpu.memory_space<vmem>>) target(%dma_start3A_193 : memref<128x32xf32, #tpu.memory_space<vmem_shared>>) target_semaphore(%run_scoped3A : memref<!tpu.dma_semaphore, #tpu.memory_space<semaphore_mem>>)
      %dma_wait3A_194 = arith.constant 0 : i32
      %dma_wait3A_195 = tpu.memref_slice %arg12[%add3A_19, %dma_wait3A_194] : memref<10240x32xf32, #tpu.memory_space<vmem_shared>> -> memref<128x32xf32, #tpu.memory_space<vmem_shared>>
      %dma_wait3A_196 = arith.constant 0 : i32
      %dma_wait3A_197 = tpu.memref_slice %arg12[%add3A_19, %dma_wait3A_196] : memref<10240x32xf32, #tpu.memory_space<vmem_shared>> -> memref<128x32xf32, #tpu.memory_space<vmem_shared>>
      tpu.wait_dma2 semaphore(%run_scoped3A : memref<!tpu.dma_semaphore, #tpu.memory_space<semaphore_mem>>) src(%arg8 : memref<128x32xf32, #tpu.memory_space<vmem>>) dst(%dma_wait3A_197 : memref<128x32xf32, #tpu.memory_space<vmem_shared>>)
      tpu.yield
    }) : () -> ()
    %add3A_20 = arith.constant 256 : i32
    %add3A_21 = arith.addi %mul3A_15, %add3A_20 : i32
    "tpu.region"() ({
      %run_scoped3A = tpu.sem_alloc : memref<!tpu.dma_semaphore, #tpu.memory_space<semaphore_mem>>
      %dma_start3A_190 = arith.constant 0 : i32
      %dma_start3A_191 = tpu.memref_slice %arg12[%add3A_21, %dma_start3A_190] : memref<10240x32xf32, #tpu.memory_space<vmem_shared>> -> memref<128x32xf32, #tpu.memory_space<vmem_shared>>
      %dma_start3A_192 = arith.constant 0 : i32
      %dma_start3A_193 = tpu.memref_slice %arg12[%add3A_21, %dma_start3A_192] : memref<10240x32xf32, #tpu.memory_space<vmem_shared>> -> memref<128x32xf32, #tpu.memory_space<vmem_shared>>
      tpu.enqueue_dma source(%arg8 : memref<128x32xf32, #tpu.memory_space<vmem>>) target(%dma_start3A_193 : memref<128x32xf32, #tpu.memory_space<vmem_shared>>) target_semaphore(%run_scoped3A : memref<!tpu.dma_semaphore, #tpu.memory_space<semaphore_mem>>)
      %dma_wait3A_194 = arith.constant 0 : i32
      %dma_wait3A_195 = tpu.memref_slice %arg12[%add3A_21, %dma_wait3A_194] : memref<10240x32xf32, #tpu.memory_space<vmem_shared>> -> memref<128x32xf32, #tpu.memory_space<vmem_shared>>
      %dma_wait3A_196 = arith.constant 0 : i32
      %dma_wait3A_197 = tpu.memref_slice %arg12[%add3A_21, %dma_wait3A_196] : memref<10240x32xf32, #tpu.memory_space<vmem_shared>> -> memref<128x32xf32, #tpu.memory_space<vmem_shared>>
      tpu.wait_dma2 semaphore(%run_scoped3A : memref<!tpu.dma_semaphore, #tpu.memory_space<semaphore_mem>>) src(%arg8 : memref<128x32xf32, #tpu.memory_space<vmem>>) dst(%dma_wait3A_197 : memref<128x32xf32, #tpu.memory_space<vmem_shared>>)
      tpu.yield
    }) : () -> ()
    %add3A_22 = arith.constant 384 : i32
    %add3A_23 = arith.addi %mul3A_15, %add3A_22 : i32
    "tpu.region"() ({
      %run_scoped3A = tpu.sem_alloc : memref<!tpu.dma_semaphore, #tpu.memory_space<semaphore_mem>>
      %dma_start3A_190 = arith.constant 0 : i32
      %dma_start3A_191 = tpu.memref_slice %arg12[%add3A_23, %dma_start3A_190] : memref<10240x32xf32, #tpu.memory_space<vmem_shared>> -> memref<128x32xf32, #tpu.memory_space<vmem_shared>>
      %dma_start3A_192 = arith.constant 0 : i32
      %dma_start3A_193 = tpu.memref_slice %arg12[%add3A_23, %dma_start3A_192] : memref<10240x32xf32, #tpu.memory_space<vmem_shared>> -> memref<128x32xf32, #tpu.memory_space<vmem_shared>>
      tpu.enqueue_dma source(%arg8 : memref<128x32xf32, #tpu.memory_space<vmem>>) target(%dma_start3A_193 : memref<128x32xf32, #tpu.memory_space<vmem_shared>>) target_semaphore(%run_scoped3A : memref<!tpu.dma_semaphore, #tpu.memory_space<semaphore_mem>>)
      %dma_wait3A_194 = arith.constant 0 : i32
      %dma_wait3A_195 = tpu.memref_slice %arg12[%add3A_23, %dma_wait3A_194] : memref<10240x32xf32, #tpu.memory_space<vmem_shared>> -> memref<128x32xf32, #tpu.memory_space<vmem_shared>>
      %dma_wait3A_196 = arith.constant 0 : i32
      %dma_wait3A_197 = tpu.memref_slice %arg12[%add3A_23, %dma_wait3A_196] : memref<10240x32xf32, #tpu.memory_space<vmem_shared>> -> memref<128x32xf32, #tpu.memory_space<vmem_shared>>
      tpu.wait_dma2 semaphore(%run_scoped3A : memref<!tpu.dma_semaphore, #tpu.memory_space<semaphore_mem>>) src(%arg8 : memref<128x32xf32, #tpu.memory_space<vmem>>) dst(%dma_wait3A_197 : memref<128x32xf32, #tpu.memory_space<vmem_shared>>)
      tpu.yield
    }) : () -> ()
    %add3A_24 = arith.constant 512 : i32
    %add3A_25 = arith.addi %mul3A_15, %add3A_24 : i32
    "tpu.region"() ({
      %run_scoped3A = tpu.sem_alloc : memref<!tpu.dma_semaphore, #tpu.memory_space<semaphore_mem>>
      %dma_start3A_190 = arith.constant 0 : i32
      %dma_start3A_191 = tpu.memref_slice %arg12[%add3A_25, %dma_start3A_190] : memref<10240x32xf32, #tpu.memory_space<vmem_shared>> -> memref<128x32xf32, #tpu.memory_space<vmem_shared>>
      %dma_start3A_192 = arith.constant 0 : i32
      %dma_start3A_193 = tpu.memref_slice %arg12[%add3A_25, %dma_start3A_192] : memref<10240x32xf32, #tpu.memory_space<vmem_shared>> -> memref<128x32xf32, #tpu.memory_space<vmem_shared>>
      tpu.enqueue_dma source(%arg8 : memref<128x32xf32, #tpu.memory_space<vmem>>) target(%dma_start3A_193 : memref<128x32xf32, #tpu.memory_space<vmem_shared>>) target_semaphore(%run_scoped3A : memref<!tpu.dma_semaphore, #tpu.memory_space<semaphore_mem>>)
      %dma_wait3A_194 = arith.constant 0 : i32
      %dma_wait3A_195 = tpu.memref_slice %arg12[%add3A_25, %dma_wait3A_194] : memref<10240x32xf32, #tpu.memory_space<vmem_shared>> -> memref<128x32xf32, #tpu.memory_space<vmem_shared>>
      %dma_wait3A_196 = arith.constant 0 : i32
      %dma_wait3A_197 = tpu.memref_slice %arg12[%add3A_25, %dma_wait3A_196] : memref<10240x32xf32, #tpu.memory_space<vmem_shared>> -> memref<128x32xf32, #tpu.memory_space<vmem_shared>>
      tpu.wait_dma2 semaphore(%run_scoped3A : memref<!tpu.dma_semaphore, #tpu.memory_space<semaphore_mem>>) src(%arg8 : memref<128x32xf32, #tpu.memory_space<vmem>>) dst(%dma_wait3A_197 : memref<128x32xf32, #tpu.memory_space<vmem_shared>>)
      tpu.yield
    }) : () -> ()
    %barrier3A = arith.constant 0 : index
    tpu.barrier barrier_id(%barrier3A)
    %dma_start3A = arith.constant 0 : i32
    %dma_start3A_26 = arith.constant 0 : i32
    %dma_start3A_27 = tpu.memref_slice %arg6[%dma_start3A, %dma_start3A_26] : memref<160x128xi32, #tpu.memory_space<vmem>> -> memref<1x128xi32, #tpu.memory_space<vmem>>
    %dma_start3A_28 = tpu.memref_squeeze %dma_start3A_27 : memref<1x128xi32, #tpu.memory_space<vmem>> -> memref<128xi32, #tpu.memory_space<vmem>>
    %dma_start3A_29 = arith.constant 0 : i32
    %dma_start3A_30 = arith.constant 0 : i32
    %dma_start3A_31 = tpu.memref_slice %arg2[%dma_start3A_29, %dma_start3A_30] : memref<40000x32xf32, #tpu.memory_space<hbm>> -> memref<40000x32xf32, #tpu.memory_space<hbm>>
    tpu.enqueue_indirect_dma source(%dma_start3A_31 : memref<40000x32xf32, #tpu.memory_space<hbm>>) target(%arg8 : memref<128x32xf32, #tpu.memory_space<vmem>>) offsets(%dma_start3A_28 : memref<128xi32, #tpu.memory_space<vmem>>) semaphore(%arg13 : memref<!tpu.dma_semaphore, #tpu.memory_space<semaphore_mem>>)
    %dma_start3A_32 = arith.constant 1 : i32
    %dma_start3A_33 = arith.constant 0 : i32
    %dma_start3A_34 = tpu.memref_slice %arg6[%dma_start3A_32, %dma_start3A_33] : memref<160x128xi32, #tpu.memory_space<vmem>> -> memref<1x128xi32, #tpu.memory_space<vmem>>
    %dma_start3A_35 = tpu.memref_squeeze %dma_start3A_34 : memref<1x128xi32, #tpu.memory_space<vmem>> -> memref<128xi32, #tpu.memory_space<vmem>>
    %dma_start3A_36 = arith.constant 0 : i32
    %dma_start3A_37 = arith.constant 0 : i32
    %dma_start3A_38 = tpu.memref_slice %arg2[%dma_start3A_36, %dma_start3A_37] : memref<40000x32xf32, #tpu.memory_space<hbm>> -> memref<40000x32xf32, #tpu.memory_space<hbm>>
    tpu.enqueue_indirect_dma source(%dma_start3A_38 : memref<40000x32xf32, #tpu.memory_space<hbm>>) target(%arg9 : memref<128x32xf32, #tpu.memory_space<vmem>>) offsets(%dma_start3A_35 : memref<128xi32, #tpu.memory_space<vmem>>) semaphore(%arg14 : memref<!tpu.dma_semaphore, #tpu.memory_space<semaphore_mem>>)
    %dma_start3A_39 = arith.constant 2 : i32
    %dma_start3A_40 = arith.constant 0 : i32
    %dma_start3A_41 = tpu.memref_slice %arg6[%dma_start3A_39, %dma_start3A_40] : memref<160x128xi32, #tpu.memory_space<vmem>> -> memref<1x128xi32, #tpu.memory_space<vmem>>
    %dma_start3A_42 = tpu.memref_squeeze %dma_start3A_41 : memref<1x128xi32, #tpu.memory_space<vmem>> -> memref<128xi32, #tpu.memory_space<vmem>>
    %dma_start3A_43 = arith.constant 0 : i32
    %dma_start3A_44 = arith.constant 0 : i32
    %dma_start3A_45 = tpu.memref_slice %arg2[%dma_start3A_43, %dma_start3A_44] : memref<40000x32xf32, #tpu.memory_space<hbm>> -> memref<40000x32xf32, #tpu.memory_space<hbm>>
    tpu.enqueue_indirect_dma source(%dma_start3A_45 : memref<40000x32xf32, #tpu.memory_space<hbm>>) target(%arg10 : memref<128x32xf32, #tpu.memory_space<vmem>>) offsets(%dma_start3A_42 : memref<128xi32, #tpu.memory_space<vmem>>) semaphore(%arg15 : memref<!tpu.dma_semaphore, #tpu.memory_space<semaphore_mem>>)
    %dma_start3A_46 = arith.constant 3 : i32
    %dma_start3A_47 = arith.constant 0 : i32
    %dma_start3A_48 = tpu.memref_slice %arg6[%dma_start3A_46, %dma_start3A_47] : memref<160x128xi32, #tpu.memory_space<vmem>> -> memref<1x128xi32, #tpu.memory_space<vmem>>
    %dma_start3A_49 = tpu.memref_squeeze %dma_start3A_48 : memref<1x128xi32, #tpu.memory_space<vmem>> -> memref<128xi32, #tpu.memory_space<vmem>>
    %dma_start3A_50 = arith.constant 0 : i32
    %dma_start3A_51 = arith.constant 0 : i32
    %dma_start3A_52 = tpu.memref_slice %arg2[%dma_start3A_50, %dma_start3A_51] : memref<40000x32xf32, #tpu.memory_space<hbm>> -> memref<40000x32xf32, #tpu.memory_space<hbm>>
    tpu.enqueue_indirect_dma source(%dma_start3A_52 : memref<40000x32xf32, #tpu.memory_space<hbm>>) target(%arg11 : memref<128x32xf32, #tpu.memory_space<vmem>>) offsets(%dma_start3A_49 : memref<128xi32, #tpu.memory_space<vmem>>) semaphore(%arg16 : memref<!tpu.dma_semaphore, #tpu.memory_space<semaphore_mem>>)
    %scan3A_53 = arith.constant 0 : i32
    %scan3A_54 = arith.constant 40 : i32
    %scan3A_55 = arith.addi %scan3A_53, %scan3A_54 : i32
    %scan3A_56 = arith.constant 1 : i32
    scf.for %scan3A_190 = %scan3A_53 to %scan3A_55 step %scan3A_56  : i32 {
      %mul3A_191 = arith.constant 1 : i32
      %mul3A_192 = arith.muli %scan3A_190, %mul3A_191 : i32
      %add3A_193 = arith.constant 0 : i32
      %add3A_194 = arith.addi %add3A_193, %mul3A_192 : i32
      %mul3A_195 = arith.constant 4 : i32
      %mul3A_196 = arith.muli %add3A_194, %mul3A_195 : i32
      %dma_wait3A_197 = arith.constant 0 : i32
      %dma_wait3A_198 = arith.constant 0 : i32
      %dma_wait3A_199 = tpu.memref_slice %arg6[%dma_wait3A_197, %dma_wait3A_198] : memref<160x128xi32, #tpu.memory_space<vmem>> -> memref<1x128xi32, #tpu.memory_space<vmem>>
      %dma_wait3A_200 = tpu.memref_squeeze %dma_wait3A_199 : memref<1x128xi32, #tpu.memory_space<vmem>> -> memref<128xi32, #tpu.memory_space<vmem>>
      %dma_wait3A_201 = arith.constant 0 : i32
      %dma_wait3A_202 = arith.constant 0 : i32
      %dma_wait3A_203 = tpu.memref_slice %arg2[%dma_wait3A_201, %dma_wait3A_202] : memref<40000x32xf32, #tpu.memory_space<hbm>> -> memref<40000x32xf32, #tpu.memory_space<hbm>>
      tpu.wait_indirect_dma semaphore(%arg13 : memref<!tpu.dma_semaphore, #tpu.memory_space<semaphore_mem>>) src(%dma_wait3A_203 : memref<40000x32xf32, #tpu.memory_space<hbm>>) dst(%arg8 : memref<128x32xf32, #tpu.memory_space<vmem>>)
      %add3A_204 = arith.constant 0 : i32
      %add3A_205 = arith.addi %mul3A_196, %add3A_204 : i32
      %dma_start3A_206 = arith.constant 0 : i32
      %dma_start3A_207 = tpu.memref_slice %arg7[%add3A_205, %dma_start3A_206] : memref<160x128xi32, #tpu.memory_space<vmem>> -> memref<1x128xi32, #tpu.memory_space<vmem>>
      %dma_start3A_208 = tpu.memref_squeeze %dma_start3A_207 : memref<1x128xi32, #tpu.memory_space<vmem>> -> memref<128xi32, #tpu.memory_space<vmem>>
      %dma_start3A_209 = arith.constant 0 : i32
      %dma_start3A_210 = arith.constant 0 : i32
      %dma_start3A_211 = tpu.memref_slice %arg12[%dma_start3A_209, %dma_start3A_210] : memref<10240x32xf32, #tpu.memory_space<vmem_shared>> -> memref<10240x32xf32, #tpu.memory_space<vmem_shared>>
      tpu.enqueue_indirect_dma source(%arg8 : memref<128x32xf32, #tpu.memory_space<vmem>>) target(%dma_start3A_211 : memref<10240x32xf32, #tpu.memory_space<vmem_shared>>) offsets(%dma_start3A_208 : memref<128xi32, #tpu.memory_space<vmem>>) semaphore(%arg17 : memref<!tpu.dma_semaphore, #tpu.memory_space<semaphore_mem>>) {add = true}
      %dma_wait3A_212 = arith.constant 0 : i32
      %dma_wait3A_213 = arith.constant 0 : i32
      %dma_wait3A_214 = tpu.memref_slice %arg6[%dma_wait3A_212, %dma_wait3A_213] : memref<160x128xi32, #tpu.memory_space<vmem>> -> memref<1x128xi32, #tpu.memory_space<vmem>>
      %dma_wait3A_215 = tpu.memref_squeeze %dma_wait3A_214 : memref<1x128xi32, #tpu.memory_space<vmem>> -> memref<128xi32, #tpu.memory_space<vmem>>
      %dma_wait3A_216 = arith.constant 0 : i32
      %dma_wait3A_217 = arith.constant 0 : i32
      %dma_wait3A_218 = tpu.memref_slice %arg2[%dma_wait3A_216, %dma_wait3A_217] : memref<40000x32xf32, #tpu.memory_space<hbm>> -> memref<40000x32xf32, #tpu.memory_space<hbm>>
      tpu.wait_indirect_dma semaphore(%arg14 : memref<!tpu.dma_semaphore, #tpu.memory_space<semaphore_mem>>) src(%dma_wait3A_218 : memref<40000x32xf32, #tpu.memory_space<hbm>>) dst(%arg9 : memref<128x32xf32, #tpu.memory_space<vmem>>)
      %add3A_219 = arith.constant 1 : i32
      %add3A_220 = arith.addi %mul3A_196, %add3A_219 : i32
      %dma_start3A_221 = arith.constant 0 : i32
      %dma_start3A_222 = tpu.memref_slice %arg7[%add3A_220, %dma_start3A_221] : memref<160x128xi32, #tpu.memory_space<vmem>> -> memref<1x128xi32, #tpu.memory_space<vmem>>
      %dma_start3A_223 = tpu.memref_squeeze %dma_start3A_222 : memref<1x128xi32, #tpu.memory_space<vmem>> -> memref<128xi32, #tpu.memory_space<vmem>>
      %dma_start3A_224 = arith.constant 0 : i32
      %dma_start3A_225 = arith.constant 0 : i32
      %dma_start3A_226 = tpu.memref_slice %arg12[%dma_start3A_224, %dma_start3A_225] : memref<10240x32xf32, #tpu.memory_space<vmem_shared>> -> memref<10240x32xf32, #tpu.memory_space<vmem_shared>>
      tpu.enqueue_indirect_dma source(%arg9 : memref<128x32xf32, #tpu.memory_space<vmem>>) target(%dma_start3A_226 : memref<10240x32xf32, #tpu.memory_space<vmem_shared>>) offsets(%dma_start3A_223 : memref<128xi32, #tpu.memory_space<vmem>>) semaphore(%arg18 : memref<!tpu.dma_semaphore, #tpu.memory_space<semaphore_mem>>) {add = true}
      %dma_wait3A_227 = arith.constant 0 : i32
      %dma_wait3A_228 = arith.constant 0 : i32
      %dma_wait3A_229 = tpu.memref_slice %arg6[%dma_wait3A_227, %dma_wait3A_228] : memref<160x128xi32, #tpu.memory_space<vmem>> -> memref<1x128xi32, #tpu.memory_space<vmem>>
      %dma_wait3A_230 = tpu.memref_squeeze %dma_wait3A_229 : memref<1x128xi32, #tpu.memory_space<vmem>> -> memref<128xi32, #tpu.memory_space<vmem>>
      %dma_wait3A_231 = arith.constant 0 : i32
      %dma_wait3A_232 = arith.constant 0 : i32
      %dma_wait3A_233 = tpu.memref_slice %arg2[%dma_wait3A_231, %dma_wait3A_232] : memref<40000x32xf32, #tpu.memory_space<hbm>> -> memref<40000x32xf32, #tpu.memory_space<hbm>>
      tpu.wait_indirect_dma semaphore(%arg15 : memref<!tpu.dma_semaphore, #tpu.memory_space<semaphore_mem>>) src(%dma_wait3A_233 : memref<40000x32xf32, #tpu.memory_space<hbm>>) dst(%arg10 : memref<128x32xf32, #tpu.memory_space<vmem>>)
      %add3A_234 = arith.constant 2 : i32
      %add3A_235 = arith.addi %mul3A_196, %add3A_234 : i32
      %dma_start3A_236 = arith.constant 0 : i32
      %dma_start3A_237 = tpu.memref_slice %arg7[%add3A_235, %dma_start3A_236] : memref<160x128xi32, #tpu.memory_space<vmem>> -> memref<1x128xi32, #tpu.memory_space<vmem>>
      %dma_start3A_238 = tpu.memref_squeeze %dma_start3A_237 : memref<1x128xi32, #tpu.memory_space<vmem>> -> memref<128xi32, #tpu.memory_space<vmem>>
      %dma_start3A_239 = arith.constant 0 : i32
      %dma_start3A_240 = arith.constant 0 : i32
      %dma_start3A_241 = tpu.memref_slice %arg12[%dma_start3A_239, %dma_start3A_240] : memref<10240x32xf32, #tpu.memory_space<vmem_shared>> -> memref<10240x32xf32, #tpu.memory_space<vmem_shared>>
      tpu.enqueue_indirect_dma source(%arg10 : memref<128x32xf32, #tpu.memory_space<vmem>>) target(%dma_start3A_241 : memref<10240x32xf32, #tpu.memory_space<vmem_shared>>) offsets(%dma_start3A_238 : memref<128xi32, #tpu.memory_space<vmem>>) semaphore(%arg19 : memref<!tpu.dma_semaphore, #tpu.memory_space<semaphore_mem>>) {add = true}
      %dma_wait3A_242 = arith.constant 0 : i32
      %dma_wait3A_243 = arith.constant 0 : i32
      %dma_wait3A_244 = tpu.memref_slice %arg6[%dma_wait3A_242, %dma_wait3A_243] : memref<160x128xi32, #tpu.memory_space<vmem>> -> memref<1x128xi32, #tpu.memory_space<vmem>>
      %dma_wait3A_245 = tpu.memref_squeeze %dma_wait3A_244 : memref<1x128xi32, #tpu.memory_space<vmem>> -> memref<128xi32, #tpu.memory_space<vmem>>
      %dma_wait3A_246 = arith.constant 0 : i32
      %dma_wait3A_247 = arith.constant 0 : i32
      %dma_wait3A_248 = tpu.memref_slice %arg2[%dma_wait3A_246, %dma_wait3A_247] : memref<40000x32xf32, #tpu.memory_space<hbm>> -> memref<40000x32xf32, #tpu.memory_space<hbm>>
      tpu.wait_indirect_dma semaphore(%arg16 : memref<!tpu.dma_semaphore, #tpu.memory_space<semaphore_mem>>) src(%dma_wait3A_248 : memref<40000x32xf32, #tpu.memory_space<hbm>>) dst(%arg11 : memref<128x32xf32, #tpu.memory_space<vmem>>)
      %add3A_249 = arith.constant 3 : i32
      %add3A_250 = arith.addi %mul3A_196, %add3A_249 : i32
      %dma_start3A_251 = arith.constant 0 : i32
      %dma_start3A_252 = tpu.memref_slice %arg7[%add3A_250, %dma_start3A_251] : memref<160x128xi32, #tpu.memory_space<vmem>> -> memref<1x128xi32, #tpu.memory_space<vmem>>
      %dma_start3A_253 = tpu.memref_squeeze %dma_start3A_252 : memref<1x128xi32, #tpu.memory_space<vmem>> -> memref<128xi32, #tpu.memory_space<vmem>>
      %dma_start3A_254 = arith.constant 0 : i32
      %dma_start3A_255 = arith.constant 0 : i32
      %dma_start3A_256 = tpu.memref_slice %arg12[%dma_start3A_254, %dma_start3A_255] : memref<10240x32xf32, #tpu.memory_space<vmem_shared>> -> memref<10240x32xf32, #tpu.memory_space<vmem_shared>>
      tpu.enqueue_indirect_dma source(%arg11 : memref<128x32xf32, #tpu.memory_space<vmem>>) target(%dma_start3A_256 : memref<10240x32xf32, #tpu.memory_space<vmem_shared>>) offsets(%dma_start3A_253 : memref<128xi32, #tpu.memory_space<vmem>>) semaphore(%arg20 : memref<!tpu.dma_semaphore, #tpu.memory_space<semaphore_mem>>) {add = true}
      %add3A_257 = arith.constant 0 : i32
      %add3A_258 = arith.addi %mul3A_196, %add3A_257 : i32
      %add3A_259 = arith.constant 4 : i32
      %add3A_260 = arith.addi %add3A_258, %add3A_259 : i32
      %lt3A = arith.constant 160 : i32
      %lt3A_261 = arith.cmpi slt, %add3A_260, %lt3A : i32
      %convert_element_type3A_262 = arith.extui %lt3A_261 : i1 to i32
      %cond3A_263 = arith.constant 0 : i32
      %cond3A_264 = arith.cmpi ne, %convert_element_type3A_262, %cond3A_263 : i32
      scf.if %cond3A_264 {
        %dma_wait3A_292 = arith.constant 0 : i32
        %dma_wait3A_293 = arith.constant 0 : i32
        %dma_wait3A_294 = tpu.memref_slice %arg7[%dma_wait3A_292, %dma_wait3A_293] : memref<160x128xi32, #tpu.memory_space<vmem>> -> memref<1x128xi32, #tpu.memory_space<vmem>>
        %dma_wait3A_295 = tpu.memref_squeeze %dma_wait3A_294 : memref<1x128xi32, #tpu.memory_space<vmem>> -> memref<128xi32, #tpu.memory_space<vmem>>
        %dma_wait3A_296 = arith.constant 0 : i32
        %dma_wait3A_297 = arith.constant 0 : i32
        %dma_wait3A_298 = tpu.memref_slice %arg12[%dma_wait3A_296, %dma_wait3A_297] : memref<10240x32xf32, #tpu.memory_space<vmem_shared>> -> memref<10240x32xf32, #tpu.memory_space<vmem_shared>>
        tpu.wait_indirect_dma semaphore(%arg17 : memref<!tpu.dma_semaphore, #tpu.memory_space<semaphore_mem>>) src(%arg8 : memref<128x32xf32, #tpu.memory_space<vmem>>) dst(%dma_wait3A_298 : memref<10240x32xf32, #tpu.memory_space<vmem_shared>>)
        %add3A_299 = arith.constant 0 : i32
        %add3A_300 = arith.addi %mul3A_196, %add3A_299 : i32
        %add3A_301 = arith.constant 4 : i32
        %add3A_302 = arith.addi %add3A_300, %add3A_301 : i32
        %dma_start3A_303 = arith.constant 0 : i32
        %dma_start3A_304 = tpu.memref_slice %arg6[%add3A_302, %dma_start3A_303] : memref<160x128xi32, #tpu.memory_space<vmem>> -> memref<1x128xi32, #tpu.memory_space<vmem>>
        %dma_start3A_305 = tpu.memref_squeeze %dma_start3A_304 : memref<1x128xi32, #tpu.memory_space<vmem>> -> memref<128xi32, #tpu.memory_space<vmem>>
        %dma_start3A_306 = arith.constant 0 : i32
        %dma_start3A_307 = arith.constant 0 : i32
        %dma_start3A_308 = tpu.memref_slice %arg2[%dma_start3A_306, %dma_start3A_307] : memref<40000x32xf32, #tpu.memory_space<hbm>> -> memref<40000x32xf32, #tpu.memory_space<hbm>>
        tpu.enqueue_indirect_dma source(%dma_start3A_308 : memref<40000x32xf32, #tpu.memory_space<hbm>>) target(%arg8 : memref<128x32xf32, #tpu.memory_space<vmem>>) offsets(%dma_start3A_305 : memref<128xi32, #tpu.memory_space<vmem>>) semaphore(%arg13 : memref<!tpu.dma_semaphore, #tpu.memory_space<semaphore_mem>>)
      } else {
      }
      %add3A_265 = arith.constant 1 : i32
      %add3A_266 = arith.addi %mul3A_196, %add3A_265 : i32
      %add3A_267 = arith.constant 4 : i32
      %add3A_268 = arith.addi %add3A_266, %add3A_267 : i32
      %lt3A_269 = arith.constant 160 : i32
      %lt3A_270 = arith.cmpi slt, %add3A_268, %lt3A_269 : i32
      %convert_element_type3A_271 = arith.extui %lt3A_270 : i1 to i32
      %cond3A_272 = arith.constant 0 : i32
      %cond3A_273 = arith.cmpi ne, %convert_element_type3A_271, %cond3A_272 : i32
      scf.if %cond3A_273 {
        %dma_wait3A_292 = arith.constant 0 : i32
        %dma_wait3A_293 = arith.constant 0 : i32
        %dma_wait3A_294 = tpu.memref_slice %arg7[%dma_wait3A_292, %dma_wait3A_293] : memref<160x128xi32, #tpu.memory_space<vmem>> -> memref<1x128xi32, #tpu.memory_space<vmem>>
        %dma_wait3A_295 = tpu.memref_squeeze %dma_wait3A_294 : memref<1x128xi32, #tpu.memory_space<vmem>> -> memref<128xi32, #tpu.memory_space<vmem>>
        %dma_wait3A_296 = arith.constant 0 : i32
        %dma_wait3A_297 = arith.constant 0 : i32
        %dma_wait3A_298 = tpu.memref_slice %arg12[%dma_wait3A_296, %dma_wait3A_297] : memref<10240x32xf32, #tpu.memory_space<vmem_shared>> -> memref<10240x32xf32, #tpu.memory_space<vmem_shared>>
        tpu.wait_indirect_dma semaphore(%arg18 : memref<!tpu.dma_semaphore, #tpu.memory_space<semaphore_mem>>) src(%arg9 : memref<128x32xf32, #tpu.memory_space<vmem>>) dst(%dma_wait3A_298 : memref<10240x32xf32, #tpu.memory_space<vmem_shared>>)
        %add3A_299 = arith.constant 1 : i32
        %add3A_300 = arith.addi %mul3A_196, %add3A_299 : i32
        %add3A_301 = arith.constant 4 : i32
        %add3A_302 = arith.addi %add3A_300, %add3A_301 : i32
        %dma_start3A_303 = arith.constant 0 : i32
        %dma_start3A_304 = tpu.memref_slice %arg6[%add3A_302, %dma_start3A_303] : memref<160x128xi32, #tpu.memory_space<vmem>> -> memref<1x128xi32, #tpu.memory_space<vmem>>
        %dma_start3A_305 = tpu.memref_squeeze %dma_start3A_304 : memref<1x128xi32, #tpu.memory_space<vmem>> -> memref<128xi32, #tpu.memory_space<vmem>>
        %dma_start3A_306 = arith.constant 0 : i32
        %dma_start3A_307 = arith.constant 0 : i32
        %dma_start3A_308 = tpu.memref_slice %arg2[%dma_start3A_306, %dma_start3A_307] : memref<40000x32xf32, #tpu.memory_space<hbm>> -> memref<40000x32xf32, #tpu.memory_space<hbm>>
        tpu.enqueue_indirect_dma source(%dma_start3A_308 : memref<40000x32xf32, #tpu.memory_space<hbm>>) target(%arg9 : memref<128x32xf32, #tpu.memory_space<vmem>>) offsets(%dma_start3A_305 : memref<128xi32, #tpu.memory_space<vmem>>) semaphore(%arg14 : memref<!tpu.dma_semaphore, #tpu.memory_space<semaphore_mem>>)
      } else {
      }
      %add3A_274 = arith.constant 2 : i32
      %add3A_275 = arith.addi %mul3A_196, %add3A_274 : i32
      %add3A_276 = arith.constant 4 : i32
      %add3A_277 = arith.addi %add3A_275, %add3A_276 : i32
      %lt3A_278 = arith.constant 160 : i32
      %lt3A_279 = arith.cmpi slt, %add3A_277, %lt3A_278 : i32
      %convert_element_type3A_280 = arith.extui %lt3A_279 : i1 to i32
      %cond3A_281 = arith.constant 0 : i32
      %cond3A_282 = arith.cmpi ne, %convert_element_type3A_280, %cond3A_281 : i32
      scf.if %cond3A_282 {
        %dma_wait3A_292 = arith.constant 0 : i32
        %dma_wait3A_293 = arith.constant 0 : i32
        %dma_wait3A_294 = tpu.memref_slice %arg7[%dma_wait3A_292, %dma_wait3A_293] : memref<160x128xi32, #tpu.memory_space<vmem>> -> memref<1x128xi32, #tpu.memory_space<vmem>>
        %dma_wait3A_295 = tpu.memref_squeeze %dma_wait3A_294 : memref<1x128xi32, #tpu.memory_space<vmem>> -> memref<128xi32, #tpu.memory_space<vmem>>
        %dma_wait3A_296 = arith.constant 0 : i32
        %dma_wait3A_297 = arith.constant 0 : i32
        %dma_wait3A_298 = tpu.memref_slice %arg12[%dma_wait3A_296, %dma_wait3A_297] : memref<10240x32xf32, #tpu.memory_space<vmem_shared>> -> memref<10240x32xf32, #tpu.memory_space<vmem_shared>>
        tpu.wait_indirect_dma semaphore(%arg19 : memref<!tpu.dma_semaphore, #tpu.memory_space<semaphore_mem>>) src(%arg10 : memref<128x32xf32, #tpu.memory_space<vmem>>) dst(%dma_wait3A_298 : memref<10240x32xf32, #tpu.memory_space<vmem_shared>>)
        %add3A_299 = arith.constant 2 : i32
        %add3A_300 = arith.addi %mul3A_196, %add3A_299 : i32
        %add3A_301 = arith.constant 4 : i32
        %add3A_302 = arith.addi %add3A_300, %add3A_301 : i32
        %dma_start3A_303 = arith.constant 0 : i32
        %dma_start3A_304 = tpu.memref_slice %arg6[%add3A_302, %dma_start3A_303] : memref<160x128xi32, #tpu.memory_space<vmem>> -> memref<1x128xi32, #tpu.memory_space<vmem>>
        %dma_start3A_305 = tpu.memref_squeeze %dma_start3A_304 : memref<1x128xi32, #tpu.memory_space<vmem>> -> memref<128xi32, #tpu.memory_space<vmem>>
        %dma_start3A_306 = arith.constant 0 : i32
        %dma_start3A_307 = arith.constant 0 : i32
        %dma_start3A_308 = tpu.memref_slice %arg2[%dma_start3A_306, %dma_start3A_307] : memref<40000x32xf32, #tpu.memory_space<hbm>> -> memref<40000x32xf32, #tpu.memory_space<hbm>>
        tpu.enqueue_indirect_dma source(%dma_start3A_308 : memref<40000x32xf32, #tpu.memory_space<hbm>>) target(%arg10 : memref<128x32xf32, #tpu.memory_space<vmem>>) offsets(%dma_start3A_305 : memref<128xi32, #tpu.memory_space<vmem>>) semaphore(%arg15 : memref<!tpu.dma_semaphore, #tpu.memory_space<semaphore_mem>>)
      } else {
      }
      %add3A_283 = arith.constant 3 : i32
      %add3A_284 = arith.addi %mul3A_196, %add3A_283 : i32
      %add3A_285 = arith.constant 4 : i32
      %add3A_286 = arith.addi %add3A_284, %add3A_285 : i32
      %lt3A_287 = arith.constant 160 : i32
      %lt3A_288 = arith.cmpi slt, %add3A_286, %lt3A_287 : i32
      %convert_element_type3A_289 = arith.extui %lt3A_288 : i1 to i32
      %cond3A_290 = arith.constant 0 : i32
      %cond3A_291 = arith.cmpi ne, %convert_element_type3A_289, %cond3A_290 : i32
      scf.if %cond3A_291 {
        %dma_wait3A_292 = arith.constant 0 : i32
        %dma_wait3A_293 = arith.constant 0 : i32
        %dma_wait3A_294 = tpu.memref_slice %arg7[%dma_wait3A_292, %dma_wait3A_293] : memref<160x128xi32, #tpu.memory_space<vmem>> -> memref<1x128xi32, #tpu.memory_space<vmem>>
        %dma_wait3A_295 = tpu.memref_squeeze %dma_wait3A_294 : memref<1x128xi32, #tpu.memory_space<vmem>> -> memref<128xi32, #tpu.memory_space<vmem>>
        %dma_wait3A_296 = arith.constant 0 : i32
        %dma_wait3A_297 = arith.constant 0 : i32
        %dma_wait3A_298 = tpu.memref_slice %arg12[%dma_wait3A_296, %dma_wait3A_297] : memref<10240x32xf32, #tpu.memory_space<vmem_shared>> -> memref<10240x32xf32, #tpu.memory_space<vmem_shared>>
        tpu.wait_indirect_dma semaphore(%arg20 : memref<!tpu.dma_semaphore, #tpu.memory_space<semaphore_mem>>) src(%arg11 : memref<128x32xf32, #tpu.memory_space<vmem>>) dst(%dma_wait3A_298 : memref<10240x32xf32, #tpu.memory_space<vmem_shared>>)
        %add3A_299 = arith.constant 3 : i32
        %add3A_300 = arith.addi %mul3A_196, %add3A_299 : i32
        %add3A_301 = arith.constant 4 : i32
        %add3A_302 = arith.addi %add3A_300, %add3A_301 : i32
        %dma_start3A_303 = arith.constant 0 : i32
        %dma_start3A_304 = tpu.memref_slice %arg6[%add3A_302, %dma_start3A_303] : memref<160x128xi32, #tpu.memory_space<vmem>> -> memref<1x128xi32, #tpu.memory_space<vmem>>
        %dma_start3A_305 = tpu.memref_squeeze %dma_start3A_304 : memref<1x128xi32, #tpu.memory_space<vmem>> -> memref<128xi32, #tpu.memory_space<vmem>>
        %dma_start3A_306 = arith.constant 0 : i32
        %dma_start3A_307 = arith.constant 0 : i32
        %dma_start3A_308 = tpu.memref_slice %arg2[%dma_start3A_306, %dma_start3A_307] : memref<40000x32xf32, #tpu.memory_space<hbm>> -> memref<40000x32xf32, #tpu.memory_space<hbm>>
        tpu.enqueue_indirect_dma source(%dma_start3A_308 : memref<40000x32xf32, #tpu.memory_space<hbm>>) target(%arg11 : memref<128x32xf32, #tpu.memory_space<vmem>>) offsets(%dma_start3A_305 : memref<128xi32, #tpu.memory_space<vmem>>) semaphore(%arg16 : memref<!tpu.dma_semaphore, #tpu.memory_space<semaphore_mem>>)
      } else {
      }
    }
    %scan3A_57 = arith.constant 40 : i32
    %dma_wait3A = arith.constant 0 : i32
    %dma_wait3A_58 = arith.constant 0 : i32
    %dma_wait3A_59 = tpu.memref_slice %arg7[%dma_wait3A, %dma_wait3A_58] : memref<160x128xi32, #tpu.memory_space<vmem>> -> memref<1x128xi32, #tpu.memory_space<vmem>>
    %dma_wait3A_60 = tpu.memref_squeeze %dma_wait3A_59 : memref<1x128xi32, #tpu.memory_space<vmem>> -> memref<128xi32, #tpu.memory_space<vmem>>
    %dma_wait3A_61 = arith.constant 0 : i32
    %dma_wait3A_62 = arith.constant 0 : i32
    %dma_wait3A_63 = tpu.memref_slice %arg12[%dma_wait3A_61, %dma_wait3A_62] : memref<10240x32xf32, #tpu.memory_space<vmem_shared>> -> memref<10240x32xf32, #tpu.memory_space<vmem_shared>>
    tpu.wait_indirect_dma semaphore(%arg17 : memref<!tpu.dma_semaphore, #tpu.memory_space<semaphore_mem>>) src(%arg8 : memref<128x32xf32, #tpu.memory_space<vmem>>) dst(%dma_wait3A_63 : memref<10240x32xf32, #tpu.memory_space<vmem_shared>>)
    %dma_wait3A_64 = arith.constant 0 : i32
    %dma_wait3A_65 = arith.constant 0 : i32
    %dma_wait3A_66 = tpu.memref_slice %arg7[%dma_wait3A_64, %dma_wait3A_65] : memref<160x128xi32, #tpu.memory_space<vmem>> -> memref<1x128xi32, #tpu.memory_space<vmem>>
    %dma_wait3A_67 = tpu.memref_squeeze %dma_wait3A_66 : memref<1x128xi32, #tpu.memory_space<vmem>> -> memref<128xi32, #tpu.memory_space<vmem>>
    %dma_wait3A_68 = arith.constant 0 : i32
    %dma_wait3A_69 = arith.constant 0 : i32
    %dma_wait3A_70 = tpu.memref_slice %arg12[%dma_wait3A_68, %dma_wait3A_69] : memref<10240x32xf32, #tpu.memory_space<vmem_shared>> -> memref<10240x32xf32, #tpu.memory_space<vmem_shared>>
    tpu.wait_indirect_dma semaphore(%arg18 : memref<!tpu.dma_semaphore, #tpu.memory_space<semaphore_mem>>) src(%arg9 : memref<128x32xf32, #tpu.memory_space<vmem>>) dst(%dma_wait3A_70 : memref<10240x32xf32, #tpu.memory_space<vmem_shared>>)
    %dma_wait3A_71 = arith.constant 0 : i32
    %dma_wait3A_72 = arith.constant 0 : i32
    %dma_wait3A_73 = tpu.memref_slice %arg7[%dma_wait3A_71, %dma_wait3A_72] : memref<160x128xi32, #tpu.memory_space<vmem>> -> memref<1x128xi32, #tpu.memory_space<vmem>>
    %dma_wait3A_74 = tpu.memref_squeeze %dma_wait3A_73 : memref<1x128xi32, #tpu.memory_space<vmem>> -> memref<128xi32, #tpu.memory_space<vmem>>
    %dma_wait3A_75 = arith.constant 0 : i32
    %dma_wait3A_76 = arith.constant 0 : i32
    %dma_wait3A_77 = tpu.memref_slice %arg12[%dma_wait3A_75, %dma_wait3A_76] : memref<10240x32xf32, #tpu.memory_space<vmem_shared>> -> memref<10240x32xf32, #tpu.memory_space<vmem_shared>>
    tpu.wait_indirect_dma semaphore(%arg19 : memref<!tpu.dma_semaphore, #tpu.memory_space<semaphore_mem>>) src(%arg10 : memref<128x32xf32, #tpu.memory_space<vmem>>) dst(%dma_wait3A_77 : memref<10240x32xf32, #tpu.memory_space<vmem_shared>>)
    %dma_wait3A_78 = arith.constant 0 : i32
    %dma_wait3A_79 = arith.constant 0 : i32
    %dma_wait3A_80 = tpu.memref_slice %arg7[%dma_wait3A_78, %dma_wait3A_79] : memref<160x128xi32, #tpu.memory_space<vmem>> -> memref<1x128xi32, #tpu.memory_space<vmem>>
    %dma_wait3A_81 = tpu.memref_squeeze %dma_wait3A_80 : memref<1x128xi32, #tpu.memory_space<vmem>> -> memref<128xi32, #tpu.memory_space<vmem>>
    %dma_wait3A_82 = arith.constant 0 : i32
    %dma_wait3A_83 = arith.constant 0 : i32
    %dma_wait3A_84 = tpu.memref_slice %arg12[%dma_wait3A_82, %dma_wait3A_83] : memref<10240x32xf32, #tpu.memory_space<vmem_shared>> -> memref<10240x32xf32, #tpu.memory_space<vmem_shared>>
    tpu.wait_indirect_dma semaphore(%arg20 : memref<!tpu.dma_semaphore, #tpu.memory_space<semaphore_mem>>) src(%arg11 : memref<128x32xf32, #tpu.memory_space<vmem>>) dst(%dma_wait3A_84 : memref<10240x32xf32, #tpu.memory_space<vmem_shared>>)
    %barrier3A_85 = arith.constant 0 : index
    tpu.barrier barrier_id(%barrier3A_85)
    %mul3A_86 = arith.constant 624 : i32
    %mul3A_87 = arith.muli %arg1, %mul3A_86 : i32
    "tpu.region"() ({
      %run_scoped3A = tpu.sem_alloc : memref<!tpu.dma_semaphore, #tpu.memory_space<semaphore_mem>>
      %dma_start3A_190 = arith.constant 0 : i32
      %dma_start3A_191 = tpu.memref_slice %arg5[%arg0, %mul3A_87, %dma_start3A_190] : memref<4x10000x32xf32, #tpu.memory_space<hbm>> -> memref<1x624x32xf32, #tpu.memory_space<hbm>>
      %dma_start3A_192 = tpu.memref_squeeze %dma_start3A_191 : memref<1x624x32xf32, #tpu.memory_space<hbm>> -> memref<624x32xf32, #tpu.memory_space<hbm>>
      %dma_start3A_193 = arith.constant 0 : i32
      %dma_start3A_194 = tpu.memref_slice %arg12[%mul3A_87, %dma_start3A_193] : memref<10240x32xf32, #tpu.memory_space<vmem_shared>> -> memref<624x32xf32, #tpu.memory_space<vmem_shared>>
      tpu.enqueue_dma source(%dma_start3A_194 : memref<624x32xf32, #tpu.memory_space<vmem_shared>>) target(%dma_start3A_192 : memref<624x32xf32, #tpu.memory_space<hbm>>) target_semaphore(%run_scoped3A : memref<!tpu.dma_semaphore, #tpu.memory_space<semaphore_mem>>)
      %dma_wait3A_195 = arith.constant 0 : i32
      %dma_wait3A_196 = tpu.memref_slice %arg5[%arg0, %mul3A_87, %dma_wait3A_195] : memref<4x10000x32xf32, #tpu.memory_space<hbm>> -> memref<1x624x32xf32, #tpu.memory_space<hbm>>
      %dma_wait3A_197 = tpu.memref_squeeze %dma_wait3A_196 : memref<1x624x32xf32, #tpu.memory_space<hbm>> -> memref<624x32xf32, #tpu.memory_space<hbm>>
      %dma_wait3A_198 = arith.constant 0 : i32
      %dma_wait3A_199 = tpu.memref_slice %arg12[%mul3A_87, %dma_wait3A_198] : memref<10240x32xf32, #tpu.memory_space<vmem_shared>> -> memref<624x32xf32, #tpu.memory_space<vmem_shared>>
      tpu.wait_dma2 semaphore(%run_scoped3A : memref<!tpu.dma_semaphore, #tpu.memory_space<semaphore_mem>>) src(%dma_wait3A_199 : memref<624x32xf32, #tpu.memory_space<vmem_shared>>) dst(%dma_wait3A_197 : memref<624x32xf32, #tpu.memory_space<hbm>>)
      tpu.yield
    }) : () -> ()
    %eq3A = arith.constant 15 : i32
    %eq3A_88 = arith.cmpi eq, %arg1, %eq3A : i32
    %convert_element_type3A = arith.extui %eq3A_88 : i1 to i32
    %cond3A = arith.constant 0 : i32
    %cond3A_89 = arith.cmpi ne, %convert_element_type3A, %cond3A : i32
    scf.if %cond3A_89 {
      "tpu.region"() ({
        %run_scoped3A = tpu.sem_alloc : memref<!tpu.dma_semaphore, #tpu.memory_space<semaphore_mem>>
        %dma_start3A_190 = arith.constant 9984 : i32
        %dma_start3A_191 = arith.constant 0 : i32
        %dma_start3A_192 = tpu.memref_slice %arg5[%arg0, %dma_start3A_190, %dma_start3A_191] : memref<4x10000x32xf32, #tpu.memory_space<hbm>> -> memref<1x16x32xf32, #tpu.memory_space<hbm>>
        %dma_start3A_193 = tpu.memref_squeeze %dma_start3A_192 : memref<1x16x32xf32, #tpu.memory_space<hbm>> -> memref<16x32xf32, #tpu.memory_space<hbm>>
        %dma_start3A_194 = arith.constant 9984 : i32
        %dma_start3A_195 = arith.constant 0 : i32
        %dma_start3A_196 = tpu.memref_slice %arg12[%dma_start3A_194, %dma_start3A_195] : memref<10240x32xf32, #tpu.memory_space<vmem_shared>> -> memref<16x32xf32, #tpu.memory_space<vmem_shared>>
        tpu.enqueue_dma source(%dma_start3A_196 : memref<16x32xf32, #tpu.memory_space<vmem_shared>>) target(%dma_start3A_193 : memref<16x32xf32, #tpu.memory_space<hbm>>) target_semaphore(%run_scoped3A : memref<!tpu.dma_semaphore, #tpu.memory_space<semaphore_mem>>)
        %dma_wait3A_197 = arith.constant 9984 : i32
        %dma_wait3A_198 = arith.constant 0 : i32
        %dma_wait3A_199 = tpu.memref_slice %arg5[%arg0, %dma_wait3A_197, %dma_wait3A_198] : memref<4x10000x32xf32, #tpu.memory_space<hbm>> -> memref<1x16x32xf32, #tpu.memory_space<hbm>>
        %dma_wait3A_200 = tpu.memref_squeeze %dma_wait3A_199 : memref<1x16x32xf32, #tpu.memory_space<hbm>> -> memref<16x32xf32, #tpu.memory_space<hbm>>
        %dma_wait3A_201 = arith.constant 9984 : i32
        %dma_wait3A_202 = arith.constant 0 : i32
        %dma_wait3A_203 = tpu.memref_slice %arg12[%dma_wait3A_201, %dma_wait3A_202] : memref<10240x32xf32, #tpu.memory_space<vmem_shared>> -> memref<16x32xf32, #tpu.memory_space<vmem_shared>>
        tpu.wait_dma2 semaphore(%run_scoped3A : memref<!tpu.dma_semaphore, #tpu.memory_space<semaphore_mem>>) src(%dma_wait3A_203 : memref<16x32xf32, #tpu.memory_space<vmem_shared>>) dst(%dma_wait3A_200 : memref<16x32xf32, #tpu.memory_space<hbm>>)
        tpu.yield
      }) : () -> ()
    } else {
    }
    %barrier3A_90 = arith.constant 0 : index
    tpu.barrier barrier_id(%barrier3A_90)
    %broadcast_in_dim3A_91 = arith.constant 0 : i32
    %broadcast_in_dim3A_92 = vector.broadcast %broadcast_in_dim3A_91 : i32 to vector<16xi32>
    %add3A_93 = arith.constant 20000 : i32
    %add3A_94 = vector.broadcast %add3A_93 : i32 to vector<16xi32>
    %add3A_95 = arith.addi %broadcast_in_dim3A_92, %add3A_94 : vector<16xi32>
    %scan3A_96 = arith.constant 0 : i32
    %scan3A_97 = arith.constant 160 : i32
    %scan3A_98 = arith.addi %scan3A_96, %scan3A_97 : i32
    %scan3A_99 = arith.constant 1 : i32
    scf.for %scan3A_190 = %scan3A_96 to %scan3A_98 step %scan3A_99  : i32 {
      %mul3A_191 = arith.constant 1 : i32
      %mul3A_192 = arith.muli %scan3A_190, %mul3A_191 : i32
      %add3A_193 = arith.constant 0 : i32
      %add3A_194 = arith.addi %add3A_193, %mul3A_192 : i32
      %get3A = arith.index_cast %add3A_194 : i32 to index
      %get3A_195 = arith.constant 0 : index
      %get3A_196 = tpu.vector_load %arg6[%get3A, %get3A_195] {strides = array<i32>} : memref<160x128xi32, #tpu.memory_space<vmem>>, vector<1x16xi32>,
      %get3A_197 = vector.shape_cast %get3A_196 : vector<1x16xi32> to vector<16xi32>
      %add3A_198 = arith.addi %get3A_197, %add3A_95 : vector<16xi32>
      %swap3A = arith.index_cast %add3A_194 : i32 to index
      %swap3A_199 = arith.constant 0 : index
      %swap3A_200 = tpu.vector_load %arg6[%swap3A, %swap3A_199] {strides = array<i32>} : memref<160x128xi32, #tpu.memory_space<vmem>>, vector<1x16xi32>,
      %swap3A_201 = vector.shape_cast %swap3A_200 : vector<1x16xi32> to vector<16xi32>
      %swap3A_202 = vector.shape_cast %add3A_198 : vector<16xi32> to vector<1x16xi32>
      tpu.vector_store %arg6[%swap3A, %swap3A_199], %swap3A_202 {strides = array<i32>} : memref<160x128xi32, #tpu.memory_space<vmem>>, vector<1x16xi32>,
      %get3A_203 = arith.index_cast %add3A_194 : i32 to index
      %get3A_204 = arith.constant 16 : index
      %get3A_205 = tpu.vector_load %arg6[%get3A_203, %get3A_204] {strides = array<i32>} : memref<160x128xi32, #tpu.memory_space<vmem>>, vector<1x16xi32>,
      %get3A_206 = vector.shape_cast %get3A_205 : vector<1x16xi32> to vector<16xi32>
      %add3A_207 = arith.addi %get3A_206, %add3A_95 : vector<16xi32>
      %swap3A_208 = arith.index_cast %add3A_194 : i32 to index
      %swap3A_209 = arith.constant 16 : index
      %swap3A_210 = tpu.vector_load %arg6[%swap3A_208, %swap3A_209] {strides = array<i32>} : memref<160x128xi32, #tpu.memory_space<vmem>>, vector<1x16xi32>,
      %swap3A_211 = vector.shape_cast %swap3A_210 : vector<1x16xi32> to vector<16xi32>
      %swap3A_212 = vector.shape_cast %add3A_207 : vector<16xi32> to vector<1x16xi32>
      tpu.vector_store %arg6[%swap3A_208, %swap3A_209], %swap3A_212 {strides = array<i32>} : memref<160x128xi32, #tpu.memory_space<vmem>>, vector<1x16xi32>,
      %get3A_213 = arith.index_cast %add3A_194 : i32 to index
      %get3A_214 = arith.constant 32 : index
      %get3A_215 = tpu.vector_load %arg6[%get3A_213, %get3A_214] {strides = array<i32>} : memref<160x128xi32, #tpu.memory_space<vmem>>, vector<1x16xi32>,
      %get3A_216 = vector.shape_cast %get3A_215 : vector<1x16xi32> to vector<16xi32>
      %add3A_217 = arith.addi %get3A_216, %add3A_95 : vector<16xi32>
      %swap3A_218 = arith.index_cast %add3A_194 : i32 to index
      %swap3A_219 = arith.constant 32 : index
      %swap3A_220 = tpu.vector_load %arg6[%swap3A_218, %swap3A_219] {strides = array<i32>} : memref<160x128xi32, #tpu.memory_space<vmem>>, vector<1x16xi32>,
      %swap3A_221 = vector.shape_cast %swap3A_220 : vector<1x16xi32> to vector<16xi32>
      %swap3A_222 = vector.shape_cast %add3A_217 : vector<16xi32> to vector<1x16xi32>
      tpu.vector_store %arg6[%swap3A_218, %swap3A_219], %swap3A_222 {strides = array<i32>} : memref<160x128xi32, #tpu.memory_space<vmem>>, vector<1x16xi32>,
      %get3A_223 = arith.index_cast %add3A_194 : i32 to index
      %get3A_224 = arith.constant 48 : index
      %get3A_225 = tpu.vector_load %arg6[%get3A_223, %get3A_224] {strides = array<i32>} : memref<160x128xi32, #tpu.memory_space<vmem>>, vector<1x16xi32>,
      %get3A_226 = vector.shape_cast %get3A_225 : vector<1x16xi32> to vector<16xi32>
      %add3A_227 = arith.addi %get3A_226, %add3A_95 : vector<16xi32>
      %swap3A_228 = arith.index_cast %add3A_194 : i32 to index
      %swap3A_229 = arith.constant 48 : index
      %swap3A_230 = tpu.vector_load %arg6[%swap3A_228, %swap3A_229] {strides = array<i32>} : memref<160x128xi32, #tpu.memory_space<vmem>>, vector<1x16xi32>,
      %swap3A_231 = vector.shape_cast %swap3A_230 : vector<1x16xi32> to vector<16xi32>
      %swap3A_232 = vector.shape_cast %add3A_227 : vector<16xi32> to vector<1x16xi32>
      tpu.vector_store %arg6[%swap3A_228, %swap3A_229], %swap3A_232 {strides = array<i32>} : memref<160x128xi32, #tpu.memory_space<vmem>>, vector<1x16xi32>,
      %get3A_233 = arith.index_cast %add3A_194 : i32 to index
      %get3A_234 = arith.constant 64 : index
      %get3A_235 = tpu.vector_load %arg6[%get3A_233, %get3A_234] {strides = array<i32>} : memref<160x128xi32, #tpu.memory_space<vmem>>, vector<1x16xi32>,
      %get3A_236 = vector.shape_cast %get3A_235 : vector<1x16xi32> to vector<16xi32>
      %add3A_237 = arith.addi %get3A_236, %add3A_95 : vector<16xi32>
      %swap3A_238 = arith.index_cast %add3A_194 : i32 to index
      %swap3A_239 = arith.constant 64 : index
      %swap3A_240 = tpu.vector_load %arg6[%swap3A_238, %swap3A_239] {strides = array<i32>} : memref<160x128xi32, #tpu.memory_space<vmem>>, vector<1x16xi32>,
      %swap3A_241 = vector.shape_cast %swap3A_240 : vector<1x16xi32> to vector<16xi32>
      %swap3A_242 = vector.shape_cast %add3A_237 : vector<16xi32> to vector<1x16xi32>
      tpu.vector_store %arg6[%swap3A_238, %swap3A_239], %swap3A_242 {strides = array<i32>} : memref<160x128xi32, #tpu.memory_space<vmem>>, vector<1x16xi32>,
      %get3A_243 = arith.index_cast %add3A_194 : i32 to index
      %get3A_244 = arith.constant 80 : index
      %get3A_245 = tpu.vector_load %arg6[%get3A_243, %get3A_244] {strides = array<i32>} : memref<160x128xi32, #tpu.memory_space<vmem>>, vector<1x16xi32>,
      %get3A_246 = vector.shape_cast %get3A_245 : vector<1x16xi32> to vector<16xi32>
      %add3A_247 = arith.addi %get3A_246, %add3A_95 : vector<16xi32>
      %swap3A_248 = arith.index_cast %add3A_194 : i32 to index
      %swap3A_249 = arith.constant 80 : index
      %swap3A_250 = tpu.vector_load %arg6[%swap3A_248, %swap3A_249] {strides = array<i32>} : memref<160x128xi32, #tpu.memory_space<vmem>>, vector<1x16xi32>,
      %swap3A_251 = vector.shape_cast %swap3A_250 : vector<1x16xi32> to vector<16xi32>
      %swap3A_252 = vector.shape_cast %add3A_247 : vector<16xi32> to vector<1x16xi32>
      tpu.vector_store %arg6[%swap3A_248, %swap3A_249], %swap3A_252 {strides = array<i32>} : memref<160x128xi32, #tpu.memory_space<vmem>>, vector<1x16xi32>,
      %get3A_253 = arith.index_cast %add3A_194 : i32 to index
      %get3A_254 = arith.constant 96 : index
      %get3A_255 = tpu.vector_load %arg6[%get3A_253, %get3A_254] {strides = array<i32>} : memref<160x128xi32, #tpu.memory_space<vmem>>, vector<1x16xi32>,
      %get3A_256 = vector.shape_cast %get3A_255 : vector<1x16xi32> to vector<16xi32>
      %add3A_257 = arith.addi %get3A_256, %add3A_95 : vector<16xi32>
      %swap3A_258 = arith.index_cast %add3A_194 : i32 to index
      %swap3A_259 = arith.constant 96 : index
      %swap3A_260 = tpu.vector_load %arg6[%swap3A_258, %swap3A_259] {strides = array<i32>} : memref<160x128xi32, #tpu.memory_space<vmem>>, vector<1x16xi32>,
      %swap3A_261 = vector.shape_cast %swap3A_260 : vector<1x16xi32> to vector<16xi32>
      %swap3A_262 = vector.shape_cast %add3A_257 : vector<16xi32> to vector<1x16xi32>
      tpu.vector_store %arg6[%swap3A_258, %swap3A_259], %swap3A_262 {strides = array<i32>} : memref<160x128xi32, #tpu.memory_space<vmem>>, vector<1x16xi32>,
      %get3A_263 = arith.index_cast %add3A_194 : i32 to index
      %get3A_264 = arith.constant 112 : index
      %get3A_265 = tpu.vector_load %arg6[%get3A_263, %get3A_264] {strides = array<i32>} : memref<160x128xi32, #tpu.memory_space<vmem>>, vector<1x16xi32>,
      %get3A_266 = vector.shape_cast %get3A_265 : vector<1x16xi32> to vector<16xi32>
      %add3A_267 = arith.addi %get3A_266, %add3A_95 : vector<16xi32>
      %swap3A_268 = arith.index_cast %add3A_194 : i32 to index
      %swap3A_269 = arith.constant 112 : index
      %swap3A_270 = tpu.vector_load %arg6[%swap3A_268, %swap3A_269] {strides = array<i32>} : memref<160x128xi32, #tpu.memory_space<vmem>>, vector<1x16xi32>,
      %swap3A_271 = vector.shape_cast %swap3A_270 : vector<1x16xi32> to vector<16xi32>
      %swap3A_272 = vector.shape_cast %add3A_267 : vector<16xi32> to vector<1x16xi32>
      tpu.vector_store %arg6[%swap3A_268, %swap3A_269], %swap3A_272 {strides = array<i32>} : memref<160x128xi32, #tpu.memory_space<vmem>>, vector<1x16xi32>,
    }
    %scan3A_100 = arith.constant 160 : i32
    %add3A_101 = arith.constant 2 : i32
    %add3A_102 = arith.addi %add3A_101, %arg0 : i32
    %scan3A_103 = arith.constant 0 : i32
    %scan3A_104 = arith.constant 128 : i32
    %scan3A_105 = arith.addi %scan3A_103, %scan3A_104 : i32
    %scan3A_106 = arith.constant 1 : i32
    scf.for %scan3A_190 = %scan3A_103 to %scan3A_105 step %scan3A_106  : i32 {
      %mul3A_191 = arith.constant 1 : i32
      %mul3A_192 = arith.muli %scan3A_190, %mul3A_191 : i32
      %add3A_193 = arith.constant 0 : i32
      %add3A_194 = arith.addi %add3A_193, %mul3A_192 : i32
      %broadcast_in_dim3A_195 = arith.constant 0.000000e+00 : f32
      %broadcast_in_dim3A_196 = vector.broadcast %broadcast_in_dim3A_195 : f32 to vector<16xf32>
      %swap3A = arith.index_cast %add3A_194 : i32 to index
      %swap3A_197 = arith.constant 0 : index
      %swap3A_198 = tpu.vector_load %arg8[%swap3A, %swap3A_197] {strides = array<i32>} : memref<128x32xf32, #tpu.memory_space<vmem>>, vector<1x16xf32>,
      %swap3A_199 = vector.shape_cast %swap3A_198 : vector<1x16xf32> to vector<16xf32>
      %swap3A_200 = vector.shape_cast %broadcast_in_dim3A_196 : vector<16xf32> to vector<1x16xf32>
      tpu.vector_store %arg8[%swap3A, %swap3A_197], %swap3A_200 {strides = array<i32>} : memref<128x32xf32, #tpu.memory_space<vmem>>, vector<1x16xf32>,
      %broadcast_in_dim3A_201 = arith.constant 0.000000e+00 : f32
      %broadcast_in_dim3A_202 = vector.broadcast %broadcast_in_dim3A_201 : f32 to vector<16xf32>
      %swap3A_203 = arith.index_cast %add3A_194 : i32 to index
      %swap3A_204 = arith.constant 16 : index
      %swap3A_205 = tpu.vector_load %arg8[%swap3A_203, %swap3A_204] {strides = array<i32>} : memref<128x32xf32, #tpu.memory_space<vmem>>, vector<1x16xf32>,
      %swap3A_206 = vector.shape_cast %swap3A_205 : vector<1x16xf32> to vector<16xf32>
      %swap3A_207 = vector.shape_cast %broadcast_in_dim3A_202 : vector<16xf32> to vector<1x16xf32>
      tpu.vector_store %arg8[%swap3A_203, %swap3A_204], %swap3A_207 {strides = array<i32>} : memref<128x32xf32, #tpu.memory_space<vmem>>, vector<1x16xf32>,
    }
    %scan3A_107 = arith.constant 128 : i32
    %mul3A_108 = arith.constant 640 : i32
    %mul3A_109 = arith.muli %arg1, %mul3A_108 : i32
    %add3A_110 = arith.constant 0 : i32
    %add3A_111 = arith.addi %mul3A_109, %add3A_110 : i32
    "tpu.region"() ({
      %run_scoped3A = tpu.sem_alloc : memref<!tpu.dma_semaphore, #tpu.memory_space<semaphore_mem>>
      %dma_start3A_190 = arith.constant 0 : i32
      %dma_start3A_191 = tpu.memref_slice %arg12[%add3A_111, %dma_start3A_190] : memref<10240x32xf32, #tpu.memory_space<vmem_shared>> -> memref<128x32xf32, #tpu.memory_space<vmem_shared>>
      %dma_start3A_192 = arith.constant 0 : i32
      %dma_start3A_193 = tpu.memref_slice %arg12[%add3A_111, %dma_start3A_192] : memref<10240x32xf32, #tpu.memory_space<vmem_shared>> -> memref<128x32xf32, #tpu.memory_space<vmem_shared>>
      tpu.enqueue_dma source(%arg8 : memref<128x32xf32, #tpu.memory_space<vmem>>) target(%dma_start3A_193 : memref<128x32xf32, #tpu.memory_space<vmem_shared>>) target_semaphore(%run_scoped3A : memref<!tpu.dma_semaphore, #tpu.memory_space<semaphore_mem>>)
      %dma_wait3A_194 = arith.constant 0 : i32
      %dma_wait3A_195 = tpu.memref_slice %arg12[%add3A_111, %dma_wait3A_194] : memref<10240x32xf32, #tpu.memory_space<vmem_shared>> -> memref<128x32xf32, #tpu.memory_space<vmem_shared>>
      %dma_wait3A_196 = arith.constant 0 : i32
      %dma_wait3A_197 = tpu.memref_slice %arg12[%add3A_111, %dma_wait3A_196] : memref<10240x32xf32, #tpu.memory_space<vmem_shared>> -> memref<128x32xf32, #tpu.memory_space<vmem_shared>>
      tpu.wait_dma2 semaphore(%run_scoped3A : memref<!tpu.dma_semaphore, #tpu.memory_space<semaphore_mem>>) src(%arg8 : memref<128x32xf32, #tpu.memory_space<vmem>>) dst(%dma_wait3A_197 : memref<128x32xf32, #tpu.memory_space<vmem_shared>>)
      tpu.yield
    }) : () -> ()
    %add3A_112 = arith.constant 128 : i32
    %add3A_113 = arith.addi %mul3A_109, %add3A_112 : i32
    "tpu.region"() ({
      %run_scoped3A = tpu.sem_alloc : memref<!tpu.dma_semaphore, #tpu.memory_space<semaphore_mem>>
      %dma_start3A_190 = arith.constant 0 : i32
      %dma_start3A_191 = tpu.memref_slice %arg12[%add3A_113, %dma_start3A_190] : memref<10240x32xf32, #tpu.memory_space<vmem_shared>> -> memref<128x32xf32, #tpu.memory_space<vmem_shared>>
      %dma_start3A_192 = arith.constant 0 : i32
      %dma_start3A_193 = tpu.memref_slice %arg12[%add3A_113, %dma_start3A_192] : memref<10240x32xf32, #tpu.memory_space<vmem_shared>> -> memref<128x32xf32, #tpu.memory_space<vmem_shared>>
      tpu.enqueue_dma source(%arg8 : memref<128x32xf32, #tpu.memory_space<vmem>>) target(%dma_start3A_193 : memref<128x32xf32, #tpu.memory_space<vmem_shared>>) target_semaphore(%run_scoped3A : memref<!tpu.dma_semaphore, #tpu.memory_space<semaphore_mem>>)
      %dma_wait3A_194 = arith.constant 0 : i32
      %dma_wait3A_195 = tpu.memref_slice %arg12[%add3A_113, %dma_wait3A_194] : memref<10240x32xf32, #tpu.memory_space<vmem_shared>> -> memref<128x32xf32, #tpu.memory_space<vmem_shared>>
      %dma_wait3A_196 = arith.constant 0 : i32
      %dma_wait3A_197 = tpu.memref_slice %arg12[%add3A_113, %dma_wait3A_196] : memref<10240x32xf32, #tpu.memory_space<vmem_shared>> -> memref<128x32xf32, #tpu.memory_space<vmem_shared>>
      tpu.wait_dma2 semaphore(%run_scoped3A : memref<!tpu.dma_semaphore, #tpu.memory_space<semaphore_mem>>) src(%arg8 : memref<128x32xf32, #tpu.memory_space<vmem>>) dst(%dma_wait3A_197 : memref<128x32xf32, #tpu.memory_space<vmem_shared>>)
      tpu.yield
    }) : () -> ()
    %add3A_114 = arith.constant 256 : i32
    %add3A_115 = arith.addi %mul3A_109, %add3A_114 : i32
    "tpu.region"() ({
      %run_scoped3A = tpu.sem_alloc : memref<!tpu.dma_semaphore, #tpu.memory_space<semaphore_mem>>
      %dma_start3A_190 = arith.constant 0 : i32
      %dma_start3A_191 = tpu.memref_slice %arg12[%add3A_115, %dma_start3A_190] : memref<10240x32xf32, #tpu.memory_space<vmem_shared>> -> memref<128x32xf32, #tpu.memory_space<vmem_shared>>
      %dma_start3A_192 = arith.constant 0 : i32
      %dma_start3A_193 = tpu.memref_slice %arg12[%add3A_115, %dma_start3A_192] : memref<10240x32xf32, #tpu.memory_space<vmem_shared>> -> memref<128x32xf32, #tpu.memory_space<vmem_shared>>
      tpu.enqueue_dma source(%arg8 : memref<128x32xf32, #tpu.memory_space<vmem>>) target(%dma_start3A_193 : memref<128x32xf32, #tpu.memory_space<vmem_shared>>) target_semaphore(%run_scoped3A : memref<!tpu.dma_semaphore, #tpu.memory_space<semaphore_mem>>)
      %dma_wait3A_194 = arith.constant 0 : i32
      %dma_wait3A_195 = tpu.memref_slice %arg12[%add3A_115, %dma_wait3A_194] : memref<10240x32xf32, #tpu.memory_space<vmem_shared>> -> memref<128x32xf32, #tpu.memory_space<vmem_shared>>
      %dma_wait3A_196 = arith.constant 0 : i32
      %dma_wait3A_197 = tpu.memref_slice %arg12[%add3A_115, %dma_wait3A_196] : memref<10240x32xf32, #tpu.memory_space<vmem_shared>> -> memref<128x32xf32, #tpu.memory_space<vmem_shared>>
      tpu.wait_dma2 semaphore(%run_scoped3A : memref<!tpu.dma_semaphore, #tpu.memory_space<semaphore_mem>>) src(%arg8 : memref<128x32xf32, #tpu.memory_space<vmem>>) dst(%dma_wait3A_197 : memref<128x32xf32, #tpu.memory_space<vmem_shared>>)
      tpu.yield
    }) : () -> ()
    %add3A_116 = arith.constant 384 : i32
    %add3A_117 = arith.addi %mul3A_109, %add3A_116 : i32
    "tpu.region"() ({
      %run_scoped3A = tpu.sem_alloc : memref<!tpu.dma_semaphore, #tpu.memory_space<semaphore_mem>>
      %dma_start3A_190 = arith.constant 0 : i32
      %dma_start3A_191 = tpu.memref_slice %arg12[%add3A_117, %dma_start3A_190] : memref<10240x32xf32, #tpu.memory_space<vmem_shared>> -> memref<128x32xf32, #tpu.memory_space<vmem_shared>>
      %dma_start3A_192 = arith.constant 0 : i32
      %dma_start3A_193 = tpu.memref_slice %arg12[%add3A_117, %dma_start3A_192] : memref<10240x32xf32, #tpu.memory_space<vmem_shared>> -> memref<128x32xf32, #tpu.memory_space<vmem_shared>>
      tpu.enqueue_dma source(%arg8 : memref<128x32xf32, #tpu.memory_space<vmem>>) target(%dma_start3A_193 : memref<128x32xf32, #tpu.memory_space<vmem_shared>>) target_semaphore(%run_scoped3A : memref<!tpu.dma_semaphore, #tpu.memory_space<semaphore_mem>>)
      %dma_wait3A_194 = arith.constant 0 : i32
      %dma_wait3A_195 = tpu.memref_slice %arg12[%add3A_117, %dma_wait3A_194] : memref<10240x32xf32, #tpu.memory_space<vmem_shared>> -> memref<128x32xf32, #tpu.memory_space<vmem_shared>>
      %dma_wait3A_196 = arith.constant 0 : i32
      %dma_wait3A_197 = tpu.memref_slice %arg12[%add3A_117, %dma_wait3A_196] : memref<10240x32xf32, #tpu.memory_space<vmem_shared>> -> memref<128x32xf32, #tpu.memory_space<vmem_shared>>
      tpu.wait_dma2 semaphore(%run_scoped3A : memref<!tpu.dma_semaphore, #tpu.memory_space<semaphore_mem>>) src(%arg8 : memref<128x32xf32, #tpu.memory_space<vmem>>) dst(%dma_wait3A_197 : memref<128x32xf32, #tpu.memory_space<vmem_shared>>)
      tpu.yield
    }) : () -> ()
    %add3A_118 = arith.constant 512 : i32
    %add3A_119 = arith.addi %mul3A_109, %add3A_118 : i32
    "tpu.region"() ({
      %run_scoped3A = tpu.sem_alloc : memref<!tpu.dma_semaphore, #tpu.memory_space<semaphore_mem>>
      %dma_start3A_190 = arith.constant 0 : i32
      %dma_start3A_191 = tpu.memref_slice %arg12[%add3A_119, %dma_start3A_190] : memref<10240x32xf32, #tpu.memory_space<vmem_shared>> -> memref<128x32xf32, #tpu.memory_space<vmem_shared>>
      %dma_start3A_192 = arith.constant 0 : i32
      %dma_start3A_193 = tpu.memref_slice %arg12[%add3A_119, %dma_start3A_192] : memref<10240x32xf32, #tpu.memory_space<vmem_shared>> -> memref<128x32xf32, #tpu.memory_space<vmem_shared>>
      tpu.enqueue_dma source(%arg8 : memref<128x32xf32, #tpu.memory_space<vmem>>) target(%dma_start3A_193 : memref<128x32xf32, #tpu.memory_space<vmem_shared>>) target_semaphore(%run_scoped3A : memref<!tpu.dma_semaphore, #tpu.memory_space<semaphore_mem>>)
      %dma_wait3A_194 = arith.constant 0 : i32
      %dma_wait3A_195 = tpu.memref_slice %arg12[%add3A_119, %dma_wait3A_194] : memref<10240x32xf32, #tpu.memory_space<vmem_shared>> -> memref<128x32xf32, #tpu.memory_space<vmem_shared>>
      %dma_wait3A_196 = arith.constant 0 : i32
      %dma_wait3A_197 = tpu.memref_slice %arg12[%add3A_119, %dma_wait3A_196] : memref<10240x32xf32, #tpu.memory_space<vmem_shared>> -> memref<128x32xf32, #tpu.memory_space<vmem_shared>>
      tpu.wait_dma2 semaphore(%run_scoped3A : memref<!tpu.dma_semaphore, #tpu.memory_space<semaphore_mem>>) src(%arg8 : memref<128x32xf32, #tpu.memory_space<vmem>>) dst(%dma_wait3A_197 : memref<128x32xf32, #tpu.memory_space<vmem_shared>>)
      tpu.yield
    }) : () -> ()
    %barrier3A_120 = arith.constant 0 : index
    tpu.barrier barrier_id(%barrier3A_120)
    %dma_start3A_121 = arith.constant 0 : i32
    %dma_start3A_122 = arith.constant 0 : i32
    %dma_start3A_123 = tpu.memref_slice %arg6[%dma_start3A_121, %dma_start3A_122] : memref<160x128xi32, #tpu.memory_space<vmem>> -> memref<1x128xi32, #tpu.memory_space<vmem>>
    %dma_start3A_124 = tpu.memref_squeeze %dma_start3A_123 : memref<1x128xi32, #tpu.memory_space<vmem>> -> memref<128xi32, #tpu.memory_space<vmem>>
    %dma_start3A_125 = arith.constant 0 : i32
    %dma_start3A_126 = arith.constant 0 : i32
    %dma_start3A_127 = tpu.memref_slice %arg2[%dma_start3A_125, %dma_start3A_126] : memref<40000x32xf32, #tpu.memory_space<hbm>> -> memref<40000x32xf32, #tpu.memory_space<hbm>>
    tpu.enqueue_indirect_dma source(%dma_start3A_127 : memref<40000x32xf32, #tpu.memory_space<hbm>>) target(%arg8 : memref<128x32xf32, #tpu.memory_space<vmem>>) offsets(%dma_start3A_124 : memref<128xi32, #tpu.memory_space<vmem>>) semaphore(%arg13 : memref<!tpu.dma_semaphore, #tpu.memory_space<semaphore_mem>>)
    %dma_start3A_128 = arith.constant 1 : i32
    %dma_start3A_129 = arith.constant 0 : i32
    %dma_start3A_130 = tpu.memref_slice %arg6[%dma_start3A_128, %dma_start3A_129] : memref<160x128xi32, #tpu.memory_space<vmem>> -> memref<1x128xi32, #tpu.memory_space<vmem>>
    %dma_start3A_131 = tpu.memref_squeeze %dma_start3A_130 : memref<1x128xi32, #tpu.memory_space<vmem>> -> memref<128xi32, #tpu.memory_space<vmem>>
    %dma_start3A_132 = arith.constant 0 : i32
    %dma_start3A_133 = arith.constant 0 : i32
    %dma_start3A_134 = tpu.memref_slice %arg2[%dma_start3A_132, %dma_start3A_133] : memref<40000x32xf32, #tpu.memory_space<hbm>> -> memref<40000x32xf32, #tpu.memory_space<hbm>>
    tpu.enqueue_indirect_dma source(%dma_start3A_134 : memref<40000x32xf32, #tpu.memory_space<hbm>>) target(%arg9 : memref<128x32xf32, #tpu.memory_space<vmem>>) offsets(%dma_start3A_131 : memref<128xi32, #tpu.memory_space<vmem>>) semaphore(%arg14 : memref<!tpu.dma_semaphore, #tpu.memory_space<semaphore_mem>>)
    %dma_start3A_135 = arith.constant 2 : i32
    %dma_start3A_136 = arith.constant 0 : i32
    %dma_start3A_137 = tpu.memref_slice %arg6[%dma_start3A_135, %dma_start3A_136] : memref<160x128xi32, #tpu.memory_space<vmem>> -> memref<1x128xi32, #tpu.memory_space<vmem>>
    %dma_start3A_138 = tpu.memref_squeeze %dma_start3A_137 : memref<1x128xi32, #tpu.memory_space<vmem>> -> memref<128xi32, #tpu.memory_space<vmem>>
    %dma_start3A_139 = arith.constant 0 : i32
    %dma_start3A_140 = arith.constant 0 : i32
    %dma_start3A_141 = tpu.memref_slice %arg2[%dma_start3A_139, %dma_start3A_140] : memref<40000x32xf32, #tpu.memory_space<hbm>> -> memref<40000x32xf32, #tpu.memory_space<hbm>>
    tpu.enqueue_indirect_dma source(%dma_start3A_141 : memref<40000x32xf32, #tpu.memory_space<hbm>>) target(%arg10 : memref<128x32xf32, #tpu.memory_space<vmem>>) offsets(%dma_start3A_138 : memref<128xi32, #tpu.memory_space<vmem>>) semaphore(%arg15 : memref<!tpu.dma_semaphore, #tpu.memory_space<semaphore_mem>>)
    %dma_start3A_142 = arith.constant 3 : i32
    %dma_start3A_143 = arith.constant 0 : i32
    %dma_start3A_144 = tpu.memref_slice %arg6[%dma_start3A_142, %dma_start3A_143] : memref<160x128xi32, #tpu.memory_space<vmem>> -> memref<1x128xi32, #tpu.memory_space<vmem>>
    %dma_start3A_145 = tpu.memref_squeeze %dma_start3A_144 : memref<1x128xi32, #tpu.memory_space<vmem>> -> memref<128xi32, #tpu.memory_space<vmem>>
    %dma_start3A_146 = arith.constant 0 : i32
    %dma_start3A_147 = arith.constant 0 : i32
    %dma_start3A_148 = tpu.memref_slice %arg2[%dma_start3A_146, %dma_start3A_147] : memref<40000x32xf32, #tpu.memory_space<hbm>> -> memref<40000x32xf32, #tpu.memory_space<hbm>>
    tpu.enqueue_indirect_dma source(%dma_start3A_148 : memref<40000x32xf32, #tpu.memory_space<hbm>>) target(%arg11 : memref<128x32xf32, #tpu.memory_space<vmem>>) offsets(%dma_start3A_145 : memref<128xi32, #tpu.memory_space<vmem>>) semaphore(%arg16 : memref<!tpu.dma_semaphore, #tpu.memory_space<semaphore_mem>>)
    %scan3A_149 = arith.constant 0 : i32
    %scan3A_150 = arith.constant 40 : i32
    %scan3A_151 = arith.addi %scan3A_149, %scan3A_150 : i32
    %scan3A_152 = arith.constant 1 : i32
    scf.for %scan3A_190 = %scan3A_149 to %scan3A_151 step %scan3A_152  : i32 {
      %mul3A_191 = arith.constant 1 : i32
      %mul3A_192 = arith.muli %scan3A_190, %mul3A_191 : i32
      %add3A_193 = arith.constant 0 : i32
      %add3A_194 = arith.addi %add3A_193, %mul3A_192 : i32
      %mul3A_195 = arith.constant 4 : i32
      %mul3A_196 = arith.muli %add3A_194, %mul3A_195 : i32
      %dma_wait3A_197 = arith.constant 0 : i32
      %dma_wait3A_198 = arith.constant 0 : i32
      %dma_wait3A_199 = tpu.memref_slice %arg6[%dma_wait3A_197, %dma_wait3A_198] : memref<160x128xi32, #tpu.memory_space<vmem>> -> memref<1x128xi32, #tpu.memory_space<vmem>>
      %dma_wait3A_200 = tpu.memref_squeeze %dma_wait3A_199 : memref<1x128xi32, #tpu.memory_space<vmem>> -> memref<128xi32, #tpu.memory_space<vmem>>
      %dma_wait3A_201 = arith.constant 0 : i32
      %dma_wait3A_202 = arith.constant 0 : i32
      %dma_wait3A_203 = tpu.memref_slice %arg2[%dma_wait3A_201, %dma_wait3A_202] : memref<40000x32xf32, #tpu.memory_space<hbm>> -> memref<40000x32xf32, #tpu.memory_space<hbm>>
      tpu.wait_indirect_dma semaphore(%arg13 : memref<!tpu.dma_semaphore, #tpu.memory_space<semaphore_mem>>) src(%dma_wait3A_203 : memref<40000x32xf32, #tpu.memory_space<hbm>>) dst(%arg8 : memref<128x32xf32, #tpu.memory_space<vmem>>)
      %add3A_204 = arith.constant 0 : i32
      %add3A_205 = arith.addi %mul3A_196, %add3A_204 : i32
      %dma_start3A_206 = arith.constant 0 : i32
      %dma_start3A_207 = tpu.memref_slice %arg7[%add3A_205, %dma_start3A_206] : memref<160x128xi32, #tpu.memory_space<vmem>> -> memref<1x128xi32, #tpu.memory_space<vmem>>
      %dma_start3A_208 = tpu.memref_squeeze %dma_start3A_207 : memref<1x128xi32, #tpu.memory_space<vmem>> -> memref<128xi32, #tpu.memory_space<vmem>>
      %dma_start3A_209 = arith.constant 0 : i32
      %dma_start3A_210 = arith.constant 0 : i32
      %dma_start3A_211 = tpu.memref_slice %arg12[%dma_start3A_209, %dma_start3A_210] : memref<10240x32xf32, #tpu.memory_space<vmem_shared>> -> memref<10240x32xf32, #tpu.memory_space<vmem_shared>>
      tpu.enqueue_indirect_dma source(%arg8 : memref<128x32xf32, #tpu.memory_space<vmem>>) target(%dma_start3A_211 : memref<10240x32xf32, #tpu.memory_space<vmem_shared>>) offsets(%dma_start3A_208 : memref<128xi32, #tpu.memory_space<vmem>>) semaphore(%arg17 : memref<!tpu.dma_semaphore, #tpu.memory_space<semaphore_mem>>) {add = true}
      %dma_wait3A_212 = arith.constant 0 : i32
      %dma_wait3A_213 = arith.constant 0 : i32
      %dma_wait3A_214 = tpu.memref_slice %arg6[%dma_wait3A_212, %dma_wait3A_213] : memref<160x128xi32, #tpu.memory_space<vmem>> -> memref<1x128xi32, #tpu.memory_space<vmem>>
      %dma_wait3A_215 = tpu.memref_squeeze %dma_wait3A_214 : memref<1x128xi32, #tpu.memory_space<vmem>> -> memref<128xi32, #tpu.memory_space<vmem>>
      %dma_wait3A_216 = arith.constant 0 : i32
      %dma_wait3A_217 = arith.constant 0 : i32
      %dma_wait3A_218 = tpu.memref_slice %arg2[%dma_wait3A_216, %dma_wait3A_217] : memref<40000x32xf32, #tpu.memory_space<hbm>> -> memref<40000x32xf32, #tpu.memory_space<hbm>>
      tpu.wait_indirect_dma semaphore(%arg14 : memref<!tpu.dma_semaphore, #tpu.memory_space<semaphore_mem>>) src(%dma_wait3A_218 : memref<40000x32xf32, #tpu.memory_space<hbm>>) dst(%arg9 : memref<128x32xf32, #tpu.memory_space<vmem>>)
      %add3A_219 = arith.constant 1 : i32
      %add3A_220 = arith.addi %mul3A_196, %add3A_219 : i32
      %dma_start3A_221 = arith.constant 0 : i32
      %dma_start3A_222 = tpu.memref_slice %arg7[%add3A_220, %dma_start3A_221] : memref<160x128xi32, #tpu.memory_space<vmem>> -> memref<1x128xi32, #tpu.memory_space<vmem>>
      %dma_start3A_223 = tpu.memref_squeeze %dma_start3A_222 : memref<1x128xi32, #tpu.memory_space<vmem>> -> memref<128xi32, #tpu.memory_space<vmem>>
      %dma_start3A_224 = arith.constant 0 : i32
      %dma_start3A_225 = arith.constant 0 : i32
      %dma_start3A_226 = tpu.memref_slice %arg12[%dma_start3A_224, %dma_start3A_225] : memref<10240x32xf32, #tpu.memory_space<vmem_shared>> -> memref<10240x32xf32, #tpu.memory_space<vmem_shared>>
      tpu.enqueue_indirect_dma source(%arg9 : memref<128x32xf32, #tpu.memory_space<vmem>>) target(%dma_start3A_226 : memref<10240x32xf32, #tpu.memory_space<vmem_shared>>) offsets(%dma_start3A_223 : memref<128xi32, #tpu.memory_space<vmem>>) semaphore(%arg18 : memref<!tpu.dma_semaphore, #tpu.memory_space<semaphore_mem>>) {add = true}
      %dma_wait3A_227 = arith.constant 0 : i32
      %dma_wait3A_228 = arith.constant 0 : i32
      %dma_wait3A_229 = tpu.memref_slice %arg6[%dma_wait3A_227, %dma_wait3A_228] : memref<160x128xi32, #tpu.memory_space<vmem>> -> memref<1x128xi32, #tpu.memory_space<vmem>>
      %dma_wait3A_230 = tpu.memref_squeeze %dma_wait3A_229 : memref<1x128xi32, #tpu.memory_space<vmem>> -> memref<128xi32, #tpu.memory_space<vmem>>
      %dma_wait3A_231 = arith.constant 0 : i32
      %dma_wait3A_232 = arith.constant 0 : i32
      %dma_wait3A_233 = tpu.memref_slice %arg2[%dma_wait3A_231, %dma_wait3A_232] : memref<40000x32xf32, #tpu.memory_space<hbm>> -> memref<40000x32xf32, #tpu.memory_space<hbm>>
      tpu.wait_indirect_dma semaphore(%arg15 : memref<!tpu.dma_semaphore, #tpu.memory_space<semaphore_mem>>) src(%dma_wait3A_233 : memref<40000x32xf32, #tpu.memory_space<hbm>>) dst(%arg10 : memref<128x32xf32, #tpu.memory_space<vmem>>)
      %add3A_234 = arith.constant 2 : i32
      %add3A_235 = arith.addi %mul3A_196, %add3A_234 : i32
      %dma_start3A_236 = arith.constant 0 : i32
      %dma_start3A_237 = tpu.memref_slice %arg7[%add3A_235, %dma_start3A_236] : memref<160x128xi32, #tpu.memory_space<vmem>> -> memref<1x128xi32, #tpu.memory_space<vmem>>
      %dma_start3A_238 = tpu.memref_squeeze %dma_start3A_237 : memref<1x128xi32, #tpu.memory_space<vmem>> -> memref<128xi32, #tpu.memory_space<vmem>>
      %dma_start3A_239 = arith.constant 0 : i32
      %dma_start3A_240 = arith.constant 0 : i32
      %dma_start3A_241 = tpu.memref_slice %arg12[%dma_start3A_239, %dma_start3A_240] : memref<10240x32xf32, #tpu.memory_space<vmem_shared>> -> memref<10240x32xf32, #tpu.memory_space<vmem_shared>>
      tpu.enqueue_indirect_dma source(%arg10 : memref<128x32xf32, #tpu.memory_space<vmem>>) target(%dma_start3A_241 : memref<10240x32xf32, #tpu.memory_space<vmem_shared>>) offsets(%dma_start3A_238 : memref<128xi32, #tpu.memory_space<vmem>>) semaphore(%arg19 : memref<!tpu.dma_semaphore, #tpu.memory_space<semaphore_mem>>) {add = true}
      %dma_wait3A_242 = arith.constant 0 : i32
      %dma_wait3A_243 = arith.constant 0 : i32
      %dma_wait3A_244 = tpu.memref_slice %arg6[%dma_wait3A_242, %dma_wait3A_243] : memref<160x128xi32, #tpu.memory_space<vmem>> -> memref<1x128xi32, #tpu.memory_space<vmem>>
      %dma_wait3A_245 = tpu.memref_squeeze %dma_wait3A_244 : memref<1x128xi32, #tpu.memory_space<vmem>> -> memref<128xi32, #tpu.memory_space<vmem>>
      %dma_wait3A_246 = arith.constant 0 : i32
      %dma_wait3A_247 = arith.constant 0 : i32
      %dma_wait3A_248 = tpu.memref_slice %arg2[%dma_wait3A_246, %dma_wait3A_247] : memref<40000x32xf32, #tpu.memory_space<hbm>> -> memref<40000x32xf32, #tpu.memory_space<hbm>>
      tpu.wait_indirect_dma semaphore(%arg16 : memref<!tpu.dma_semaphore, #tpu.memory_space<semaphore_mem>>) src(%dma_wait3A_248 : memref<40000x32xf32, #tpu.memory_space<hbm>>) dst(%arg11 : memref<128x32xf32, #tpu.memory_space<vmem>>)
      %add3A_249 = arith.constant 3 : i32
      %add3A_250 = arith.addi %mul3A_196, %add3A_249 : i32
      %dma_start3A_251 = arith.constant 0 : i32
      %dma_start3A_252 = tpu.memref_slice %arg7[%add3A_250, %dma_start3A_251] : memref<160x128xi32, #tpu.memory_space<vmem>> -> memref<1x128xi32, #tpu.memory_space<vmem>>
      %dma_start3A_253 = tpu.memref_squeeze %dma_start3A_252 : memref<1x128xi32, #tpu.memory_space<vmem>> -> memref<128xi32, #tpu.memory_space<vmem>>
      %dma_start3A_254 = arith.constant 0 : i32
      %dma_start3A_255 = arith.constant 0 : i32
      %dma_start3A_256 = tpu.memref_slice %arg12[%dma_start3A_254, %dma_start3A_255] : memref<10240x32xf32, #tpu.memory_space<vmem_shared>> -> memref<10240x32xf32, #tpu.memory_space<vmem_shared>>
      tpu.enqueue_indirect_dma source(%arg11 : memref<128x32xf32, #tpu.memory_space<vmem>>) target(%dma_start3A_256 : memref<10240x32xf32, #tpu.memory_space<vmem_shared>>) offsets(%dma_start3A_253 : memref<128xi32, #tpu.memory_space<vmem>>) semaphore(%arg20 : memref<!tpu.dma_semaphore, #tpu.memory_space<semaphore_mem>>) {add = true}
      %add3A_257 = arith.constant 0 : i32
      %add3A_258 = arith.addi %mul3A_196, %add3A_257 : i32
      %add3A_259 = arith.constant 4 : i32
      %add3A_260 = arith.addi %add3A_258, %add3A_259 : i32
      %lt3A = arith.constant 160 : i32
      %lt3A_261 = arith.cmpi slt, %add3A_260, %lt3A : i32
      %convert_element_type3A_262 = arith.extui %lt3A_261 : i1 to i32
      %cond3A_263 = arith.constant 0 : i32
      %cond3A_264 = arith.cmpi ne, %convert_element_type3A_262, %cond3A_263 : i32
      scf.if %cond3A_264 {
        %dma_wait3A_292 = arith.constant 0 : i32
        %dma_wait3A_293 = arith.constant 0 : i32
        %dma_wait3A_294 = tpu.memref_slice %arg7[%dma_wait3A_292, %dma_wait3A_293] : memref<160x128xi32, #tpu.memory_space<vmem>> -> memref<1x128xi32, #tpu.memory_space<vmem>>
        %dma_wait3A_295 = tpu.memref_squeeze %dma_wait3A_294 : memref<1x128xi32, #tpu.memory_space<vmem>> -> memref<128xi32, #tpu.memory_space<vmem>>
        %dma_wait3A_296 = arith.constant 0 : i32
        %dma_wait3A_297 = arith.constant 0 : i32
        %dma_wait3A_298 = tpu.memref_slice %arg12[%dma_wait3A_296, %dma_wait3A_297] : memref<10240x32xf32, #tpu.memory_space<vmem_shared>> -> memref<10240x32xf32, #tpu.memory_space<vmem_shared>>
        tpu.wait_indirect_dma semaphore(%arg17 : memref<!tpu.dma_semaphore, #tpu.memory_space<semaphore_mem>>) src(%arg8 : memref<128x32xf32, #tpu.memory_space<vmem>>) dst(%dma_wait3A_298 : memref<10240x32xf32, #tpu.memory_space<vmem_shared>>)
        %add3A_299 = arith.constant 0 : i32
        %add3A_300 = arith.addi %mul3A_196, %add3A_299 : i32
        %add3A_301 = arith.constant 4 : i32
        %add3A_302 = arith.addi %add3A_300, %add3A_301 : i32
        %dma_start3A_303 = arith.constant 0 : i32
        %dma_start3A_304 = tpu.memref_slice %arg6[%add3A_302, %dma_start3A_303] : memref<160x128xi32, #tpu.memory_space<vmem>> -> memref<1x128xi32, #tpu.memory_space<vmem>>
        %dma_start3A_305 = tpu.memref_squeeze %dma_start3A_304 : memref<1x128xi32, #tpu.memory_space<vmem>> -> memref<128xi32, #tpu.memory_space<vmem>>
        %dma_start3A_306 = arith.constant 0 : i32
        %dma_start3A_307 = arith.constant 0 : i32
        %dma_start3A_308 = tpu.memref_slice %arg2[%dma_start3A_306, %dma_start3A_307] : memref<40000x32xf32, #tpu.memory_space<hbm>> -> memref<40000x32xf32, #tpu.memory_space<hbm>>
        tpu.enqueue_indirect_dma source(%dma_start3A_308 : memref<40000x32xf32, #tpu.memory_space<hbm>>) target(%arg8 : memref<128x32xf32, #tpu.memory_space<vmem>>) offsets(%dma_start3A_305 : memref<128xi32, #tpu.memory_space<vmem>>) semaphore(%arg13 : memref<!tpu.dma_semaphore, #tpu.memory_space<semaphore_mem>>)
      } else {
      }
      %add3A_265 = arith.constant 1 : i32
      %add3A_266 = arith.addi %mul3A_196, %add3A_265 : i32
      %add3A_267 = arith.constant 4 : i32
      %add3A_268 = arith.addi %add3A_266, %add3A_267 : i32
      %lt3A_269 = arith.constant 160 : i32
      %lt3A_270 = arith.cmpi slt, %add3A_268, %lt3A_269 : i32
      %convert_element_type3A_271 = arith.extui %lt3A_270 : i1 to i32
      %cond3A_272 = arith.constant 0 : i32
      %cond3A_273 = arith.cmpi ne, %convert_element_type3A_271, %cond3A_272 : i32
      scf.if %cond3A_273 {
        %dma_wait3A_292 = arith.constant 0 : i32
        %dma_wait3A_293 = arith.constant 0 : i32
        %dma_wait3A_294 = tpu.memref_slice %arg7[%dma_wait3A_292, %dma_wait3A_293] : memref<160x128xi32, #tpu.memory_space<vmem>> -> memref<1x128xi32, #tpu.memory_space<vmem>>
        %dma_wait3A_295 = tpu.memref_squeeze %dma_wait3A_294 : memref<1x128xi32, #tpu.memory_space<vmem>> -> memref<128xi32, #tpu.memory_space<vmem>>
        %dma_wait3A_296 = arith.constant 0 : i32
        %dma_wait3A_297 = arith.constant 0 : i32
        %dma_wait3A_298 = tpu.memref_slice %arg12[%dma_wait3A_296, %dma_wait3A_297] : memref<10240x32xf32, #tpu.memory_space<vmem_shared>> -> memref<10240x32xf32, #tpu.memory_space<vmem_shared>>
        tpu.wait_indirect_dma semaphore(%arg18 : memref<!tpu.dma_semaphore, #tpu.memory_space<semaphore_mem>>) src(%arg9 : memref<128x32xf32, #tpu.memory_space<vmem>>) dst(%dma_wait3A_298 : memref<10240x32xf32, #tpu.memory_space<vmem_shared>>)
        %add3A_299 = arith.constant 1 : i32
        %add3A_300 = arith.addi %mul3A_196, %add3A_299 : i32
        %add3A_301 = arith.constant 4 : i32
        %add3A_302 = arith.addi %add3A_300, %add3A_301 : i32
        %dma_start3A_303 = arith.constant 0 : i32
        %dma_start3A_304 = tpu.memref_slice %arg6[%add3A_302, %dma_start3A_303] : memref<160x128xi32, #tpu.memory_space<vmem>> -> memref<1x128xi32, #tpu.memory_space<vmem>>
        %dma_start3A_305 = tpu.memref_squeeze %dma_start3A_304 : memref<1x128xi32, #tpu.memory_space<vmem>> -> memref<128xi32, #tpu.memory_space<vmem>>
        %dma_start3A_306 = arith.constant 0 : i32
        %dma_start3A_307 = arith.constant 0 : i32
        %dma_start3A_308 = tpu.memref_slice %arg2[%dma_start3A_306, %dma_start3A_307] : memref<40000x32xf32, #tpu.memory_space<hbm>> -> memref<40000x32xf32, #tpu.memory_space<hbm>>
        tpu.enqueue_indirect_dma source(%dma_start3A_308 : memref<40000x32xf32, #tpu.memory_space<hbm>>) target(%arg9 : memref<128x32xf32, #tpu.memory_space<vmem>>) offsets(%dma_start3A_305 : memref<128xi32, #tpu.memory_space<vmem>>) semaphore(%arg14 : memref<!tpu.dma_semaphore, #tpu.memory_space<semaphore_mem>>)
      } else {
      }
      %add3A_274 = arith.constant 2 : i32
      %add3A_275 = arith.addi %mul3A_196, %add3A_274 : i32
      %add3A_276 = arith.constant 4 : i32
      %add3A_277 = arith.addi %add3A_275, %add3A_276 : i32
      %lt3A_278 = arith.constant 160 : i32
      %lt3A_279 = arith.cmpi slt, %add3A_277, %lt3A_278 : i32
      %convert_element_type3A_280 = arith.extui %lt3A_279 : i1 to i32
      %cond3A_281 = arith.constant 0 : i32
      %cond3A_282 = arith.cmpi ne, %convert_element_type3A_280, %cond3A_281 : i32
      scf.if %cond3A_282 {
        %dma_wait3A_292 = arith.constant 0 : i32
        %dma_wait3A_293 = arith.constant 0 : i32
        %dma_wait3A_294 = tpu.memref_slice %arg7[%dma_wait3A_292, %dma_wait3A_293] : memref<160x128xi32, #tpu.memory_space<vmem>> -> memref<1x128xi32, #tpu.memory_space<vmem>>
        %dma_wait3A_295 = tpu.memref_squeeze %dma_wait3A_294 : memref<1x128xi32, #tpu.memory_space<vmem>> -> memref<128xi32, #tpu.memory_space<vmem>>
        %dma_wait3A_296 = arith.constant 0 : i32
        %dma_wait3A_297 = arith.constant 0 : i32
        %dma_wait3A_298 = tpu.memref_slice %arg12[%dma_wait3A_296, %dma_wait3A_297] : memref<10240x32xf32, #tpu.memory_space<vmem_shared>> -> memref<10240x32xf32, #tpu.memory_space<vmem_shared>>
        tpu.wait_indirect_dma semaphore(%arg19 : memref<!tpu.dma_semaphore, #tpu.memory_space<semaphore_mem>>) src(%arg10 : memref<128x32xf32, #tpu.memory_space<vmem>>) dst(%dma_wait3A_298 : memref<10240x32xf32, #tpu.memory_space<vmem_shared>>)
        %add3A_299 = arith.constant 2 : i32
        %add3A_300 = arith.addi %mul3A_196, %add3A_299 : i32
        %add3A_301 = arith.constant 4 : i32
        %add3A_302 = arith.addi %add3A_300, %add3A_301 : i32
        %dma_start3A_303 = arith.constant 0 : i32
        %dma_start3A_304 = tpu.memref_slice %arg6[%add3A_302, %dma_start3A_303] : memref<160x128xi32, #tpu.memory_space<vmem>> -> memref<1x128xi32, #tpu.memory_space<vmem>>
        %dma_start3A_305 = tpu.memref_squeeze %dma_start3A_304 : memref<1x128xi32, #tpu.memory_space<vmem>> -> memref<128xi32, #tpu.memory_space<vmem>>
        %dma_start3A_306 = arith.constant 0 : i32
        %dma_start3A_307 = arith.constant 0 : i32
        %dma_start3A_308 = tpu.memref_slice %arg2[%dma_start3A_306, %dma_start3A_307] : memref<40000x32xf32, #tpu.memory_space<hbm>> -> memref<40000x32xf32, #tpu.memory_space<hbm>>
        tpu.enqueue_indirect_dma source(%dma_start3A_308 : memref<40000x32xf32, #tpu.memory_space<hbm>>) target(%arg10 : memref<128x32xf32, #tpu.memory_space<vmem>>) offsets(%dma_start3A_305 : memref<128xi32, #tpu.memory_space<vmem>>) semaphore(%arg15 : memref<!tpu.dma_semaphore, #tpu.memory_space<semaphore_mem>>)
      } else {
      }
      %add3A_283 = arith.constant 3 : i32
      %add3A_284 = arith.addi %mul3A_196, %add3A_283 : i32
      %add3A_285 = arith.constant 4 : i32
      %add3A_286 = arith.addi %add3A_284, %add3A_285 : i32
      %lt3A_287 = arith.constant 160 : i32
      %lt3A_288 = arith.cmpi slt, %add3A_286, %lt3A_287 : i32
      %convert_element_type3A_289 = arith.extui %lt3A_288 : i1 to i32
      %cond3A_290 = arith.constant 0 : i32
      %cond3A_291 = arith.cmpi ne, %convert_element_type3A_289, %cond3A_290 : i32
      scf.if %cond3A_291 {
        %dma_wait3A_292 = arith.constant 0 : i32
        %dma_wait3A_293 = arith.constant 0 : i32
        %dma_wait3A_294 = tpu.memref_slice %arg7[%dma_wait3A_292, %dma_wait3A_293] : memref<160x128xi32, #tpu.memory_space<vmem>> -> memref<1x128xi32, #tpu.memory_space<vmem>>
        %dma_wait3A_295 = tpu.memref_squeeze %dma_wait3A_294 : memref<1x128xi32, #tpu.memory_space<vmem>> -> memref<128xi32, #tpu.memory_space<vmem>>
        %dma_wait3A_296 = arith.constant 0 : i32
        %dma_wait3A_297 = arith.constant 0 : i32
        %dma_wait3A_298 = tpu.memref_slice %arg12[%dma_wait3A_296, %dma_wait3A_297] : memref<10240x32xf32, #tpu.memory_space<vmem_shared>> -> memref<10240x32xf32, #tpu.memory_space<vmem_shared>>
        tpu.wait_indirect_dma semaphore(%arg20 : memref<!tpu.dma_semaphore, #tpu.memory_space<semaphore_mem>>) src(%arg11 : memref<128x32xf32, #tpu.memory_space<vmem>>) dst(%dma_wait3A_298 : memref<10240x32xf32, #tpu.memory_space<vmem_shared>>)
        %add3A_299 = arith.constant 3 : i32
        %add3A_300 = arith.addi %mul3A_196, %add3A_299 : i32
        %add3A_301 = arith.constant 4 : i32
        %add3A_302 = arith.addi %add3A_300, %add3A_301 : i32
        %dma_start3A_303 = arith.constant 0 : i32
        %dma_start3A_304 = tpu.memref_slice %arg6[%add3A_302, %dma_start3A_303] : memref<160x128xi32, #tpu.memory_space<vmem>> -> memref<1x128xi32, #tpu.memory_space<vmem>>
        %dma_start3A_305 = tpu.memref_squeeze %dma_start3A_304 : memref<1x128xi32, #tpu.memory_space<vmem>> -> memref<128xi32, #tpu.memory_space<vmem>>
        %dma_start3A_306 = arith.constant 0 : i32
        %dma_start3A_307 = arith.constant 0 : i32
        %dma_start3A_308 = tpu.memref_slice %arg2[%dma_start3A_306, %dma_start3A_307] : memref<40000x32xf32, #tpu.memory_space<hbm>> -> memref<40000x32xf32, #tpu.memory_space<hbm>>
        tpu.enqueue_indirect_dma source(%dma_start3A_308 : memref<40000x32xf32, #tpu.memory_space<hbm>>) target(%arg11 : memref<128x32xf32, #tpu.memory_space<vmem>>) offsets(%dma_start3A_305 : memref<128xi32, #tpu.memory_space<vmem>>) semaphore(%arg16 : memref<!tpu.dma_semaphore, #tpu.memory_space<semaphore_mem>>)
      } else {
      }
    }
    %scan3A_153 = arith.constant 40 : i32
    %dma_wait3A_154 = arith.constant 0 : i32
    %dma_wait3A_155 = arith.constant 0 : i32
    %dma_wait3A_156 = tpu.memref_slice %arg7[%dma_wait3A_154, %dma_wait3A_155] : memref<160x128xi32, #tpu.memory_space<vmem>> -> memref<1x128xi32, #tpu.memory_space<vmem>>
    %dma_wait3A_157 = tpu.memref_squeeze %dma_wait3A_156 : memref<1x128xi32, #tpu.memory_space<vmem>> -> memref<128xi32, #tpu.memory_space<vmem>>
    %dma_wait3A_158 = arith.constant 0 : i32
    %dma_wait3A_159 = arith.constant 0 : i32
    %dma_wait3A_160 = tpu.memref_slice %arg12[%dma_wait3A_158, %dma_wait3A_159] : memref<10240x32xf32, #tpu.memory_space<vmem_shared>> -> memref<10240x32xf32, #tpu.memory_space<vmem_shared>>
    tpu.wait_indirect_dma semaphore(%arg17 : memref<!tpu.dma_semaphore, #tpu.memory_space<semaphore_mem>>) src(%arg8 : memref<128x32xf32, #tpu.memory_space<vmem>>) dst(%dma_wait3A_160 : memref<10240x32xf32, #tpu.memory_space<vmem_shared>>)
    %dma_wait3A_161 = arith.constant 0 : i32
    %dma_wait3A_162 = arith.constant 0 : i32
    %dma_wait3A_163 = tpu.memref_slice %arg7[%dma_wait3A_161, %dma_wait3A_162] : memref<160x128xi32, #tpu.memory_space<vmem>> -> memref<1x128xi32, #tpu.memory_space<vmem>>
    %dma_wait3A_164 = tpu.memref_squeeze %dma_wait3A_163 : memref<1x128xi32, #tpu.memory_space<vmem>> -> memref<128xi32, #tpu.memory_space<vmem>>
    %dma_wait3A_165 = arith.constant 0 : i32
    %dma_wait3A_166 = arith.constant 0 : i32
    %dma_wait3A_167 = tpu.memref_slice %arg12[%dma_wait3A_165, %dma_wait3A_166] : memref<10240x32xf32, #tpu.memory_space<vmem_shared>> -> memref<10240x32xf32, #tpu.memory_space<vmem_shared>>
    tpu.wait_indirect_dma semaphore(%arg18 : memref<!tpu.dma_semaphore, #tpu.memory_space<semaphore_mem>>) src(%arg9 : memref<128x32xf32, #tpu.memory_space<vmem>>) dst(%dma_wait3A_167 : memref<10240x32xf32, #tpu.memory_space<vmem_shared>>)
    %dma_wait3A_168 = arith.constant 0 : i32
    %dma_wait3A_169 = arith.constant 0 : i32
    %dma_wait3A_170 = tpu.memref_slice %arg7[%dma_wait3A_168, %dma_wait3A_169] : memref<160x128xi32, #tpu.memory_space<vmem>> -> memref<1x128xi32, #tpu.memory_space<vmem>>
    %dma_wait3A_171 = tpu.memref_squeeze %dma_wait3A_170 : memref<1x128xi32, #tpu.memory_space<vmem>> -> memref<128xi32, #tpu.memory_space<vmem>>
    %dma_wait3A_172 = arith.constant 0 : i32
    %dma_wait3A_173 = arith.constant 0 : i32
    %dma_wait3A_174 = tpu.memref_slice %arg12[%dma_wait3A_172, %dma_wait3A_173] : memref<10240x32xf32, #tpu.memory_space<vmem_shared>> -> memref<10240x32xf32, #tpu.memory_space<vmem_shared>>
    tpu.wait_indirect_dma semaphore(%arg19 : memref<!tpu.dma_semaphore, #tpu.memory_space<semaphore_mem>>) src(%arg10 : memref<128x32xf32, #tpu.memory_space<vmem>>) dst(%dma_wait3A_174 : memref<10240x32xf32, #tpu.memory_space<vmem_shared>>)
    %dma_wait3A_175 = arith.constant 0 : i32
    %dma_wait3A_176 = arith.constant 0 : i32
    %dma_wait3A_177 = tpu.memref_slice %arg7[%dma_wait3A_175, %dma_wait3A_176] : memref<160x128xi32, #tpu.memory_space<vmem>> -> memref<1x128xi32, #tpu.memory_space<vmem>>
    %dma_wait3A_178 = tpu.memref_squeeze %dma_wait3A_177 : memref<1x128xi32, #tpu.memory_space<vmem>> -> memref<128xi32, #tpu.memory_space<vmem>>
    %dma_wait3A_179 = arith.constant 0 : i32
    %dma_wait3A_180 = arith.constant 0 : i32
    %dma_wait3A_181 = tpu.memref_slice %arg12[%dma_wait3A_179, %dma_wait3A_180] : memref<10240x32xf32, #tpu.memory_space<vmem_shared>> -> memref<10240x32xf32, #tpu.memory_space<vmem_shared>>
    tpu.wait_indirect_dma semaphore(%arg20 : memref<!tpu.dma_semaphore, #tpu.memory_space<semaphore_mem>>) src(%arg11 : memref<128x32xf32, #tpu.memory_space<vmem>>) dst(%dma_wait3A_181 : memref<10240x32xf32, #tpu.memory_space<vmem_shared>>)
    %barrier3A_182 = arith.constant 0 : index
    tpu.barrier barrier_id(%barrier3A_182)
    %mul3A_183 = arith.constant 624 : i32
    %mul3A_184 = arith.muli %arg1, %mul3A_183 : i32
    "tpu.region"() ({
      %run_scoped3A = tpu.sem_alloc : memref<!tpu.dma_semaphore, #tpu.memory_space<semaphore_mem>>
      %dma_start3A_190 = arith.constant 0 : i32
      %dma_start3A_191 = tpu.memref_slice %arg5[%add3A_102, %mul3A_184, %dma_start3A_190] : memref<4x10000x32xf32, #tpu.memory_space<hbm>> -> memref<1x624x32xf32, #tpu.memory_space<hbm>>
      %dma_start3A_192 = tpu.memref_squeeze %dma_start3A_191 : memref<1x624x32xf32, #tpu.memory_space<hbm>> -> memref<624x32xf32, #tpu.memory_space<hbm>>
      %dma_start3A_193 = arith.constant 0 : i32
      %dma_start3A_194 = tpu.memref_slice %arg12[%mul3A_184, %dma_start3A_193] : memref<10240x32xf32, #tpu.memory_space<vmem_shared>> -> memref<624x32xf32, #tpu.memory_space<vmem_shared>>
      tpu.enqueue_dma source(%dma_start3A_194 : memref<624x32xf32, #tpu.memory_space<vmem_shared>>) target(%dma_start3A_192 : memref<624x32xf32, #tpu.memory_space<hbm>>) target_semaphore(%run_scoped3A : memref<!tpu.dma_semaphore, #tpu.memory_space<semaphore_mem>>)
      %dma_wait3A_195 = arith.constant 0 : i32
      %dma_wait3A_196 = tpu.memref_slice %arg5[%add3A_102, %mul3A_184, %dma_wait3A_195] : memref<4x10000x32xf32, #tpu.memory_space<hbm>> -> memref<1x624x32xf32, #tpu.memory_space<hbm>>
      %dma_wait3A_197 = tpu.memref_squeeze %dma_wait3A_196 : memref<1x624x32xf32, #tpu.memory_space<hbm>> -> memref<624x32xf32, #tpu.memory_space<hbm>>
      %dma_wait3A_198 = arith.constant 0 : i32
      %dma_wait3A_199 = tpu.memref_slice %arg12[%mul3A_184, %dma_wait3A_198] : memref<10240x32xf32, #tpu.memory_space<vmem_shared>> -> memref<624x32xf32, #tpu.memory_space<vmem_shared>>
      tpu.wait_dma2 semaphore(%run_scoped3A : memref<!tpu.dma_semaphore, #tpu.memory_space<semaphore_mem>>) src(%dma_wait3A_199 : memref<624x32xf32, #tpu.memory_space<vmem_shared>>) dst(%dma_wait3A_197 : memref<624x32xf32, #tpu.memory_space<hbm>>)
      tpu.yield
    }) : () -> ()
    %eq3A_185 = arith.constant 15 : i32
    %eq3A_186 = arith.cmpi eq, %arg1, %eq3A_185 : i32
    %convert_element_type3A_187 = arith.extui %eq3A_186 : i1 to i32
    %cond3A_188 = arith.constant 0 : i32
    %cond3A_189 = arith.cmpi ne, %convert_element_type3A_187, %cond3A_188 : i32
    scf.if %cond3A_189 {
      "tpu.region"() ({
        %run_scoped3A = tpu.sem_alloc : memref<!tpu.dma_semaphore, #tpu.memory_space<semaphore_mem>>
        %dma_start3A_190 = arith.constant 9984 : i32
        %dma_start3A_191 = arith.constant 0 : i32
        %dma_start3A_192 = tpu.memref_slice %arg5[%add3A_102, %dma_start3A_190, %dma_start3A_191] : memref<4x10000x32xf32, #tpu.memory_space<hbm>> -> memref<1x16x32xf32, #tpu.memory_space<hbm>>
        %dma_start3A_193 = tpu.memref_squeeze %dma_start3A_192 : memref<1x16x32xf32, #tpu.memory_space<hbm>> -> memref<16x32xf32, #tpu.memory_space<hbm>>
        %dma_start3A_194 = arith.constant 9984 : i32
        %dma_start3A_195 = arith.constant 0 : i32
        %dma_start3A_196 = tpu.memref_slice %arg12[%dma_start3A_194, %dma_start3A_195] : memref<10240x32xf32, #tpu.memory_space<vmem_shared>> -> memref<16x32xf32, #tpu.memory_space<vmem_shared>>
        tpu.enqueue_dma source(%dma_start3A_196 : memref<16x32xf32, #tpu.memory_space<vmem_shared>>) target(%dma_start3A_193 : memref<16x32xf32, #tpu.memory_space<hbm>>) target_semaphore(%run_scoped3A : memref<!tpu.dma_semaphore, #tpu.memory_space<semaphore_mem>>)
        %dma_wait3A_197 = arith.constant 9984 : i32
        %dma_wait3A_198 = arith.constant 0 : i32
        %dma_wait3A_199 = tpu.memref_slice %arg5[%add3A_102, %dma_wait3A_197, %dma_wait3A_198] : memref<4x10000x32xf32, #tpu.memory_space<hbm>> -> memref<1x16x32xf32, #tpu.memory_space<hbm>>
        %dma_wait3A_200 = tpu.memref_squeeze %dma_wait3A_199 : memref<1x16x32xf32, #tpu.memory_space<hbm>> -> memref<16x32xf32, #tpu.memory_space<hbm>>
        %dma_wait3A_201 = arith.constant 9984 : i32
        %dma_wait3A_202 = arith.constant 0 : i32
        %dma_wait3A_203 = tpu.memref_slice %arg12[%dma_wait3A_201, %dma_wait3A_202] : memref<10240x32xf32, #tpu.memory_space<vmem_shared>> -> memref<16x32xf32, #tpu.memory_space<vmem_shared>>
        tpu.wait_dma2 semaphore(%run_scoped3A : memref<!tpu.dma_semaphore, #tpu.memory_space<semaphore_mem>>) src(%dma_wait3A_203 : memref<16x32xf32, #tpu.memory_space<vmem_shared>>) dst(%dma_wait3A_200 : memref<16x32xf32, #tpu.memory_space<hbm>>)
        tpu.yield
      }) : () -> ()
    } else {
    }
    return
  }
}

#map = affine_map<(d0, d1) -> (0, 0)>
#map1 = affine_map<(d0, d1) -> (0, 0, 0)>
module attributes {stable_mosaic.version = 14 : i64} {
  func.func @body(%arg0: i32, %arg1: i32, %arg2: memref<16x16xf32, #tpu.memory_space<hbm>>, %arg3: memref<2560x128xi32, #tpu.memory_space<hbm>>, %arg4: memref<2560x128xi32, #tpu.memory_space<hbm>>, %arg5: memref<2x10000x16xf32, #tpu.memory_space<hbm>>, %arg6: memref<80x128xi32, #tpu.memory_space<vmem>>, %arg7: memref<80x128xi32, #tpu.memory_space<vmem>>, %arg8: memref<128x16xf32, #tpu.memory_space<vmem>>, %arg9: memref<128x16xf32, #tpu.memory_space<vmem>>, %arg10: memref<128x16xf32, #tpu.memory_space<vmem>>, %arg11: memref<128x16xf32, #tpu.memory_space<vmem>>, %arg12: memref<10240x16xf32, #tpu.memory_space<vmem_shared>>, %arg13: memref<!tpu.dma_semaphore, #tpu.memory_space<semaphore_mem>>, %arg14: memref<!tpu.dma_semaphore, #tpu.memory_space<semaphore_mem>>, %arg15: memref<!tpu.dma_semaphore, #tpu.memory_space<semaphore_mem>>, %arg16: memref<!tpu.dma_semaphore, #tpu.memory_space<semaphore_mem>>, %arg17: memref<!tpu.dma_semaphore, #tpu.memory_space<semaphore_mem>>, %arg18: memref<!tpu.dma_semaphore, #tpu.memory_space<semaphore_mem>>, %arg19: memref<!tpu.dma_semaphore, #tpu.memory_space<semaphore_mem>>, %arg20: memref<!tpu.dma_semaphore, #tpu.memory_space<semaphore_mem>>) attributes {dimension_semantics = [#tpu.dimension_semantics<core_parallel>, #tpu.dimension_semantics<subcore_parallel>], iteration_bounds = array<i64: 2, 16>, scalar_prefetch = 0 : i64, scratch_operands = 15 : i64, tpu.core_type = #tpu.core_type<sc_vector_subcore>, window_params = [{transform_indices = #map}, {transform_indices = #map}, {transform_indices = #map}, {transform_indices = #map1}]} {
    %mul3A = arith.constant 1280 : i32
    %mul3A_0 = arith.muli %arg0, %mul3A : i32
    %mul3A_1 = arith.constant 80 : i32
    %mul3A_2 = arith.muli %arg1, %mul3A_1 : i32
    %add3A = arith.addi %mul3A_0, %mul3A_2 : i32
    "tpu.region"() ({
      %run_scoped3A = tpu.sem_alloc : memref<!tpu.dma_semaphore, #tpu.memory_space<semaphore_mem>>
      %dma_start3A_88 = arith.constant 0 : i32
      %dma_start3A_89 = tpu.memref_slice %arg4[%add3A, %dma_start3A_88] : memref<2560x128xi32, #tpu.memory_space<hbm>> -> memref<80x128xi32, #tpu.memory_space<hbm>>
      %dma_start3A_90 = arith.constant 0 : i32
      %dma_start3A_91 = tpu.memref_slice %arg4[%add3A, %dma_start3A_90] : memref<2560x128xi32, #tpu.memory_space<hbm>> -> memref<80x128xi32, #tpu.memory_space<hbm>>
      tpu.enqueue_dma source(%dma_start3A_91 : memref<80x128xi32, #tpu.memory_space<hbm>>) target(%arg7 : memref<80x128xi32, #tpu.memory_space<vmem>>) target_semaphore(%run_scoped3A : memref<!tpu.dma_semaphore, #tpu.memory_space<semaphore_mem>>)
      %dma_wait3A_92 = arith.constant 0 : i32
      %dma_wait3A_93 = tpu.memref_slice %arg4[%add3A, %dma_wait3A_92] : memref<2560x128xi32, #tpu.memory_space<hbm>> -> memref<80x128xi32, #tpu.memory_space<hbm>>
      %dma_wait3A_94 = arith.constant 0 : i32
      %dma_wait3A_95 = tpu.memref_slice %arg4[%add3A, %dma_wait3A_94] : memref<2560x128xi32, #tpu.memory_space<hbm>> -> memref<80x128xi32, #tpu.memory_space<hbm>>
      tpu.wait_dma2 semaphore(%run_scoped3A : memref<!tpu.dma_semaphore, #tpu.memory_space<semaphore_mem>>) src(%dma_wait3A_95 : memref<80x128xi32, #tpu.memory_space<hbm>>) dst(%arg7 : memref<80x128xi32, #tpu.memory_space<vmem>>)
      tpu.yield
    }) : () -> ()
    %scan3A = arith.constant 0 : i32
    %scan3A_3 = arith.constant 128 : i32
    %scan3A_4 = arith.addi %scan3A, %scan3A_3 : i32
    %scan3A_5 = arith.constant 1 : i32
    scf.for %scan3A_88 = %scan3A to %scan3A_4 step %scan3A_5  : i32 {
      %mul3A_89 = arith.constant 1 : i32
      %mul3A_90 = arith.muli %scan3A_88, %mul3A_89 : i32
      %add3A_91 = arith.constant 0 : i32
      %add3A_92 = arith.addi %add3A_91, %mul3A_90 : i32
      %broadcast_in_dim3A = arith.constant 0.000000e+00 : f32
      %broadcast_in_dim3A_93 = vector.broadcast %broadcast_in_dim3A : f32 to vector<16xf32>
      %swap3A = arith.index_cast %add3A_92 : i32 to index
      %swap3A_94 = arith.constant 0 : index
      %swap3A_95 = tpu.vector_load %arg8[%swap3A, %swap3A_94] {strides = array<i32>} : memref<128x16xf32, #tpu.memory_space<vmem>>, vector<1x16xf32>,
      %swap3A_96 = vector.shape_cast %swap3A_95 : vector<1x16xf32> to vector<16xf32>
      %swap3A_97 = vector.shape_cast %broadcast_in_dim3A_93 : vector<16xf32> to vector<1x16xf32>
      tpu.vector_store %arg8[%swap3A, %swap3A_94], %swap3A_97 {strides = array<i32>} : memref<128x16xf32, #tpu.memory_space<vmem>>, vector<1x16xf32>,
    }
    %scan3A_6 = arith.constant 128 : i32
    %mul3A_7 = arith.constant 640 : i32
    %mul3A_8 = arith.muli %arg1, %mul3A_7 : i32
    %add3A_9 = arith.constant 0 : i32
    %add3A_10 = arith.addi %mul3A_8, %add3A_9 : i32
    "tpu.region"() ({
      %run_scoped3A = tpu.sem_alloc : memref<!tpu.dma_semaphore, #tpu.memory_space<semaphore_mem>>
      %dma_start3A_88 = arith.constant 0 : i32
      %dma_start3A_89 = tpu.memref_slice %arg12[%add3A_10, %dma_start3A_88] : memref<10240x16xf32, #tpu.memory_space<vmem_shared>> -> memref<128x16xf32, #tpu.memory_space<vmem_shared>>
      %dma_start3A_90 = arith.constant 0 : i32
      %dma_start3A_91 = tpu.memref_slice %arg12[%add3A_10, %dma_start3A_90] : memref<10240x16xf32, #tpu.memory_space<vmem_shared>> -> memref<128x16xf32, #tpu.memory_space<vmem_shared>>
      tpu.enqueue_dma source(%arg8 : memref<128x16xf32, #tpu.memory_space<vmem>>) target(%dma_start3A_91 : memref<128x16xf32, #tpu.memory_space<vmem_shared>>) target_semaphore(%run_scoped3A : memref<!tpu.dma_semaphore, #tpu.memory_space<semaphore_mem>>)
      %dma_wait3A_92 = arith.constant 0 : i32
      %dma_wait3A_93 = tpu.memref_slice %arg12[%add3A_10, %dma_wait3A_92] : memref<10240x16xf32, #tpu.memory_space<vmem_shared>> -> memref<128x16xf32, #tpu.memory_space<vmem_shared>>
      %dma_wait3A_94 = arith.constant 0 : i32
      %dma_wait3A_95 = tpu.memref_slice %arg12[%add3A_10, %dma_wait3A_94] : memref<10240x16xf32, #tpu.memory_space<vmem_shared>> -> memref<128x16xf32, #tpu.memory_space<vmem_shared>>
      tpu.wait_dma2 semaphore(%run_scoped3A : memref<!tpu.dma_semaphore, #tpu.memory_space<semaphore_mem>>) src(%arg8 : memref<128x16xf32, #tpu.memory_space<vmem>>) dst(%dma_wait3A_95 : memref<128x16xf32, #tpu.memory_space<vmem_shared>>)
      tpu.yield
    }) : () -> ()
    %add3A_11 = arith.constant 128 : i32
    %add3A_12 = arith.addi %mul3A_8, %add3A_11 : i32
    "tpu.region"() ({
      %run_scoped3A = tpu.sem_alloc : memref<!tpu.dma_semaphore, #tpu.memory_space<semaphore_mem>>
      %dma_start3A_88 = arith.constant 0 : i32
      %dma_start3A_89 = tpu.memref_slice %arg12[%add3A_12, %dma_start3A_88] : memref<10240x16xf32, #tpu.memory_space<vmem_shared>> -> memref<128x16xf32, #tpu.memory_space<vmem_shared>>
      %dma_start3A_90 = arith.constant 0 : i32
      %dma_start3A_91 = tpu.memref_slice %arg12[%add3A_12, %dma_start3A_90] : memref<10240x16xf32, #tpu.memory_space<vmem_shared>> -> memref<128x16xf32, #tpu.memory_space<vmem_shared>>
      tpu.enqueue_dma source(%arg8 : memref<128x16xf32, #tpu.memory_space<vmem>>) target(%dma_start3A_91 : memref<128x16xf32, #tpu.memory_space<vmem_shared>>) target_semaphore(%run_scoped3A : memref<!tpu.dma_semaphore, #tpu.memory_space<semaphore_mem>>)
      %dma_wait3A_92 = arith.constant 0 : i32
      %dma_wait3A_93 = tpu.memref_slice %arg12[%add3A_12, %dma_wait3A_92] : memref<10240x16xf32, #tpu.memory_space<vmem_shared>> -> memref<128x16xf32, #tpu.memory_space<vmem_shared>>
      %dma_wait3A_94 = arith.constant 0 : i32
      %dma_wait3A_95 = tpu.memref_slice %arg12[%add3A_12, %dma_wait3A_94] : memref<10240x16xf32, #tpu.memory_space<vmem_shared>> -> memref<128x16xf32, #tpu.memory_space<vmem_shared>>
      tpu.wait_dma2 semaphore(%run_scoped3A : memref<!tpu.dma_semaphore, #tpu.memory_space<semaphore_mem>>) src(%arg8 : memref<128x16xf32, #tpu.memory_space<vmem>>) dst(%dma_wait3A_95 : memref<128x16xf32, #tpu.memory_space<vmem_shared>>)
      tpu.yield
    }) : () -> ()
    %add3A_13 = arith.constant 256 : i32
    %add3A_14 = arith.addi %mul3A_8, %add3A_13 : i32
    "tpu.region"() ({
      %run_scoped3A = tpu.sem_alloc : memref<!tpu.dma_semaphore, #tpu.memory_space<semaphore_mem>>
      %dma_start3A_88 = arith.constant 0 : i32
      %dma_start3A_89 = tpu.memref_slice %arg12[%add3A_14, %dma_start3A_88] : memref<10240x16xf32, #tpu.memory_space<vmem_shared>> -> memref<128x16xf32, #tpu.memory_space<vmem_shared>>
      %dma_start3A_90 = arith.constant 0 : i32
      %dma_start3A_91 = tpu.memref_slice %arg12[%add3A_14, %dma_start3A_90] : memref<10240x16xf32, #tpu.memory_space<vmem_shared>> -> memref<128x16xf32, #tpu.memory_space<vmem_shared>>
      tpu.enqueue_dma source(%arg8 : memref<128x16xf32, #tpu.memory_space<vmem>>) target(%dma_start3A_91 : memref<128x16xf32, #tpu.memory_space<vmem_shared>>) target_semaphore(%run_scoped3A : memref<!tpu.dma_semaphore, #tpu.memory_space<semaphore_mem>>)
      %dma_wait3A_92 = arith.constant 0 : i32
      %dma_wait3A_93 = tpu.memref_slice %arg12[%add3A_14, %dma_wait3A_92] : memref<10240x16xf32, #tpu.memory_space<vmem_shared>> -> memref<128x16xf32, #tpu.memory_space<vmem_shared>>
      %dma_wait3A_94 = arith.constant 0 : i32
      %dma_wait3A_95 = tpu.memref_slice %arg12[%add3A_14, %dma_wait3A_94] : memref<10240x16xf32, #tpu.memory_space<vmem_shared>> -> memref<128x16xf32, #tpu.memory_space<vmem_shared>>
      tpu.wait_dma2 semaphore(%run_scoped3A : memref<!tpu.dma_semaphore, #tpu.memory_space<semaphore_mem>>) src(%arg8 : memref<128x16xf32, #tpu.memory_space<vmem>>) dst(%dma_wait3A_95 : memref<128x16xf32, #tpu.memory_space<vmem_shared>>)
      tpu.yield
    }) : () -> ()
    %add3A_15 = arith.constant 384 : i32
    %add3A_16 = arith.addi %mul3A_8, %add3A_15 : i32
    "tpu.region"() ({
      %run_scoped3A = tpu.sem_alloc : memref<!tpu.dma_semaphore, #tpu.memory_space<semaphore_mem>>
      %dma_start3A_88 = arith.constant 0 : i32
      %dma_start3A_89 = tpu.memref_slice %arg12[%add3A_16, %dma_start3A_88] : memref<10240x16xf32, #tpu.memory_space<vmem_shared>> -> memref<128x16xf32, #tpu.memory_space<vmem_shared>>
      %dma_start3A_90 = arith.constant 0 : i32
      %dma_start3A_91 = tpu.memref_slice %arg12[%add3A_16, %dma_start3A_90] : memref<10240x16xf32, #tpu.memory_space<vmem_shared>> -> memref<128x16xf32, #tpu.memory_space<vmem_shared>>
      tpu.enqueue_dma source(%arg8 : memref<128x16xf32, #tpu.memory_space<vmem>>) target(%dma_start3A_91 : memref<128x16xf32, #tpu.memory_space<vmem_shared>>) target_semaphore(%run_scoped3A : memref<!tpu.dma_semaphore, #tpu.memory_space<semaphore_mem>>)
      %dma_wait3A_92 = arith.constant 0 : i32
      %dma_wait3A_93 = tpu.memref_slice %arg12[%add3A_16, %dma_wait3A_92] : memref<10240x16xf32, #tpu.memory_space<vmem_shared>> -> memref<128x16xf32, #tpu.memory_space<vmem_shared>>
      %dma_wait3A_94 = arith.constant 0 : i32
      %dma_wait3A_95 = tpu.memref_slice %arg12[%add3A_16, %dma_wait3A_94] : memref<10240x16xf32, #tpu.memory_space<vmem_shared>> -> memref<128x16xf32, #tpu.memory_space<vmem_shared>>
      tpu.wait_dma2 semaphore(%run_scoped3A : memref<!tpu.dma_semaphore, #tpu.memory_space<semaphore_mem>>) src(%arg8 : memref<128x16xf32, #tpu.memory_space<vmem>>) dst(%dma_wait3A_95 : memref<128x16xf32, #tpu.memory_space<vmem_shared>>)
      tpu.yield
    }) : () -> ()
    %add3A_17 = arith.constant 512 : i32
    %add3A_18 = arith.addi %mul3A_8, %add3A_17 : i32
    "tpu.region"() ({
      %run_scoped3A = tpu.sem_alloc : memref<!tpu.dma_semaphore, #tpu.memory_space<semaphore_mem>>
      %dma_start3A_88 = arith.constant 0 : i32
      %dma_start3A_89 = tpu.memref_slice %arg12[%add3A_18, %dma_start3A_88] : memref<10240x16xf32, #tpu.memory_space<vmem_shared>> -> memref<128x16xf32, #tpu.memory_space<vmem_shared>>
      %dma_start3A_90 = arith.constant 0 : i32
      %dma_start3A_91 = tpu.memref_slice %arg12[%add3A_18, %dma_start3A_90] : memref<10240x16xf32, #tpu.memory_space<vmem_shared>> -> memref<128x16xf32, #tpu.memory_space<vmem_shared>>
      tpu.enqueue_dma source(%arg8 : memref<128x16xf32, #tpu.memory_space<vmem>>) target(%dma_start3A_91 : memref<128x16xf32, #tpu.memory_space<vmem_shared>>) target_semaphore(%run_scoped3A : memref<!tpu.dma_semaphore, #tpu.memory_space<semaphore_mem>>)
      %dma_wait3A_92 = arith.constant 0 : i32
      %dma_wait3A_93 = tpu.memref_slice %arg12[%add3A_18, %dma_wait3A_92] : memref<10240x16xf32, #tpu.memory_space<vmem_shared>> -> memref<128x16xf32, #tpu.memory_space<vmem_shared>>
      %dma_wait3A_94 = arith.constant 0 : i32
      %dma_wait3A_95 = tpu.memref_slice %arg12[%add3A_18, %dma_wait3A_94] : memref<10240x16xf32, #tpu.memory_space<vmem_shared>> -> memref<128x16xf32, #tpu.memory_space<vmem_shared>>
      tpu.wait_dma2 semaphore(%run_scoped3A : memref<!tpu.dma_semaphore, #tpu.memory_space<semaphore_mem>>) src(%arg8 : memref<128x16xf32, #tpu.memory_space<vmem>>) dst(%dma_wait3A_95 : memref<128x16xf32, #tpu.memory_space<vmem_shared>>)
      tpu.yield
    }) : () -> ()
    %barrier3A = arith.constant 0 : index
    tpu.barrier barrier_id(%barrier3A)
    %scan3A_19 = arith.constant 0 : i32
    %scan3A_20 = arith.constant 128 : i32
    %scan3A_21 = arith.addi %scan3A_19, %scan3A_20 : i32
    %scan3A_22 = arith.constant 1 : i32
    scf.for %scan3A_88 = %scan3A_19 to %scan3A_21 step %scan3A_22  : i32 {
      %mul3A_89 = arith.constant 1 : i32
      %mul3A_90 = arith.muli %scan3A_88, %mul3A_89 : i32
      %add3A_91 = arith.constant 0 : i32
      %add3A_92 = arith.addi %add3A_91, %mul3A_90 : i32
      %broadcast_in_dim3A = arith.constant 1.000000e+00 : f32
      %broadcast_in_dim3A_93 = vector.broadcast %broadcast_in_dim3A : f32 to vector<16xf32>
      %swap3A = arith.index_cast %add3A_92 : i32 to index
      %swap3A_94 = arith.constant 0 : index
      %swap3A_95 = tpu.vector_load %arg9[%swap3A, %swap3A_94] {strides = array<i32>} : memref<128x16xf32, #tpu.memory_space<vmem>>, vector<1x16xf32>,
      %swap3A_96 = vector.shape_cast %swap3A_95 : vector<1x16xf32> to vector<16xf32>
      %swap3A_97 = vector.shape_cast %broadcast_in_dim3A_93 : vector<16xf32> to vector<1x16xf32>
      tpu.vector_store %arg9[%swap3A, %swap3A_94], %swap3A_97 {strides = array<i32>} : memref<128x16xf32, #tpu.memory_space<vmem>>, vector<1x16xf32>,
    }
    %scan3A_23 = arith.constant 128 : i32
    %dma_start3A = arith.constant 0 : i32
    %dma_start3A_24 = arith.constant 0 : i32
    %dma_start3A_25 = tpu.memref_slice %arg7[%dma_start3A, %dma_start3A_24] : memref<80x128xi32, #tpu.memory_space<vmem>> -> memref<1x128xi32, #tpu.memory_space<vmem>>
    %dma_start3A_26 = tpu.memref_squeeze %dma_start3A_25 : memref<1x128xi32, #tpu.memory_space<vmem>> -> memref<128xi32, #tpu.memory_space<vmem>>
    %dma_start3A_27 = arith.constant 0 : i32
    %dma_start3A_28 = arith.constant 0 : i32
    %dma_start3A_29 = tpu.memref_slice %arg12[%dma_start3A_27, %dma_start3A_28] : memref<10240x16xf32, #tpu.memory_space<vmem_shared>> -> memref<10240x16xf32, #tpu.memory_space<vmem_shared>>
    tpu.enqueue_indirect_dma source(%arg9 : memref<128x16xf32, #tpu.memory_space<vmem>>) target(%dma_start3A_29 : memref<10240x16xf32, #tpu.memory_space<vmem_shared>>) offsets(%dma_start3A_26 : memref<128xi32, #tpu.memory_space<vmem>>) semaphore(%arg17 : memref<!tpu.dma_semaphore, #tpu.memory_space<semaphore_mem>>) {add = true}
    %dma_start3A_30 = arith.constant 1 : i32
    %dma_start3A_31 = arith.constant 0 : i32
    %dma_start3A_32 = tpu.memref_slice %arg7[%dma_start3A_30, %dma_start3A_31] : memref<80x128xi32, #tpu.memory_space<vmem>> -> memref<1x128xi32, #tpu.memory_space<vmem>>
    %dma_start3A_33 = tpu.memref_squeeze %dma_start3A_32 : memref<1x128xi32, #tpu.memory_space<vmem>> -> memref<128xi32, #tpu.memory_space<vmem>>
    %dma_start3A_34 = arith.constant 0 : i32
    %dma_start3A_35 = arith.constant 0 : i32
    %dma_start3A_36 = tpu.memref_slice %arg12[%dma_start3A_34, %dma_start3A_35] : memref<10240x16xf32, #tpu.memory_space<vmem_shared>> -> memref<10240x16xf32, #tpu.memory_space<vmem_shared>>
    tpu.enqueue_indirect_dma source(%arg9 : memref<128x16xf32, #tpu.memory_space<vmem>>) target(%dma_start3A_36 : memref<10240x16xf32, #tpu.memory_space<vmem_shared>>) offsets(%dma_start3A_33 : memref<128xi32, #tpu.memory_space<vmem>>) semaphore(%arg18 : memref<!tpu.dma_semaphore, #tpu.memory_space<semaphore_mem>>) {add = true}
    %dma_start3A_37 = arith.constant 2 : i32
    %dma_start3A_38 = arith.constant 0 : i32
    %dma_start3A_39 = tpu.memref_slice %arg7[%dma_start3A_37, %dma_start3A_38] : memref<80x128xi32, #tpu.memory_space<vmem>> -> memref<1x128xi32, #tpu.memory_space<vmem>>
    %dma_start3A_40 = tpu.memref_squeeze %dma_start3A_39 : memref<1x128xi32, #tpu.memory_space<vmem>> -> memref<128xi32, #tpu.memory_space<vmem>>
    %dma_start3A_41 = arith.constant 0 : i32
    %dma_start3A_42 = arith.constant 0 : i32
    %dma_start3A_43 = tpu.memref_slice %arg12[%dma_start3A_41, %dma_start3A_42] : memref<10240x16xf32, #tpu.memory_space<vmem_shared>> -> memref<10240x16xf32, #tpu.memory_space<vmem_shared>>
    tpu.enqueue_indirect_dma source(%arg9 : memref<128x16xf32, #tpu.memory_space<vmem>>) target(%dma_start3A_43 : memref<10240x16xf32, #tpu.memory_space<vmem_shared>>) offsets(%dma_start3A_40 : memref<128xi32, #tpu.memory_space<vmem>>) semaphore(%arg19 : memref<!tpu.dma_semaphore, #tpu.memory_space<semaphore_mem>>) {add = true}
    %dma_start3A_44 = arith.constant 3 : i32
    %dma_start3A_45 = arith.constant 0 : i32
    %dma_start3A_46 = tpu.memref_slice %arg7[%dma_start3A_44, %dma_start3A_45] : memref<80x128xi32, #tpu.memory_space<vmem>> -> memref<1x128xi32, #tpu.memory_space<vmem>>
    %dma_start3A_47 = tpu.memref_squeeze %dma_start3A_46 : memref<1x128xi32, #tpu.memory_space<vmem>> -> memref<128xi32, #tpu.memory_space<vmem>>
    %dma_start3A_48 = arith.constant 0 : i32
    %dma_start3A_49 = arith.constant 0 : i32
    %dma_start3A_50 = tpu.memref_slice %arg12[%dma_start3A_48, %dma_start3A_49] : memref<10240x16xf32, #tpu.memory_space<vmem_shared>> -> memref<10240x16xf32, #tpu.memory_space<vmem_shared>>
    tpu.enqueue_indirect_dma source(%arg9 : memref<128x16xf32, #tpu.memory_space<vmem>>) target(%dma_start3A_50 : memref<10240x16xf32, #tpu.memory_space<vmem_shared>>) offsets(%dma_start3A_47 : memref<128xi32, #tpu.memory_space<vmem>>) semaphore(%arg20 : memref<!tpu.dma_semaphore, #tpu.memory_space<semaphore_mem>>) {add = true}
    %scan3A_51 = arith.constant 0 : i32
    %scan3A_52 = arith.constant 19 : i32
    %scan3A_53 = arith.addi %scan3A_51, %scan3A_52 : i32
    %scan3A_54 = arith.constant 1 : i32
    scf.for %scan3A_88 = %scan3A_51 to %scan3A_53 step %scan3A_54  : i32 {
      %mul3A_89 = arith.constant 1 : i32
      %mul3A_90 = arith.muli %scan3A_88, %mul3A_89 : i32
      %add3A_91 = arith.constant 0 : i32
      %add3A_92 = arith.addi %add3A_91, %mul3A_90 : i32
      %mul3A_93 = arith.constant 4 : i32
      %mul3A_94 = arith.muli %add3A_92, %mul3A_93 : i32
      %dma_wait3A_95 = arith.constant 0 : i32
      %dma_wait3A_96 = arith.constant 0 : i32
      %dma_wait3A_97 = tpu.memref_slice %arg7[%dma_wait3A_95, %dma_wait3A_96] : memref<80x128xi32, #tpu.memory_space<vmem>> -> memref<1x128xi32, #tpu.memory_space<vmem>>
      %dma_wait3A_98 = tpu.memref_squeeze %dma_wait3A_97 : memref<1x128xi32, #tpu.memory_space<vmem>> -> memref<128xi32, #tpu.memory_space<vmem>>
      %dma_wait3A_99 = arith.constant 0 : i32
      %dma_wait3A_100 = arith.constant 0 : i32
      %dma_wait3A_101 = tpu.memref_slice %arg12[%dma_wait3A_99, %dma_wait3A_100] : memref<10240x16xf32, #tpu.memory_space<vmem_shared>> -> memref<10240x16xf32, #tpu.memory_space<vmem_shared>>
      tpu.wait_indirect_dma semaphore(%arg17 : memref<!tpu.dma_semaphore, #tpu.memory_space<semaphore_mem>>) src(%arg9 : memref<128x16xf32, #tpu.memory_space<vmem>>) dst(%dma_wait3A_101 : memref<10240x16xf32, #tpu.memory_space<vmem_shared>>)
      %add3A_102 = arith.constant 4 : i32
      %add3A_103 = arith.addi %mul3A_94, %add3A_102 : i32
      %add3A_104 = arith.constant 0 : i32
      %add3A_105 = arith.addi %add3A_103, %add3A_104 : i32
      %dma_start3A_106 = arith.constant 0 : i32
      %dma_start3A_107 = tpu.memref_slice %arg7[%add3A_105, %dma_start3A_106] : memref<80x128xi32, #tpu.memory_space<vmem>> -> memref<1x128xi32, #tpu.memory_space<vmem>>
      %dma_start3A_108 = tpu.memref_squeeze %dma_start3A_107 : memref<1x128xi32, #tpu.memory_space<vmem>> -> memref<128xi32, #tpu.memory_space<vmem>>
      %dma_start3A_109 = arith.constant 0 : i32
      %dma_start3A_110 = arith.constant 0 : i32
      %dma_start3A_111 = tpu.memref_slice %arg12[%dma_start3A_109, %dma_start3A_110] : memref<10240x16xf32, #tpu.memory_space<vmem_shared>> -> memref<10240x16xf32, #tpu.memory_space<vmem_shared>>
      tpu.enqueue_indirect_dma source(%arg9 : memref<128x16xf32, #tpu.memory_space<vmem>>) target(%dma_start3A_111 : memref<10240x16xf32, #tpu.memory_space<vmem_shared>>) offsets(%dma_start3A_108 : memref<128xi32, #tpu.memory_space<vmem>>) semaphore(%arg17 : memref<!tpu.dma_semaphore, #tpu.memory_space<semaphore_mem>>) {add = true}
      %dma_wait3A_112 = arith.constant 0 : i32
      %dma_wait3A_113 = arith.constant 0 : i32
      %dma_wait3A_114 = tpu.memref_slice %arg7[%dma_wait3A_112, %dma_wait3A_113] : memref<80x128xi32, #tpu.memory_space<vmem>> -> memref<1x128xi32, #tpu.memory_space<vmem>>
      %dma_wait3A_115 = tpu.memref_squeeze %dma_wait3A_114 : memref<1x128xi32, #tpu.memory_space<vmem>> -> memref<128xi32, #tpu.memory_space<vmem>>
      %dma_wait3A_116 = arith.constant 0 : i32
      %dma_wait3A_117 = arith.constant 0 : i32
      %dma_wait3A_118 = tpu.memref_slice %arg12[%dma_wait3A_116, %dma_wait3A_117] : memref<10240x16xf32, #tpu.memory_space<vmem_shared>> -> memref<10240x16xf32, #tpu.memory_space<vmem_shared>>
      tpu.wait_indirect_dma semaphore(%arg18 : memref<!tpu.dma_semaphore, #tpu.memory_space<semaphore_mem>>) src(%arg9 : memref<128x16xf32, #tpu.memory_space<vmem>>) dst(%dma_wait3A_118 : memref<10240x16xf32, #tpu.memory_space<vmem_shared>>)
      %add3A_119 = arith.constant 4 : i32
      %add3A_120 = arith.addi %mul3A_94, %add3A_119 : i32
      %add3A_121 = arith.constant 1 : i32
      %add3A_122 = arith.addi %add3A_120, %add3A_121 : i32
      %dma_start3A_123 = arith.constant 0 : i32
      %dma_start3A_124 = tpu.memref_slice %arg7[%add3A_122, %dma_start3A_123] : memref<80x128xi32, #tpu.memory_space<vmem>> -> memref<1x128xi32, #tpu.memory_space<vmem>>
      %dma_start3A_125 = tpu.memref_squeeze %dma_start3A_124 : memref<1x128xi32, #tpu.memory_space<vmem>> -> memref<128xi32, #tpu.memory_space<vmem>>
      %dma_start3A_126 = arith.constant 0 : i32
      %dma_start3A_127 = arith.constant 0 : i32
      %dma_start3A_128 = tpu.memref_slice %arg12[%dma_start3A_126, %dma_start3A_127] : memref<10240x16xf32, #tpu.memory_space<vmem_shared>> -> memref<10240x16xf32, #tpu.memory_space<vmem_shared>>
      tpu.enqueue_indirect_dma source(%arg9 : memref<128x16xf32, #tpu.memory_space<vmem>>) target(%dma_start3A_128 : memref<10240x16xf32, #tpu.memory_space<vmem_shared>>) offsets(%dma_start3A_125 : memref<128xi32, #tpu.memory_space<vmem>>) semaphore(%arg18 : memref<!tpu.dma_semaphore, #tpu.memory_space<semaphore_mem>>) {add = true}
      %dma_wait3A_129 = arith.constant 0 : i32
      %dma_wait3A_130 = arith.constant 0 : i32
      %dma_wait3A_131 = tpu.memref_slice %arg7[%dma_wait3A_129, %dma_wait3A_130] : memref<80x128xi32, #tpu.memory_space<vmem>> -> memref<1x128xi32, #tpu.memory_space<vmem>>
      %dma_wait3A_132 = tpu.memref_squeeze %dma_wait3A_131 : memref<1x128xi32, #tpu.memory_space<vmem>> -> memref<128xi32, #tpu.memory_space<vmem>>
      %dma_wait3A_133 = arith.constant 0 : i32
      %dma_wait3A_134 = arith.constant 0 : i32
      %dma_wait3A_135 = tpu.memref_slice %arg12[%dma_wait3A_133, %dma_wait3A_134] : memref<10240x16xf32, #tpu.memory_space<vmem_shared>> -> memref<10240x16xf32, #tpu.memory_space<vmem_shared>>
      tpu.wait_indirect_dma semaphore(%arg19 : memref<!tpu.dma_semaphore, #tpu.memory_space<semaphore_mem>>) src(%arg9 : memref<128x16xf32, #tpu.memory_space<vmem>>) dst(%dma_wait3A_135 : memref<10240x16xf32, #tpu.memory_space<vmem_shared>>)
      %add3A_136 = arith.constant 4 : i32
      %add3A_137 = arith.addi %mul3A_94, %add3A_136 : i32
      %add3A_138 = arith.constant 2 : i32
      %add3A_139 = arith.addi %add3A_137, %add3A_138 : i32
      %dma_start3A_140 = arith.constant 0 : i32
      %dma_start3A_141 = tpu.memref_slice %arg7[%add3A_139, %dma_start3A_140] : memref<80x128xi32, #tpu.memory_space<vmem>> -> memref<1x128xi32, #tpu.memory_space<vmem>>
      %dma_start3A_142 = tpu.memref_squeeze %dma_start3A_141 : memref<1x128xi32, #tpu.memory_space<vmem>> -> memref<128xi32, #tpu.memory_space<vmem>>
      %dma_start3A_143 = arith.constant 0 : i32
      %dma_start3A_144 = arith.constant 0 : i32
      %dma_start3A_145 = tpu.memref_slice %arg12[%dma_start3A_143, %dma_start3A_144] : memref<10240x16xf32, #tpu.memory_space<vmem_shared>> -> memref<10240x16xf32, #tpu.memory_space<vmem_shared>>
      tpu.enqueue_indirect_dma source(%arg9 : memref<128x16xf32, #tpu.memory_space<vmem>>) target(%dma_start3A_145 : memref<10240x16xf32, #tpu.memory_space<vmem_shared>>) offsets(%dma_start3A_142 : memref<128xi32, #tpu.memory_space<vmem>>) semaphore(%arg19 : memref<!tpu.dma_semaphore, #tpu.memory_space<semaphore_mem>>) {add = true}
      %dma_wait3A_146 = arith.constant 0 : i32
      %dma_wait3A_147 = arith.constant 0 : i32
      %dma_wait3A_148 = tpu.memref_slice %arg7[%dma_wait3A_146, %dma_wait3A_147] : memref<80x128xi32, #tpu.memory_space<vmem>> -> memref<1x128xi32, #tpu.memory_space<vmem>>
      %dma_wait3A_149 = tpu.memref_squeeze %dma_wait3A_148 : memref<1x128xi32, #tpu.memory_space<vmem>> -> memref<128xi32, #tpu.memory_space<vmem>>
      %dma_wait3A_150 = arith.constant 0 : i32
      %dma_wait3A_151 = arith.constant 0 : i32
      %dma_wait3A_152 = tpu.memref_slice %arg12[%dma_wait3A_150, %dma_wait3A_151] : memref<10240x16xf32, #tpu.memory_space<vmem_shared>> -> memref<10240x16xf32, #tpu.memory_space<vmem_shared>>
      tpu.wait_indirect_dma semaphore(%arg20 : memref<!tpu.dma_semaphore, #tpu.memory_space<semaphore_mem>>) src(%arg9 : memref<128x16xf32, #tpu.memory_space<vmem>>) dst(%dma_wait3A_152 : memref<10240x16xf32, #tpu.memory_space<vmem_shared>>)
      %add3A_153 = arith.constant 4 : i32
      %add3A_154 = arith.addi %mul3A_94, %add3A_153 : i32
      %add3A_155 = arith.constant 3 : i32
      %add3A_156 = arith.addi %add3A_154, %add3A_155 : i32
      %dma_start3A_157 = arith.constant 0 : i32
      %dma_start3A_158 = tpu.memref_slice %arg7[%add3A_156, %dma_start3A_157] : memref<80x128xi32, #tpu.memory_space<vmem>> -> memref<1x128xi32, #tpu.memory_space<vmem>>
      %dma_start3A_159 = tpu.memref_squeeze %dma_start3A_158 : memref<1x128xi32, #tpu.memory_space<vmem>> -> memref<128xi32, #tpu.memory_space<vmem>>
      %dma_start3A_160 = arith.constant 0 : i32
      %dma_start3A_161 = arith.constant 0 : i32
      %dma_start3A_162 = tpu.memref_slice %arg12[%dma_start3A_160, %dma_start3A_161] : memref<10240x16xf32, #tpu.memory_space<vmem_shared>> -> memref<10240x16xf32, #tpu.memory_space<vmem_shared>>
      tpu.enqueue_indirect_dma source(%arg9 : memref<128x16xf32, #tpu.memory_space<vmem>>) target(%dma_start3A_162 : memref<10240x16xf32, #tpu.memory_space<vmem_shared>>) offsets(%dma_start3A_159 : memref<128xi32, #tpu.memory_space<vmem>>) semaphore(%arg20 : memref<!tpu.dma_semaphore, #tpu.memory_space<semaphore_mem>>) {add = true}
    }
    %scan3A_55 = arith.constant 19 : i32
    %dma_wait3A = arith.constant 0 : i32
    %dma_wait3A_56 = arith.constant 0 : i32
    %dma_wait3A_57 = tpu.memref_slice %arg7[%dma_wait3A, %dma_wait3A_56] : memref<80x128xi32, #tpu.memory_space<vmem>> -> memref<1x128xi32, #tpu.memory_space<vmem>>
    %dma_wait3A_58 = tpu.memref_squeeze %dma_wait3A_57 : memref<1x128xi32, #tpu.memory_space<vmem>> -> memref<128xi32, #tpu.memory_space<vmem>>
    %dma_wait3A_59 = arith.constant 0 : i32
    %dma_wait3A_60 = arith.constant 0 : i32
    %dma_wait3A_61 = tpu.memref_slice %arg12[%dma_wait3A_59, %dma_wait3A_60] : memref<10240x16xf32, #tpu.memory_space<vmem_shared>> -> memref<10240x16xf32, #tpu.memory_space<vmem_shared>>
    tpu.wait_indirect_dma semaphore(%arg17 : memref<!tpu.dma_semaphore, #tpu.memory_space<semaphore_mem>>) src(%arg9 : memref<128x16xf32, #tpu.memory_space<vmem>>) dst(%dma_wait3A_61 : memref<10240x16xf32, #tpu.memory_space<vmem_shared>>)
    %dma_wait3A_62 = arith.constant 0 : i32
    %dma_wait3A_63 = arith.constant 0 : i32
    %dma_wait3A_64 = tpu.memref_slice %arg7[%dma_wait3A_62, %dma_wait3A_63] : memref<80x128xi32, #tpu.memory_space<vmem>> -> memref<1x128xi32, #tpu.memory_space<vmem>>
    %dma_wait3A_65 = tpu.memref_squeeze %dma_wait3A_64 : memref<1x128xi32, #tpu.memory_space<vmem>> -> memref<128xi32, #tpu.memory_space<vmem>>
    %dma_wait3A_66 = arith.constant 0 : i32
    %dma_wait3A_67 = arith.constant 0 : i32
    %dma_wait3A_68 = tpu.memref_slice %arg12[%dma_wait3A_66, %dma_wait3A_67] : memref<10240x16xf32, #tpu.memory_space<vmem_shared>> -> memref<10240x16xf32, #tpu.memory_space<vmem_shared>>
    tpu.wait_indirect_dma semaphore(%arg18 : memref<!tpu.dma_semaphore, #tpu.memory_space<semaphore_mem>>) src(%arg9 : memref<128x16xf32, #tpu.memory_space<vmem>>) dst(%dma_wait3A_68 : memref<10240x16xf32, #tpu.memory_space<vmem_shared>>)
    %dma_wait3A_69 = arith.constant 0 : i32
    %dma_wait3A_70 = arith.constant 0 : i32
    %dma_wait3A_71 = tpu.memref_slice %arg7[%dma_wait3A_69, %dma_wait3A_70] : memref<80x128xi32, #tpu.memory_space<vmem>> -> memref<1x128xi32, #tpu.memory_space<vmem>>
    %dma_wait3A_72 = tpu.memref_squeeze %dma_wait3A_71 : memref<1x128xi32, #tpu.memory_space<vmem>> -> memref<128xi32, #tpu.memory_space<vmem>>
    %dma_wait3A_73 = arith.constant 0 : i32
    %dma_wait3A_74 = arith.constant 0 : i32
    %dma_wait3A_75 = tpu.memref_slice %arg12[%dma_wait3A_73, %dma_wait3A_74] : memref<10240x16xf32, #tpu.memory_space<vmem_shared>> -> memref<10240x16xf32, #tpu.memory_space<vmem_shared>>
    tpu.wait_indirect_dma semaphore(%arg19 : memref<!tpu.dma_semaphore, #tpu.memory_space<semaphore_mem>>) src(%arg9 : memref<128x16xf32, #tpu.memory_space<vmem>>) dst(%dma_wait3A_75 : memref<10240x16xf32, #tpu.memory_space<vmem_shared>>)
    %dma_wait3A_76 = arith.constant 0 : i32
    %dma_wait3A_77 = arith.constant 0 : i32
    %dma_wait3A_78 = tpu.memref_slice %arg7[%dma_wait3A_76, %dma_wait3A_77] : memref<80x128xi32, #tpu.memory_space<vmem>> -> memref<1x128xi32, #tpu.memory_space<vmem>>
    %dma_wait3A_79 = tpu.memref_squeeze %dma_wait3A_78 : memref<1x128xi32, #tpu.memory_space<vmem>> -> memref<128xi32, #tpu.memory_space<vmem>>
    %dma_wait3A_80 = arith.constant 0 : i32
    %dma_wait3A_81 = arith.constant 0 : i32
    %dma_wait3A_82 = tpu.memref_slice %arg12[%dma_wait3A_80, %dma_wait3A_81] : memref<10240x16xf32, #tpu.memory_space<vmem_shared>> -> memref<10240x16xf32, #tpu.memory_space<vmem_shared>>
    tpu.wait_indirect_dma semaphore(%arg20 : memref<!tpu.dma_semaphore, #tpu.memory_space<semaphore_mem>>) src(%arg9 : memref<128x16xf32, #tpu.memory_space<vmem>>) dst(%dma_wait3A_82 : memref<10240x16xf32, #tpu.memory_space<vmem_shared>>)
    %barrier3A_83 = arith.constant 0 : index
    tpu.barrier barrier_id(%barrier3A_83)
    %mul3A_84 = arith.constant 624 : i32
    %mul3A_85 = arith.muli %arg1, %mul3A_84 : i32
    "tpu.region"() ({
      %run_scoped3A = tpu.sem_alloc : memref<!tpu.dma_semaphore, #tpu.memory_space<semaphore_mem>>
      %dma_start3A_88 = arith.constant 0 : i32
      %dma_start3A_89 = tpu.memref_slice %arg5[%arg0, %mul3A_85, %dma_start3A_88] : memref<2x10000x16xf32, #tpu.memory_space<hbm>> -> memref<1x624x16xf32, #tpu.memory_space<hbm>>
      %dma_start3A_90 = tpu.memref_squeeze %dma_start3A_89 : memref<1x624x16xf32, #tpu.memory_space<hbm>> -> memref<624x16xf32, #tpu.memory_space<hbm>>
      %dma_start3A_91 = arith.constant 0 : i32
      %dma_start3A_92 = tpu.memref_slice %arg12[%mul3A_85, %dma_start3A_91] : memref<10240x16xf32, #tpu.memory_space<vmem_shared>> -> memref<624x16xf32, #tpu.memory_space<vmem_shared>>
      tpu.enqueue_dma source(%dma_start3A_92 : memref<624x16xf32, #tpu.memory_space<vmem_shared>>) target(%dma_start3A_90 : memref<624x16xf32, #tpu.memory_space<hbm>>) target_semaphore(%run_scoped3A : memref<!tpu.dma_semaphore, #tpu.memory_space<semaphore_mem>>)
      %dma_wait3A_93 = arith.constant 0 : i32
      %dma_wait3A_94 = tpu.memref_slice %arg5[%arg0, %mul3A_85, %dma_wait3A_93] : memref<2x10000x16xf32, #tpu.memory_space<hbm>> -> memref<1x624x16xf32, #tpu.memory_space<hbm>>
      %dma_wait3A_95 = tpu.memref_squeeze %dma_wait3A_94 : memref<1x624x16xf32, #tpu.memory_space<hbm>> -> memref<624x16xf32, #tpu.memory_space<hbm>>
      %dma_wait3A_96 = arith.constant 0 : i32
      %dma_wait3A_97 = tpu.memref_slice %arg12[%mul3A_85, %dma_wait3A_96] : memref<10240x16xf32, #tpu.memory_space<vmem_shared>> -> memref<624x16xf32, #tpu.memory_space<vmem_shared>>
      tpu.wait_dma2 semaphore(%run_scoped3A : memref<!tpu.dma_semaphore, #tpu.memory_space<semaphore_mem>>) src(%dma_wait3A_97 : memref<624x16xf32, #tpu.memory_space<vmem_shared>>) dst(%dma_wait3A_95 : memref<624x16xf32, #tpu.memory_space<hbm>>)
      tpu.yield
    }) : () -> ()
    %eq3A = arith.constant 15 : i32
    %eq3A_86 = arith.cmpi eq, %arg1, %eq3A : i32
    %convert_element_type3A = arith.extui %eq3A_86 : i1 to i32
    %cond3A = arith.constant 0 : i32
    %cond3A_87 = arith.cmpi ne, %convert_element_type3A, %cond3A : i32
    scf.if %cond3A_87 {
      "tpu.region"() ({
        %run_scoped3A = tpu.sem_alloc : memref<!tpu.dma_semaphore, #tpu.memory_space<semaphore_mem>>
        %dma_start3A_88 = arith.constant 9984 : i32
        %dma_start3A_89 = arith.constant 0 : i32
        %dma_start3A_90 = tpu.memref_slice %arg5[%arg0, %dma_start3A_88, %dma_start3A_89] : memref<2x10000x16xf32, #tpu.memory_space<hbm>> -> memref<1x16x16xf32, #tpu.memory_space<hbm>>
        %dma_start3A_91 = tpu.memref_squeeze %dma_start3A_90 : memref<1x16x16xf32, #tpu.memory_space<hbm>> -> memref<16x16xf32, #tpu.memory_space<hbm>>
        %dma_start3A_92 = arith.constant 9984 : i32
        %dma_start3A_93 = arith.constant 0 : i32
        %dma_start3A_94 = tpu.memref_slice %arg12[%dma_start3A_92, %dma_start3A_93] : memref<10240x16xf32, #tpu.memory_space<vmem_shared>> -> memref<16x16xf32, #tpu.memory_space<vmem_shared>>
        tpu.enqueue_dma source(%dma_start3A_94 : memref<16x16xf32, #tpu.memory_space<vmem_shared>>) target(%dma_start3A_91 : memref<16x16xf32, #tpu.memory_space<hbm>>) target_semaphore(%run_scoped3A : memref<!tpu.dma_semaphore, #tpu.memory_space<semaphore_mem>>)
        %dma_wait3A_95 = arith.constant 9984 : i32
        %dma_wait3A_96 = arith.constant 0 : i32
        %dma_wait3A_97 = tpu.memref_slice %arg5[%arg0, %dma_wait3A_95, %dma_wait3A_96] : memref<2x10000x16xf32, #tpu.memory_space<hbm>> -> memref<1x16x16xf32, #tpu.memory_space<hbm>>
        %dma_wait3A_98 = tpu.memref_squeeze %dma_wait3A_97 : memref<1x16x16xf32, #tpu.memory_space<hbm>> -> memref<16x16xf32, #tpu.memory_space<hbm>>
        %dma_wait3A_99 = arith.constant 9984 : i32
        %dma_wait3A_100 = arith.constant 0 : i32
        %dma_wait3A_101 = tpu.memref_slice %arg12[%dma_wait3A_99, %dma_wait3A_100] : memref<10240x16xf32, #tpu.memory_space<vmem_shared>> -> memref<16x16xf32, #tpu.memory_space<vmem_shared>>
        tpu.wait_dma2 semaphore(%run_scoped3A : memref<!tpu.dma_semaphore, #tpu.memory_space<semaphore_mem>>) src(%dma_wait3A_101 : memref<16x16xf32, #tpu.memory_space<vmem_shared>>) dst(%dma_wait3A_98 : memref<16x16xf32, #tpu.memory_space<hbm>>)
        tpu.yield
      }) : () -> ()
    } else {
    }
    return
  }
}

#map = affine_map<(d0, d1) -> (0, 0)>
#map1 = affine_map<(d0, d1) -> (0, 0, 0)>
module attributes {stable_mosaic.version = 14 : i64} {
  func.func @body(%arg0: i32, %arg1: i32, %arg2: memref<10000x16xf32, #tpu.memory_space<hbm>>, %arg3: memref<2560x128xi32, #tpu.memory_space<hbm>>, %arg4: memref<2560x128xi32, #tpu.memory_space<hbm>>, %arg5: memref<2x10000x16xf32, #tpu.memory_space<hbm>>, %arg6: memref<80x128xi32, #tpu.memory_space<vmem>>, %arg7: memref<80x128xi32, #tpu.memory_space<vmem>>, %arg8: memref<128x16xf32, #tpu.memory_space<vmem>>, %arg9: memref<128x16xf32, #tpu.memory_space<vmem>>, %arg10: memref<128x16xf32, #tpu.memory_space<vmem>>, %arg11: memref<128x16xf32, #tpu.memory_space<vmem>>, %arg12: memref<10240x16xf32, #tpu.memory_space<vmem_shared>>, %arg13: memref<!tpu.dma_semaphore, #tpu.memory_space<semaphore_mem>>, %arg14: memref<!tpu.dma_semaphore, #tpu.memory_space<semaphore_mem>>, %arg15: memref<!tpu.dma_semaphore, #tpu.memory_space<semaphore_mem>>, %arg16: memref<!tpu.dma_semaphore, #tpu.memory_space<semaphore_mem>>, %arg17: memref<!tpu.dma_semaphore, #tpu.memory_space<semaphore_mem>>, %arg18: memref<!tpu.dma_semaphore, #tpu.memory_space<semaphore_mem>>, %arg19: memref<!tpu.dma_semaphore, #tpu.memory_space<semaphore_mem>>, %arg20: memref<!tpu.dma_semaphore, #tpu.memory_space<semaphore_mem>>) attributes {dimension_semantics = [#tpu.dimension_semantics<core_parallel>, #tpu.dimension_semantics<subcore_parallel>], iteration_bounds = array<i64: 2, 16>, scalar_prefetch = 0 : i64, scratch_operands = 15 : i64, tpu.core_type = #tpu.core_type<sc_vector_subcore>, window_params = [{transform_indices = #map}, {transform_indices = #map}, {transform_indices = #map}, {transform_indices = #map1}]} {
    %mul3A = arith.constant 1280 : i32
    %mul3A_0 = arith.muli %arg0, %mul3A : i32
    %mul3A_1 = arith.constant 80 : i32
    %mul3A_2 = arith.muli %arg1, %mul3A_1 : i32
    %add3A = arith.addi %mul3A_0, %mul3A_2 : i32
    "tpu.region"() ({
      %run_scoped3A = tpu.sem_alloc : memref<!tpu.dma_semaphore, #tpu.memory_space<semaphore_mem>>
      %dma_start3A_83 = arith.constant 0 : i32
      %dma_start3A_84 = tpu.memref_slice %arg3[%add3A, %dma_start3A_83] : memref<2560x128xi32, #tpu.memory_space<hbm>> -> memref<80x128xi32, #tpu.memory_space<hbm>>
      %dma_start3A_85 = arith.constant 0 : i32
      %dma_start3A_86 = tpu.memref_slice %arg3[%add3A, %dma_start3A_85] : memref<2560x128xi32, #tpu.memory_space<hbm>> -> memref<80x128xi32, #tpu.memory_space<hbm>>
      tpu.enqueue_dma source(%dma_start3A_86 : memref<80x128xi32, #tpu.memory_space<hbm>>) target(%arg6 : memref<80x128xi32, #tpu.memory_space<vmem>>) target_semaphore(%run_scoped3A : memref<!tpu.dma_semaphore, #tpu.memory_space<semaphore_mem>>)
      %dma_wait3A_87 = arith.constant 0 : i32
      %dma_wait3A_88 = tpu.memref_slice %arg3[%add3A, %dma_wait3A_87] : memref<2560x128xi32, #tpu.memory_space<hbm>> -> memref<80x128xi32, #tpu.memory_space<hbm>>
      %dma_wait3A_89 = arith.constant 0 : i32
      %dma_wait3A_90 = tpu.memref_slice %arg3[%add3A, %dma_wait3A_89] : memref<2560x128xi32, #tpu.memory_space<hbm>> -> memref<80x128xi32, #tpu.memory_space<hbm>>
      tpu.wait_dma2 semaphore(%run_scoped3A : memref<!tpu.dma_semaphore, #tpu.memory_space<semaphore_mem>>) src(%dma_wait3A_90 : memref<80x128xi32, #tpu.memory_space<hbm>>) dst(%arg6 : memref<80x128xi32, #tpu.memory_space<vmem>>)
      tpu.yield
    }) : () -> ()
    "tpu.region"() ({
      %run_scoped3A = tpu.sem_alloc : memref<!tpu.dma_semaphore, #tpu.memory_space<semaphore_mem>>
      %dma_start3A_83 = arith.constant 0 : i32
      %dma_start3A_84 = tpu.memref_slice %arg4[%add3A, %dma_start3A_83] : memref<2560x128xi32, #tpu.memory_space<hbm>> -> memref<80x128xi32, #tpu.memory_space<hbm>>
      %dma_start3A_85 = arith.constant 0 : i32
      %dma_start3A_86 = tpu.memref_slice %arg4[%add3A, %dma_start3A_85] : memref<2560x128xi32, #tpu.memory_space<hbm>> -> memref<80x128xi32, #tpu.memory_space<hbm>>
      tpu.enqueue_dma source(%dma_start3A_86 : memref<80x128xi32, #tpu.memory_space<hbm>>) target(%arg7 : memref<80x128xi32, #tpu.memory_space<vmem>>) target_semaphore(%run_scoped3A : memref<!tpu.dma_semaphore, #tpu.memory_space<semaphore_mem>>)
      %dma_wait3A_87 = arith.constant 0 : i32
      %dma_wait3A_88 = tpu.memref_slice %arg4[%add3A, %dma_wait3A_87] : memref<2560x128xi32, #tpu.memory_space<hbm>> -> memref<80x128xi32, #tpu.memory_space<hbm>>
      %dma_wait3A_89 = arith.constant 0 : i32
      %dma_wait3A_90 = tpu.memref_slice %arg4[%add3A, %dma_wait3A_89] : memref<2560x128xi32, #tpu.memory_space<hbm>> -> memref<80x128xi32, #tpu.memory_space<hbm>>
      tpu.wait_dma2 semaphore(%run_scoped3A : memref<!tpu.dma_semaphore, #tpu.memory_space<semaphore_mem>>) src(%dma_wait3A_90 : memref<80x128xi32, #tpu.memory_space<hbm>>) dst(%arg7 : memref<80x128xi32, #tpu.memory_space<vmem>>)
      tpu.yield
    }) : () -> ()
    %scan3A = arith.constant 0 : i32
    %scan3A_3 = arith.constant 128 : i32
    %scan3A_4 = arith.addi %scan3A, %scan3A_3 : i32
    %scan3A_5 = arith.constant 1 : i32
    scf.for %scan3A_83 = %scan3A to %scan3A_4 step %scan3A_5  : i32 {
      %mul3A_84 = arith.constant 1 : i32
      %mul3A_85 = arith.muli %scan3A_83, %mul3A_84 : i32
      %add3A_86 = arith.constant 0 : i32
      %add3A_87 = arith.addi %add3A_86, %mul3A_85 : i32
      %broadcast_in_dim3A = arith.constant 0.000000e+00 : f32
      %broadcast_in_dim3A_88 = vector.broadcast %broadcast_in_dim3A : f32 to vector<16xf32>
      %swap3A = arith.index_cast %add3A_87 : i32 to index
      %swap3A_89 = arith.constant 0 : index
      %swap3A_90 = tpu.vector_load %arg8[%swap3A, %swap3A_89] {strides = array<i32>} : memref<128x16xf32, #tpu.memory_space<vmem>>, vector<1x16xf32>,
      %swap3A_91 = vector.shape_cast %swap3A_90 : vector<1x16xf32> to vector<16xf32>
      %swap3A_92 = vector.shape_cast %broadcast_in_dim3A_88 : vector<16xf32> to vector<1x16xf32>
      tpu.vector_store %arg8[%swap3A, %swap3A_89], %swap3A_92 {strides = array<i32>} : memref<128x16xf32, #tpu.memory_space<vmem>>, vector<1x16xf32>,
    }
    %scan3A_6 = arith.constant 128 : i32
    %mul3A_7 = arith.constant 640 : i32
    %mul3A_8 = arith.muli %arg1, %mul3A_7 : i32
    %add3A_9 = arith.constant 0 : i32
    %add3A_10 = arith.addi %mul3A_8, %add3A_9 : i32
    "tpu.region"() ({
      %run_scoped3A = tpu.sem_alloc : memref<!tpu.dma_semaphore, #tpu.memory_space<semaphore_mem>>
      %dma_start3A_83 = arith.constant 0 : i32
      %dma_start3A_84 = tpu.memref_slice %arg12[%add3A_10, %dma_start3A_83] : memref<10240x16xf32, #tpu.memory_space<vmem_shared>> -> memref<128x16xf32, #tpu.memory_space<vmem_shared>>
      %dma_start3A_85 = arith.constant 0 : i32
      %dma_start3A_86 = tpu.memref_slice %arg12[%add3A_10, %dma_start3A_85] : memref<10240x16xf32, #tpu.memory_space<vmem_shared>> -> memref<128x16xf32, #tpu.memory_space<vmem_shared>>
      tpu.enqueue_dma source(%arg8 : memref<128x16xf32, #tpu.memory_space<vmem>>) target(%dma_start3A_86 : memref<128x16xf32, #tpu.memory_space<vmem_shared>>) target_semaphore(%run_scoped3A : memref<!tpu.dma_semaphore, #tpu.memory_space<semaphore_mem>>)
      %dma_wait3A_87 = arith.constant 0 : i32
      %dma_wait3A_88 = tpu.memref_slice %arg12[%add3A_10, %dma_wait3A_87] : memref<10240x16xf32, #tpu.memory_space<vmem_shared>> -> memref<128x16xf32, #tpu.memory_space<vmem_shared>>
      %dma_wait3A_89 = arith.constant 0 : i32
      %dma_wait3A_90 = tpu.memref_slice %arg12[%add3A_10, %dma_wait3A_89] : memref<10240x16xf32, #tpu.memory_space<vmem_shared>> -> memref<128x16xf32, #tpu.memory_space<vmem_shared>>
      tpu.wait_dma2 semaphore(%run_scoped3A : memref<!tpu.dma_semaphore, #tpu.memory_space<semaphore_mem>>) src(%arg8 : memref<128x16xf32, #tpu.memory_space<vmem>>) dst(%dma_wait3A_90 : memref<128x16xf32, #tpu.memory_space<vmem_shared>>)
      tpu.yield
    }) : () -> ()
    %add3A_11 = arith.constant 128 : i32
    %add3A_12 = arith.addi %mul3A_8, %add3A_11 : i32
    "tpu.region"() ({
      %run_scoped3A = tpu.sem_alloc : memref<!tpu.dma_semaphore, #tpu.memory_space<semaphore_mem>>
      %dma_start3A_83 = arith.constant 0 : i32
      %dma_start3A_84 = tpu.memref_slice %arg12[%add3A_12, %dma_start3A_83] : memref<10240x16xf32, #tpu.memory_space<vmem_shared>> -> memref<128x16xf32, #tpu.memory_space<vmem_shared>>
      %dma_start3A_85 = arith.constant 0 : i32
      %dma_start3A_86 = tpu.memref_slice %arg12[%add3A_12, %dma_start3A_85] : memref<10240x16xf32, #tpu.memory_space<vmem_shared>> -> memref<128x16xf32, #tpu.memory_space<vmem_shared>>
      tpu.enqueue_dma source(%arg8 : memref<128x16xf32, #tpu.memory_space<vmem>>) target(%dma_start3A_86 : memref<128x16xf32, #tpu.memory_space<vmem_shared>>) target_semaphore(%run_scoped3A : memref<!tpu.dma_semaphore, #tpu.memory_space<semaphore_mem>>)
      %dma_wait3A_87 = arith.constant 0 : i32
      %dma_wait3A_88 = tpu.memref_slice %arg12[%add3A_12, %dma_wait3A_87] : memref<10240x16xf32, #tpu.memory_space<vmem_shared>> -> memref<128x16xf32, #tpu.memory_space<vmem_shared>>
      %dma_wait3A_89 = arith.constant 0 : i32
      %dma_wait3A_90 = tpu.memref_slice %arg12[%add3A_12, %dma_wait3A_89] : memref<10240x16xf32, #tpu.memory_space<vmem_shared>> -> memref<128x16xf32, #tpu.memory_space<vmem_shared>>
      tpu.wait_dma2 semaphore(%run_scoped3A : memref<!tpu.dma_semaphore, #tpu.memory_space<semaphore_mem>>) src(%arg8 : memref<128x16xf32, #tpu.memory_space<vmem>>) dst(%dma_wait3A_90 : memref<128x16xf32, #tpu.memory_space<vmem_shared>>)
      tpu.yield
    }) : () -> ()
    %add3A_13 = arith.constant 256 : i32
    %add3A_14 = arith.addi %mul3A_8, %add3A_13 : i32
    "tpu.region"() ({
      %run_scoped3A = tpu.sem_alloc : memref<!tpu.dma_semaphore, #tpu.memory_space<semaphore_mem>>
      %dma_start3A_83 = arith.constant 0 : i32
      %dma_start3A_84 = tpu.memref_slice %arg12[%add3A_14, %dma_start3A_83] : memref<10240x16xf32, #tpu.memory_space<vmem_shared>> -> memref<128x16xf32, #tpu.memory_space<vmem_shared>>
      %dma_start3A_85 = arith.constant 0 : i32
      %dma_start3A_86 = tpu.memref_slice %arg12[%add3A_14, %dma_start3A_85] : memref<10240x16xf32, #tpu.memory_space<vmem_shared>> -> memref<128x16xf32, #tpu.memory_space<vmem_shared>>
      tpu.enqueue_dma source(%arg8 : memref<128x16xf32, #tpu.memory_space<vmem>>) target(%dma_start3A_86 : memref<128x16xf32, #tpu.memory_space<vmem_shared>>) target_semaphore(%run_scoped3A : memref<!tpu.dma_semaphore, #tpu.memory_space<semaphore_mem>>)
      %dma_wait3A_87 = arith.constant 0 : i32
      %dma_wait3A_88 = tpu.memref_slice %arg12[%add3A_14, %dma_wait3A_87] : memref<10240x16xf32, #tpu.memory_space<vmem_shared>> -> memref<128x16xf32, #tpu.memory_space<vmem_shared>>
      %dma_wait3A_89 = arith.constant 0 : i32
      %dma_wait3A_90 = tpu.memref_slice %arg12[%add3A_14, %dma_wait3A_89] : memref<10240x16xf32, #tpu.memory_space<vmem_shared>> -> memref<128x16xf32, #tpu.memory_space<vmem_shared>>
      tpu.wait_dma2 semaphore(%run_scoped3A : memref<!tpu.dma_semaphore, #tpu.memory_space<semaphore_mem>>) src(%arg8 : memref<128x16xf32, #tpu.memory_space<vmem>>) dst(%dma_wait3A_90 : memref<128x16xf32, #tpu.memory_space<vmem_shared>>)
      tpu.yield
    }) : () -> ()
    %add3A_15 = arith.constant 384 : i32
    %add3A_16 = arith.addi %mul3A_8, %add3A_15 : i32
    "tpu.region"() ({
      %run_scoped3A = tpu.sem_alloc : memref<!tpu.dma_semaphore, #tpu.memory_space<semaphore_mem>>
      %dma_start3A_83 = arith.constant 0 : i32
      %dma_start3A_84 = tpu.memref_slice %arg12[%add3A_16, %dma_start3A_83] : memref<10240x16xf32, #tpu.memory_space<vmem_shared>> -> memref<128x16xf32, #tpu.memory_space<vmem_shared>>
      %dma_start3A_85 = arith.constant 0 : i32
      %dma_start3A_86 = tpu.memref_slice %arg12[%add3A_16, %dma_start3A_85] : memref<10240x16xf32, #tpu.memory_space<vmem_shared>> -> memref<128x16xf32, #tpu.memory_space<vmem_shared>>
      tpu.enqueue_dma source(%arg8 : memref<128x16xf32, #tpu.memory_space<vmem>>) target(%dma_start3A_86 : memref<128x16xf32, #tpu.memory_space<vmem_shared>>) target_semaphore(%run_scoped3A : memref<!tpu.dma_semaphore, #tpu.memory_space<semaphore_mem>>)
      %dma_wait3A_87 = arith.constant 0 : i32
      %dma_wait3A_88 = tpu.memref_slice %arg12[%add3A_16, %dma_wait3A_87] : memref<10240x16xf32, #tpu.memory_space<vmem_shared>> -> memref<128x16xf32, #tpu.memory_space<vmem_shared>>
      %dma_wait3A_89 = arith.constant 0 : i32
      %dma_wait3A_90 = tpu.memref_slice %arg12[%add3A_16, %dma_wait3A_89] : memref<10240x16xf32, #tpu.memory_space<vmem_shared>> -> memref<128x16xf32, #tpu.memory_space<vmem_shared>>
      tpu.wait_dma2 semaphore(%run_scoped3A : memref<!tpu.dma_semaphore, #tpu.memory_space<semaphore_mem>>) src(%arg8 : memref<128x16xf32, #tpu.memory_space<vmem>>) dst(%dma_wait3A_90 : memref<128x16xf32, #tpu.memory_space<vmem_shared>>)
      tpu.yield
    }) : () -> ()
    %add3A_17 = arith.constant 512 : i32
    %add3A_18 = arith.addi %mul3A_8, %add3A_17 : i32
    "tpu.region"() ({
      %run_scoped3A = tpu.sem_alloc : memref<!tpu.dma_semaphore, #tpu.memory_space<semaphore_mem>>
      %dma_start3A_83 = arith.constant 0 : i32
      %dma_start3A_84 = tpu.memref_slice %arg12[%add3A_18, %dma_start3A_83] : memref<10240x16xf32, #tpu.memory_space<vmem_shared>> -> memref<128x16xf32, #tpu.memory_space<vmem_shared>>
      %dma_start3A_85 = arith.constant 0 : i32
      %dma_start3A_86 = tpu.memref_slice %arg12[%add3A_18, %dma_start3A_85] : memref<10240x16xf32, #tpu.memory_space<vmem_shared>> -> memref<128x16xf32, #tpu.memory_space<vmem_shared>>
      tpu.enqueue_dma source(%arg8 : memref<128x16xf32, #tpu.memory_space<vmem>>) target(%dma_start3A_86 : memref<128x16xf32, #tpu.memory_space<vmem_shared>>) target_semaphore(%run_scoped3A : memref<!tpu.dma_semaphore, #tpu.memory_space<semaphore_mem>>)
      %dma_wait3A_87 = arith.constant 0 : i32
      %dma_wait3A_88 = tpu.memref_slice %arg12[%add3A_18, %dma_wait3A_87] : memref<10240x16xf32, #tpu.memory_space<vmem_shared>> -> memref<128x16xf32, #tpu.memory_space<vmem_shared>>
      %dma_wait3A_89 = arith.constant 0 : i32
      %dma_wait3A_90 = tpu.memref_slice %arg12[%add3A_18, %dma_wait3A_89] : memref<10240x16xf32, #tpu.memory_space<vmem_shared>> -> memref<128x16xf32, #tpu.memory_space<vmem_shared>>
      tpu.wait_dma2 semaphore(%run_scoped3A : memref<!tpu.dma_semaphore, #tpu.memory_space<semaphore_mem>>) src(%arg8 : memref<128x16xf32, #tpu.memory_space<vmem>>) dst(%dma_wait3A_90 : memref<128x16xf32, #tpu.memory_space<vmem_shared>>)
      tpu.yield
    }) : () -> ()
    %barrier3A = arith.constant 0 : index
    tpu.barrier barrier_id(%barrier3A)
    %dma_start3A = arith.constant 0 : i32
    %dma_start3A_19 = arith.constant 0 : i32
    %dma_start3A_20 = tpu.memref_slice %arg6[%dma_start3A, %dma_start3A_19] : memref<80x128xi32, #tpu.memory_space<vmem>> -> memref<1x128xi32, #tpu.memory_space<vmem>>
    %dma_start3A_21 = tpu.memref_squeeze %dma_start3A_20 : memref<1x128xi32, #tpu.memory_space<vmem>> -> memref<128xi32, #tpu.memory_space<vmem>>
    %dma_start3A_22 = arith.constant 0 : i32
    %dma_start3A_23 = arith.constant 0 : i32
    %dma_start3A_24 = tpu.memref_slice %arg2[%dma_start3A_22, %dma_start3A_23] : memref<10000x16xf32, #tpu.memory_space<hbm>> -> memref<10000x16xf32, #tpu.memory_space<hbm>>
    tpu.enqueue_indirect_dma source(%dma_start3A_24 : memref<10000x16xf32, #tpu.memory_space<hbm>>) target(%arg8 : memref<128x16xf32, #tpu.memory_space<vmem>>) offsets(%dma_start3A_21 : memref<128xi32, #tpu.memory_space<vmem>>) semaphore(%arg13 : memref<!tpu.dma_semaphore, #tpu.memory_space<semaphore_mem>>)
    %dma_start3A_25 = arith.constant 1 : i32
    %dma_start3A_26 = arith.constant 0 : i32
    %dma_start3A_27 = tpu.memref_slice %arg6[%dma_start3A_25, %dma_start3A_26] : memref<80x128xi32, #tpu.memory_space<vmem>> -> memref<1x128xi32, #tpu.memory_space<vmem>>
    %dma_start3A_28 = tpu.memref_squeeze %dma_start3A_27 : memref<1x128xi32, #tpu.memory_space<vmem>> -> memref<128xi32, #tpu.memory_space<vmem>>
    %dma_start3A_29 = arith.constant 0 : i32
    %dma_start3A_30 = arith.constant 0 : i32
    %dma_start3A_31 = tpu.memref_slice %arg2[%dma_start3A_29, %dma_start3A_30] : memref<10000x16xf32, #tpu.memory_space<hbm>> -> memref<10000x16xf32, #tpu.memory_space<hbm>>
    tpu.enqueue_indirect_dma source(%dma_start3A_31 : memref<10000x16xf32, #tpu.memory_space<hbm>>) target(%arg9 : memref<128x16xf32, #tpu.memory_space<vmem>>) offsets(%dma_start3A_28 : memref<128xi32, #tpu.memory_space<vmem>>) semaphore(%arg14 : memref<!tpu.dma_semaphore, #tpu.memory_space<semaphore_mem>>)
    %dma_start3A_32 = arith.constant 2 : i32
    %dma_start3A_33 = arith.constant 0 : i32
    %dma_start3A_34 = tpu.memref_slice %arg6[%dma_start3A_32, %dma_start3A_33] : memref<80x128xi32, #tpu.memory_space<vmem>> -> memref<1x128xi32, #tpu.memory_space<vmem>>
    %dma_start3A_35 = tpu.memref_squeeze %dma_start3A_34 : memref<1x128xi32, #tpu.memory_space<vmem>> -> memref<128xi32, #tpu.memory_space<vmem>>
    %dma_start3A_36 = arith.constant 0 : i32
    %dma_start3A_37 = arith.constant 0 : i32
    %dma_start3A_38 = tpu.memref_slice %arg2[%dma_start3A_36, %dma_start3A_37] : memref<10000x16xf32, #tpu.memory_space<hbm>> -> memref<10000x16xf32, #tpu.memory_space<hbm>>
    tpu.enqueue_indirect_dma source(%dma_start3A_38 : memref<10000x16xf32, #tpu.memory_space<hbm>>) target(%arg10 : memref<128x16xf32, #tpu.memory_space<vmem>>) offsets(%dma_start3A_35 : memref<128xi32, #tpu.memory_space<vmem>>) semaphore(%arg15 : memref<!tpu.dma_semaphore, #tpu.memory_space<semaphore_mem>>)
    %dma_start3A_39 = arith.constant 3 : i32
    %dma_start3A_40 = arith.constant 0 : i32
    %dma_start3A_41 = tpu.memref_slice %arg6[%dma_start3A_39, %dma_start3A_40] : memref<80x128xi32, #tpu.memory_space<vmem>> -> memref<1x128xi32, #tpu.memory_space<vmem>>
    %dma_start3A_42 = tpu.memref_squeeze %dma_start3A_41 : memref<1x128xi32, #tpu.memory_space<vmem>> -> memref<128xi32, #tpu.memory_space<vmem>>
    %dma_start3A_43 = arith.constant 0 : i32
    %dma_start3A_44 = arith.constant 0 : i32
    %dma_start3A_45 = tpu.memref_slice %arg2[%dma_start3A_43, %dma_start3A_44] : memref<10000x16xf32, #tpu.memory_space<hbm>> -> memref<10000x16xf32, #tpu.memory_space<hbm>>
    tpu.enqueue_indirect_dma source(%dma_start3A_45 : memref<10000x16xf32, #tpu.memory_space<hbm>>) target(%arg11 : memref<128x16xf32, #tpu.memory_space<vmem>>) offsets(%dma_start3A_42 : memref<128xi32, #tpu.memory_space<vmem>>) semaphore(%arg16 : memref<!tpu.dma_semaphore, #tpu.memory_space<semaphore_mem>>)
    %scan3A_46 = arith.constant 0 : i32
    %scan3A_47 = arith.constant 20 : i32
    %scan3A_48 = arith.addi %scan3A_46, %scan3A_47 : i32
    %scan3A_49 = arith.constant 1 : i32
    scf.for %scan3A_83 = %scan3A_46 to %scan3A_48 step %scan3A_49  : i32 {
      %mul3A_84 = arith.constant 1 : i32
      %mul3A_85 = arith.muli %scan3A_83, %mul3A_84 : i32
      %add3A_86 = arith.constant 0 : i32
      %add3A_87 = arith.addi %add3A_86, %mul3A_85 : i32
      %mul3A_88 = arith.constant 4 : i32
      %mul3A_89 = arith.muli %add3A_87, %mul3A_88 : i32
      %dma_wait3A_90 = arith.constant 0 : i32
      %dma_wait3A_91 = arith.constant 0 : i32
      %dma_wait3A_92 = tpu.memref_slice %arg6[%dma_wait3A_90, %dma_wait3A_91] : memref<80x128xi32, #tpu.memory_space<vmem>> -> memref<1x128xi32, #tpu.memory_space<vmem>>
      %dma_wait3A_93 = tpu.memref_squeeze %dma_wait3A_92 : memref<1x128xi32, #tpu.memory_space<vmem>> -> memref<128xi32, #tpu.memory_space<vmem>>
      %dma_wait3A_94 = arith.constant 0 : i32
      %dma_wait3A_95 = arith.constant 0 : i32
      %dma_wait3A_96 = tpu.memref_slice %arg2[%dma_wait3A_94, %dma_wait3A_95] : memref<10000x16xf32, #tpu.memory_space<hbm>> -> memref<10000x16xf32, #tpu.memory_space<hbm>>
      tpu.wait_indirect_dma semaphore(%arg13 : memref<!tpu.dma_semaphore, #tpu.memory_space<semaphore_mem>>) src(%dma_wait3A_96 : memref<10000x16xf32, #tpu.memory_space<hbm>>) dst(%arg8 : memref<128x16xf32, #tpu.memory_space<vmem>>)
      %add3A_97 = arith.constant 0 : i32
      %add3A_98 = arith.addi %mul3A_89, %add3A_97 : i32
      %dma_start3A_99 = arith.constant 0 : i32
      %dma_start3A_100 = tpu.memref_slice %arg7[%add3A_98, %dma_start3A_99] : memref<80x128xi32, #tpu.memory_space<vmem>> -> memref<1x128xi32, #tpu.memory_space<vmem>>
      %dma_start3A_101 = tpu.memref_squeeze %dma_start3A_100 : memref<1x128xi32, #tpu.memory_space<vmem>> -> memref<128xi32, #tpu.memory_space<vmem>>
      %dma_start3A_102 = arith.constant 0 : i32
      %dma_start3A_103 = arith.constant 0 : i32
      %dma_start3A_104 = tpu.memref_slice %arg12[%dma_start3A_102, %dma_start3A_103] : memref<10240x16xf32, #tpu.memory_space<vmem_shared>> -> memref<10240x16xf32, #tpu.memory_space<vmem_shared>>
      tpu.enqueue_indirect_dma source(%arg8 : memref<128x16xf32, #tpu.memory_space<vmem>>) target(%dma_start3A_104 : memref<10240x16xf32, #tpu.memory_space<vmem_shared>>) offsets(%dma_start3A_101 : memref<128xi32, #tpu.memory_space<vmem>>) semaphore(%arg17 : memref<!tpu.dma_semaphore, #tpu.memory_space<semaphore_mem>>) {add = true}
      %dma_wait3A_105 = arith.constant 0 : i32
      %dma_wait3A_106 = arith.constant 0 : i32
      %dma_wait3A_107 = tpu.memref_slice %arg6[%dma_wait3A_105, %dma_wait3A_106] : memref<80x128xi32, #tpu.memory_space<vmem>> -> memref<1x128xi32, #tpu.memory_space<vmem>>
      %dma_wait3A_108 = tpu.memref_squeeze %dma_wait3A_107 : memref<1x128xi32, #tpu.memory_space<vmem>> -> memref<128xi32, #tpu.memory_space<vmem>>
      %dma_wait3A_109 = arith.constant 0 : i32
      %dma_wait3A_110 = arith.constant 0 : i32
      %dma_wait3A_111 = tpu.memref_slice %arg2[%dma_wait3A_109, %dma_wait3A_110] : memref<10000x16xf32, #tpu.memory_space<hbm>> -> memref<10000x16xf32, #tpu.memory_space<hbm>>
      tpu.wait_indirect_dma semaphore(%arg14 : memref<!tpu.dma_semaphore, #tpu.memory_space<semaphore_mem>>) src(%dma_wait3A_111 : memref<10000x16xf32, #tpu.memory_space<hbm>>) dst(%arg9 : memref<128x16xf32, #tpu.memory_space<vmem>>)
      %add3A_112 = arith.constant 1 : i32
      %add3A_113 = arith.addi %mul3A_89, %add3A_112 : i32
      %dma_start3A_114 = arith.constant 0 : i32
      %dma_start3A_115 = tpu.memref_slice %arg7[%add3A_113, %dma_start3A_114] : memref<80x128xi32, #tpu.memory_space<vmem>> -> memref<1x128xi32, #tpu.memory_space<vmem>>
      %dma_start3A_116 = tpu.memref_squeeze %dma_start3A_115 : memref<1x128xi32, #tpu.memory_space<vmem>> -> memref<128xi32, #tpu.memory_space<vmem>>
      %dma_start3A_117 = arith.constant 0 : i32
      %dma_start3A_118 = arith.constant 0 : i32
      %dma_start3A_119 = tpu.memref_slice %arg12[%dma_start3A_117, %dma_start3A_118] : memref<10240x16xf32, #tpu.memory_space<vmem_shared>> -> memref<10240x16xf32, #tpu.memory_space<vmem_shared>>
      tpu.enqueue_indirect_dma source(%arg9 : memref<128x16xf32, #tpu.memory_space<vmem>>) target(%dma_start3A_119 : memref<10240x16xf32, #tpu.memory_space<vmem_shared>>) offsets(%dma_start3A_116 : memref<128xi32, #tpu.memory_space<vmem>>) semaphore(%arg18 : memref<!tpu.dma_semaphore, #tpu.memory_space<semaphore_mem>>) {add = true}
      %dma_wait3A_120 = arith.constant 0 : i32
      %dma_wait3A_121 = arith.constant 0 : i32
      %dma_wait3A_122 = tpu.memref_slice %arg6[%dma_wait3A_120, %dma_wait3A_121] : memref<80x128xi32, #tpu.memory_space<vmem>> -> memref<1x128xi32, #tpu.memory_space<vmem>>
      %dma_wait3A_123 = tpu.memref_squeeze %dma_wait3A_122 : memref<1x128xi32, #tpu.memory_space<vmem>> -> memref<128xi32, #tpu.memory_space<vmem>>
      %dma_wait3A_124 = arith.constant 0 : i32
      %dma_wait3A_125 = arith.constant 0 : i32
      %dma_wait3A_126 = tpu.memref_slice %arg2[%dma_wait3A_124, %dma_wait3A_125] : memref<10000x16xf32, #tpu.memory_space<hbm>> -> memref<10000x16xf32, #tpu.memory_space<hbm>>
      tpu.wait_indirect_dma semaphore(%arg15 : memref<!tpu.dma_semaphore, #tpu.memory_space<semaphore_mem>>) src(%dma_wait3A_126 : memref<10000x16xf32, #tpu.memory_space<hbm>>) dst(%arg10 : memref<128x16xf32, #tpu.memory_space<vmem>>)
      %add3A_127 = arith.constant 2 : i32
      %add3A_128 = arith.addi %mul3A_89, %add3A_127 : i32
      %dma_start3A_129 = arith.constant 0 : i32
      %dma_start3A_130 = tpu.memref_slice %arg7[%add3A_128, %dma_start3A_129] : memref<80x128xi32, #tpu.memory_space<vmem>> -> memref<1x128xi32, #tpu.memory_space<vmem>>
      %dma_start3A_131 = tpu.memref_squeeze %dma_start3A_130 : memref<1x128xi32, #tpu.memory_space<vmem>> -> memref<128xi32, #tpu.memory_space<vmem>>
      %dma_start3A_132 = arith.constant 0 : i32
      %dma_start3A_133 = arith.constant 0 : i32
      %dma_start3A_134 = tpu.memref_slice %arg12[%dma_start3A_132, %dma_start3A_133] : memref<10240x16xf32, #tpu.memory_space<vmem_shared>> -> memref<10240x16xf32, #tpu.memory_space<vmem_shared>>
      tpu.enqueue_indirect_dma source(%arg10 : memref<128x16xf32, #tpu.memory_space<vmem>>) target(%dma_start3A_134 : memref<10240x16xf32, #tpu.memory_space<vmem_shared>>) offsets(%dma_start3A_131 : memref<128xi32, #tpu.memory_space<vmem>>) semaphore(%arg19 : memref<!tpu.dma_semaphore, #tpu.memory_space<semaphore_mem>>) {add = true}
      %dma_wait3A_135 = arith.constant 0 : i32
      %dma_wait3A_136 = arith.constant 0 : i32
      %dma_wait3A_137 = tpu.memref_slice %arg6[%dma_wait3A_135, %dma_wait3A_136] : memref<80x128xi32, #tpu.memory_space<vmem>> -> memref<1x128xi32, #tpu.memory_space<vmem>>
      %dma_wait3A_138 = tpu.memref_squeeze %dma_wait3A_137 : memref<1x128xi32, #tpu.memory_space<vmem>> -> memref<128xi32, #tpu.memory_space<vmem>>
      %dma_wait3A_139 = arith.constant 0 : i32
      %dma_wait3A_140 = arith.constant 0 : i32
      %dma_wait3A_141 = tpu.memref_slice %arg2[%dma_wait3A_139, %dma_wait3A_140] : memref<10000x16xf32, #tpu.memory_space<hbm>> -> memref<10000x16xf32, #tpu.memory_space<hbm>>
      tpu.wait_indirect_dma semaphore(%arg16 : memref<!tpu.dma_semaphore, #tpu.memory_space<semaphore_mem>>) src(%dma_wait3A_141 : memref<10000x16xf32, #tpu.memory_space<hbm>>) dst(%arg11 : memref<128x16xf32, #tpu.memory_space<vmem>>)
      %add3A_142 = arith.constant 3 : i32
      %add3A_143 = arith.addi %mul3A_89, %add3A_142 : i32
      %dma_start3A_144 = arith.constant 0 : i32
      %dma_start3A_145 = tpu.memref_slice %arg7[%add3A_143, %dma_start3A_144] : memref<80x128xi32, #tpu.memory_space<vmem>> -> memref<1x128xi32, #tpu.memory_space<vmem>>
      %dma_start3A_146 = tpu.memref_squeeze %dma_start3A_145 : memref<1x128xi32, #tpu.memory_space<vmem>> -> memref<128xi32, #tpu.memory_space<vmem>>
      %dma_start3A_147 = arith.constant 0 : i32
      %dma_start3A_148 = arith.constant 0 : i32
      %dma_start3A_149 = tpu.memref_slice %arg12[%dma_start3A_147, %dma_start3A_148] : memref<10240x16xf32, #tpu.memory_space<vmem_shared>> -> memref<10240x16xf32, #tpu.memory_space<vmem_shared>>
      tpu.enqueue_indirect_dma source(%arg11 : memref<128x16xf32, #tpu.memory_space<vmem>>) target(%dma_start3A_149 : memref<10240x16xf32, #tpu.memory_space<vmem_shared>>) offsets(%dma_start3A_146 : memref<128xi32, #tpu.memory_space<vmem>>) semaphore(%arg20 : memref<!tpu.dma_semaphore, #tpu.memory_space<semaphore_mem>>) {add = true}
      %add3A_150 = arith.constant 0 : i32
      %add3A_151 = arith.addi %mul3A_89, %add3A_150 : i32
      %add3A_152 = arith.constant 4 : i32
      %add3A_153 = arith.addi %add3A_151, %add3A_152 : i32
      %lt3A = arith.constant 80 : i32
      %lt3A_154 = arith.cmpi slt, %add3A_153, %lt3A : i32
      %convert_element_type3A_155 = arith.extui %lt3A_154 : i1 to i32
      %cond3A_156 = arith.constant 0 : i32
      %cond3A_157 = arith.cmpi ne, %convert_element_type3A_155, %cond3A_156 : i32
      scf.if %cond3A_157 {
        %dma_wait3A_185 = arith.constant 0 : i32
        %dma_wait3A_186 = arith.constant 0 : i32
        %dma_wait3A_187 = tpu.memref_slice %arg7[%dma_wait3A_185, %dma_wait3A_186] : memref<80x128xi32, #tpu.memory_space<vmem>> -> memref<1x128xi32, #tpu.memory_space<vmem>>
        %dma_wait3A_188 = tpu.memref_squeeze %dma_wait3A_187 : memref<1x128xi32, #tpu.memory_space<vmem>> -> memref<128xi32, #tpu.memory_space<vmem>>
        %dma_wait3A_189 = arith.constant 0 : i32
        %dma_wait3A_190 = arith.constant 0 : i32
        %dma_wait3A_191 = tpu.memref_slice %arg12[%dma_wait3A_189, %dma_wait3A_190] : memref<10240x16xf32, #tpu.memory_space<vmem_shared>> -> memref<10240x16xf32, #tpu.memory_space<vmem_shared>>
        tpu.wait_indirect_dma semaphore(%arg17 : memref<!tpu.dma_semaphore, #tpu.memory_space<semaphore_mem>>) src(%arg8 : memref<128x16xf32, #tpu.memory_space<vmem>>) dst(%dma_wait3A_191 : memref<10240x16xf32, #tpu.memory_space<vmem_shared>>)
        %add3A_192 = arith.constant 0 : i32
        %add3A_193 = arith.addi %mul3A_89, %add3A_192 : i32
        %add3A_194 = arith.constant 4 : i32
        %add3A_195 = arith.addi %add3A_193, %add3A_194 : i32
        %dma_start3A_196 = arith.constant 0 : i32
        %dma_start3A_197 = tpu.memref_slice %arg6[%add3A_195, %dma_start3A_196] : memref<80x128xi32, #tpu.memory_space<vmem>> -> memref<1x128xi32, #tpu.memory_space<vmem>>
        %dma_start3A_198 = tpu.memref_squeeze %dma_start3A_197 : memref<1x128xi32, #tpu.memory_space<vmem>> -> memref<128xi32, #tpu.memory_space<vmem>>
        %dma_start3A_199 = arith.constant 0 : i32
        %dma_start3A_200 = arith.constant 0 : i32
        %dma_start3A_201 = tpu.memref_slice %arg2[%dma_start3A_199, %dma_start3A_200] : memref<10000x16xf32, #tpu.memory_space<hbm>> -> memref<10000x16xf32, #tpu.memory_space<hbm>>
        tpu.enqueue_indirect_dma source(%dma_start3A_201 : memref<10000x16xf32, #tpu.memory_space<hbm>>) target(%arg8 : memref<128x16xf32, #tpu.memory_space<vmem>>) offsets(%dma_start3A_198 : memref<128xi32, #tpu.memory_space<vmem>>) semaphore(%arg13 : memref<!tpu.dma_semaphore, #tpu.memory_space<semaphore_mem>>)
      } else {
      }
      %add3A_158 = arith.constant 1 : i32
      %add3A_159 = arith.addi %mul3A_89, %add3A_158 : i32
      %add3A_160 = arith.constant 4 : i32
      %add3A_161 = arith.addi %add3A_159, %add3A_160 : i32
      %lt3A_162 = arith.constant 80 : i32
      %lt3A_163 = arith.cmpi slt, %add3A_161, %lt3A_162 : i32
      %convert_element_type3A_164 = arith.extui %lt3A_163 : i1 to i32
      %cond3A_165 = arith.constant 0 : i32
      %cond3A_166 = arith.cmpi ne, %convert_element_type3A_164, %cond3A_165 : i32
      scf.if %cond3A_166 {
        %dma_wait3A_185 = arith.constant 0 : i32
        %dma_wait3A_186 = arith.constant 0 : i32
        %dma_wait3A_187 = tpu.memref_slice %arg7[%dma_wait3A_185, %dma_wait3A_186] : memref<80x128xi32, #tpu.memory_space<vmem>> -> memref<1x128xi32, #tpu.memory_space<vmem>>
        %dma_wait3A_188 = tpu.memref_squeeze %dma_wait3A_187 : memref<1x128xi32, #tpu.memory_space<vmem>> -> memref<128xi32, #tpu.memory_space<vmem>>
        %dma_wait3A_189 = arith.constant 0 : i32
        %dma_wait3A_190 = arith.constant 0 : i32
        %dma_wait3A_191 = tpu.memref_slice %arg12[%dma_wait3A_189, %dma_wait3A_190] : memref<10240x16xf32, #tpu.memory_space<vmem_shared>> -> memref<10240x16xf32, #tpu.memory_space<vmem_shared>>
        tpu.wait_indirect_dma semaphore(%arg18 : memref<!tpu.dma_semaphore, #tpu.memory_space<semaphore_mem>>) src(%arg9 : memref<128x16xf32, #tpu.memory_space<vmem>>) dst(%dma_wait3A_191 : memref<10240x16xf32, #tpu.memory_space<vmem_shared>>)
        %add3A_192 = arith.constant 1 : i32
        %add3A_193 = arith.addi %mul3A_89, %add3A_192 : i32
        %add3A_194 = arith.constant 4 : i32
        %add3A_195 = arith.addi %add3A_193, %add3A_194 : i32
        %dma_start3A_196 = arith.constant 0 : i32
        %dma_start3A_197 = tpu.memref_slice %arg6[%add3A_195, %dma_start3A_196] : memref<80x128xi32, #tpu.memory_space<vmem>> -> memref<1x128xi32, #tpu.memory_space<vmem>>
        %dma_start3A_198 = tpu.memref_squeeze %dma_start3A_197 : memref<1x128xi32, #tpu.memory_space<vmem>> -> memref<128xi32, #tpu.memory_space<vmem>>
        %dma_start3A_199 = arith.constant 0 : i32
        %dma_start3A_200 = arith.constant 0 : i32
        %dma_start3A_201 = tpu.memref_slice %arg2[%dma_start3A_199, %dma_start3A_200] : memref<10000x16xf32, #tpu.memory_space<hbm>> -> memref<10000x16xf32, #tpu.memory_space<hbm>>
        tpu.enqueue_indirect_dma source(%dma_start3A_201 : memref<10000x16xf32, #tpu.memory_space<hbm>>) target(%arg9 : memref<128x16xf32, #tpu.memory_space<vmem>>) offsets(%dma_start3A_198 : memref<128xi32, #tpu.memory_space<vmem>>) semaphore(%arg14 : memref<!tpu.dma_semaphore, #tpu.memory_space<semaphore_mem>>)
      } else {
      }
      %add3A_167 = arith.constant 2 : i32
      %add3A_168 = arith.addi %mul3A_89, %add3A_167 : i32
      %add3A_169 = arith.constant 4 : i32
      %add3A_170 = arith.addi %add3A_168, %add3A_169 : i32
      %lt3A_171 = arith.constant 80 : i32
      %lt3A_172 = arith.cmpi slt, %add3A_170, %lt3A_171 : i32
      %convert_element_type3A_173 = arith.extui %lt3A_172 : i1 to i32
      %cond3A_174 = arith.constant 0 : i32
      %cond3A_175 = arith.cmpi ne, %convert_element_type3A_173, %cond3A_174 : i32
      scf.if %cond3A_175 {
        %dma_wait3A_185 = arith.constant 0 : i32
        %dma_wait3A_186 = arith.constant 0 : i32
        %dma_wait3A_187 = tpu.memref_slice %arg7[%dma_wait3A_185, %dma_wait3A_186] : memref<80x128xi32, #tpu.memory_space<vmem>> -> memref<1x128xi32, #tpu.memory_space<vmem>>
        %dma_wait3A_188 = tpu.memref_squeeze %dma_wait3A_187 : memref<1x128xi32, #tpu.memory_space<vmem>> -> memref<128xi32, #tpu.memory_space<vmem>>
        %dma_wait3A_189 = arith.constant 0 : i32
        %dma_wait3A_190 = arith.constant 0 : i32
        %dma_wait3A_191 = tpu.memref_slice %arg12[%dma_wait3A_189, %dma_wait3A_190] : memref<10240x16xf32, #tpu.memory_space<vmem_shared>> -> memref<10240x16xf32, #tpu.memory_space<vmem_shared>>
        tpu.wait_indirect_dma semaphore(%arg19 : memref<!tpu.dma_semaphore, #tpu.memory_space<semaphore_mem>>) src(%arg10 : memref<128x16xf32, #tpu.memory_space<vmem>>) dst(%dma_wait3A_191 : memref<10240x16xf32, #tpu.memory_space<vmem_shared>>)
        %add3A_192 = arith.constant 2 : i32
        %add3A_193 = arith.addi %mul3A_89, %add3A_192 : i32
        %add3A_194 = arith.constant 4 : i32
        %add3A_195 = arith.addi %add3A_193, %add3A_194 : i32
        %dma_start3A_196 = arith.constant 0 : i32
        %dma_start3A_197 = tpu.memref_slice %arg6[%add3A_195, %dma_start3A_196] : memref<80x128xi32, #tpu.memory_space<vmem>> -> memref<1x128xi32, #tpu.memory_space<vmem>>
        %dma_start3A_198 = tpu.memref_squeeze %dma_start3A_197 : memref<1x128xi32, #tpu.memory_space<vmem>> -> memref<128xi32, #tpu.memory_space<vmem>>
        %dma_start3A_199 = arith.constant 0 : i32
        %dma_start3A_200 = arith.constant 0 : i32
        %dma_start3A_201 = tpu.memref_slice %arg2[%dma_start3A_199, %dma_start3A_200] : memref<10000x16xf32, #tpu.memory_space<hbm>> -> memref<10000x16xf32, #tpu.memory_space<hbm>>
        tpu.enqueue_indirect_dma source(%dma_start3A_201 : memref<10000x16xf32, #tpu.memory_space<hbm>>) target(%arg10 : memref<128x16xf32, #tpu.memory_space<vmem>>) offsets(%dma_start3A_198 : memref<128xi32, #tpu.memory_space<vmem>>) semaphore(%arg15 : memref<!tpu.dma_semaphore, #tpu.memory_space<semaphore_mem>>)
      } else {
      }
      %add3A_176 = arith.constant 3 : i32
      %add3A_177 = arith.addi %mul3A_89, %add3A_176 : i32
      %add3A_178 = arith.constant 4 : i32
      %add3A_179 = arith.addi %add3A_177, %add3A_178 : i32
      %lt3A_180 = arith.constant 80 : i32
      %lt3A_181 = arith.cmpi slt, %add3A_179, %lt3A_180 : i32
      %convert_element_type3A_182 = arith.extui %lt3A_181 : i1 to i32
      %cond3A_183 = arith.constant 0 : i32
      %cond3A_184 = arith.cmpi ne, %convert_element_type3A_182, %cond3A_183 : i32
      scf.if %cond3A_184 {
        %dma_wait3A_185 = arith.constant 0 : i32
        %dma_wait3A_186 = arith.constant 0 : i32
        %dma_wait3A_187 = tpu.memref_slice %arg7[%dma_wait3A_185, %dma_wait3A_186] : memref<80x128xi32, #tpu.memory_space<vmem>> -> memref<1x128xi32, #tpu.memory_space<vmem>>
        %dma_wait3A_188 = tpu.memref_squeeze %dma_wait3A_187 : memref<1x128xi32, #tpu.memory_space<vmem>> -> memref<128xi32, #tpu.memory_space<vmem>>
        %dma_wait3A_189 = arith.constant 0 : i32
        %dma_wait3A_190 = arith.constant 0 : i32
        %dma_wait3A_191 = tpu.memref_slice %arg12[%dma_wait3A_189, %dma_wait3A_190] : memref<10240x16xf32, #tpu.memory_space<vmem_shared>> -> memref<10240x16xf32, #tpu.memory_space<vmem_shared>>
        tpu.wait_indirect_dma semaphore(%arg20 : memref<!tpu.dma_semaphore, #tpu.memory_space<semaphore_mem>>) src(%arg11 : memref<128x16xf32, #tpu.memory_space<vmem>>) dst(%dma_wait3A_191 : memref<10240x16xf32, #tpu.memory_space<vmem_shared>>)
        %add3A_192 = arith.constant 3 : i32
        %add3A_193 = arith.addi %mul3A_89, %add3A_192 : i32
        %add3A_194 = arith.constant 4 : i32
        %add3A_195 = arith.addi %add3A_193, %add3A_194 : i32
        %dma_start3A_196 = arith.constant 0 : i32
        %dma_start3A_197 = tpu.memref_slice %arg6[%add3A_195, %dma_start3A_196] : memref<80x128xi32, #tpu.memory_space<vmem>> -> memref<1x128xi32, #tpu.memory_space<vmem>>
        %dma_start3A_198 = tpu.memref_squeeze %dma_start3A_197 : memref<1x128xi32, #tpu.memory_space<vmem>> -> memref<128xi32, #tpu.memory_space<vmem>>
        %dma_start3A_199 = arith.constant 0 : i32
        %dma_start3A_200 = arith.constant 0 : i32
        %dma_start3A_201 = tpu.memref_slice %arg2[%dma_start3A_199, %dma_start3A_200] : memref<10000x16xf32, #tpu.memory_space<hbm>> -> memref<10000x16xf32, #tpu.memory_space<hbm>>
        tpu.enqueue_indirect_dma source(%dma_start3A_201 : memref<10000x16xf32, #tpu.memory_space<hbm>>) target(%arg11 : memref<128x16xf32, #tpu.memory_space<vmem>>) offsets(%dma_start3A_198 : memref<128xi32, #tpu.memory_space<vmem>>) semaphore(%arg16 : memref<!tpu.dma_semaphore, #tpu.memory_space<semaphore_mem>>)
      } else {
      }
    }
    %scan3A_50 = arith.constant 20 : i32
    %dma_wait3A = arith.constant 0 : i32
    %dma_wait3A_51 = arith.constant 0 : i32
    %dma_wait3A_52 = tpu.memref_slice %arg7[%dma_wait3A, %dma_wait3A_51] : memref<80x128xi32, #tpu.memory_space<vmem>> -> memref<1x128xi32, #tpu.memory_space<vmem>>
    %dma_wait3A_53 = tpu.memref_squeeze %dma_wait3A_52 : memref<1x128xi32, #tpu.memory_space<vmem>> -> memref<128xi32, #tpu.memory_space<vmem>>
    %dma_wait3A_54 = arith.constant 0 : i32
    %dma_wait3A_55 = arith.constant 0 : i32
    %dma_wait3A_56 = tpu.memref_slice %arg12[%dma_wait3A_54, %dma_wait3A_55] : memref<10240x16xf32, #tpu.memory_space<vmem_shared>> -> memref<10240x16xf32, #tpu.memory_space<vmem_shared>>
    tpu.wait_indirect_dma semaphore(%arg17 : memref<!tpu.dma_semaphore, #tpu.memory_space<semaphore_mem>>) src(%arg8 : memref<128x16xf32, #tpu.memory_space<vmem>>) dst(%dma_wait3A_56 : memref<10240x16xf32, #tpu.memory_space<vmem_shared>>)
    %dma_wait3A_57 = arith.constant 0 : i32
    %dma_wait3A_58 = arith.constant 0 : i32
    %dma_wait3A_59 = tpu.memref_slice %arg7[%dma_wait3A_57, %dma_wait3A_58] : memref<80x128xi32, #tpu.memory_space<vmem>> -> memref<1x128xi32, #tpu.memory_space<vmem>>
    %dma_wait3A_60 = tpu.memref_squeeze %dma_wait3A_59 : memref<1x128xi32, #tpu.memory_space<vmem>> -> memref<128xi32, #tpu.memory_space<vmem>>
    %dma_wait3A_61 = arith.constant 0 : i32
    %dma_wait3A_62 = arith.constant 0 : i32
    %dma_wait3A_63 = tpu.memref_slice %arg12[%dma_wait3A_61, %dma_wait3A_62] : memref<10240x16xf32, #tpu.memory_space<vmem_shared>> -> memref<10240x16xf32, #tpu.memory_space<vmem_shared>>
    tpu.wait_indirect_dma semaphore(%arg18 : memref<!tpu.dma_semaphore, #tpu.memory_space<semaphore_mem>>) src(%arg9 : memref<128x16xf32, #tpu.memory_space<vmem>>) dst(%dma_wait3A_63 : memref<10240x16xf32, #tpu.memory_space<vmem_shared>>)
    %dma_wait3A_64 = arith.constant 0 : i32
    %dma_wait3A_65 = arith.constant 0 : i32
    %dma_wait3A_66 = tpu.memref_slice %arg7[%dma_wait3A_64, %dma_wait3A_65] : memref<80x128xi32, #tpu.memory_space<vmem>> -> memref<1x128xi32, #tpu.memory_space<vmem>>
    %dma_wait3A_67 = tpu.memref_squeeze %dma_wait3A_66 : memref<1x128xi32, #tpu.memory_space<vmem>> -> memref<128xi32, #tpu.memory_space<vmem>>
    %dma_wait3A_68 = arith.constant 0 : i32
    %dma_wait3A_69 = arith.constant 0 : i32
    %dma_wait3A_70 = tpu.memref_slice %arg12[%dma_wait3A_68, %dma_wait3A_69] : memref<10240x16xf32, #tpu.memory_space<vmem_shared>> -> memref<10240x16xf32, #tpu.memory_space<vmem_shared>>
    tpu.wait_indirect_dma semaphore(%arg19 : memref<!tpu.dma_semaphore, #tpu.memory_space<semaphore_mem>>) src(%arg10 : memref<128x16xf32, #tpu.memory_space<vmem>>) dst(%dma_wait3A_70 : memref<10240x16xf32, #tpu.memory_space<vmem_shared>>)
    %dma_wait3A_71 = arith.constant 0 : i32
    %dma_wait3A_72 = arith.constant 0 : i32
    %dma_wait3A_73 = tpu.memref_slice %arg7[%dma_wait3A_71, %dma_wait3A_72] : memref<80x128xi32, #tpu.memory_space<vmem>> -> memref<1x128xi32, #tpu.memory_space<vmem>>
    %dma_wait3A_74 = tpu.memref_squeeze %dma_wait3A_73 : memref<1x128xi32, #tpu.memory_space<vmem>> -> memref<128xi32, #tpu.memory_space<vmem>>
    %dma_wait3A_75 = arith.constant 0 : i32
    %dma_wait3A_76 = arith.constant 0 : i32
    %dma_wait3A_77 = tpu.memref_slice %arg12[%dma_wait3A_75, %dma_wait3A_76] : memref<10240x16xf32, #tpu.memory_space<vmem_shared>> -> memref<10240x16xf32, #tpu.memory_space<vmem_shared>>
    tpu.wait_indirect_dma semaphore(%arg20 : memref<!tpu.dma_semaphore, #tpu.memory_space<semaphore_mem>>) src(%arg11 : memref<128x16xf32, #tpu.memory_space<vmem>>) dst(%dma_wait3A_77 : memref<10240x16xf32, #tpu.memory_space<vmem_shared>>)
    %barrier3A_78 = arith.constant 0 : index
    tpu.barrier barrier_id(%barrier3A_78)
    %mul3A_79 = arith.constant 624 : i32
    %mul3A_80 = arith.muli %arg1, %mul3A_79 : i32
    "tpu.region"() ({
      %run_scoped3A = tpu.sem_alloc : memref<!tpu.dma_semaphore, #tpu.memory_space<semaphore_mem>>
      %dma_start3A_83 = arith.constant 0 : i32
      %dma_start3A_84 = tpu.memref_slice %arg5[%arg0, %mul3A_80, %dma_start3A_83] : memref<2x10000x16xf32, #tpu.memory_space<hbm>> -> memref<1x624x16xf32, #tpu.memory_space<hbm>>
      %dma_start3A_85 = tpu.memref_squeeze %dma_start3A_84 : memref<1x624x16xf32, #tpu.memory_space<hbm>> -> memref<624x16xf32, #tpu.memory_space<hbm>>
      %dma_start3A_86 = arith.constant 0 : i32
      %dma_start3A_87 = tpu.memref_slice %arg12[%mul3A_80, %dma_start3A_86] : memref<10240x16xf32, #tpu.memory_space<vmem_shared>> -> memref<624x16xf32, #tpu.memory_space<vmem_shared>>
      tpu.enqueue_dma source(%dma_start3A_87 : memref<624x16xf32, #tpu.memory_space<vmem_shared>>) target(%dma_start3A_85 : memref<624x16xf32, #tpu.memory_space<hbm>>) target_semaphore(%run_scoped3A : memref<!tpu.dma_semaphore, #tpu.memory_space<semaphore_mem>>)
      %dma_wait3A_88 = arith.constant 0 : i32
      %dma_wait3A_89 = tpu.memref_slice %arg5[%arg0, %mul3A_80, %dma_wait3A_88] : memref<2x10000x16xf32, #tpu.memory_space<hbm>> -> memref<1x624x16xf32, #tpu.memory_space<hbm>>
      %dma_wait3A_90 = tpu.memref_squeeze %dma_wait3A_89 : memref<1x624x16xf32, #tpu.memory_space<hbm>> -> memref<624x16xf32, #tpu.memory_space<hbm>>
      %dma_wait3A_91 = arith.constant 0 : i32
      %dma_wait3A_92 = tpu.memref_slice %arg12[%mul3A_80, %dma_wait3A_91] : memref<10240x16xf32, #tpu.memory_space<vmem_shared>> -> memref<624x16xf32, #tpu.memory_space<vmem_shared>>
      tpu.wait_dma2 semaphore(%run_scoped3A : memref<!tpu.dma_semaphore, #tpu.memory_space<semaphore_mem>>) src(%dma_wait3A_92 : memref<624x16xf32, #tpu.memory_space<vmem_shared>>) dst(%dma_wait3A_90 : memref<624x16xf32, #tpu.memory_space<hbm>>)
      tpu.yield
    }) : () -> ()
    %eq3A = arith.constant 15 : i32
    %eq3A_81 = arith.cmpi eq, %arg1, %eq3A : i32
    %convert_element_type3A = arith.extui %eq3A_81 : i1 to i32
    %cond3A = arith.constant 0 : i32
    %cond3A_82 = arith.cmpi ne, %convert_element_type3A, %cond3A : i32
    scf.if %cond3A_82 {
      "tpu.region"() ({
        %run_scoped3A = tpu.sem_alloc : memref<!tpu.dma_semaphore, #tpu.memory_space<semaphore_mem>>
        %dma_start3A_83 = arith.constant 9984 : i32
        %dma_start3A_84 = arith.constant 0 : i32
        %dma_start3A_85 = tpu.memref_slice %arg5[%arg0, %dma_start3A_83, %dma_start3A_84] : memref<2x10000x16xf32, #tpu.memory_space<hbm>> -> memref<1x16x16xf32, #tpu.memory_space<hbm>>
        %dma_start3A_86 = tpu.memref_squeeze %dma_start3A_85 : memref<1x16x16xf32, #tpu.memory_space<hbm>> -> memref<16x16xf32, #tpu.memory_space<hbm>>
        %dma_start3A_87 = arith.constant 9984 : i32
        %dma_start3A_88 = arith.constant 0 : i32
        %dma_start3A_89 = tpu.memref_slice %arg12[%dma_start3A_87, %dma_start3A_88] : memref<10240x16xf32, #tpu.memory_space<vmem_shared>> -> memref<16x16xf32, #tpu.memory_space<vmem_shared>>
        tpu.enqueue_dma source(%dma_start3A_89 : memref<16x16xf32, #tpu.memory_space<vmem_shared>>) target(%dma_start3A_86 : memref<16x16xf32, #tpu.memory_space<hbm>>) target_semaphore(%run_scoped3A : memref<!tpu.dma_semaphore, #tpu.memory_space<semaphore_mem>>)
        %dma_wait3A_90 = arith.constant 9984 : i32
        %dma_wait3A_91 = arith.constant 0 : i32
        %dma_wait3A_92 = tpu.memref_slice %arg5[%arg0, %dma_wait3A_90, %dma_wait3A_91] : memref<2x10000x16xf32, #tpu.memory_space<hbm>> -> memref<1x16x16xf32, #tpu.memory_space<hbm>>
        %dma_wait3A_93 = tpu.memref_squeeze %dma_wait3A_92 : memref<1x16x16xf32, #tpu.memory_space<hbm>> -> memref<16x16xf32, #tpu.memory_space<hbm>>
        %dma_wait3A_94 = arith.constant 9984 : i32
        %dma_wait3A_95 = arith.constant 0 : i32
        %dma_wait3A_96 = tpu.memref_slice %arg12[%dma_wait3A_94, %dma_wait3A_95] : memref<10240x16xf32, #tpu.memory_space<vmem_shared>> -> memref<16x16xf32, #tpu.memory_space<vmem_shared>>
        tpu.wait_dma2 semaphore(%run_scoped3A : memref<!tpu.dma_semaphore, #tpu.memory_space<semaphore_mem>>) src(%dma_wait3A_96 : memref<16x16xf32, #tpu.memory_space<vmem_shared>>) dst(%dma_wait3A_93 : memref<16x16xf32, #tpu.memory_space<hbm>>)
        tpu.yield
      }) : () -> ()
    } else {
    }
    return
  }
}

module attributes {stable_mosaic.version = 14 : i64} {
  func.func @body(%arg0: i32, %arg1: memref<2000x128xf32, #tpu.memory_space<vmem>>, %arg2: memref<128x128xf32, #tpu.memory_space<vmem>>, %arg3: memref<2000x128xf32, #tpu.memory_space<vmem>>) attributes {dimension_semantics = [#tpu.dimension_semantics<arbitrary>], iteration_bounds = array<i64: 5>, scalar_prefetch = 0 : i64, scratch_operands = 0 : i64, tpu.core_type = #tpu.core_type<tc>, window_params = [{transform_indices = @transform_0, window_bounds = array<i64: 2000, 128>}, {pipeline_mode = #tpu.pipeline_mode<synchronous>, transform_indices = @transform_1, window_bounds = array<i64: 128, 128>}, {transform_indices = @transform_2, window_bounds = array<i64: 2000, 128>}]} {
    %get3A = arith.constant 0 : index
    %get3A_0 = arith.constant 0 : index
    %get3A_1 = vector.load %arg1[%get3A, %get3A_0] : memref<2000x128xf32, #tpu.memory_space<vmem>>, vector<2000x128xf32>
    %get3A_2 = arith.constant 0 : index
    %get3A_3 = arith.constant 0 : index
    %get3A_4 = vector.load %arg2[%get3A_2, %get3A_3] : memref<128x128xf32, #tpu.memory_space<vmem>>, vector<128x128xf32>
    %dot_general3A = arith.constant dense<0.000000e+00> : vector<2000x128xf32>
    %dot_general3A_5 = tpu.matmul %get3A_1, %get3A_4, %dot_general3A {dimension_numbers = #tpu.dot_dimension_numbers<[1], [0], [0], [1], [0, 0, 1, 1], [], []>, transpose_lhs_hint = false} : vector<2000x128xf32>, vector<128x128xf32>, vector<2000x128xf32> -> vector<2000x128xf32>
    %swap3A = arith.constant 0 : index
    %swap3A_6 = arith.constant 0 : index
    %swap3A_7 = vector.load %arg3[%swap3A, %swap3A_6] : memref<2000x128xf32, #tpu.memory_space<vmem>>, vector<2000x128xf32>
    tpu.vector_store %arg3[%swap3A, %swap3A_6], %dot_general3A_5 {strides = array<i32>} : memref<2000x128xf32, #tpu.memory_space<vmem>>, vector<2000x128xf32>,
    return
  }
  func.func @transform_0(%arg0: i32) -> (i32, i32) {
    %c0_i32 = arith.constant 0 : i32
    %c0_i32_0 = arith.constant 0 : i32
    return %arg0, %c0_i32 : i32, i32
  }
  func.func @transform_1(%arg0: i32) -> (i32, i32) {
    %c0_i32 = arith.constant 0 : i32
    %c0_i32_0 = arith.constant 0 : i32
    %c0_i32_1 = arith.constant 0 : i32
    return %c0_i32, %c0_i32_0 : i32, i32
  }
  func.func @transform_2(%arg0: i32) -> (i32, i32) {
    %c0_i32 = arith.constant 0 : i32
    %c0_i32_0 = arith.constant 0 : i32
    return %arg0, %c0_i32 : i32, i32
  }
}

module attributes {stable_mosaic.version = 14 : i64} {
  func.func @body(%arg0: i32, %arg1: memref<2x2000x16xf32, #tpu.memory_space<vmem>>, %arg2: memref<2000x128xf32, #tpu.memory_space<vmem>>, %arg3: memref<4x2000x32xf32, #tpu.memory_space<vmem>>, %arg4: memref<2000x1xf32, #tpu.memory_space<vmem>>) attributes {dimension_semantics = [#tpu.dimension_semantics<arbitrary>], iteration_bounds = array<i64: 5>, scalar_prefetch = 0 : i64, scratch_operands = 0 : i64, tpu.core_type = #tpu.core_type<tc>, window_params = [{transform_indices = @transform_0, window_bounds = array<i64: 2, 2000, 16>}, {transform_indices = @transform_1, window_bounds = array<i64: 2000, 128>}, {transform_indices = @transform_2, window_bounds = array<i64: 4, 2000, 32>}, {transform_indices = @transform_3, window_bounds = array<i64: 2000, 1>}]} {
    %get3A = arith.constant 0 : index
    %get3A_0 = arith.constant 0 : index
    %get3A_1 = arith.constant 0 : index
    %get3A_2 = vector.load %arg1[%get3A, %get3A_0, %get3A_1] : memref<2x2000x16xf32, #tpu.memory_space<vmem>>, vector<2x2000x16xf32>
    %slice3A = vector.extract_strided_slice %get3A_2 {offsets = [0, 0, 0], sizes = [1, 2000, 1], strides = [1, 1, 1]} : vector<2x2000x16xf32> to vector<1x2000x1xf32>
    %squeeze3A = vector.shape_cast %slice3A : vector<1x2000x1xf32> to vector<2000x1xf32>
    %slice3A_3 = vector.extract_strided_slice %get3A_2 {offsets = [1, 0, 0], sizes = [1, 2000, 1], strides = [1, 1, 1]} : vector<2x2000x16xf32> to vector<1x2000x1xf32>
    %squeeze3A_4 = vector.shape_cast %slice3A_3 : vector<1x2000x1xf32> to vector<2000x1xf32>
    %add3A = arith.addf %squeeze3A, %squeeze3A_4 : vector<2000x1xf32>
    %add3A_5 = arith.constant 1.000000e+00 : f32
    %add3A_6 = vector.broadcast %add3A_5 : f32 to vector<2000x1xf32>
    %add3A_7 = arith.addf %add3A, %add3A_6 : vector<2000x1xf32>
    %rsqrt3A = math.rsqrt %add3A_7 : vector<2000x1xf32>
    %get3A_8 = arith.constant 0 : index
    %get3A_9 = arith.constant 0 : index
    %get3A_10 = vector.load %arg2[%get3A_8, %get3A_9] : memref<2000x128xf32, #tpu.memory_space<vmem>>, vector<2000x128xf32>
    %mul3A = vector.broadcast %rsqrt3A : vector<2000x1xf32> to vector<2000x128xf32>
    %mul3A_11 = arith.mulf %get3A_10, %mul3A : vector<2000x128xf32>
    %slice3A_12 = vector.extract_strided_slice %mul3A_11 {offsets = [0, 0], sizes = [2000, 32], strides = [1, 1]} : vector<2000x128xf32> to vector<2000x32xf32>
    %slice3A_13 = vector.extract_strided_slice %mul3A_11 {offsets = [0, 32], sizes = [2000, 32], strides = [1, 1]} : vector<2000x128xf32> to vector<2000x32xf32>
    %slice3A_14 = vector.extract_strided_slice %mul3A_11 {offsets = [0, 64], sizes = [2000, 32], strides = [1, 1]} : vector<2000x128xf32> to vector<2000x32xf32>
    %slice3A_15 = vector.extract_strided_slice %mul3A_11 {offsets = [0, 96], sizes = [2000, 32], strides = [1, 1]} : vector<2000x128xf32> to vector<2000x32xf32>
    %stack3A = vector.shape_cast %slice3A_12 : vector<2000x32xf32> to vector<1x2000x32xf32>
    %stack3A_16 = vector.shape_cast %slice3A_13 : vector<2000x32xf32> to vector<1x2000x32xf32>
    %stack3A_17 = vector.shape_cast %slice3A_14 : vector<2000x32xf32> to vector<1x2000x32xf32>
    %stack3A_18 = vector.shape_cast %slice3A_15 : vector<2000x32xf32> to vector<1x2000x32xf32>
    %stack3A_19 = tpu.concatenate %stack3A, %stack3A_16, %stack3A_17, %stack3A_18 in 0 : vector<1x2000x32xf32>, vector<1x2000x32xf32>, vector<1x2000x32xf32>, vector<1x2000x32xf32> -> vector<4x2000x32xf32>
    %swap3A = arith.constant 0 : index
    %swap3A_20 = arith.constant 0 : index
    %swap3A_21 = arith.constant 0 : index
    %swap3A_22 = vector.load %arg3[%swap3A, %swap3A_20, %swap3A_21] : memref<4x2000x32xf32, #tpu.memory_space<vmem>>, vector<4x2000x32xf32>
    tpu.vector_store %arg3[%swap3A, %swap3A_20, %swap3A_21], %stack3A_19 {strides = array<i32>} : memref<4x2000x32xf32, #tpu.memory_space<vmem>>, vector<4x2000x32xf32>,
    %swap3A_23 = arith.constant 0 : index
    %swap3A_24 = arith.constant 0 : index
    %swap3A_25 = vector.load %arg4[%swap3A_23, %swap3A_24] : memref<2000x1xf32, #tpu.memory_space<vmem>>, vector<2000x1xf32>
    tpu.vector_store %arg4[%swap3A_23, %swap3A_24], %rsqrt3A {strides = array<i32>} : memref<2000x1xf32, #tpu.memory_space<vmem>>, vector<2000x1xf32>,
    return
  }
  func.func @transform_0(%arg0: i32) -> (i32, i32, i32) {
    %c0_i32 = arith.constant 0 : i32
    %c0_i32_0 = arith.constant 0 : i32
    %c0_i32_1 = arith.constant 0 : i32
    return %c0_i32, %arg0, %c0_i32_0 : i32, i32, i32
  }
  func.func @transform_1(%arg0: i32) -> (i32, i32) {
    %c0_i32 = arith.constant 0 : i32
    %c0_i32_0 = arith.constant 0 : i32
    return %arg0, %c0_i32 : i32, i32
  }
  func.func @transform_2(%arg0: i32) -> (i32, i32, i32) {
    %c0_i32 = arith.constant 0 : i32
    %c0_i32_0 = arith.constant 0 : i32
    %c0_i32_1 = arith.constant 0 : i32
    return %c0_i32, %arg0, %c0_i32_0 : i32, i32, i32
  }
  func.func @transform_3(%arg0: i32) -> (i32, i32) {
    %c0_i32 = arith.constant 0 : i32
    %c0_i32_0 = arith.constant 0 : i32
    return %arg0, %c0_i32 : i32, i32
  }
}

module attributes {stable_mosaic.version = 14 : i64} {
  func.func @body(%arg0: i32, %arg1: memref<4x2000x32xf32, #tpu.memory_space<vmem>>, %arg2: memref<4x2000x32xf32, #tpu.memory_space<vmem>>, %arg3: memref<2000x1xf32, #tpu.memory_space<vmem>>, %arg4: memref<1x128xf32, #tpu.memory_space<vmem>>, %arg5: memref<128x128xf32, #tpu.memory_space<vmem>>, %arg6: memref<4x2000x32xf32, #tpu.memory_space<vmem>>) attributes {dimension_semantics = [#tpu.dimension_semantics<arbitrary>], iteration_bounds = array<i64: 5>, scalar_prefetch = 0 : i64, scratch_operands = 0 : i64, tpu.core_type = #tpu.core_type<tc>, window_params = [{transform_indices = @transform_0, window_bounds = array<i64: 4, 2000, 32>}, {transform_indices = @transform_1, window_bounds = array<i64: 4, 2000, 32>}, {transform_indices = @transform_2, window_bounds = array<i64: 2000, 1>}, {pipeline_mode = #tpu.pipeline_mode<synchronous>, transform_indices = @transform_3, window_bounds = array<i64: 1, 128>}, {pipeline_mode = #tpu.pipeline_mode<synchronous>, transform_indices = @transform_4, window_bounds = array<i64: 128, 128>}, {transform_indices = @transform_5, window_bounds = array<i64: 4, 2000, 32>}]} {
    %get3A = arith.constant 0 : index
    %get3A_0 = arith.constant 0 : index
    %get3A_1 = arith.constant 0 : index
    %get3A_2 = vector.load %arg1[%get3A, %get3A_0, %get3A_1] : memref<4x2000x32xf32, #tpu.memory_space<vmem>>, vector<4x2000x32xf32>
    %get3A_3 = arith.constant 0 : index
    %get3A_4 = arith.constant 0 : index
    %get3A_5 = arith.constant 0 : index
    %get3A_6 = vector.load %arg2[%get3A_3, %get3A_4, %get3A_5] : memref<4x2000x32xf32, #tpu.memory_space<vmem>>, vector<4x2000x32xf32>
    %slice3A = vector.extract_strided_slice %get3A_2 {offsets = [0, 0, 0], sizes = [1, 2000, 32], strides = [1, 1, 1]} : vector<4x2000x32xf32> to vector<1x2000x32xf32>
    %squeeze3A = vector.shape_cast %slice3A : vector<1x2000x32xf32> to vector<2000x32xf32>
    %slice3A_7 = vector.extract_strided_slice %get3A_6 {offsets = [0, 0, 0], sizes = [1, 2000, 32], strides = [1, 1, 1]} : vector<4x2000x32xf32> to vector<1x2000x32xf32>
    %squeeze3A_8 = vector.shape_cast %slice3A_7 : vector<1x2000x32xf32> to vector<2000x32xf32>
    %add3A = arith.addf %squeeze3A, %squeeze3A_8 : vector<2000x32xf32>
    %slice3A_9 = vector.extract_strided_slice %get3A_2 {offsets = [1, 0, 0], sizes = [1, 2000, 32], strides = [1, 1, 1]} : vector<4x2000x32xf32> to vector<1x2000x32xf32>
    %squeeze3A_10 = vector.shape_cast %slice3A_9 : vector<1x2000x32xf32> to vector<2000x32xf32>
    %slice3A_11 = vector.extract_strided_slice %get3A_6 {offsets = [1, 0, 0], sizes = [1, 2000, 32], strides = [1, 1, 1]} : vector<4x2000x32xf32> to vector<1x2000x32xf32>
    %squeeze3A_12 = vector.shape_cast %slice3A_11 : vector<1x2000x32xf32> to vector<2000x32xf32>
    %add3A_13 = arith.addf %squeeze3A_10, %squeeze3A_12 : vector<2000x32xf32>
    %slice3A_14 = vector.extract_strided_slice %get3A_2 {offsets = [2, 0, 0], sizes = [1, 2000, 32], strides = [1, 1, 1]} : vector<4x2000x32xf32> to vector<1x2000x32xf32>
    %squeeze3A_15 = vector.shape_cast %slice3A_14 : vector<1x2000x32xf32> to vector<2000x32xf32>
    %slice3A_16 = vector.extract_strided_slice %get3A_6 {offsets = [2, 0, 0], sizes = [1, 2000, 32], strides = [1, 1, 1]} : vector<4x2000x32xf32> to vector<1x2000x32xf32>
    %squeeze3A_17 = vector.shape_cast %slice3A_16 : vector<1x2000x32xf32> to vector<2000x32xf32>
    %add3A_18 = arith.addf %squeeze3A_15, %squeeze3A_17 : vector<2000x32xf32>
    %slice3A_19 = vector.extract_strided_slice %get3A_2 {offsets = [3, 0, 0], sizes = [1, 2000, 32], strides = [1, 1, 1]} : vector<4x2000x32xf32> to vector<1x2000x32xf32>
    %squeeze3A_20 = vector.shape_cast %slice3A_19 : vector<1x2000x32xf32> to vector<2000x32xf32>
    %slice3A_21 = vector.extract_strided_slice %get3A_6 {offsets = [3, 0, 0], sizes = [1, 2000, 32], strides = [1, 1, 1]} : vector<4x2000x32xf32> to vector<1x2000x32xf32>
    %squeeze3A_22 = vector.shape_cast %slice3A_21 : vector<1x2000x32xf32> to vector<2000x32xf32>
    %add3A_23 = arith.addf %squeeze3A_20, %squeeze3A_22 : vector<2000x32xf32>
    %concatenate3A = tpu.concatenate %add3A, %add3A_13, %add3A_18, %add3A_23 in 1 : vector<2000x32xf32>, vector<2000x32xf32>, vector<2000x32xf32>, vector<2000x32xf32> -> vector<2000x128xf32>
    %get3A_24 = arith.constant 0 : index
    %get3A_25 = arith.constant 0 : index
    %get3A_26 = vector.load %arg3[%get3A_24, %get3A_25] : memref<2000x1xf32, #tpu.memory_space<vmem>>, vector<2000x1xf32>
    %mul3A = vector.broadcast %get3A_26 : vector<2000x1xf32> to vector<2000x128xf32>
    %mul3A_27 = arith.mulf %concatenate3A, %mul3A : vector<2000x128xf32>
    %get3A_28 = arith.constant 0 : index
    %get3A_29 = arith.constant 0 : index
    %get3A_30 = vector.load %arg4[%get3A_28, %get3A_29] : memref<1x128xf32, #tpu.memory_space<vmem>>, vector<1x128xf32>
    %add3A_31 = vector.broadcast %get3A_30 : vector<1x128xf32> to vector<2000x128xf32>
    %add3A_32 = arith.addf %mul3A_27, %add3A_31 : vector<2000x128xf32>
    %max3A = arith.constant 0.000000e+00 : f32
    %max3A_33 = vector.broadcast %max3A : f32 to vector<2000x128xf32>
    %max3A_34 = arith.maximumf %add3A_32, %max3A_33 : vector<2000x128xf32>
    %get3A_35 = arith.constant 0 : index
    %get3A_36 = arith.constant 0 : index
    %get3A_37 = vector.load %arg5[%get3A_35, %get3A_36] : memref<128x128xf32, #tpu.memory_space<vmem>>, vector<128x128xf32>
    %dot_general3A = arith.constant dense<0.000000e+00> : vector<2000x128xf32>
    %dot_general3A_38 = tpu.matmul %max3A_34, %get3A_37, %dot_general3A {dimension_numbers = #tpu.dot_dimension_numbers<[1], [0], [0], [1], [0, 0, 1, 1], [], []>, transpose_lhs_hint = false} : vector<2000x128xf32>, vector<128x128xf32>, vector<2000x128xf32> -> vector<2000x128xf32>
    %mul3A_39 = vector.broadcast %get3A_26 : vector<2000x1xf32> to vector<2000x128xf32>
    %mul3A_40 = arith.mulf %dot_general3A_38, %mul3A_39 : vector<2000x128xf32>
    %slice3A_41 = vector.extract_strided_slice %mul3A_40 {offsets = [0, 0], sizes = [2000, 32], strides = [1, 1]} : vector<2000x128xf32> to vector<2000x32xf32>
    %slice3A_42 = vector.extract_strided_slice %mul3A_40 {offsets = [0, 32], sizes = [2000, 32], strides = [1, 1]} : vector<2000x128xf32> to vector<2000x32xf32>
    %slice3A_43 = vector.extract_strided_slice %mul3A_40 {offsets = [0, 64], sizes = [2000, 32], strides = [1, 1]} : vector<2000x128xf32> to vector<2000x32xf32>
    %slice3A_44 = vector.extract_strided_slice %mul3A_40 {offsets = [0, 96], sizes = [2000, 32], strides = [1, 1]} : vector<2000x128xf32> to vector<2000x32xf32>
    %stack3A = vector.shape_cast %slice3A_41 : vector<2000x32xf32> to vector<1x2000x32xf32>
    %stack3A_45 = vector.shape_cast %slice3A_42 : vector<2000x32xf32> to vector<1x2000x32xf32>
    %stack3A_46 = vector.shape_cast %slice3A_43 : vector<2000x32xf32> to vector<1x2000x32xf32>
    %stack3A_47 = vector.shape_cast %slice3A_44 : vector<2000x32xf32> to vector<1x2000x32xf32>
    %stack3A_48 = tpu.concatenate %stack3A, %stack3A_45, %stack3A_46, %stack3A_47 in 0 : vector<1x2000x32xf32>, vector<1x2000x32xf32>, vector<1x2000x32xf32>, vector<1x2000x32xf32> -> vector<4x2000x32xf32>
    %swap3A = arith.constant 0 : index
    %swap3A_49 = arith.constant 0 : index
    %swap3A_50 = arith.constant 0 : index
    %swap3A_51 = vector.load %arg6[%swap3A, %swap3A_49, %swap3A_50] : memref<4x2000x32xf32, #tpu.memory_space<vmem>>, vector<4x2000x32xf32>
    tpu.vector_store %arg6[%swap3A, %swap3A_49, %swap3A_50], %stack3A_48 {strides = array<i32>} : memref<4x2000x32xf32, #tpu.memory_space<vmem>>, vector<4x2000x32xf32>,
    return
  }
  func.func @transform_0(%arg0: i32) -> (i32, i32, i32) {
    %c0_i32 = arith.constant 0 : i32
    %c0_i32_0 = arith.constant 0 : i32
    %c0_i32_1 = arith.constant 0 : i32
    return %c0_i32, %arg0, %c0_i32_0 : i32, i32, i32
  }
  func.func @transform_1(%arg0: i32) -> (i32, i32, i32) {
    %c0_i32 = arith.constant 0 : i32
    %c0_i32_0 = arith.constant 0 : i32
    %c0_i32_1 = arith.constant 0 : i32
    return %c0_i32, %arg0, %c0_i32_0 : i32, i32, i32
  }
  func.func @transform_2(%arg0: i32) -> (i32, i32) {
    %c0_i32 = arith.constant 0 : i32
    %c0_i32_0 = arith.constant 0 : i32
    return %arg0, %c0_i32 : i32, i32
  }
  func.func @transform_3(%arg0: i32) -> (i32, i32) {
    %c0_i32 = arith.constant 0 : i32
    %c0_i32_0 = arith.constant 0 : i32
    %c0_i32_1 = arith.constant 0 : i32
    return %c0_i32, %c0_i32_0 : i32, i32
  }
  func.func @transform_4(%arg0: i32) -> (i32, i32) {
    %c0_i32 = arith.constant 0 : i32
    %c0_i32_0 = arith.constant 0 : i32
    %c0_i32_1 = arith.constant 0 : i32
    return %c0_i32, %c0_i32_0 : i32, i32
  }
  func.func @transform_5(%arg0: i32) -> (i32, i32, i32) {
    %c0_i32 = arith.constant 0 : i32
    %c0_i32_0 = arith.constant 0 : i32
    %c0_i32_1 = arith.constant 0 : i32
    return %c0_i32, %arg0, %c0_i32_0 : i32, i32, i32
  }
}

module attributes {stable_mosaic.version = 14 : i64} {
  func.func @body(%arg0: i32, %arg1: memref<4x2000x32xf32, #tpu.memory_space<vmem>>, %arg2: memref<4x2000x32xf32, #tpu.memory_space<vmem>>, %arg3: memref<2000x1xf32, #tpu.memory_space<vmem>>, %arg4: memref<1x128xf32, #tpu.memory_space<vmem>>, %arg5: memref<128x16xf32, #tpu.memory_space<vmem>>, %arg6: memref<2000x16xf32, #tpu.memory_space<vmem>>) attributes {dimension_semantics = [#tpu.dimension_semantics<arbitrary>], iteration_bounds = array<i64: 5>, scalar_prefetch = 0 : i64, scratch_operands = 0 : i64, tpu.core_type = #tpu.core_type<tc>, window_params = [{transform_indices = @transform_0, window_bounds = array<i64: 4, 2000, 32>}, {transform_indices = @transform_1, window_bounds = array<i64: 4, 2000, 32>}, {transform_indices = @transform_2, window_bounds = array<i64: 2000, 1>}, {pipeline_mode = #tpu.pipeline_mode<synchronous>, transform_indices = @transform_3, window_bounds = array<i64: 1, 128>}, {pipeline_mode = #tpu.pipeline_mode<synchronous>, transform_indices = @transform_4, window_bounds = array<i64: 128, 16>}, {transform_indices = @transform_5, window_bounds = array<i64: 2000, 16>}]} {
    %get3A = arith.constant 0 : index
    %get3A_0 = arith.constant 0 : index
    %get3A_1 = arith.constant 0 : index
    %get3A_2 = vector.load %arg1[%get3A, %get3A_0, %get3A_1] : memref<4x2000x32xf32, #tpu.memory_space<vmem>>, vector<4x2000x32xf32>
    %get3A_3 = arith.constant 0 : index
    %get3A_4 = arith.constant 0 : index
    %get3A_5 = arith.constant 0 : index
    %get3A_6 = vector.load %arg2[%get3A_3, %get3A_4, %get3A_5] : memref<4x2000x32xf32, #tpu.memory_space<vmem>>, vector<4x2000x32xf32>
    %slice3A = vector.extract_strided_slice %get3A_2 {offsets = [0, 0, 0], sizes = [1, 2000, 32], strides = [1, 1, 1]} : vector<4x2000x32xf32> to vector<1x2000x32xf32>
    %squeeze3A = vector.shape_cast %slice3A : vector<1x2000x32xf32> to vector<2000x32xf32>
    %slice3A_7 = vector.extract_strided_slice %get3A_6 {offsets = [0, 0, 0], sizes = [1, 2000, 32], strides = [1, 1, 1]} : vector<4x2000x32xf32> to vector<1x2000x32xf32>
    %squeeze3A_8 = vector.shape_cast %slice3A_7 : vector<1x2000x32xf32> to vector<2000x32xf32>
    %add3A = arith.addf %squeeze3A, %squeeze3A_8 : vector<2000x32xf32>
    %slice3A_9 = vector.extract_strided_slice %get3A_2 {offsets = [1, 0, 0], sizes = [1, 2000, 32], strides = [1, 1, 1]} : vector<4x2000x32xf32> to vector<1x2000x32xf32>
    %squeeze3A_10 = vector.shape_cast %slice3A_9 : vector<1x2000x32xf32> to vector<2000x32xf32>
    %slice3A_11 = vector.extract_strided_slice %get3A_6 {offsets = [1, 0, 0], sizes = [1, 2000, 32], strides = [1, 1, 1]} : vector<4x2000x32xf32> to vector<1x2000x32xf32>
    %squeeze3A_12 = vector.shape_cast %slice3A_11 : vector<1x2000x32xf32> to vector<2000x32xf32>
    %add3A_13 = arith.addf %squeeze3A_10, %squeeze3A_12 : vector<2000x32xf32>
    %slice3A_14 = vector.extract_strided_slice %get3A_2 {offsets = [2, 0, 0], sizes = [1, 2000, 32], strides = [1, 1, 1]} : vector<4x2000x32xf32> to vector<1x2000x32xf32>
    %squeeze3A_15 = vector.shape_cast %slice3A_14 : vector<1x2000x32xf32> to vector<2000x32xf32>
    %slice3A_16 = vector.extract_strided_slice %get3A_6 {offsets = [2, 0, 0], sizes = [1, 2000, 32], strides = [1, 1, 1]} : vector<4x2000x32xf32> to vector<1x2000x32xf32>
    %squeeze3A_17 = vector.shape_cast %slice3A_16 : vector<1x2000x32xf32> to vector<2000x32xf32>
    %add3A_18 = arith.addf %squeeze3A_15, %squeeze3A_17 : vector<2000x32xf32>
    %slice3A_19 = vector.extract_strided_slice %get3A_2 {offsets = [3, 0, 0], sizes = [1, 2000, 32], strides = [1, 1, 1]} : vector<4x2000x32xf32> to vector<1x2000x32xf32>
    %squeeze3A_20 = vector.shape_cast %slice3A_19 : vector<1x2000x32xf32> to vector<2000x32xf32>
    %slice3A_21 = vector.extract_strided_slice %get3A_6 {offsets = [3, 0, 0], sizes = [1, 2000, 32], strides = [1, 1, 1]} : vector<4x2000x32xf32> to vector<1x2000x32xf32>
    %squeeze3A_22 = vector.shape_cast %slice3A_21 : vector<1x2000x32xf32> to vector<2000x32xf32>
    %add3A_23 = arith.addf %squeeze3A_20, %squeeze3A_22 : vector<2000x32xf32>
    %concatenate3A = tpu.concatenate %add3A, %add3A_13, %add3A_18, %add3A_23 in 1 : vector<2000x32xf32>, vector<2000x32xf32>, vector<2000x32xf32>, vector<2000x32xf32> -> vector<2000x128xf32>
    %get3A_24 = arith.constant 0 : index
    %get3A_25 = arith.constant 0 : index
    %get3A_26 = vector.load %arg3[%get3A_24, %get3A_25] : memref<2000x1xf32, #tpu.memory_space<vmem>>, vector<2000x1xf32>
    %mul3A = vector.broadcast %get3A_26 : vector<2000x1xf32> to vector<2000x128xf32>
    %mul3A_27 = arith.mulf %concatenate3A, %mul3A : vector<2000x128xf32>
    %get3A_28 = arith.constant 0 : index
    %get3A_29 = arith.constant 0 : index
    %get3A_30 = vector.load %arg4[%get3A_28, %get3A_29] : memref<1x128xf32, #tpu.memory_space<vmem>>, vector<1x128xf32>
    %add3A_31 = vector.broadcast %get3A_30 : vector<1x128xf32> to vector<2000x128xf32>
    %add3A_32 = arith.addf %mul3A_27, %add3A_31 : vector<2000x128xf32>
    %max3A = arith.constant 0.000000e+00 : f32
    %max3A_33 = vector.broadcast %max3A : f32 to vector<2000x128xf32>
    %max3A_34 = arith.maximumf %add3A_32, %max3A_33 : vector<2000x128xf32>
    %get3A_35 = arith.constant 0 : index
    %get3A_36 = arith.constant 0 : index
    %get3A_37 = vector.load %arg5[%get3A_35, %get3A_36] : memref<128x16xf32, #tpu.memory_space<vmem>>, vector<128x16xf32>
    %dot_general3A = arith.constant dense<0.000000e+00> : vector<2000x16xf32>
    %dot_general3A_38 = tpu.matmul %max3A_34, %get3A_37, %dot_general3A {dimension_numbers = #tpu.dot_dimension_numbers<[1], [0], [0], [1], [0, 0, 1, 1], [], []>, transpose_lhs_hint = false} : vector<2000x128xf32>, vector<128x16xf32>, vector<2000x16xf32> -> vector<2000x16xf32>
    %mul3A_39 = vector.broadcast %get3A_26 : vector<2000x1xf32> to vector<2000x16xf32>
    %mul3A_40 = arith.mulf %dot_general3A_38, %mul3A_39 : vector<2000x16xf32>
    %swap3A = arith.constant 0 : index
    %swap3A_41 = arith.constant 0 : index
    %swap3A_42 = vector.load %arg6[%swap3A, %swap3A_41] : memref<2000x16xf32, #tpu.memory_space<vmem>>, vector<2000x16xf32>
    tpu.vector_store %arg6[%swap3A, %swap3A_41], %mul3A_40 {strides = array<i32>} : memref<2000x16xf32, #tpu.memory_space<vmem>>, vector<2000x16xf32>,
    return
  }
  func.func @transform_0(%arg0: i32) -> (i32, i32, i32) {
    %c0_i32 = arith.constant 0 : i32
    %c0_i32_0 = arith.constant 0 : i32
    %c0_i32_1 = arith.constant 0 : i32
    return %c0_i32, %arg0, %c0_i32_0 : i32, i32, i32
  }
  func.func @transform_1(%arg0: i32) -> (i32, i32, i32) {
    %c0_i32 = arith.constant 0 : i32
    %c0_i32_0 = arith.constant 0 : i32
    %c0_i32_1 = arith.constant 0 : i32
    return %c0_i32, %arg0, %c0_i32_0 : i32, i32, i32
  }
  func.func @transform_2(%arg0: i32) -> (i32, i32) {
    %c0_i32 = arith.constant 0 : i32
    %c0_i32_0 = arith.constant 0 : i32
    return %arg0, %c0_i32 : i32, i32
  }
  func.func @transform_3(%arg0: i32) -> (i32, i32) {
    %c0_i32 = arith.constant 0 : i32
    %c0_i32_0 = arith.constant 0 : i32
    %c0_i32_1 = arith.constant 0 : i32
    return %c0_i32, %c0_i32_0 : i32, i32
  }
  func.func @transform_4(%arg0: i32) -> (i32, i32) {
    %c0_i32 = arith.constant 0 : i32
    %c0_i32_0 = arith.constant 0 : i32
    %c0_i32_1 = arith.constant 0 : i32
    return %c0_i32, %c0_i32_0 : i32, i32
  }
  func.func @transform_5(%arg0: i32) -> (i32, i32) {
    %c0_i32 = arith.constant 0 : i32
    %c0_i32_0 = arith.constant 0 : i32
    return %arg0, %c0_i32 : i32, i32
  }
}

module attributes {stable_mosaic.version = 14 : i64} {
  func.func @body(%arg0: i32, %arg1: memref<2x2000x16xf32, #tpu.memory_space<vmem>>, %arg2: memref<2000x16xf32, #tpu.memory_space<vmem>>, %arg3: memref<2000x1xf32, #tpu.memory_space<vmem>>, %arg4: memref<1x16xf32, #tpu.memory_space<vmem>>, %arg5: memref<16x16xf32, #tpu.memory_space<vmem>>, %arg6: memref<1x16xf32, #tpu.memory_space<vmem>>, %arg7: memref<2000x16xf32, #tpu.memory_space<vmem>>) attributes {dimension_semantics = [#tpu.dimension_semantics<arbitrary>], iteration_bounds = array<i64: 5>, scalar_prefetch = 0 : i64, scratch_operands = 0 : i64, tpu.core_type = #tpu.core_type<tc>, window_params = [{transform_indices = @transform_0, window_bounds = array<i64: 2, 2000, 16>}, {transform_indices = @transform_1, window_bounds = array<i64: 2000, 16>}, {transform_indices = @transform_2, window_bounds = array<i64: 2000, 1>}, {pipeline_mode = #tpu.pipeline_mode<synchronous>, transform_indices = @transform_3, window_bounds = array<i64: 1, 16>}, {pipeline_mode = #tpu.pipeline_mode<synchronous>, transform_indices = @transform_4, window_bounds = array<i64: 16, 16>}, {pipeline_mode = #tpu.pipeline_mode<synchronous>, transform_indices = @transform_5, window_bounds = array<i64: 1, 16>}, {transform_indices = @transform_6, window_bounds = array<i64: 2000, 16>}]} {
    %get3A = arith.constant 0 : index
    %get3A_0 = arith.constant 0 : index
    %get3A_1 = arith.constant 0 : index
    %get3A_2 = vector.load %arg1[%get3A, %get3A_0, %get3A_1] : memref<2x2000x16xf32, #tpu.memory_space<vmem>>, vector<2x2000x16xf32>
    %slice3A = vector.extract_strided_slice %get3A_2 {offsets = [0, 0, 0], sizes = [1, 2000, 16], strides = [1, 1, 1]} : vector<2x2000x16xf32> to vector<1x2000x16xf32>
    %squeeze3A = vector.shape_cast %slice3A : vector<1x2000x16xf32> to vector<2000x16xf32>
    %slice3A_3 = vector.extract_strided_slice %get3A_2 {offsets = [1, 0, 0], sizes = [1, 2000, 16], strides = [1, 1, 1]} : vector<2x2000x16xf32> to vector<1x2000x16xf32>
    %squeeze3A_4 = vector.shape_cast %slice3A_3 : vector<1x2000x16xf32> to vector<2000x16xf32>
    %add3A = arith.addf %squeeze3A, %squeeze3A_4 : vector<2000x16xf32>
    %get3A_5 = arith.constant 0 : index
    %get3A_6 = arith.constant 0 : index
    %get3A_7 = vector.load %arg2[%get3A_5, %get3A_6] : memref<2000x16xf32, #tpu.memory_space<vmem>>, vector<2000x16xf32>
    %add3A_8 = arith.addf %add3A, %get3A_7 : vector<2000x16xf32>
    %get3A_9 = arith.constant 0 : index
    %get3A_10 = arith.constant 0 : index
    %get3A_11 = vector.load %arg3[%get3A_9, %get3A_10] : memref<2000x1xf32, #tpu.memory_space<vmem>>, vector<2000x1xf32>
    %mul3A = vector.broadcast %get3A_11 : vector<2000x1xf32> to vector<2000x16xf32>
    %mul3A_12 = arith.mulf %add3A_8, %mul3A : vector<2000x16xf32>
    %get3A_13 = arith.constant 0 : index
    %get3A_14 = arith.constant 0 : index
    %get3A_15 = vector.load %arg4[%get3A_13, %get3A_14] : memref<1x16xf32, #tpu.memory_space<vmem>>, vector<1x16xf32>
    %add3A_16 = vector.broadcast %get3A_15 : vector<1x16xf32> to vector<2000x16xf32>
    %add3A_17 = arith.addf %mul3A_12, %add3A_16 : vector<2000x16xf32>
    %max3A = arith.constant 0.000000e+00 : f32
    %max3A_18 = vector.broadcast %max3A : f32 to vector<2000x16xf32>
    %max3A_19 = arith.maximumf %add3A_17, %max3A_18 : vector<2000x16xf32>
    %get3A_20 = arith.constant 0 : index
    %get3A_21 = arith.constant 0 : index
    %get3A_22 = vector.load %arg5[%get3A_20, %get3A_21] : memref<16x16xf32, #tpu.memory_space<vmem>>, vector<16x16xf32>
    %dot_general3A = arith.constant dense<0.000000e+00> : vector<2000x16xf32>
    %dot_general3A_23 = tpu.matmul %max3A_19, %get3A_22, %dot_general3A {dimension_numbers = #tpu.dot_dimension_numbers<[1], [0], [0], [1], [0, 0, 1, 1], [], []>, transpose_lhs_hint = false} : vector<2000x16xf32>, vector<16x16xf32>, vector<2000x16xf32> -> vector<2000x16xf32>
    %get3A_24 = arith.constant 0 : index
    %get3A_25 = arith.constant 0 : index
    %get3A_26 = vector.load %arg6[%get3A_24, %get3A_25] : memref<1x16xf32, #tpu.memory_space<vmem>>, vector<1x16xf32>
    %add3A_27 = vector.broadcast %get3A_26 : vector<1x16xf32> to vector<2000x16xf32>
    %add3A_28 = arith.addf %dot_general3A_23, %add3A_27 : vector<2000x16xf32>
    %swap3A = arith.constant 0 : index
    %swap3A_29 = arith.constant 0 : index
    %swap3A_30 = vector.load %arg7[%swap3A, %swap3A_29] : memref<2000x16xf32, #tpu.memory_space<vmem>>, vector<2000x16xf32>
    tpu.vector_store %arg7[%swap3A, %swap3A_29], %add3A_28 {strides = array<i32>} : memref<2000x16xf32, #tpu.memory_space<vmem>>, vector<2000x16xf32>,
    return
  }
  func.func @transform_0(%arg0: i32) -> (i32, i32, i32) {
    %c0_i32 = arith.constant 0 : i32
    %c0_i32_0 = arith.constant 0 : i32
    %c0_i32_1 = arith.constant 0 : i32
    return %c0_i32, %arg0, %c0_i32_0 : i32, i32, i32
  }
  func.func @transform_1(%arg0: i32) -> (i32, i32) {
    %c0_i32 = arith.constant 0 : i32
    %c0_i32_0 = arith.constant 0 : i32
    return %arg0, %c0_i32 : i32, i32
  }
  func.func @transform_2(%arg0: i32) -> (i32, i32) {
    %c0_i32 = arith.constant 0 : i32
    %c0_i32_0 = arith.constant 0 : i32
    return %arg0, %c0_i32 : i32, i32
  }
  func.func @transform_3(%arg0: i32) -> (i32, i32) {
    %c0_i32 = arith.constant 0 : i32
    %c0_i32_0 = arith.constant 0 : i32
    %c0_i32_1 = arith.constant 0 : i32
    return %c0_i32, %c0_i32_0 : i32, i32
  }
  func.func @transform_4(%arg0: i32) -> (i32, i32) {
    %c0_i32 = arith.constant 0 : i32
    %c0_i32_0 = arith.constant 0 : i32
    %c0_i32_1 = arith.constant 0 : i32
    return %c0_i32, %c0_i32_0 : i32, i32
  }
  func.func @transform_5(%arg0: i32) -> (i32, i32) {
    %c0_i32 = arith.constant 0 : i32
    %c0_i32_0 = arith.constant 0 : i32
    %c0_i32_1 = arith.constant 0 : i32
    return %c0_i32, %c0_i32_0 : i32, i32
  }
  func.func @transform_6(%arg0: i32) -> (i32, i32) {
    %c0_i32 = arith.constant 0 : i32
    %c0_i32_0 = arith.constant 0 : i32
    return %arg0, %c0_i32 : i32, i32
  }
}

</mosaic_0001>

<sc_bundles>
// kernel: kernel.11.cloned.1.call-start
scs
__scs_entry_jumppad:
0x0: {  	(pc) =	sbr.rel $0x88, $3  }
0x1: {  	(tag) =	ssettag $0x0;
	lr =	simm.s32 $0x1  }
0x2: {  	[smem:$0x3F97] =	sst lr;
	_ =	strace $0xD0000000  }
0x3: {  	_ = 	snop  }
0x4: {  	_ = 	snop  }
0x5: {  	_ = 	snop  }
0x6: {  	_ = 	snop  }
0x7: {  	_ = 	snop  }
__scs_overlays_trampoline_lowered:
0x8: {  	[smem:$0x3FA6] =	sst s0  }
0x9: {  	[smem:$0x3FA7] =	sst s1  }
0xa: {  	[smem:$0x3FA8] =	sst s2  }
0xb: {  	[smem:$0x3FA9] =	sst s3  }
0xc: {  	[smem:$0x3FAA] =	sst s4  }
0xd: {  	[smem:$0x3FAB] =	sst s5  }
0xe: {  	[smem:$0x3FAC] =	sst s6  }
0xf: {  	[smem:$0x3FAD] =	sst s7  }
0x10: {  	[smem:$0x3FAE] =	sst s8  }
0x11: {  	[smem:$0x3FAF] =	sst s9;
	s0 =	simm.s32 @!p0 $0x0  }
0x12: {  	s1 =	sld [smem:$0x3F95];
	s0 =	simm.s32 @p0 $0x1  }
0x13: {  	[smem:$0x3FB0] =	sst s0;
	s0 =	simm.s32 @!p1 $0x0  }
0x14: {  	s2 =	sld [smem:$0x3F94];
	s0 =	simm.s32 @p1 $0x1  }
0x15: {  	[smem:$0x3FB1] =	sst s0;
	s0 =	simm.s32 @!p2 $0x0  }
0x16: {  	s3 =	sld [smem:$0x3FDB];
	s0 =	simm.s32 @p2 $0x1  }
0x17: {  	s4 =	simm.s32 $0x1BF5;
	[smem:$0x3FB3] =	sst s0  }
0x18: {  	s0 =	sld [smem:$0x3F96];
	_ =	swait.ge [sflag:s4], $0x0  }
0x19: {  	s7 =	sld [smem:$0x3F97]  }
0x1a: {  	s8 =	sadd.s32 $0xFFFFE003, lr  }
0x1b: {  	s9 =	sadd.s32 $0xFFFFFEF7, lr;
	s5 =	simm.s32 $0xFFFFFFFF;
	p2 =	slt.u32 s8, $0xFFFFF086  }
0x1c: {  	p1 =	slt.u32 s9, $0xF7A;
	s5 =	simm.s32 @!p2 $0x0  }
0x1d: {  	s5 =	simm.s32 @p1 $0x1;
	p0 =	seq.s32 s7, s2  }
0x1e: {  	s7 =	smul.u32 @!p0 $0xF7A, s2;
	p2 =	seq.s32 @!p0 s5, $0x0  }
0x1f: {  	s9 =	smul.u32 $0xF7A, s1;
	s8 =	simm.s32 @!p0 $0x1BF5;
	p2 =	por !p2, p0  }
0x20: {  	[sflag:s8] =	ssyncset.s32 @!p0 $0xFFFFF086;
	s6 =	sadd.s32 @!p0 s3, s7;
	s7 =	simm.s32 @!p0 $0x108  }
0x21: {  	s3 =	sadd.s32 s3, s9;
	s6 =	sadd.s32 @!p0 $0x88, s6;
	s7 =	simm.s32 @p2 $0x1082  }
0x22: {  	[simem:s7], [sflag:s8] =	dma.local @!p0 [hbm:s6], $0xF7A  }
0x23: {  	s9 =	sor.u32 $0xD0000000, s2;
	s6 =	simm.s32 $0x108;
	_ =	swait.ge @!p0 [sflag:s8], $0x0  }
0x24: {  	s3 =	sadd.s32 $0x88, s3;
	s6 =	simm.s32 @!p1 $0x1082;
	[sflag:s4] =	ssyncset.s32 $0xFFFFF086  }
0x25: {  	[simem:s6], [sflag:s4] =	dma.local [hbm:s3], $0xF7A  }
0x26: {  	[smem:$0x3F97] =	sst s1;
	(tag) =	ssettag s2;
	_ =	strace s9  }
0x27: {  	s1 =	sld [smem:$0x3FA7]  }
0x28: {  	s2 =	sld [smem:$0x3FA8]  }
0x29: {  	s4 =	sld [smem:$0x3FAA]  }
0x2a: {  	p0 =	seq.s32 s5, $0x0;
	s5 =	sld [smem:$0x3FAB]  }
0x2b: {  	s6 =	sld [smem:$0x3FAC]  }
0x2c: {  	s7 =	sld [smem:$0x3FAD]  }
0x2d: {  	s3 =	simm.s32 $0x108;
	s8 =	sld [smem:$0x3FAE]  }
0x2e: {  	s3 =	simm.s32 @!p0 $0x1082;
	s9 =	sld [smem:$0x3FAF]  }
0x2f: {  	lr =	sadd.s32 s0, s3;
	s0 =	sld [smem:$0x3FA6]  }
0x30: {  	s3 =	sld [smem:$0x3FA9]  }
0x31: {  	[smem:$0x3FB2] =	sst s10  }
0x32: {  	s10 =	sld [smem:$0x3FB0];
	_ =	sdelay $0x3  }
0x33: {  	p0 =	seq.s32 s10, $0x1;
	s10 =	sld [smem:$0x3FB2];
	_ =	sdelay $0x3  }
0x34: {  	[smem:$0x3FB2] =	sst s10  }
0x35: {  	s10 =	sld [smem:$0x3FB1];
	_ =	sdelay $0x3  }
0x36: {  	p1 =	seq.s32 s10, $0x1;
	s10 =	sld [smem:$0x3FB2];
	_ =	sdelay $0x3  }
0x37: {  	[smem:$0x3FB2] =	sst s10  }
0x38: {  	s10 =	sld [smem:$0x3FB3]  }
0x39: {  	_ = 	snop;
	(pc) =	sbr.ind lr, $3  }
0x3a: {  	_ = 	snop  }
0x3b: {  	_ = 	snop  }
0x3c: {  	p2 =	seq.s32 s10, $0x1;
	s10 =	sld [smem:$0x3FB2]  }
0x3d: {  	_ =	shalt  }
0x3e: {  	_ =	shalt  }
0x3f: {  	_ =	shalt  }
0x40: {  	_ =	shalt  }
0x41: {  	_ =	shalt  }
0x42: {  	_ =	shalt  }
0x43: {  	_ =	shalt  }
0x44: {  	_ =	shalt  }
0x45: {  	_ =	shalt  }
0x46: {  	_ =	shalt  }
0x47: {  	_ =	shalt  }
0x48: {  	_ =	shalt  }
0x49: {  	_ =	shalt  }
0x4a: {  	_ =	shalt  }
0x4b: {  	_ =	shalt  }
0x4c: {  	_ =	shalt  }
0x4d: {  	_ =	shalt  }
0x4e: {  	_ =	shalt  }
0x4f: {  	_ =	shalt  }
0x50: {  	_ =	shalt  }
0x51: {  	_ =	shalt  }
0x52: {  	_ =	shalt  }
0x53: {  	_ =	shalt  }
0x54: {  	_ =	shalt  }
0x55: {  	_ =	shalt  }
0x56: {  	_ =	shalt  }
0x57: {  	_ =	shalt  }
0x58: {  	_ =	shalt  }
0x59: {  	_ =	shalt  }
0x5a: {  	_ =	shalt  }
0x5b: {  	_ =	shalt  }
0x5c: {  	_ =	shalt  }
0x5d: {  	_ =	shalt  }
0x5e: {  	_ =	shalt  }
0x5f: {  	_ =	shalt  }
0x60: {  	_ =	shalt  }
0x61: {  	_ =	shalt  }
0x62: {  	_ =	shalt  }
0x63: {  	_ =	shalt  }
0x64: {  	_ =	shalt  }
0x65: {  	_ =	shalt  }
0x66: {  	_ =	shalt  }
0x67: {  	_ =	shalt  }
0x68: {  	_ =	shalt  }
0x69: {  	_ =	shalt  }
0x6a: {  	_ =	shalt  }
0x6b: {  	_ =	shalt  }
0x6c: {  	_ =	shalt  }
0x6d: {  	_ =	shalt  }
0x6e: {  	_ =	shalt  }
0x6f: {  	_ =	shalt  }
0x70: {  	_ =	shalt  }
0x71: {  	_ =	shalt  }
0x72: {  	_ =	shalt  }
0x73: {  	_ =	shalt  }
0x74: {  	_ =	shalt  }
0x75: {  	_ =	shalt  }
0x76: {  	_ =	shalt  }
0x77: {  	_ =	shalt  }
0x78: {  	_ =	shalt  }
0x79: {  	_ =	shalt  }
0x7a: {  	_ =	shalt  }
0x7b: {  	_ =	shalt  }
0x7c: {  	_ =	shalt  }
0x7d: {  	_ =	shalt  }
0x7e: {  	_ =	shalt  }
0x7f: {  	_ =	shalt  }
0x80: {  	_ =	shalt  }
0x81: {  	_ =	shalt  }
0x82: {  	_ =	shalt  }
0x83: {  	_ =	shalt  }
0x84: {  	_ =	shalt  }
0x85: {  	_ =	shalt  }
0x86: {  	_ =	shalt  }
0x87: {  	_ =	shalt  }
.Lfunc_end0:
.L_simem_size_0:
called_computation_lowered:
.L_overlay_start_0:
0x88: {  	s2 =	sld [smem:$0x3FD9]  }
0x89: {  	s3 =	sld [smem:$0x3FFE];
	_ =	sdelay $0x1  }
0x8a: {  	s1 =	srdreg.scid  }
0x8b: {  	s0 =	sand.u32 $0x1, s1  }
0x8c: {  	s16 =	sshll.u32 s0, $0xA;
	s2 =	sadd.s32 s3, s2  }
0x8d: {  	s2 =	sadd.s32 s2, s16  }
0x8e: {  	[smem:$0x3FBE] =	sst s2  }
0x8f: {  	_ = 	snop  }
0x90: {  	(tm) =	ssettm $0x1  }
0x91: {  	s17 =	sld [smem:$0x3FFB];
	_ =	sdelay $0x3  }
0x92: {  	_ =	strace s17  }
0x93: {  	s2 =	sld [smem:$0x3FFC];
	_ =	sdelay $0x3  }
0x94: {  	_ =	strace s2  }
0x95: {  	s2 =	sld [smem:$0x3FFD];
	_ =	sdelay $0x3  }
0x96: {  	_ =	strace s2  }
0x97: {  	_ =	strace $0x8FFFFFFF  }
0x98: {  	s18 =	sld [smem:$0x3FDB];
	_ =	sdelay $0x1  }
0x99: {  	s19 =	simm.s32 $_scs_section_size  }
0x9a: {  	s4 =	simm.s32 $_size__tile_overlayer_lowered;
	s5 =	simm.s32 $_tile_overlayer_lowered  }
0x9b: {  	s22 =	simm.s32 $0x1BFF;
	s21 =	sshll.u32 s5, $0x1;
	s2 =	sadd.s32 s19, s18  }
0x9c: {  	s6 =	simm.s32 $0x0;
	s20 =	sshll.u32 s4, $0x1;
	s4 =	sadd.s32 s21, s2  }
0x9d: {  	[timem:s6], [sflag:s22] =	dma.local [hbm:s4], s20  }
0x9e: {  	_ =	swait.ge [sflag:s22], s20  }
0x9f: {  	s3 =	ssub.s32 $0x0, s20;
	[sflag:s22] =	ssyncset.done $0x0  }
0xa0: {  	[sflag:s22] =	ssyncadd.s32 s3;
	_ =	sdelay $0x1  }
0xa1: {  	s23 =	simm.s32 $0x1B8B  }
0xa2: {  	_ =	swait.ge [sflag:s23], $0x1  }
0xa3: {  	[sflag:s23] =	ssyncset.done $0x0  }
0xa4: {  	s25 =	simm.s32 $0x1B8E;
	s24 =	sld [smem:$0x3FFE];
	[sflag:s23] =	ssyncadd.s32 $0xFFFFFFFF  }
0xa5: {  	s26 =	simm.s32 $execute0_lowered;
	[smem:$0x3FD2] =	sst s25  }
0xa6: {  	s4 =	sshll.u32 s26, $0x1;
	_ =	strace $0x80000046;
	[dreg:$0x1] =	wrdreg $0xFFFFFFFF  }
0xa7: {  	s28 =	simm.s32 $_size_execute0_lowered;
	s2 =	sadd.s32 s2, s4;
	[dreg:$0x0] =	wrdreg $0x0  }
0xa8: {  	s4 =	sshll.u32 s28, $0x1;
	[dreg:$0x2] =	wrdreg s2  }
0xa9: {  	[dreg:$0x3] =	wrdreg s4  }
0xaa: {  	[dreg:$0x4] =	wrdreg $0xC0  }
0xab: {  	_ =	task [dreg:s6], $0x5FFFF  }
0xac: {  	[dreg:$0x1] =	wrdreg $0xFFFFFFFF  }
0xad: {  	[dreg:$0x0] =	wrdreg $0x60  }
0xae: {  	[dreg:$0x2] =	wrdreg s24  }
0xaf: {  	[dreg:$0x3] =	wrdreg $0x38000  }
0xb0: {  	[dreg:$0x4] =	wrdreg $0x9  }
0xb1: {  	_ =	task.clear_ibuf [dreg:s6], $0x5FFFF;
	_ =	strace $0x90000046  }
0xb2: {  	s29 =	simm.s32 $0x9;
	_ =	strace $0x80000048  }
0xb3: {  	_ =	swait.ge [sflag:s29], $0x1  }
0xb4: {  	[sflag:s29] =	ssyncadd.s32 $0xFFFFFFFF  }
0xb5: {  	_ =	strace $0x90000048  }
0xb6: {  	_ =	sfence  }
0xb7: {  	s30 =	sld [smem:$0x0];
	_ =	sdelay $0x2  }
0xb8: {  	s31 =	sshll.u32 s1, $0xD;
	s1 =	sshrl.u32 s1, $0x2  }
0xb9: {  	s3 =	sand.u32 $0x4000, s31;
	s1 =	sadd.s32 s1, s30  }
0xba: {  	s0 =	sor.u32 s3, s0;
	s1 =	sshll.u32 s1, $0x11  }
0xbb: {  	s0 =	sor.u32 s1, s0  }
0xbc: {  	s0 =	sadd.s32 $0x8F2B, s0  }
0xbd: {  	[sflag:s0] =	ssyncadd.remote.s32 $0x1  }
0xbe: {  	_ =	sfence.sel $0xFFFF  }
0xbf: {  	[dreg:$0x0] =	wrdreg $0xFFFFFFFF;
	(pc) =	sbr.abs _section_cstart, $3  }
0xc0: {  	[dreg:$0x1] =	wrdreg $0xFFFFFFFF  }
0xc1: {  	_ =	task.clear_ibuf [dreg:s6], $0x2FFFF;
	_ =	strace $0x9FFFFFFF  }
0xc2: {  	(tm) =	ssettm $0x7FFFFFFF  }
0xc3: {  	_ =	shalt  }
tec
execute0_lowered:
.L_overlay_start_1:
0x0: {  	(tag) =	ssettag $0x1  }
0x1: {  	s4 =	rddreg [dreg:$0x0]  }
0x2: {  	s2 =	rddreg [dreg:$0x1]  }
0x3: {  	s0 =	srdreg.scid;
	s1 =	rddreg [dreg:$0x2];
	s3 =	simm.s32 $0x0  }
0x4: {  	s15 =	simm.s32 $0x80;
	s16 =	simm.s32 $0x3000;
	s17 =	simm.s32 $0x100  }
0x5: {  	s18 =	simm.s32 $0x180;
	s19 =	simm.s32 $0x1;
	s20 =	simm.s32 $0x2  }
0x6: {  	s21 =	simm.s32 $0x3;
	s22 =	simm.s32 $0x4;
	s5 =	sand.u32 $0x1, s0  }
0x7: {  	s25 =	simm.s32 $0x0;
	s0 =	stileid.u32;
	s6 =	smul.u32 $0x5000, s5  }
0x8: {  	[smem:$0x7FF] =	sst s3;
	s11 =	sadd.s32 $0x16200, s4;
	s7 =	smul.u32 $0x500, s0  }
0x9: {  	s24 =	sadd.s32 $0x27000, s2;
	_ =	strace $0x80000047;
	s29 =	smul.u32 $0xA000, s0  }
0xa: {  	s30 =	ssub.s32 $0x2, s5;
	s9 =	smul.u32 $0x27100, s5;
	p0 =	sne.s32 s0, $0xF  }
0xb: {  	s12 =	smul.u32 $0x2700, s0;
	s31 =	sshrl.u32 s30, $0x1;
	s24 =	sshrl.u32 @!p0 s24, $0x3  }
0xc: {  	s6 =	sadd.s32 s7, s6;
	s7 =	sshrl.u32 s29, $0x2;
	s13 =	ssub.s32 s30, s31  }
0xd: {  	s10 =	sadd.s32 s12, s9;
	s14 =	sshrl.u32 s9, $0x3;
	s23 =	sadd.s32 s12, s2  }
0xe: {  	s6 =	sadd.s32 s6, s4;
	s5 =	sadd.s32 s7, s2;
	s10 =	sshrl.u32 s10, $0x3  }
0xf: {  	s12 =	smax.u32 s13, $0x1;
	s13 =	simm.s32 $0x5;
	s23 =	sshrl.u32 s23, $0x3  }
0x10: {  	s4 =	sadd.s32 $0x2200, s6;
	s6 =	sadd.s32 $0x800, s5;
	s7 =	sadd.s32 $0x1000, s5  }
0x11: {  	s8 =	sadd.s32 $0x1800, s5;
	s10 =	sadd.s32 s11, s10;
	s11 =	sadd.s32 s11, s14  }
0x12: {  	v0 =	vimm.f32 $0.0e+00;
	v1 =	vimm.f32 $1.000000000e+00;
	s9 =	sadd.s32 $0x2000, s5;
	s14 =	simm.s32 $0x2800;
	s11 =	sadd.s32 $0x4E00, s11  }
.LBB2_1:
0x13: {  	[tilespmem:s3], [sflag:$0x5] =	stream.linear.gather [hbm4b:s4+s3], $0x2800, $0x38;
	[tilespmem:$0x6000] =	vst v63  }
0x14: {  	_ =	swait.ge [sflag:s13], $0x2800  }
0x15: {  	[sflag:s13] =	ssyncset.done $0x0  }
0x16: {  	s26 =	simm.s32 $0x40;
	s28 =	simm.s32 $0x0;
	[sflag:s13] =	ssyncadd.s32 $0xFFFFD800  }
.LBB2_2:
0x17: {  	p1 =	sne.s32 s26, $0x1FC0;
	[tilespmem:s28+$0x2800] =	vst v0;
	s28 =	smov.u32 s26;
	s26 =	sadd.s32 $0x40, s26  }
.Ltmp0:
0x18: {  	(pc) =	sbr.rel @p1 .LBB2_2-.Ltmp0, $2  }
0x19: {  	_ =	sdelay $0x2  }
0x1a: {  	s28 =	sshra.s32 s28, $0x2  }
0x1b: {  	[tilespmem:s28+$0x2800] =	vst v0  }
0x1c: {  	[spmem:s5] =	stream.linear.scatter [tilespmem:s14], [sflag:$0x5], $0x800, $0x38;
	[tilespmem:$0x6000] =	vst v63  }
0x1d: {  	_ =	swait.ge [sflag:s13], $0x800  }
0x1e: {  	[sflag:s13] =	ssyncset.done $0x0  }
0x1f: {  	[sflag:s13] =	ssyncadd.s32 $0xFFFFF800  }
0x20: {  	[spmem:s6] =	stream.linear.scatter [tilespmem:s14], [sflag:$0x5], $0x800, $0x38;
	[tilespmem:$0x6000] =	vst v63  }
0x21: {  	_ =	swait.ge [sflag:s13], $0x800  }
0x22: {  	[sflag:s13] =	ssyncset.done $0x0  }
0x23: {  	[sflag:s13] =	ssyncadd.s32 $0xFFFFF800  }
0x24: {  	[spmem:s7] =	stream.linear.scatter [tilespmem:s14], [sflag:$0x5], $0x800, $0x38;
	[tilespmem:$0x6000] =	vst v63  }
0x25: {  	_ =	swait.ge [sflag:s13], $0x800  }
0x26: {  	[sflag:s13] =	ssyncset.done $0x0  }
0x27: {  	[sflag:s13] =	ssyncadd.s32 $0xFFFFF800  }
0x28: {  	[spmem:s8] =	stream.linear.scatter [tilespmem:s14], [sflag:$0x5], $0x800, $0x38;
	[tilespmem:$0x6000] =	vst v63  }
0x29: {  	_ =	swait.ge [sflag:s13], $0x800  }
0x2a: {  	[sflag:s13] =	ssyncset.done $0x0  }
0x2b: {  	[sflag:s13] =	ssyncadd.s32 $0xFFFFF800  }
0x2c: {  	[spmem:s9] =	stream.linear.scatter [tilespmem:s14], [sflag:$0x5], $0x800, $0x38;
	[tilespmem:$0x6000] =	vst v63  }
0x2d: {  	_ =	swait.ge [sflag:s13], $0x800  }
0x2e: {  	[sflag:s13] =	ssyncset.done $0x0  }
0x2f: {  	[sflag:s13] =	ssyncadd.s32 $0xFFFFF800  }
0x30: {  	s26 =	simm.s32 $0x40;
	s28 =	simm.s32 $0x0;
	[bflag:$0x0] =	sbarrier.arrive $0xFFFF  }
.LBB2_4:
0x31: {  	p1 =	sne.s32 s26, $0x1FC0;
	[tilespmem:s28+$0x3000] =	vst v1;
	s28 =	smov.u32 s26;
	s26 =	sadd.s32 $0x40, s26  }
.Ltmp1:
0x32: {  	(pc) =	sbr.rel @p1 .LBB2_4-.Ltmp1, $2  }
0x33: {  	_ =	sdelay $0x2  }
0x34: {  	s28 =	sshra.s32 s28, $0x2  }
0x35: {  	[tilespmem:s28+$0x3000] =	vst v1  }
0x36: {  	[spmem:s2] =	stream.indirect.scatter.add.f32 [tilespmem:s16], [sflag:$0x1], $0x10, s3, s15, $0xb8;
	[tilespmem:$0x6000] =	vst v63  }
0x37: {  	_ = 	snop  }
0x38: {  	[spmem:s2] =	stream.indirect.scatter.add.f32 [tilespmem:s16], [sflag:$0x2], $0x10, s15, s15, $0xb8;
	[tilespmem:$0x6000] =	vst v63  }
0x39: {  	_ = 	snop  }
0x3a: {  	[spmem:s2] =	stream.indirect.scatter.add.f32 [tilespmem:s16], [sflag:$0x3], $0x10, s17, s15, $0xb8;
	[tilespmem:$0x6000] =	vst v63  }
0x3b: {  	_ = 	snop  }
0x3c: {  	[spmem:s2] =	stream.indirect.scatter.add.f32 [tilespmem:s16], [sflag:$0x4], $0x10, s18, s15, $0xb8;
	[tilespmem:$0x6000] =	vst v63  }
0x3d: {  	_ =	swait.ge [sflag:s19], $0x800  }
0x3e: {  	[sflag:s19] =	ssyncset.done $0x0  }
0x3f: {  	s26 =	simm.s32 $0x200;
	[sflag:s19] =	ssyncadd.s32 $0xFFFFF800  }
0x40: {  	[spmem:s2] =	stream.indirect.scatter.add.f32 [tilespmem:s16], [sflag:$0x1], $0x10, s26, s15, $0xb8;
	[tilespmem:$0x6000] =	vst v63  }
0x41: {  	_ =	swait.ge [sflag:s20], $0x800  }
0x42: {  	[sflag:s20] =	ssyncset.done $0x0  }
0x43: {  	s30 =	simm.s32 $0x280;
	[sflag:s20] =	ssyncadd.s32 $0xFFFFF800  }
0x44: {  	[spmem:s2] =	stream.indirect.scatter.add.f32 [tilespmem:s16], [sflag:$0x2], $0x10, s30, s15, $0xb8;
	[tilespmem:$0x6000] =	vst v63  }
0x45: {  	_ =	swait.ge [sflag:s21], $0x800  }
0x46: {  	[sflag:s21] =	ssyncset.done $0x0  }
0x47: {  	s31 =	simm.s32 $0x300;
	[sflag:s21] =	ssyncadd.s32 $0xFFFFF800  }
0x48: {  	[spmem:s2] =	stream.indirect.scatter.add.f32 [tilespmem:s16], [sflag:$0x3], $0x10, s31, s15, $0xb8;
	[tilespmem:$0x6000] =	vst v63  }
0x49: {  	_ =	swait.ge [sflag:s22], $0x800  }
0x4a: {  	[sflag:s22] =	ssyncset.done $0x0  }
0x4b: {  	s28 =	simm.s32 $0x380;
	s26 =	simm.s32 $0xFFFF7000;
	[sflag:s22] =	ssyncadd.s32 $0xFFFFF800  }
.LBB2_6:
0x4c: {  	[spmem:s2] =	stream.indirect.scatter.add.f32 [tilespmem:s16], [sflag:$0x4], $0x10, s28, s15, $0xb8;
	[tilespmem:$0x6000] =	vst v63  }
0x4d: {  	s28 =	smov.u32 s26  }
0x4e: {  	p1 =	sne.s32 s26, $0xFFFFF800;
	s26 =	sadd.s32 $0x800, s26;
	_ =	swait.ge [sflag:s19], $0x800  }
0x4f: {  	s28 =	sshra.s32 s28, $0x2;
	[sflag:s19] =	ssyncset.done $0x0  }
0x50: {  	s29 =	sadd.s32 $0x2800, s28;
	[sflag:s19] =	ssyncadd.s32 $0xFFFFF800  }
0x51: {  	[spmem:s2] =	stream.indirect.scatter.add.f32 [tilespmem:s16], [sflag:$0x1], $0x10, s29, s15, $0xb8;
	[tilespmem:$0x6000] =	vst v63  }
0x52: {  	_ =	swait.ge [sflag:s20], $0x800  }
0x53: {  	[sflag:s20] =	ssyncset.done $0x0  }
0x54: {  	s29 =	sadd.s32 $0x2880, s28;
	[sflag:s20] =	ssyncadd.s32 $0xFFFFF800  }
0x55: {  	[spmem:s2] =	stream.indirect.scatter.add.f32 [tilespmem:s16], [sflag:$0x2], $0x10, s29, s15, $0xb8;
	[tilespmem:$0x6000] =	vst v63  }
0x56: {  	_ =	swait.ge [sflag:s21], $0x800  }
0x57: {  	[sflag:s21] =	ssyncset.done $0x0  }
.Ltmp2:
0x58: {  	s29 =	sadd.s32 $0x2900, s28;
	[sflag:s21] =	ssyncadd.s32 $0xFFFFF800;
	(pc) =	sbr.rel @p1 .LBB2_6-.Ltmp2, $4  }
0x59: {  	[spmem:s2] =	stream.indirect.scatter.add.f32 [tilespmem:s16], [sflag:$0x3], $0x10, s29, s15, $0xb8;
	[tilespmem:$0x6000] =	vst v63  }
0x5a: {  	_ =	swait.ge [sflag:s22], $0x800  }
0x5b: {  	[sflag:s22] =	ssyncset.done $0x0  }
0x5c: {  	s28 =	sadd.s32 $0x2980, s28;
	[sflag:s22] =	ssyncadd.s32 $0xFFFFF800  }
0x5d: {  	[spmem:s2] =	stream.indirect.scatter.add.f32 [tilespmem:s16], [sflag:$0x4], $0x10, s28, s15, $0xb8;
	[tilespmem:$0x6000] =	vst v63  }
0x5e: {  	_ =	swait.ge [sflag:s19], $0x800  }
0x5f: {  	[sflag:s19] =	ssyncset.done $0x0  }
0x60: {  	[sflag:s19] =	ssyncadd.s32 $0xFFFFF800  }
0x61: {  	_ =	swait.ge [sflag:s20], $0x800  }
0x62: {  	[sflag:s20] =	ssyncset.done $0x0  }
0x63: {  	[sflag:s20] =	ssyncadd.s32 $0xFFFFF800  }
0x64: {  	_ =	swait.ge [sflag:s21], $0x800  }
0x65: {  	[sflag:s21] =	ssyncset.done $0x0  }
0x66: {  	[sflag:s21] =	ssyncadd.s32 $0xFFFFF800  }
0x67: {  	_ =	swait.ge [sflag:s22], $0x800  }
0x68: {  	[sflag:s22] =	ssyncset.done $0x0  }
0x69: {  	s26 =	sshll.u32 s0, $0x6;
	[sflag:s22] =	ssyncadd.s32 $0xFFFFF800  }
0x6a: {  	s26 =	sor.u32 $0x1C05, s26;
	[bflag:$0x0] =	sbarrier.arrive $0xFFFF  }
0x6b: {  	[hbm:s10], [sflag:s26] =	dma.local [spmem:s23], $0x4E0  }
0x6c: {  	_ =	swait.ge [sflag:s13], $0x4E0  }
0x6d: {  	s25 =	sadd.s32 $0x1, s25;
	[sflag:s13] =	ssyncset.done $0x0  }
0x6e: {  	p1 =	sne.s32 s25, s12;
	[sflag:s13] =	ssyncadd.s32 $0xFFFFFB20  }
0x6f: {  	[hbm:s11], [sflag:s26] =	dma.local @!p0 [spmem:s24], $0x20  }
.Ltmp3:
0x70: {  	_ = 	snop;
	(pc) =	sbr.rel @p1 .LBB2_1-.Ltmp3, $4  }
0x71: {  	s26 =	simm.s32 @!p0 $0x5  }
0x72: {  	_ =	swait.ge @!p0 [sflag:s26], $0x20  }
0x73: {  	[sflag:s26] =	ssyncset.done @!p0 $0x0  }
0x74: {  	[sflag:s26] =	ssyncadd.s32 @!p0 $0xFFFFFFE0  }
0x75: {  	_ =	sfence.sel $0x180000  }
0x76: {  	[bflag:$0x0] =	sbarrier.arrive $0xFFFF  }
0x77: {  	p0 =	sne.s32 s0, $0x0;
	_ =	strace $0x90000047  }
0x78: {  	s0 =	sadd.s32 @!p0 $0x100000, s1;
	[bflag:$0x2] =	sbarrier.arrive $0xFFFF  }
0x79: {  	[sflag:s0] =	ssyncadd.tile.s32 @!p0 $0x1;
	_ =	shalt  }
.Lfunc_end2:
_tile_overlayer_lowered:
.L_overlay_start_2:
0x7a: {  	(tag) =	ssettag $0x2  }
0x7b: {  	s0 =	rddreg [dreg:$0x0];
	s2 =	stileid.u32  }
0x7c: {  	s1 =	rddreg [dreg:$0x1];
	p0 =	sne.s32 s2, $0x0  }
0x7d: {  	s3 =	rddreg [dreg:$0x2];
	[bflag:$0x3] =	sbarrier.arrive $0xFFFF;
	s2 =	simm.s32 @!p0 $0x1C05  }
0x7e: {  	[timem:s3], [sflag:s2] =	dma.local @!p0 [hbm:s0], s1  }
0x7f: {  	s0 =	simm.s32 @!p0 $0x5  }
0x80: {  	_ =	swait.ge @!p0 [sflag:s0], s1  }
0x81: {  	s1 =	ssub.s32 @!p0 $0x0, s1;
	[sflag:s0] =	ssyncset.done @!p0 $0x0  }
0x82: {  	[sflag:s0] =	ssyncadd.s32 @!p0 s1  }
0x83: {  	[bflag:$0x3] =	sbarrier.arrive $0xFFFF  }
0x84: {  	_ =	shalt  }

// kernel: kernel.14.cloned.1.call-start
scs
__scs_entry_jumppad:
0x0: {  	(pc) =	sbr.rel $0x88, $3  }
0x1: {  	(tag) =	ssettag $0x0;
	lr =	simm.s32 $0x1  }
0x2: {  	[smem:$0x3F97] =	sst lr;
	_ =	strace $0xD0000000  }
0x3: {  	_ = 	snop  }
0x4: {  	_ = 	snop  }
0x5: {  	_ = 	snop  }
0x6: {  	_ = 	snop  }
0x7: {  	_ = 	snop  }
__scs_overlays_trampoline_lowered:
0x8: {  	[smem:$0x3FA6] =	sst s0  }
0x9: {  	[smem:$0x3FA7] =	sst s1  }
0xa: {  	[smem:$0x3FA8] =	sst s2  }
0xb: {  	[smem:$0x3FA9] =	sst s3  }
0xc: {  	[smem:$0x3FAA] =	sst s4  }
0xd: {  	[smem:$0x3FAB] =	sst s5  }
0xe: {  	[smem:$0x3FAC] =	sst s6  }
0xf: {  	[smem:$0x3FAD] =	sst s7  }
0x10: {  	[smem:$0x3FAE] =	sst s8  }
0x11: {  	[smem:$0x3FAF] =	sst s9;
	s0 =	simm.s32 @!p0 $0x0  }
0x12: {  	s1 =	sld [smem:$0x3F95];
	s0 =	simm.s32 @p0 $0x1  }
0x13: {  	[smem:$0x3FB0] =	sst s0;
	s0 =	simm.s32 @!p1 $0x0  }
0x14: {  	s2 =	sld [smem:$0x3F94];
	s0 =	simm.s32 @p1 $0x1  }
0x15: {  	[smem:$0x3FB1] =	sst s0;
	s0 =	simm.s32 @!p2 $0x0  }
0x16: {  	s3 =	sld [smem:$0x3FDB];
	s0 =	simm.s32 @p2 $0x1  }
0x17: {  	s4 =	simm.s32 $0x1BF5;
	[smem:$0x3FB3] =	sst s0  }
0x18: {  	s0 =	sld [smem:$0x3F96];
	_ =	swait.ge [sflag:s4], $0x0  }
0x19: {  	s7 =	sld [smem:$0x3F97]  }
0x1a: {  	s8 =	sadd.s32 $0xFFFFE003, lr  }
0x1b: {  	s9 =	sadd.s32 $0xFFFFFEF7, lr;
	s5 =	simm.s32 $0xFFFFFFFF;
	p2 =	slt.u32 s8, $0xFFFFF086  }
0x1c: {  	p1 =	slt.u32 s9, $0xF7A;
	s5 =	simm.s32 @!p2 $0x0  }
0x1d: {  	s5 =	simm.s32 @p1 $0x1;
	p0 =	seq.s32 s7, s2  }
0x1e: {  	s7 =	smul.u32 @!p0 $0xF7A, s2;
	p2 =	seq.s32 @!p0 s5, $0x0  }
0x1f: {  	s9 =	smul.u32 $0xF7A, s1;
	s8 =	simm.s32 @!p0 $0x1BF5;
	p2 =	por !p2, p0  }
0x20: {  	[sflag:s8] =	ssyncset.s32 @!p0 $0xFFFFF086;
	s6 =	sadd.s32 @!p0 s3, s7;
	s7 =	simm.s32 @!p0 $0x108  }
0x21: {  	s3 =	sadd.s32 s3, s9;
	s6 =	sadd.s32 @!p0 $0x88, s6;
	s7 =	simm.s32 @p2 $0x1082  }
0x22: {  	[simem:s7], [sflag:s8] =	dma.local @!p0 [hbm:s6], $0xF7A  }
0x23: {  	s9 =	sor.u32 $0xD0000000, s2;
	s6 =	simm.s32 $0x108;
	_ =	swait.ge @!p0 [sflag:s8], $0x0  }
0x24: {  	s3 =	sadd.s32 $0x88, s3;
	s6 =	simm.s32 @!p1 $0x1082;
	[sflag:s4] =	ssyncset.s32 $0xFFFFF086  }
0x25: {  	[simem:s6], [sflag:s4] =	dma.local [hbm:s3], $0xF7A  }
0x26: {  	[smem:$0x3F97] =	sst s1;
	(tag) =	ssettag s2;
	_ =	strace s9  }
0x27: {  	s1 =	sld [smem:$0x3FA7]  }
0x28: {  	s2 =	sld [smem:$0x3FA8]  }
0x29: {  	s4 =	sld [smem:$0x3FAA]  }
0x2a: {  	p0 =	seq.s32 s5, $0x0;
	s5 =	sld [smem:$0x3FAB]  }
0x2b: {  	s6 =	sld [smem:$0x3FAC]  }
0x2c: {  	s7 =	sld [smem:$0x3FAD]  }
0x2d: {  	s3 =	simm.s32 $0x108;
	s8 =	sld [smem:$0x3FAE]  }
0x2e: {  	s3 =	simm.s32 @!p0 $0x1082;
	s9 =	sld [smem:$0x3FAF]  }
0x2f: {  	lr =	sadd.s32 s0, s3;
	s0 =	sld [smem:$0x3FA6]  }
0x30: {  	s3 =	sld [smem:$0x3FA9]  }
0x31: {  	[smem:$0x3FB2] =	sst s10  }
0x32: {  	s10 =	sld [smem:$0x3FB0];
	_ =	sdelay $0x3  }
0x33: {  	p0 =	seq.s32 s10, $0x1;
	s10 =	sld [smem:$0x3FB2];
	_ =	sdelay $0x3  }
0x34: {  	[smem:$0x3FB2] =	sst s10  }
0x35: {  	s10 =	sld [smem:$0x3FB1];
	_ =	sdelay $0x3  }
0x36: {  	p1 =	seq.s32 s10, $0x1;
	s10 =	sld [smem:$0x3FB2];
	_ =	sdelay $0x3  }
0x37: {  	[smem:$0x3FB2] =	sst s10  }
0x38: {  	s10 =	sld [smem:$0x3FB3]  }
0x39: {  	_ = 	snop;
	(pc) =	sbr.ind lr, $3  }
0x3a: {  	_ = 	snop  }
0x3b: {  	_ = 	snop  }
0x3c: {  	p2 =	seq.s32 s10, $0x1;
	s10 =	sld [smem:$0x3FB2]  }
0x3d: {  	_ =	shalt  }
0x3e: {  	_ =	shalt  }
0x3f: {  	_ =	shalt  }
0x40: {  	_ =	shalt  }
0x41: {  	_ =	shalt  }
0x42: {  	_ =	shalt  }
0x43: {  	_ =	shalt  }
0x44: {  	_ =	shalt  }
0x45: {  	_ =	shalt  }
0x46: {  	_ =	shalt  }
0x47: {  	_ =	shalt  }
0x48: {  	_ =	shalt  }
0x49: {  	_ =	shalt  }
0x4a: {  	_ =	shalt  }
0x4b: {  	_ =	shalt  }
0x4c: {  	_ =	shalt  }
0x4d: {  	_ =	shalt  }
0x4e: {  	_ =	shalt  }
0x4f: {  	_ =	shalt  }
0x50: {  	_ =	shalt  }
0x51: {  	_ =	shalt  }
0x52: {  	_ =	shalt  }
0x53: {  	_ =	shalt  }
0x54: {  	_ =	shalt  }
0x55: {  	_ =	shalt  }
0x56: {  	_ =	shalt  }
0x57: {  	_ =	shalt  }
0x58: {  	_ =	shalt  }
0x59: {  	_ =	shalt  }
0x5a: {  	_ =	shalt  }
0x5b: {  	_ =	shalt  }
0x5c: {  	_ =	shalt  }
0x5d: {  	_ =	shalt  }
0x5e: {  	_ =	shalt  }
0x5f: {  	_ =	shalt  }
0x60: {  	_ =	shalt  }
0x61: {  	_ =	shalt  }
0x62: {  	_ =	shalt  }
0x63: {  	_ =	shalt  }
0x64: {  	_ =	shalt  }
0x65: {  	_ =	shalt  }
0x66: {  	_ =	shalt  }
0x67: {  	_ =	shalt  }
0x68: {  	_ =	shalt  }
0x69: {  	_ =	shalt  }
0x6a: {  	_ =	shalt  }
0x6b: {  	_ =	shalt  }
0x6c: {  	_ =	shalt  }
0x6d: {  	_ =	shalt  }
0x6e: {  	_ =	shalt  }
0x6f: {  	_ =	shalt  }
0x70: {  	_ =	shalt  }
0x71: {  	_ =	shalt  }
0x72: {  	_ =	shalt  }
0x73: {  	_ =	shalt  }
0x74: {  	_ =	shalt  }
0x75: {  	_ =	shalt  }
0x76: {  	_ =	shalt  }
0x77: {  	_ =	shalt  }
0x78: {  	_ =	shalt  }
0x79: {  	_ =	shalt  }
0x7a: {  	_ =	shalt  }
0x7b: {  	_ =	shalt  }
0x7c: {  	_ =	shalt  }
0x7d: {  	_ =	shalt  }
0x7e: {  	_ =	shalt  }
0x7f: {  	_ =	shalt  }
0x80: {  	_ =	shalt  }
0x81: {  	_ =	shalt  }
0x82: {  	_ =	shalt  }
0x83: {  	_ =	shalt  }
0x84: {  	_ =	shalt  }
0x85: {  	_ =	shalt  }
0x86: {  	_ =	shalt  }
0x87: {  	_ =	shalt  }
.Lfunc_end0:
.L_simem_size_0:
called_computation.1_lowered:
.L_overlay_start_0:
0x88: {  	s2 =	sld [smem:$0x3FD9]  }
0x89: {  	s3 =	sld [smem:$0x3FFE];
	_ =	sdelay $0x1  }
0x8a: {  	s1 =	srdreg.scid  }
0x8b: {  	s0 =	sand.u32 $0x1, s1  }
0x8c: {  	s16 =	sshll.u32 s0, $0xA;
	s2 =	sadd.s32 s3, s2  }
0x8d: {  	s2 =	sadd.s32 s2, s16  }
0x8e: {  	[smem:$0x3FBE] =	sst s2  }
0x8f: {  	_ = 	snop  }
0x90: {  	(tm) =	ssettm $0x1  }
0x91: {  	s17 =	sld [smem:$0x3FFB];
	_ =	sdelay $0x3  }
0x92: {  	_ =	strace s17  }
0x93: {  	s2 =	sld [smem:$0x3FFC];
	_ =	sdelay $0x3  }
0x94: {  	_ =	strace s2  }
0x95: {  	s2 =	sld [smem:$0x3FFD];
	_ =	sdelay $0x3  }
0x96: {  	_ =	strace s2  }
0x97: {  	_ =	strace $0x8FFFFFFF  }
0x98: {  	s18 =	sld [smem:$0x3FDB];
	_ =	sdelay $0x1  }
0x99: {  	s19 =	simm.s32 $_scs_section_size  }
0x9a: {  	s4 =	simm.s32 $_size__tile_overlayer_lowered;
	s5 =	simm.s32 $_tile_overlayer_lowered  }
0x9b: {  	s22 =	simm.s32 $0x1BFF;
	s21 =	sshll.u32 s5, $0x1;
	s2 =	sadd.s32 s19, s18  }
0x9c: {  	s6 =	simm.s32 $0x0;
	s20 =	sshll.u32 s4, $0x1;
	s4 =	sadd.s32 s21, s2  }
0x9d: {  	[timem:s6], [sflag:s22] =	dma.local [hbm:s4], s20  }
0x9e: {  	_ =	swait.ge [sflag:s22], s20  }
0x9f: {  	s3 =	ssub.s32 $0x0, s20;
	[sflag:s22] =	ssyncset.done $0x0  }
0xa0: {  	[sflag:s22] =	ssyncadd.s32 s3;
	_ =	sdelay $0x1  }
0xa1: {  	s23 =	simm.s32 $0x1B8B  }
0xa2: {  	_ =	swait.ge [sflag:s23], $0x1  }
0xa3: {  	[sflag:s23] =	ssyncset.done $0x0  }
0xa4: {  	s25 =	simm.s32 $0x1B8E;
	s24 =	sld [smem:$0x3FFE];
	[sflag:s23] =	ssyncadd.s32 $0xFFFFFFFF  }
0xa5: {  	s26 =	simm.s32 $execute0_lowered;
	[smem:$0x3FD2] =	sst s25  }
0xa6: {  	s4 =	sshll.u32 s26, $0x1;
	_ =	strace $0x80000049;
	[dreg:$0x1] =	wrdreg $0xFFFFFFFF  }
0xa7: {  	s28 =	simm.s32 $_size_execute0_lowered;
	s2 =	sadd.s32 s2, s4;
	[dreg:$0x0] =	wrdreg $0x0  }
0xa8: {  	s4 =	sshll.u32 s28, $0x1;
	[dreg:$0x2] =	wrdreg s2  }
0xa9: {  	[dreg:$0x3] =	wrdreg s4  }
0xaa: {  	[dreg:$0x4] =	wrdreg $0xC0  }
0xab: {  	_ =	task [dreg:s6], $0x5FFFF  }
0xac: {  	[dreg:$0x1] =	wrdreg $0xFFFFFFFF  }
0xad: {  	[dreg:$0x0] =	wrdreg $0x60  }
0xae: {  	[dreg:$0x2] =	wrdreg s24  }
0xaf: {  	[dreg:$0x3] =	wrdreg $0xE0000  }
0xb0: {  	[dreg:$0x4] =	wrdreg $0x9  }
0xb1: {  	_ =	task.clear_ibuf [dreg:s6], $0x5FFFF;
	_ =	strace $0x90000049  }
0xb2: {  	s29 =	simm.s32 $0x9;
	_ =	strace $0x8000004B  }
0xb3: {  	_ =	swait.ge [sflag:s29], $0x1  }
0xb4: {  	[sflag:s29] =	ssyncadd.s32 $0xFFFFFFFF  }
0xb5: {  	_ =	strace $0x9000004B  }
0xb6: {  	_ =	sfence  }
0xb7: {  	s30 =	sld [smem:$0x0];
	_ =	sdelay $0x2  }
0xb8: {  	s31 =	sshll.u32 s1, $0xD;
	s1 =	sshrl.u32 s1, $0x2  }
0xb9: {  	s3 =	sand.u32 $0x4000, s31;
	s1 =	sadd.s32 s1, s30  }
0xba: {  	s0 =	sor.u32 s3, s0;
	s1 =	sshll.u32 s1, $0x11  }
0xbb: {  	s0 =	sor.u32 s1, s0  }
0xbc: {  	s0 =	sadd.s32 $0x8F2B, s0  }
0xbd: {  	[sflag:s0] =	ssyncadd.remote.s32 $0x1  }
0xbe: {  	_ =	sfence.sel $0xFFFF  }
0xbf: {  	[dreg:$0x0] =	wrdreg $0xFFFFFFFF;
	(pc) =	sbr.abs _section_cstart, $3  }
0xc0: {  	[dreg:$0x1] =	wrdreg $0xFFFFFFFF  }
0xc1: {  	_ =	task.clear_ibuf [dreg:s6], $0x2FFFF;
	_ =	strace $0x9FFFFFFF  }
0xc2: {  	(tm) =	ssettm $0x7FFFFFFF  }
0xc3: {  	_ =	shalt  }
tec
execute0_lowered:
.L_overlay_start_1:
0x0: {  	(tag) =	ssettag $0x1  }
0x1: {  	s0 =	rddreg [dreg:$0x0]  }
0x2: {  	s1 =	rddreg [dreg:$0x1]  }
0x3: {  	s3 =	simm.s32 $0x0;
	s2 =	srdreg.scid;
	s14 =	stileid.u32  }
0x4: {  	s19 =	simm.s32 $0x9;
	s28 =	simm.s32 $0xD000;
	s29 =	simm.s32 $0x1  }
0x5: {  	s30 =	simm.s32 $0x2;
	s31 =	simm.s32 $0x3;
	s12 =	smul.u32 $0xA00, s14  }
0x6: {  	s18 =	simm.s32 $0x9E00;
	[smem:$0x7FF] =	sst s3;
	s7 =	smul.u32 $0x14000, s14  }
0x7: {  	s2 =	sand.u32 $0x1, s2;
	s4 =	sadd.s32 $0xB2600, s0;
	s16 =	smul.u32 $0x4E00, s14  }
0x8: {  	s23 =	sadd.s32 $0x4E000, s1;
	p0 =	sne.s32 s14, $0xF;
	s14 =	simm.s32 $0x9F00  }
0x9: {  	_ =	strace $0x8000004A;
	s5 =	ssub.s32 $0x2, s2;
	s11 =	smul.u32 $0x4E200, s2  }
0xa: {  	s17 =	smul.u32 $0x2710, s2;
	[dreg:$0x7] =	wrdreg s23;
	s23 =	simm.s32 $0xB000  }
0xb: {  	s6 =	sshrl.u32 s5, $0x1;
	s3 =	sadd.s32 s12, s0;
	s0 =	sadd.s32 $0xD9800, s0  }
0xc: {  	s15 =	sshrl.u32 s7, $0x2;
	s21 =	sadd.s32 s16, s1;
	s5 =	ssub.s32 s5, s6  }
0xd: {  	s13 =	sadd.s32 $0xC200, s3;
	s3 =	sadd.s32 $0x2200, s3;
	s7 =	sadd.s32 s15, s1  }
0xe: {  	s20 =	sadd.s32 s16, s11;
	s12 =	sshrl.u32 s11, $0x3;
	[dreg:$0x5] =	wrdreg s21  }
0xf: {  	s21 =	simm.s32 $0xA000;
	s15 =	simm.s32 $0x0;
	[dreg:$0x3] =	wrdreg s13  }
0x10: {  	[dreg:$0x4] =	wrdreg s3;
	s8 =	sadd.s32 $0x1000, s7;
	s9 =	sadd.s32 $0x2000, s7  }
0x11: {  	s10 =	sadd.s32 $0x3000, s7;
	s11 =	sadd.s32 $0x4000, s7;
	s2 =	sshrl.u32 s20, $0x3  }
0x12: {  	s13 =	sadd.s32 s0, s12;
	s26 =	smax.u32 s5, $0x1;
	s20 =	simm.s32 $0x5  }
0x13: {  	s3 =	simm.s32 $0x7;
	s5 =	simm.s32 $0x8;
	s12 =	sadd.s32 s0, s2  }
0x14: {  	s22 =	sadd.s32 $0x9C00, s13;
	s25 =	sadd.s32 $0x1D480, s13;
	[dreg:$0xa] =	wrdreg s26  }
0x15: {  	s0 =	simm.s32 $0x4;
	s2 =	simm.s32 $0x6;
	[dreg:$0x6] =	wrdreg s22  }
0x16: {  	s24 =	sadd.s32 $0x13880, s12;
	[dreg:$0x9] =	wrdreg s25;
	s22 =	simm.s32 $0x80  }
0x17: {  	v1 =	vimm.f32 $0.0e+00;
	v0 =	vmov s17;
	s25 =	simm.s32 $0xC000;
	[dreg:$0x8] =	wrdreg s24;
	s24 =	simm.s32 $0x9F80  }
.LBB2_1:
0x18: {  	s6 =	simm.s32 $0x0;
	s13 =	rddreg [dreg:$0x3]  }
0x19: {  	[tilespmem:s6], [sflag:$0x9] =	stream.linear.gather [hbm4b:s13+s6], $0x5000, $0x38;
	[tilespmem:$0x13000] =	vst v63  }
0x1a: {  	_ =	swait.ge [sflag:s19], $0x5000  }
0x1b: {  	[sflag:s19] =	ssyncset.done $0x0  }
0x1c: {  	s16 =	simm.s32 $0x5000;
	s26 =	rddreg [dreg:$0x4];
	[sflag:s19] =	ssyncadd.s32 $0xFFFFB000  }
0x1d: {  	[tilespmem:s16], [sflag:$0x9] =	stream.linear.gather [hbm4b:s26+s6], $0x5000, $0x38;
	[tilespmem:$0x13000] =	vst v63  }
0x1e: {  	_ =	swait.ge [sflag:s19], $0x5000  }
0x1f: {  	[sflag:s19] =	ssyncset.done $0x0  }
0x20: {  	s6 =	simm.s32 $0x0;
	[sflag:s19] =	ssyncadd.s32 $0xFFFFB000  }
0x21: {  	v4 =	vld [tilespmem:s6+$0x0]  }
0x22: {  	v6 =	vld [tilespmem:s6+$0x10]  }
0x23: {  	v5 =	vld [tilespmem:s6+$0x20]  }
0x24: {  	v3 =	vld [tilespmem:s6+$0x30]  }
0x25: {  	v2 =	vld [tilespmem:s6+$0x40]  }
0x26: {  	v7 =	vadd.s32 v0, v4;
	v4 =	vld [tilespmem:s6+$0x50]  }
0x27: {  	s16 =	simm.s32 $0x200;
	[tilespmem:s6+$0x0] =	vst v7;
	v7 =	vadd.s32 v0, v6;
	v6 =	vld [tilespmem:s6+$0x60]  }
.LBB2_2:
0x28: {  	s17 =	sshra.s32 s16, $0x2;
	p1 =	sne.s32 s16, $0x13E00;
	[tilespmem:s6+$0x10] =	vst v7;
	v5 =	vadd.s32 v0, v5;
	v7 =	vld [tilespmem:s6+$0x70]  }
0x29: {  	v8 =	vld [tilespmem:s17+$0x0];
	[tilespmem:s6+$0x20] =	vst v5;
	v3 =	vadd.s32 v0, v3  }
0x2a: {  	v9 =	vld [tilespmem:s17+$0x10];
	[tilespmem:s6+$0x30] =	vst v3;
	v2 =	vadd.s32 v0, v2  }
.Ltmp0:
0x2b: {  	v5 =	vld [tilespmem:s17+$0x20];
	[tilespmem:s6+$0x40] =	vst v2;
	v2 =	vadd.s32 v0, v4;
	(pc) =	sbr.rel @p1 .LBB2_2-.Ltmp0, $4  }
0x2c: {  	v3 =	vld [tilespmem:s17+$0x30];
	[tilespmem:s6+$0x50] =	vst v2;
	v4 =	vadd.s32 v0, v6  }
0x2d: {  	v2 =	vld [tilespmem:s17+$0x40];
	[tilespmem:s6+$0x60] =	vst v4;
	v6 =	vadd.s32 v0, v7  }
0x2e: {  	v7 =	vadd.s32 v0, v8;
	v4 =	vld [tilespmem:s17+$0x50];
	[tilespmem:s6+$0x70] =	vst v6;
	s6 =	smov.u32 s17  }
0x2f: {  	s16 =	sadd.s32 $0x200, s16;
	[tilespmem:s6+$0x0] =	vst v7;
	v7 =	vadd.s32 v0, v9;
	v6 =	vld [tilespmem:s6+$0x60]  }
0x30: {  	[tilespmem:s6+$0x10] =	vst v7;
	v5 =	vadd.s32 v0, v5;
	v63 =	vld [tilespmem:s6+$0x70]  }
0x31: {  	[tilespmem:s6+$0x20] =	vst v5;
	v3 =	vadd.s32 v0, v3  }
0x32: {  	[tilespmem:s6+$0x30] =	vst v3;
	v2 =	vadd.s32 v0, v2  }
0x33: {  	[tilespmem:s6+$0x40] =	vst v2;
	v2 =	vadd.s32 v0, v4  }
0x34: {  	[tilespmem:s6+$0x50] =	vst v2;
	v2 =	vadd.s32 v0, v6  }
0x35: {  	[tilespmem:s6+$0x60] =	vst v2;
	v2 =	vadd.s32 v0, v63  }
0x36: {  	s16 =	simm.s32 $0x0;
	[tilespmem:s6+$0x70] =	vst v2;
	s6 =	simm.s32 $0x80  }
.LBB2_4:
0x37: {  	p1 =	sne.s32 s6, $0x3F80;
	[tilespmem:s16+$0xA000] =	vst v1;
	s17 =	smov.u32 s6;
	s6 =	sadd.s32 $0x80, s6  }
.Ltmp1:
0x38: {  	[tilespmem:s16+$0xA010] =	vst v1;
	(pc) =	sbr.rel @p1 .LBB2_4-.Ltmp1, $2  }
0x39: {  	_ =	sdelay $0x2  }
0x3a: {  	s16 =	sshra.s32 s17, $0x2  }
0x3b: {  	[tilespmem:s16+$0xA000] =	vst v1  }
0x3c: {  	[tilespmem:s16+$0xA010] =	vst v1  }
0x3d: {  	[spmem:s7] =	stream.linear.scatter [tilespmem:s21], [sflag:$0x9], $0x1000, $0x38;
	[tilespmem:$0x13000] =	vst v63  }
0x3e: {  	_ =	swait.ge [sflag:s19], $0x1000  }
0x3f: {  	[sflag:s19] =	ssyncset.done $0x0  }
0x40: {  	[sflag:s19] =	ssyncadd.s32 $0xFFFFF000  }
0x41: {  	[spmem:s8] =	stream.linear.scatter [tilespmem:s21], [sflag:$0x9], $0x1000, $0x38;
	[tilespmem:$0x13000] =	vst v63  }
0x42: {  	_ =	swait.ge [sflag:s19], $0x1000  }
0x43: {  	[sflag:s19] =	ssyncset.done $0x0  }
0x44: {  	[sflag:s19] =	ssyncadd.s32 $0xFFFFF000  }
0x45: {  	[spmem:s9] =	stream.linear.scatter [tilespmem:s21], [sflag:$0x9], $0x1000, $0x38;
	[tilespmem:$0x13000] =	vst v63  }
0x46: {  	_ =	swait.ge [sflag:s19], $0x1000  }
0x47: {  	[sflag:s19] =	ssyncset.done $0x0  }
0x48: {  	[sflag:s19] =	ssyncadd.s32 $0xFFFFF000  }
0x49: {  	[spmem:s10] =	stream.linear.scatter [tilespmem:s21], [sflag:$0x9], $0x1000, $0x38;
	[tilespmem:$0x13000] =	vst v63  }
0x4a: {  	_ =	swait.ge [sflag:s19], $0x1000  }
0x4b: {  	[sflag:s19] =	ssyncset.done $0x0  }
0x4c: {  	[sflag:s19] =	ssyncadd.s32 $0xFFFFF000  }
0x4d: {  	[spmem:s11] =	stream.linear.scatter [tilespmem:s21], [sflag:$0x9], $0x1000, $0x38;
	[tilespmem:$0x13000] =	vst v63  }
0x4e: {  	_ =	swait.ge [sflag:s19], $0x1000  }
0x4f: {  	[sflag:s19] =	ssyncset.done $0x0  }
0x50: {  	[sflag:s19] =	ssyncadd.s32 $0xFFFFF000  }
0x51: {  	s6 =	simm.s32 $0x0;
	[bflag:$0x0] =	sbarrier.arrive $0xFFFF  }
0x52: {  	[tilespmem:s21], [sflag:$0x1] =	stream.indirect.gather [hbm4b:s4+s22], $0x20, s6, s22, $0xb8;
	[tilespmem:$0x13000] =	vst v63  }
0x53: {  	_ = 	snop  }
0x54: {  	[tilespmem:s23], [sflag:$0x2] =	stream.indirect.gather [hbm4b:s4+s22], $0x20, s22, s22, $0xb8;
	[tilespmem:$0x13000] =	vst v63  }
0x55: {  	s26 =	simm.s32 $0x100  }
0x56: {  	[tilespmem:s25], [sflag:$0x3] =	stream.indirect.gather [hbm4b:s4+s22], $0x20, s26, s22, $0xb8;
	[tilespmem:$0x13000] =	vst v63  }
0x57: {  	s13 =	simm.s32 $0x180  }
0x58: {  	[tilespmem:s28], [sflag:$0x4] =	stream.indirect.gather [hbm4b:s4+s22], $0x20, s13, s22, $0xb8;
	[tilespmem:$0x13000] =	vst v63  }
0x59: {  	_ =	swait.ge [sflag:s29], $0x1000  }
0x5a: {  	[sflag:s29] =	ssyncset.done $0x0  }
0x5b: {  	s16 =	simm.s32 $0x5000;
	[sflag:s29] =	ssyncadd.s32 $0xFFFFF000  }
0x5c: {  	[spmem:s1] =	stream.indirect.scatter.add.f32 [tilespmem:s21], [sflag:$0x5], $0x20, s16, s22, $0xb8;
	[tilespmem:$0x13000] =	vst v63  }
0x5d: {  	_ =	swait.ge [sflag:s30], $0x1000  }
0x5e: {  	[sflag:s30] =	ssyncset.done $0x0  }
0x5f: {  	s17 =	simm.s32 $0x5080;
	[sflag:s30] =	ssyncadd.s32 $0xFFFFF000  }
0x60: {  	[spmem:s1] =	stream.indirect.scatter.add.f32 [tilespmem:s23], [sflag:$0x6], $0x20, s17, s22, $0xb8;
	[tilespmem:$0x13000] =	vst v63  }
0x61: {  	_ =	swait.ge [sflag:s31], $0x1000  }
0x62: {  	[sflag:s31] =	ssyncset.done $0x0  }
0x63: {  	s26 =	simm.s32 $0x5100;
	[sflag:s31] =	ssyncadd.s32 $0xFFFFF000  }
0x64: {  	[spmem:s1] =	stream.indirect.scatter.add.f32 [tilespmem:s25], [sflag:$0x7], $0x20, s26, s22, $0xb8;
	[tilespmem:$0x13000] =	vst v63  }
0x65: {  	_ =	swait.ge [sflag:s0], $0x1000  }
0x66: {  	[sflag:s0] =	ssyncset.done $0x0  }
0x67: {  	s13 =	simm.s32 $0x5180;
	[sflag:s0] =	ssyncadd.s32 $0xFFFFF000  }
0x68: {  	[spmem:s1] =	stream.indirect.scatter.add.f32 [tilespmem:s28], [sflag:$0x8], $0x20, s13, s22, $0xb8;
	[tilespmem:$0x13000] =	vst v63  }
0x69: {  	_ =	swait.ge [sflag:s20], $0x1000  }
0x6a: {  	[sflag:s20] =	ssyncset.done $0x0  }
0x6b: {  	s16 =	simm.s32 $0x200;
	[sflag:s20] =	ssyncadd.s32 $0xFFFFF000  }
0x6c: {  	[tilespmem:s21], [sflag:$0x1] =	stream.indirect.gather [hbm4b:s4+s22], $0x20, s16, s22, $0xb8;
	[tilespmem:$0x13000] =	vst v63  }
0x6d: {  	_ =	swait.ge [sflag:s2], $0x1000  }
0x6e: {  	[sflag:s2] =	ssyncset.done $0x0  }
0x6f: {  	s17 =	simm.s32 $0x280;
	[sflag:s2] =	ssyncadd.s32 $0xFFFFF000  }
0x70: {  	[tilespmem:s23], [sflag:$0x2] =	stream.indirect.gather [hbm4b:s4+s22], $0x20, s17, s22, $0xb8;
	[tilespmem:$0x13000] =	vst v63  }
0x71: {  	_ =	swait.ge [sflag:s3], $0x1000  }
0x72: {  	[sflag:s3] =	ssyncset.done $0x0  }
0x73: {  	s26 =	simm.s32 $0x300;
	[sflag:s3] =	ssyncadd.s32 $0xFFFFF000  }
0x74: {  	[tilespmem:s25], [sflag:$0x3] =	stream.indirect.gather [hbm4b:s4+s22], $0x20, s26, s22, $0xb8;
	[tilespmem:$0x13000] =	vst v63  }
0x75: {  	_ =	swait.ge [sflag:s5], $0x1000  }
0x76: {  	[sflag:s5] =	ssyncset.done $0x0  }
0x77: {  	s6 =	simm.s32 $0x380;
	s16 =	simm.s32 $0x800;
	[sflag:s5] =	ssyncadd.s32 $0xFFFFF000  }
.LBB2_6:
0x78: {  	[tilespmem:s28], [sflag:$0x4] =	stream.indirect.gather [hbm4b:s4+s22], $0x20, s6, s22, $0xb8;
	[tilespmem:$0x13000] =	vst v63  }
0x79: {  	s6 =	smov.u32 s16  }
0x7a: {  	p1 =	sne.s32 s16, $0x13000;
	s16 =	sadd.s32 $0x800, s16;
	_ =	swait.ge [sflag:s29], $0x1000  }
0x7b: {  	s17 =	sshra.s32 s6, $0x2;
	[sflag:s29] =	ssyncset.done $0x0  }
0x7c: {  	s6 =	sadd.s32 $0x5000, s17;
	[sflag:s29] =	ssyncadd.s32 $0xFFFFF000  }
0x7d: {  	[spmem:s1] =	stream.indirect.scatter.add.f32 [tilespmem:s21], [sflag:$0x5], $0x20, s6, s22, $0xb8;
	[tilespmem:$0x13000] =	vst v63  }
0x7e: {  	_ =	swait.ge [sflag:s30], $0x1000  }
0x7f: {  	[sflag:s30] =	ssyncset.done $0x0  }
0x80: {  	s6 =	sadd.s32 $0x5080, s17;
	[sflag:s30] =	ssyncadd.s32 $0xFFFFF000  }
0x81: {  	[spmem:s1] =	stream.indirect.scatter.add.f32 [tilespmem:s23], [sflag:$0x6], $0x20, s6, s22, $0xb8;
	[tilespmem:$0x13000] =	vst v63  }
0x82: {  	_ =	swait.ge [sflag:s31], $0x1000  }
0x83: {  	[sflag:s31] =	ssyncset.done $0x0  }
0x84: {  	s6 =	sadd.s32 $0x5100, s17;
	[sflag:s31] =	ssyncadd.s32 $0xFFFFF000  }
0x85: {  	[spmem:s1] =	stream.indirect.scatter.add.f32 [tilespmem:s25], [sflag:$0x7], $0x20, s6, s22, $0xb8;
	[tilespmem:$0x13000] =	vst v63  }
0x86: {  	_ =	swait.ge [sflag:s0], $0x1000  }
0x87: {  	[sflag:s0] =	ssyncset.done $0x0  }
0x88: {  	s6 =	sadd.s32 $0x5180, s17;
	[sflag:s0] =	ssyncadd.s32 $0xFFFFF000  }
0x89: {  	[spmem:s1] =	stream.indirect.scatter.add.f32 [tilespmem:s28], [sflag:$0x8], $0x20, s6, s22, $0xb8;
	[tilespmem:$0x13000] =	vst v63  }
0x8a: {  	_ =	swait.ge [sflag:s20], $0x1000  }
0x8b: {  	[sflag:s20] =	ssyncset.done $0x0  }
0x8c: {  	s6 =	sadd.s32 $0x200, s17;
	[sflag:s20] =	ssyncadd.s32 $0xFFFFF000  }
0x8d: {  	[tilespmem:s21], [sflag:$0x1] =	stream.indirect.gather [hbm4b:s4+s22], $0x20, s6, s22, $0xb8;
	[tilespmem:$0x13000] =	vst v63  }
0x8e: {  	_ =	swait.ge [sflag:s2], $0x1000  }
0x8f: {  	[sflag:s2] =	ssyncset.done $0x0  }
0x90: {  	s6 =	sadd.s32 $0x280, s17;
	[sflag:s2] =	ssyncadd.s32 $0xFFFFF000  }
0x91: {  	[tilespmem:s23], [sflag:$0x2] =	stream.indirect.gather [hbm4b:s4+s22], $0x20, s6, s22, $0xb8;
	[tilespmem:$0x13000] =	vst v63  }
0x92: {  	_ =	swait.ge [sflag:s3], $0x1000  }
0x93: {  	[sflag:s3] =	ssyncset.done $0x0  }
.Ltmp2:
0x94: {  	s6 =	sadd.s32 $0x300, s17;
	[sflag:s3] =	ssyncadd.s32 $0xFFFFF000;
	(pc) =	sbr.rel @p1 .LBB2_6-.Ltmp2, $4  }
0x95: {  	[tilespmem:s25], [sflag:$0x3] =	stream.indirect.gather [hbm4b:s4+s22], $0x20, s6, s22, $0xb8;
	[tilespmem:$0x13000] =	vst v63  }
0x96: {  	_ =	swait.ge [sflag:s5], $0x1000  }
0x97: {  	[sflag:s5] =	ssyncset.done $0x0  }
0x98: {  	s6 =	sadd.s32 $0x380, s17;
	[sflag:s5] =	ssyncadd.s32 $0xFFFFF000  }
0x99: {  	[tilespmem:s28], [sflag:$0x4] =	stream.indirect.gather [hbm4b:s4+s22], $0x20, s6, s22, $0xb8;
	[tilespmem:$0x13000] =	vst v63  }
0x9a: {  	_ =	swait.ge [sflag:s29], $0x1000  }
0x9b: {  	[sflag:s29] =	ssyncset.done $0x0  }
0x9c: {  	[sflag:s29] =	ssyncadd.s32 $0xFFFFF000  }
0x9d: {  	[spmem:s1] =	stream.indirect.scatter.add.f32 [tilespmem:s21], [sflag:$0x5], $0x20, s18, s22, $0xb8;
	[tilespmem:$0x13000] =	vst v63  }
0x9e: {  	_ =	swait.ge [sflag:s30], $0x1000  }
0x9f: {  	[sflag:s30] =	ssyncset.done $0x0  }
0xa0: {  	s17 =	simm.s32 $0x9E80;
	[sflag:s30] =	ssyncadd.s32 $0xFFFFF000  }
0xa1: {  	[spmem:s1] =	stream.indirect.scatter.add.f32 [tilespmem:s23], [sflag:$0x6], $0x20, s17, s22, $0xb8;
	[tilespmem:$0x13000] =	vst v63  }
0xa2: {  	_ =	swait.ge [sflag:s31], $0x1000  }
0xa3: {  	[sflag:s31] =	ssyncset.done $0x0  }
0xa4: {  	[sflag:s31] =	ssyncadd.s32 $0xFFFFF000  }
0xa5: {  	[spmem:s1] =	stream.indirect.scatter.add.f32 [tilespmem:s25], [sflag:$0x7], $0x20, s14, s22, $0xb8;
	[tilespmem:$0x13000] =	vst v63  }
0xa6: {  	_ =	swait.ge [sflag:s0], $0x1000  }
0xa7: {  	[sflag:s0] =	ssyncset.done $0x0  }
0xa8: {  	[sflag:s0] =	ssyncadd.s32 $0xFFFFF000  }
0xa9: {  	[spmem:s1] =	stream.indirect.scatter.add.f32 [tilespmem:s28], [sflag:$0x8], $0x20, s24, s22, $0xb8;
	[tilespmem:$0x13000] =	vst v63  }
0xaa: {  	_ =	swait.ge [sflag:s20], $0x1000  }
0xab: {  	[sflag:s20] =	ssyncset.done $0x0  }
0xac: {  	[sflag:s20] =	ssyncadd.s32 $0xFFFFF000  }
0xad: {  	_ =	swait.ge [sflag:s2], $0x1000  }
0xae: {  	[sflag:s2] =	ssyncset.done $0x0  }
0xaf: {  	[sflag:s2] =	ssyncadd.s32 $0xFFFFF000  }
0xb0: {  	_ =	swait.ge [sflag:s3], $0x1000  }
0xb1: {  	[sflag:s3] =	ssyncset.done $0x0  }
0xb2: {  	[sflag:s3] =	ssyncadd.s32 $0xFFFFF000  }
0xb3: {  	_ =	swait.ge [sflag:s5], $0x1000  }
0xb4: {  	[sflag:s5] =	ssyncset.done $0x0  }
0xb5: {  	[sflag:s5] =	ssyncadd.s32 $0xFFFFF000  }
0xb6: {  	s18 =	stileid.u32;
	[bflag:$0x0] =	sbarrier.arrive $0xFFFF  }
0xb7: {  	s6 =	sshll.u32 s18, $0x6;
	s26 =	rddreg [dreg:$0x5]  }
0xb8: {  	s16 =	sor.u32 $0x1C09, s6;
	s17 =	sshrl.u32 s26, $0x3  }
0xb9: {  	[hbm:s12], [sflag:s16] =	dma.local [spmem:s17], $0x9C0  }
0xba: {  	_ =	swait.ge [sflag:s19], $0x9C0  }
0xbb: {  	[sflag:s19] =	ssyncset.done $0x0;
	s6 =	rddreg [dreg:$0x7]  }
0xbc: {  	[sflag:s19] =	ssyncadd.s32 $0xFFFFF640;
	s26 =	sshrl.u32 @!p0 s6, $0x3;
	s6 =	rddreg [dreg:$0x6]  }
0xbd: {  	[hbm:s6], [sflag:s16] =	dma.local @!p0 [spmem:s26], $0x40  }
0xbe: {  	s6 =	simm.s32 @!p0 $0x9  }
0xbf: {  	_ =	swait.ge @!p0 [sflag:s6], $0x40  }
0xc0: {  	[sflag:s6] =	ssyncset.done @!p0 $0x0  }
0xc1: {  	[sflag:s6] =	ssyncadd.s32 @!p0 $0xFFFFFFC0  }
0xc2: {  	s6 =	simm.s32 $0x0;
	[bflag:$0x0] =	sbarrier.arrive $0xFFFF  }
0xc3: {  	v4 =	vld [tilespmem:s6+$0x0]  }
0xc4: {  	v6 =	vld [tilespmem:s6+$0x10]  }
0xc5: {  	v5 =	vld [tilespmem:s6+$0x20]  }
0xc6: {  	v3 =	vld [tilespmem:s6+$0x30]  }
0xc7: {  	v2 =	vld [tilespmem:s6+$0x40]  }
0xc8: {  	v7 =	vadd.s32 $0x4E20, v4;
	v4 =	vld [tilespmem:s6+$0x50]  }
0xc9: {  	s18 =	simm.s32 $0x200;
	[tilespmem:s6+$0x0] =	vst v7;
	v7 =	vadd.s32 $0x4E20, v6;
	v6 =	vld [tilespmem:s6+$0x60]  }
.LBB2_8:
0xca: {  	s13 =	sshra.s32 s18, $0x2;
	p1 =	sne.s32 s18, $0x13E00;
	[tilespmem:s6+$0x10] =	vst v7;
	v5 =	vadd.s32 $0x4E20, v5;
	v7 =	vld [tilespmem:s6+$0x70]  }
0xcb: {  	v8 =	vld [tilespmem:s13+$0x0];
	[tilespmem:s6+$0x20] =	vst v5;
	v3 =	vadd.s32 $0x4E20, v3  }
0xcc: {  	v9 =	vld [tilespmem:s13+$0x10];
	[tilespmem:s6+$0x30] =	vst v3;
	v2 =	vadd.s32 $0x4E20, v2  }
.Ltmp3:
0xcd: {  	v5 =	vld [tilespmem:s13+$0x20];
	[tilespmem:s6+$0x40] =	vst v2;
	v2 =	vadd.s32 $0x4E20, v4;
	(pc) =	sbr.rel @p1 .LBB2_8-.Ltmp3, $4  }
0xce: {  	v3 =	vld [tilespmem:s13+$0x30];
	[tilespmem:s6+$0x50] =	vst v2;
	v4 =	vadd.s32 $0x4E20, v6  }
0xcf: {  	v2 =	vld [tilespmem:s13+$0x40];
	[tilespmem:s6+$0x60] =	vst v4;
	v6 =	vadd.s32 $0x4E20, v7  }
0xd0: {  	v7 =	vadd.s32 $0x4E20, v8;
	v4 =	vld [tilespmem:s13+$0x50];
	[tilespmem:s6+$0x70] =	vst v6;
	s6 =	smov.u32 s13  }
0xd1: {  	s18 =	sadd.s32 $0x200, s18;
	[tilespmem:s6+$0x0] =	vst v7;
	v7 =	vadd.s32 $0x4E20, v9;
	v6 =	vld [tilespmem:s6+$0x60]  }
0xd2: {  	[tilespmem:s6+$0x10] =	vst v7;
	v5 =	vadd.s32 $0x4E20, v5;
	v63 =	vld [tilespmem:s6+$0x70]  }
0xd3: {  	[tilespmem:s6+$0x20] =	vst v5;
	v3 =	vadd.s32 $0x4E20, v3  }
0xd4: {  	[tilespmem:s6+$0x30] =	vst v3;
	v2 =	vadd.s32 $0x4E20, v2  }
0xd5: {  	[tilespmem:s6+$0x40] =	vst v2;
	v2 =	vadd.s32 $0x4E20, v4  }
0xd6: {  	[tilespmem:s6+$0x50] =	vst v2;
	v2 =	vadd.s32 $0x4E20, v6  }
0xd7: {  	[tilespmem:s6+$0x60] =	vst v2;
	v2 =	vadd.s32 $0x4E20, v63  }
0xd8: {  	s18 =	simm.s32 $0x0;
	[tilespmem:s6+$0x70] =	vst v2;
	s6 =	simm.s32 $0x80  }
.LBB2_10:
0xd9: {  	p1 =	sne.s32 s6, $0x3F80;
	[tilespmem:s18+$0xA000] =	vst v1;
	s13 =	smov.u32 s6;
	s6 =	sadd.s32 $0x80, s6  }
.Ltmp4:
0xda: {  	[tilespmem:s18+$0xA010] =	vst v1;
	(pc) =	sbr.rel @p1 .LBB2_10-.Ltmp4, $2  }
0xdb: {  	_ =	sdelay $0x2  }
0xdc: {  	s18 =	sshra.s32 s13, $0x2  }
0xdd: {  	[tilespmem:s18+$0xA000] =	vst v1  }
0xde: {  	[tilespmem:s18+$0xA010] =	vst v1  }
0xdf: {  	[spmem:s7] =	stream.linear.scatter [tilespmem:s21], [sflag:$0x9], $0x1000, $0x38;
	[tilespmem:$0x13000] =	vst v63  }
0xe0: {  	_ =	swait.ge [sflag:s19], $0x1000  }
0xe1: {  	[sflag:s19] =	ssyncset.done $0x0  }
0xe2: {  	[sflag:s19] =	ssyncadd.s32 $0xFFFFF000  }
0xe3: {  	[spmem:s8] =	stream.linear.scatter [tilespmem:s21], [sflag:$0x9], $0x1000, $0x38;
	[tilespmem:$0x13000] =	vst v63  }
0xe4: {  	_ =	swait.ge [sflag:s19], $0x1000  }
0xe5: {  	[sflag:s19] =	ssyncset.done $0x0  }
0xe6: {  	[sflag:s19] =	ssyncadd.s32 $0xFFFFF000  }
0xe7: {  	[spmem:s9] =	stream.linear.scatter [tilespmem:s21], [sflag:$0x9], $0x1000, $0x38;
	[tilespmem:$0x13000] =	vst v63  }
0xe8: {  	_ =	swait.ge [sflag:s19], $0x1000  }
0xe9: {  	[sflag:s19] =	ssyncset.done $0x0  }
0xea: {  	[sflag:s19] =	ssyncadd.s32 $0xFFFFF000  }
0xeb: {  	[spmem:s10] =	stream.linear.scatter [tilespmem:s21], [sflag:$0x9], $0x1000, $0x38;
	[tilespmem:$0x13000] =	vst v63  }
0xec: {  	_ =	swait.ge [sflag:s19], $0x1000  }
0xed: {  	[sflag:s19] =	ssyncset.done $0x0  }
0xee: {  	[sflag:s19] =	ssyncadd.s32 $0xFFFFF000  }
0xef: {  	[spmem:s11] =	stream.linear.scatter [tilespmem:s21], [sflag:$0x9], $0x1000, $0x38;
	[tilespmem:$0x13000] =	vst v63  }
0xf0: {  	_ =	swait.ge [sflag:s19], $0x1000  }
0xf1: {  	[sflag:s19] =	ssyncset.done $0x0  }
0xf2: {  	[sflag:s19] =	ssyncadd.s32 $0xFFFFF000  }
0xf3: {  	s6 =	simm.s32 $0x0;
	[bflag:$0x0] =	sbarrier.arrive $0xFFFF  }
0xf4: {  	[tilespmem:s21], [sflag:$0x1] =	stream.indirect.gather [hbm4b:s4+s22], $0x20, s6, s22, $0xb8;
	[tilespmem:$0x13000] =	vst v63  }
0xf5: {  	_ = 	snop  }
0xf6: {  	[tilespmem:s23], [sflag:$0x2] =	stream.indirect.gather [hbm4b:s4+s22], $0x20, s22, s22, $0xb8;
	[tilespmem:$0x13000] =	vst v63  }
0xf7: {  	s18 =	simm.s32 $0x100  }
0xf8: {  	[tilespmem:s25], [sflag:$0x3] =	stream.indirect.gather [hbm4b:s4+s22], $0x20, s18, s22, $0xb8;
	[tilespmem:$0x13000] =	vst v63  }
0xf9: {  	s13 =	simm.s32 $0x180  }
0xfa: {  	[tilespmem:s28], [sflag:$0x4] =	stream.indirect.gather [hbm4b:s4+s22], $0x20, s13, s22, $0xb8;
	[tilespmem:$0x13000] =	vst v63  }
0xfb: {  	_ =	swait.ge [sflag:s29], $0x1000  }
0xfc: {  	[sflag:s29] =	ssyncset.done $0x0  }
0xfd: {  	s18 =	simm.s32 $0x5000;
	[sflag:s29] =	ssyncadd.s32 $0xFFFFF000  }
0xfe: {  	[spmem:s1] =	stream.indirect.scatter.add.f32 [tilespmem:s21], [sflag:$0x5], $0x20, s18, s22, $0xb8;
	[tilespmem:$0x13000] =	vst v63  }
0xff: {  	_ =	swait.ge [sflag:s30], $0x1000  }
0x100: {  	[sflag:s30] =	ssyncset.done $0x0  }
0x101: {  	s13 =	simm.s32 $0x5080;
	[sflag:s30] =	ssyncadd.s32 $0xFFFFF000  }
0x102: {  	[spmem:s1] =	stream.indirect.scatter.add.f32 [tilespmem:s23], [sflag:$0x6], $0x20, s13, s22, $0xb8;
	[tilespmem:$0x13000] =	vst v63  }
0x103: {  	_ =	swait.ge [sflag:s31], $0x1000  }
0x104: {  	[sflag:s31] =	ssyncset.done $0x0  }
0x105: {  	s18 =	simm.s32 $0x5100;
	[sflag:s31] =	ssyncadd.s32 $0xFFFFF000  }
0x106: {  	[spmem:s1] =	stream.indirect.scatter.add.f32 [tilespmem:s25], [sflag:$0x7], $0x20, s18, s22, $0xb8;
	[tilespmem:$0x13000] =	vst v63  }
0x107: {  	_ =	swait.ge [sflag:s0], $0x1000  }
0x108: {  	[sflag:s0] =	ssyncset.done $0x0  }
0x109: {  	s13 =	simm.s32 $0x5180;
	[sflag:s0] =	ssyncadd.s32 $0xFFFFF000  }
0x10a: {  	[spmem:s1] =	stream.indirect.scatter.add.f32 [tilespmem:s28], [sflag:$0x8], $0x20, s13, s22, $0xb8;
	[tilespmem:$0x13000] =	vst v63  }
0x10b: {  	_ =	swait.ge [sflag:s20], $0x1000  }
0x10c: {  	[sflag:s20] =	ssyncset.done $0x0  }
0x10d: {  	s18 =	simm.s32 $0x200;
	[sflag:s20] =	ssyncadd.s32 $0xFFFFF000  }
0x10e: {  	[tilespmem:s21], [sflag:$0x1] =	stream.indirect.gather [hbm4b:s4+s22], $0x20, s18, s22, $0xb8;
	[tilespmem:$0x13000] =	vst v63  }
0x10f: {  	_ =	swait.ge [sflag:s2], $0x1000  }
0x110: {  	[sflag:s2] =	ssyncset.done $0x0  }
0x111: {  	s13 =	simm.s32 $0x280;
	[sflag:s2] =	ssyncadd.s32 $0xFFFFF000  }
0x112: {  	[tilespmem:s23], [sflag:$0x2] =	stream.indirect.gather [hbm4b:s4+s22], $0x20, s13, s22, $0xb8;
	[tilespmem:$0x13000] =	vst v63  }
0x113: {  	_ =	swait.ge [sflag:s3], $0x1000  }
0x114: {  	[sflag:s3] =	ssyncset.done $0x0  }
0x115: {  	s18 =	simm.s32 $0x300;
	[sflag:s3] =	ssyncadd.s32 $0xFFFFF000  }
0x116: {  	[tilespmem:s25], [sflag:$0x3] =	stream.indirect.gather [hbm4b:s4+s22], $0x20, s18, s22, $0xb8;
	[tilespmem:$0x13000] =	vst v63  }
0x117: {  	_ =	swait.ge [sflag:s5], $0x1000  }
0x118: {  	[sflag:s5] =	ssyncset.done $0x0  }
0x119: {  	s6 =	simm.s32 $0x380;
	s18 =	simm.s32 $0x800;
	[sflag:s5] =	ssyncadd.s32 $0xFFFFF000  }
.LBB2_12:
0x11a: {  	[tilespmem:s28], [sflag:$0x4] =	stream.indirect.gather [hbm4b:s4+s22], $0x20, s6, s22, $0xb8;
	[tilespmem:$0x13000] =	vst v63  }
0x11b: {  	s6 =	smov.u32 s18  }
0x11c: {  	p1 =	sne.s32 s18, $0x13000;
	s18 =	sadd.s32 $0x800, s18;
	_ =	swait.ge [sflag:s29], $0x1000  }
0x11d: {  	s6 =	sshra.s32 s6, $0x2;
	[sflag:s29] =	ssyncset.done $0x0  }
0x11e: {  	s13 =	sadd.s32 $0x5000, s6;
	[sflag:s29] =	ssyncadd.s32 $0xFFFFF000  }
0x11f: {  	[spmem:s1] =	stream.indirect.scatter.add.f32 [tilespmem:s21], [sflag:$0x5], $0x20, s13, s22, $0xb8;
	[tilespmem:$0x13000] =	vst v63  }
0x120: {  	_ =	swait.ge [sflag:s30], $0x1000  }
0x121: {  	[sflag:s30] =	ssyncset.done $0x0  }
0x122: {  	s13 =	sadd.s32 $0x5080, s6;
	[sflag:s30] =	ssyncadd.s32 $0xFFFFF000  }
0x123: {  	[spmem:s1] =	stream.indirect.scatter.add.f32 [tilespmem:s23], [sflag:$0x6], $0x20, s13, s22, $0xb8;
	[tilespmem:$0x13000] =	vst v63  }
0x124: {  	_ =	swait.ge [sflag:s31], $0x1000  }
0x125: {  	[sflag:s31] =	ssyncset.done $0x0  }
0x126: {  	s13 =	sadd.s32 $0x5100, s6;
	[sflag:s31] =	ssyncadd.s32 $0xFFFFF000  }
0x127: {  	[spmem:s1] =	stream.indirect.scatter.add.f32 [tilespmem:s25], [sflag:$0x7], $0x20, s13, s22, $0xb8;
	[tilespmem:$0x13000] =	vst v63  }
0x128: {  	_ =	swait.ge [sflag:s0], $0x1000  }
0x129: {  	[sflag:s0] =	ssyncset.done $0x0  }
0x12a: {  	s13 =	sadd.s32 $0x5180, s6;
	[sflag:s0] =	ssyncadd.s32 $0xFFFFF000  }
0x12b: {  	[spmem:s1] =	stream.indirect.scatter.add.f32 [tilespmem:s28], [sflag:$0x8], $0x20, s13, s22, $0xb8;
	[tilespmem:$0x13000] =	vst v63  }
0x12c: {  	_ =	swait.ge [sflag:s20], $0x1000  }
0x12d: {  	[sflag:s20] =	ssyncset.done $0x0  }
0x12e: {  	s13 =	sadd.s32 $0x200, s6;
	[sflag:s20] =	ssyncadd.s32 $0xFFFFF000  }
0x12f: {  	[tilespmem:s21], [sflag:$0x1] =	stream.indirect.gather [hbm4b:s4+s22], $0x20, s13, s22, $0xb8;
	[tilespmem:$0x13000] =	vst v63  }
0x130: {  	_ =	swait.ge [sflag:s2], $0x1000  }
0x131: {  	[sflag:s2] =	ssyncset.done $0x0  }
0x132: {  	s13 =	sadd.s32 $0x280, s6;
	[sflag:s2] =	ssyncadd.s32 $0xFFFFF000  }
0x133: {  	[tilespmem:s23], [sflag:$0x2] =	stream.indirect.gather [hbm4b:s4+s22], $0x20, s13, s22, $0xb8;
	[tilespmem:$0x13000] =	vst v63  }
0x134: {  	_ =	swait.ge [sflag:s3], $0x1000  }
0x135: {  	[sflag:s3] =	ssyncset.done $0x0  }
.Ltmp5:
0x136: {  	s13 =	sadd.s32 $0x300, s6;
	[sflag:s3] =	ssyncadd.s32 $0xFFFFF000;
	(pc) =	sbr.rel @p1 .LBB2_12-.Ltmp5, $4  }
0x137: {  	[tilespmem:s25], [sflag:$0x3] =	stream.indirect.gather [hbm4b:s4+s22], $0x20, s13, s22, $0xb8;
	[tilespmem:$0x13000] =	vst v63  }
0x138: {  	_ =	swait.ge [sflag:s5], $0x1000  }
0x139: {  	[sflag:s5] =	ssyncset.done $0x0  }
0x13a: {  	s6 =	sadd.s32 $0x380, s6;
	[sflag:s5] =	ssyncadd.s32 $0xFFFFF000  }
0x13b: {  	[tilespmem:s28], [sflag:$0x4] =	stream.indirect.gather [hbm4b:s4+s22], $0x20, s6, s22, $0xb8;
	[tilespmem:$0x13000] =	vst v63  }
0x13c: {  	_ =	swait.ge [sflag:s29], $0x1000  }
0x13d: {  	[sflag:s29] =	ssyncset.done $0x0  }
0x13e: {  	s18 =	simm.s32 $0x9E00;
	[sflag:s29] =	ssyncadd.s32 $0xFFFFF000  }
0x13f: {  	[spmem:s1] =	stream.indirect.scatter.add.f32 [tilespmem:s21], [sflag:$0x5], $0x20, s18, s22, $0xb8;
	[tilespmem:$0x13000] =	vst v63  }
0x140: {  	_ =	swait.ge [sflag:s30], $0x1000  }
0x141: {  	[sflag:s30] =	ssyncset.done $0x0  }
0x142: {  	s13 =	simm.s32 $0x9E80;
	[sflag:s30] =	ssyncadd.s32 $0xFFFFF000  }
0x143: {  	[spmem:s1] =	stream.indirect.scatter.add.f32 [tilespmem:s23], [sflag:$0x6], $0x20, s13, s22, $0xb8;
	[tilespmem:$0x13000] =	vst v63  }
0x144: {  	_ =	swait.ge [sflag:s31], $0x1000  }
0x145: {  	[sflag:s31] =	ssyncset.done $0x0  }
0x146: {  	[sflag:s31] =	ssyncadd.s32 $0xFFFFF000  }
0x147: {  	[spmem:s1] =	stream.indirect.scatter.add.f32 [tilespmem:s25], [sflag:$0x7], $0x20, s14, s22, $0xb8;
	[tilespmem:$0x13000] =	vst v63  }
0x148: {  	_ =	swait.ge [sflag:s0], $0x1000  }
0x149: {  	[sflag:s0] =	ssyncset.done $0x0  }
0x14a: {  	[sflag:s0] =	ssyncadd.s32 $0xFFFFF000  }
0x14b: {  	[spmem:s1] =	stream.indirect.scatter.add.f32 [tilespmem:s28], [sflag:$0x8], $0x20, s24, s22, $0xb8;
	[tilespmem:$0x13000] =	vst v63  }
0x14c: {  	_ =	swait.ge [sflag:s20], $0x1000  }
0x14d: {  	[sflag:s20] =	ssyncset.done $0x0  }
0x14e: {  	[sflag:s20] =	ssyncadd.s32 $0xFFFFF000  }
0x14f: {  	_ =	swait.ge [sflag:s2], $0x1000  }
0x150: {  	[sflag:s2] =	ssyncset.done $0x0  }
0x151: {  	[sflag:s2] =	ssyncadd.s32 $0xFFFFF000  }
0x152: {  	_ =	swait.ge [sflag:s3], $0x1000  }
0x153: {  	[sflag:s3] =	ssyncset.done $0x0  }
0x154: {  	[sflag:s3] =	ssyncadd.s32 $0xFFFFF000  }
0x155: {  	_ =	swait.ge [sflag:s5], $0x1000  }
0x156: {  	[sflag:s5] =	ssyncset.done $0x0  }
0x157: {  	[sflag:s5] =	ssyncadd.s32 $0xFFFFF000  }
0x158: {  	[bflag:$0x0] =	sbarrier.arrive $0xFFFF  }
0x159: {  	s13 =	rddreg [dreg:$0x8]  }
0x15a: {  	[hbm:s13], [sflag:s16] =	dma.local [spmem:s17], $0x9C0  }
0x15b: {  	_ =	swait.ge [sflag:s19], $0x9C0  }
0x15c: {  	[sflag:s19] =	ssyncset.done $0x0  }
0x15d: {  	s6 =	rddreg [dreg:$0x9];
	[sflag:s19] =	ssyncadd.s32 $0xFFFFF640  }
0x15e: {  	[hbm:s6], [sflag:s16] =	dma.local @!p0 [spmem:s26], $0x40  }
0x15f: {  	s6 =	simm.s32 @!p0 $0x9  }
0x160: {  	_ =	swait.ge @!p0 [sflag:s6], $0x40  }
0x161: {  	s15 =	sadd.s32 $0x1, s15;
	s13 =	rddreg [dreg:$0xa]  }
0x162: {  	p1 =	sne.s32 s15, s13  }
.Ltmp6:
0x163: {  	_ = 	snop;
	(pc) =	sbr.rel @p1 .LBB2_1-.Ltmp6, $3  }
0x164: {  	_ =	sdelay $0x1  }
0x165: {  	[sflag:s6] =	ssyncset.done @!p0 $0x0  }
0x166: {  	[sflag:s6] =	ssyncadd.s32 @!p0 $0xFFFFFFC0  }
0x167: {  	_ =	sfence.sel $0x180000  }
0x168: {  	[bflag:$0x0] =	sbarrier.arrive $0xFFFF  }
0x169: {  	_ =	strace $0x9000004A  }
0x16a: {  	s0 =	stileid.u32;
	[bflag:$0x2] =	sbarrier.arrive $0xFFFF  }
0x16b: {  	p0 =	sne.s32 s0, $0x0;
	s0 =	rddreg [dreg:$0x2]  }
0x16c: {  	s0 =	sadd.s32 @!p0 $0x100000, s0  }
0x16d: {  	[sflag:s0] =	ssyncadd.tile.s32 @!p0 $0x1;
	_ =	shalt  }
.Lfunc_end2:
_tile_overlayer_lowered:
.L_overlay_start_2:
0x16e: {  	(tag) =	ssettag $0x2  }
0x16f: {  	s0 =	rddreg [dreg:$0x0];
	s2 =	stileid.u32  }
0x170: {  	s1 =	rddreg [dreg:$0x1];
	p0 =	sne.s32 s2, $0x0  }
0x171: {  	s3 =	rddreg [dreg:$0x2];
	[bflag:$0x3] =	sbarrier.arrive $0xFFFF;
	s2 =	simm.s32 @!p0 $0x1C09  }
0x172: {  	[timem:s3], [sflag:s2] =	dma.local @!p0 [hbm:s0], s1  }
0x173: {  	s0 =	simm.s32 @!p0 $0x9  }
0x174: {  	_ =	swait.ge @!p0 [sflag:s0], s1  }
0x175: {  	s1 =	ssub.s32 @!p0 $0x0, s1;
	[sflag:s0] =	ssyncset.done @!p0 $0x0  }
0x176: {  	[sflag:s0] =	ssyncadd.s32 @!p0 s1  }
0x177: {  	[bflag:$0x3] =	sbarrier.arrive $0xFFFF  }
0x178: {  	_ =	shalt  }

// kernel: kernel.17.cloned.1.call-start
scs
__scs_entry_jumppad:
0x0: {  	(pc) =	sbr.rel $0x88, $3  }
0x1: {  	(tag) =	ssettag $0x0;
	lr =	simm.s32 $0x1  }
0x2: {  	[smem:$0x3F97] =	sst lr;
	_ =	strace $0xD0000000  }
0x3: {  	_ = 	snop  }
0x4: {  	_ = 	snop  }
0x5: {  	_ = 	snop  }
0x6: {  	_ = 	snop  }
0x7: {  	_ = 	snop  }
__scs_overlays_trampoline_lowered:
0x8: {  	[smem:$0x3FA6] =	sst s0  }
0x9: {  	[smem:$0x3FA7] =	sst s1  }
0xa: {  	[smem:$0x3FA8] =	sst s2  }
0xb: {  	[smem:$0x3FA9] =	sst s3  }
0xc: {  	[smem:$0x3FAA] =	sst s4  }
0xd: {  	[smem:$0x3FAB] =	sst s5  }
0xe: {  	[smem:$0x3FAC] =	sst s6  }
0xf: {  	[smem:$0x3FAD] =	sst s7  }
0x10: {  	[smem:$0x3FAE] =	sst s8  }
0x11: {  	[smem:$0x3FAF] =	sst s9;
	s0 =	simm.s32 @!p0 $0x0  }
0x12: {  	s1 =	sld [smem:$0x3F95];
	s0 =	simm.s32 @p0 $0x1  }
0x13: {  	[smem:$0x3FB0] =	sst s0;
	s0 =	simm.s32 @!p1 $0x0  }
0x14: {  	s2 =	sld [smem:$0x3F94];
	s0 =	simm.s32 @p1 $0x1  }
0x15: {  	[smem:$0x3FB1] =	sst s0;
	s0 =	simm.s32 @!p2 $0x0  }
0x16: {  	s3 =	sld [smem:$0x3FDB];
	s0 =	simm.s32 @p2 $0x1  }
0x17: {  	s4 =	simm.s32 $0x1BF5;
	[smem:$0x3FB3] =	sst s0  }
0x18: {  	s0 =	sld [smem:$0x3F96];
	_ =	swait.ge [sflag:s4], $0x0  }
0x19: {  	s7 =	sld [smem:$0x3F97]  }
0x1a: {  	s8 =	sadd.s32 $0xFFFFE003, lr  }
0x1b: {  	s9 =	sadd.s32 $0xFFFFFEF7, lr;
	s5 =	simm.s32 $0xFFFFFFFF;
	p2 =	slt.u32 s8, $0xFFFFF086  }
0x1c: {  	p1 =	slt.u32 s9, $0xF7A;
	s5 =	simm.s32 @!p2 $0x0  }
0x1d: {  	s5 =	simm.s32 @p1 $0x1;
	p0 =	seq.s32 s7, s2  }
0x1e: {  	s7 =	smul.u32 @!p0 $0xF7A, s2;
	p2 =	seq.s32 @!p0 s5, $0x0  }
0x1f: {  	s9 =	smul.u32 $0xF7A, s1;
	s8 =	simm.s32 @!p0 $0x1BF5;
	p2 =	por !p2, p0  }
0x20: {  	[sflag:s8] =	ssyncset.s32 @!p0 $0xFFFFF086;
	s6 =	sadd.s32 @!p0 s3, s7;
	s7 =	simm.s32 @!p0 $0x108  }
0x21: {  	s3 =	sadd.s32 s3, s9;
	s6 =	sadd.s32 @!p0 $0x88, s6;
	s7 =	simm.s32 @p2 $0x1082  }
0x22: {  	[simem:s7], [sflag:s8] =	dma.local @!p0 [hbm:s6], $0xF7A  }
0x23: {  	s9 =	sor.u32 $0xD0000000, s2;
	s6 =	simm.s32 $0x108;
	_ =	swait.ge @!p0 [sflag:s8], $0x0  }
0x24: {  	s3 =	sadd.s32 $0x88, s3;
	s6 =	simm.s32 @!p1 $0x1082;
	[sflag:s4] =	ssyncset.s32 $0xFFFFF086  }
0x25: {  	[simem:s6], [sflag:s4] =	dma.local [hbm:s3], $0xF7A  }
0x26: {  	[smem:$0x3F97] =	sst s1;
	(tag) =	ssettag s2;
	_ =	strace s9  }
0x27: {  	s1 =	sld [smem:$0x3FA7]  }
0x28: {  	s2 =	sld [smem:$0x3FA8]  }
0x29: {  	s4 =	sld [smem:$0x3FAA]  }
0x2a: {  	p0 =	seq.s32 s5, $0x0;
	s5 =	sld [smem:$0x3FAB]  }
0x2b: {  	s6 =	sld [smem:$0x3FAC]  }
0x2c: {  	s7 =	sld [smem:$0x3FAD]  }
0x2d: {  	s3 =	simm.s32 $0x108;
	s8 =	sld [smem:$0x3FAE]  }
0x2e: {  	s3 =	simm.s32 @!p0 $0x1082;
	s9 =	sld [smem:$0x3FAF]  }
0x2f: {  	lr =	sadd.s32 s0, s3;
	s0 =	sld [smem:$0x3FA6]  }
0x30: {  	s3 =	sld [smem:$0x3FA9]  }
0x31: {  	[smem:$0x3FB2] =	sst s10  }
0x32: {  	s10 =	sld [smem:$0x3FB0];
	_ =	sdelay $0x3  }
0x33: {  	p0 =	seq.s32 s10, $0x1;
	s10 =	sld [smem:$0x3FB2];
	_ =	sdelay $0x3  }
0x34: {  	[smem:$0x3FB2] =	sst s10  }
0x35: {  	s10 =	sld [smem:$0x3FB1];
	_ =	sdelay $0x3  }
0x36: {  	p1 =	seq.s32 s10, $0x1;
	s10 =	sld [smem:$0x3FB2];
	_ =	sdelay $0x3  }
0x37: {  	[smem:$0x3FB2] =	sst s10  }
0x38: {  	s10 =	sld [smem:$0x3FB3]  }
0x39: {  	_ = 	snop;
	(pc) =	sbr.ind lr, $3  }
0x3a: {  	_ = 	snop  }
0x3b: {  	_ = 	snop  }
0x3c: {  	p2 =	seq.s32 s10, $0x1;
	s10 =	sld [smem:$0x3FB2]  }
0x3d: {  	_ =	shalt  }
0x3e: {  	_ =	shalt  }
0x3f: {  	_ =	shalt  }
0x40: {  	_ =	shalt  }
0x41: {  	_ =	shalt  }
0x42: {  	_ =	shalt  }
0x43: {  	_ =	shalt  }
0x44: {  	_ =	shalt  }
0x45: {  	_ =	shalt  }
0x46: {  	_ =	shalt  }
0x47: {  	_ =	shalt  }
0x48: {  	_ =	shalt  }
0x49: {  	_ =	shalt  }
0x4a: {  	_ =	shalt  }
0x4b: {  	_ =	shalt  }
0x4c: {  	_ =	shalt  }
0x4d: {  	_ =	shalt  }
0x4e: {  	_ =	shalt  }
0x4f: {  	_ =	shalt  }
0x50: {  	_ =	shalt  }
0x51: {  	_ =	shalt  }
0x52: {  	_ =	shalt  }
0x53: {  	_ =	shalt  }
0x54: {  	_ =	shalt  }
0x55: {  	_ =	shalt  }
0x56: {  	_ =	shalt  }
0x57: {  	_ =	shalt  }
0x58: {  	_ =	shalt  }
0x59: {  	_ =	shalt  }
0x5a: {  	_ =	shalt  }
0x5b: {  	_ =	shalt  }
0x5c: {  	_ =	shalt  }
0x5d: {  	_ =	shalt  }
0x5e: {  	_ =	shalt  }
0x5f: {  	_ =	shalt  }
0x60: {  	_ =	shalt  }
0x61: {  	_ =	shalt  }
0x62: {  	_ =	shalt  }
0x63: {  	_ =	shalt  }
0x64: {  	_ =	shalt  }
0x65: {  	_ =	shalt  }
0x66: {  	_ =	shalt  }
0x67: {  	_ =	shalt  }
0x68: {  	_ =	shalt  }
0x69: {  	_ =	shalt  }
0x6a: {  	_ =	shalt  }
0x6b: {  	_ =	shalt  }
0x6c: {  	_ =	shalt  }
0x6d: {  	_ =	shalt  }
0x6e: {  	_ =	shalt  }
0x6f: {  	_ =	shalt  }
0x70: {  	_ =	shalt  }
0x71: {  	_ =	shalt  }
0x72: {  	_ =	shalt  }
0x73: {  	_ =	shalt  }
0x74: {  	_ =	shalt  }
0x75: {  	_ =	shalt  }
0x76: {  	_ =	shalt  }
0x77: {  	_ =	shalt  }
0x78: {  	_ =	shalt  }
0x79: {  	_ =	shalt  }
0x7a: {  	_ =	shalt  }
0x7b: {  	_ =	shalt  }
0x7c: {  	_ =	shalt  }
0x7d: {  	_ =	shalt  }
0x7e: {  	_ =	shalt  }
0x7f: {  	_ =	shalt  }
0x80: {  	_ =	shalt  }
0x81: {  	_ =	shalt  }
0x82: {  	_ =	shalt  }
0x83: {  	_ =	shalt  }
0x84: {  	_ =	shalt  }
0x85: {  	_ =	shalt  }
0x86: {  	_ =	shalt  }
0x87: {  	_ =	shalt  }
.Lfunc_end0:
.L_simem_size_0:
called_computation.2_lowered:
.L_overlay_start_0:
0x88: {  	s2 =	sld [smem:$0x3FD9]  }
0x89: {  	s3 =	sld [smem:$0x3FFE];
	_ =	sdelay $0x1  }
0x8a: {  	s1 =	srdreg.scid  }
0x8b: {  	s0 =	sand.u32 $0x1, s1  }
0x8c: {  	s16 =	sshll.u32 s0, $0xA;
	s2 =	sadd.s32 s3, s2  }
0x8d: {  	s2 =	sadd.s32 s2, s16  }
0x8e: {  	[smem:$0x3FBE] =	sst s2  }
0x8f: {  	_ = 	snop  }
0x90: {  	(tm) =	ssettm $0x1  }
0x91: {  	s17 =	sld [smem:$0x3FFB];
	_ =	sdelay $0x3  }
0x92: {  	_ =	strace s17  }
0x93: {  	s2 =	sld [smem:$0x3FFC];
	_ =	sdelay $0x3  }
0x94: {  	_ =	strace s2  }
0x95: {  	s2 =	sld [smem:$0x3FFD];
	_ =	sdelay $0x3  }
0x96: {  	_ =	strace s2  }
0x97: {  	_ =	strace $0x8FFFFFFF  }
0x98: {  	s18 =	sld [smem:$0x3FDB];
	_ =	sdelay $0x1  }
0x99: {  	s19 =	simm.s32 $_scs_section_size  }
0x9a: {  	s4 =	simm.s32 $_size__tile_overlayer_lowered;
	s5 =	simm.s32 $_tile_overlayer_lowered  }
0x9b: {  	s22 =	simm.s32 $0x1BFF;
	s21 =	sshll.u32 s5, $0x1;
	s2 =	sadd.s32 s19, s18  }
0x9c: {  	s6 =	simm.s32 $0x0;
	s20 =	sshll.u32 s4, $0x1;
	s4 =	sadd.s32 s21, s2  }
0x9d: {  	[timem:s6], [sflag:s22] =	dma.local [hbm:s4], s20  }
0x9e: {  	_ =	swait.ge [sflag:s22], s20  }
0x9f: {  	s3 =	ssub.s32 $0x0, s20;
	[sflag:s22] =	ssyncset.done $0x0  }
0xa0: {  	[sflag:s22] =	ssyncadd.s32 s3;
	_ =	sdelay $0x1  }
0xa1: {  	s23 =	simm.s32 $0x1B8B  }
0xa2: {  	_ =	swait.ge [sflag:s23], $0x1  }
0xa3: {  	[sflag:s23] =	ssyncset.done $0x0  }
0xa4: {  	s25 =	simm.s32 $0x1B8E;
	s24 =	sld [smem:$0x3FFE];
	[sflag:s23] =	ssyncadd.s32 $0xFFFFFFFF  }
0xa5: {  	s26 =	simm.s32 $execute0_lowered;
	[smem:$0x3FD2] =	sst s25  }
0xa6: {  	s4 =	sshll.u32 s26, $0x1;
	_ =	strace $0x8000004C;
	[dreg:$0x1] =	wrdreg $0xFFFFFFFF  }
0xa7: {  	s28 =	simm.s32 $_size_execute0_lowered;
	s2 =	sadd.s32 s2, s4;
	[dreg:$0x0] =	wrdreg $0x0  }
0xa8: {  	s4 =	sshll.u32 s28, $0x1;
	[dreg:$0x2] =	wrdreg s2  }
0xa9: {  	[dreg:$0x3] =	wrdreg s4  }
0xaa: {  	[dreg:$0x4] =	wrdreg $0xC0  }
0xab: {  	_ =	task [dreg:s6], $0x5FFFF  }
0xac: {  	[dreg:$0x1] =	wrdreg $0xFFFFFFFF  }
0xad: {  	[dreg:$0x0] =	wrdreg $0x60  }
0xae: {  	[dreg:$0x2] =	wrdreg s24  }
0xaf: {  	[dreg:$0x3] =	wrdreg $0xE0000  }
0xb0: {  	[dreg:$0x4] =	wrdreg $0x9  }
0xb1: {  	_ =	task.clear_ibuf [dreg:s6], $0x5FFFF;
	_ =	strace $0x9000004C  }
0xb2: {  	s29 =	simm.s32 $0x9;
	_ =	strace $0x8000004E  }
0xb3: {  	_ =	swait.ge [sflag:s29], $0x1  }
0xb4: {  	[sflag:s29] =	ssyncadd.s32 $0xFFFFFFFF  }
0xb5: {  	_ =	strace $0x9000004E  }
0xb6: {  	_ =	sfence  }
0xb7: {  	s30 =	sld [smem:$0x0];
	_ =	sdelay $0x2  }
0xb8: {  	s31 =	sshll.u32 s1, $0xD;
	s1 =	sshrl.u32 s1, $0x2  }
0xb9: {  	s3 =	sand.u32 $0x4000, s31;
	s1 =	sadd.s32 s1, s30  }
0xba: {  	s0 =	sor.u32 s3, s0;
	s1 =	sshll.u32 s1, $0x11  }
0xbb: {  	s0 =	sor.u32 s1, s0  }
0xbc: {  	s0 =	sadd.s32 $0x8F2B, s0  }
0xbd: {  	[sflag:s0] =	ssyncadd.remote.s32 $0x1  }
0xbe: {  	_ =	sfence.sel $0xFFFF  }
0xbf: {  	[dreg:$0x0] =	wrdreg $0xFFFFFFFF;
	(pc) =	sbr.abs _section_cstart, $3  }
0xc0: {  	[dreg:$0x1] =	wrdreg $0xFFFFFFFF  }
0xc1: {  	_ =	task.clear_ibuf [dreg:s6], $0x2FFFF;
	_ =	strace $0x9FFFFFFF  }
0xc2: {  	(tm) =	ssettm $0x7FFFFFFF  }
0xc3: {  	_ =	shalt  }
tec
execute0_lowered:
.L_overlay_start_1:
0x0: {  	(tag) =	ssettag $0x1  }
0x1: {  	s0 =	rddreg [dreg:$0x0]  }
0x2: {  	s1 =	rddreg [dreg:$0x1]  }
0x3: {  	s3 =	simm.s32 $0x0;
	s2 =	srdreg.scid;
	s14 =	stileid.u32  }
0x4: {  	s19 =	simm.s32 $0x9;
	s28 =	simm.s32 $0xD000;
	s29 =	simm.s32 $0x1  }
0x5: {  	s30 =	simm.s32 $0x2;
	s31 =	simm.s32 $0x3;
	s12 =	smul.u32 $0xA00, s14  }
0x6: {  	s18 =	simm.s32 $0x9E00;
	[smem:$0x7FF] =	sst s3;
	s7 =	smul.u32 $0x14000, s14  }
0x7: {  	s2 =	sand.u32 $0x1, s2;
	s4 =	sadd.s32 $0x16200, s0;
	s16 =	smul.u32 $0x4E00, s14  }
0x8: {  	s23 =	sadd.s32 $0x4E000, s1;
	p0 =	sne.s32 s14, $0xF;
	s14 =	simm.s32 $0x9F00  }
0x9: {  	_ =	strace $0x8000004D;
	s5 =	ssub.s32 $0x2, s2;
	s11 =	smul.u32 $0x4E200, s2  }
0xa: {  	s17 =	smul.u32 $0x2710, s2;
	[dreg:$0x7] =	wrdreg s23;
	s23 =	simm.s32 $0xB000  }
0xb: {  	s6 =	sshrl.u32 s5, $0x1;
	s3 =	sadd.s32 s12, s0;
	s0 =	sadd.s32 $0x3D400, s0  }
0xc: {  	s15 =	sshrl.u32 s7, $0x2;
	s21 =	sadd.s32 s16, s1;
	s5 =	ssub.s32 s5, s6  }
0xd: {  	s13 =	sadd.s32 $0xC200, s3;
	s3 =	sadd.s32 $0x2200, s3;
	s7 =	sadd.s32 s15, s1  }
0xe: {  	s20 =	sadd.s32 s16, s11;
	s12 =	sshrl.u32 s11, $0x3;
	[dreg:$0x5] =	wrdreg s21  }
0xf: {  	s21 =	simm.s32 $0xA000;
	s15 =	simm.s32 $0x0;
	[dreg:$0x3] =	wrdreg s13  }
0x10: {  	[dreg:$0x4] =	wrdreg s3;
	s8 =	sadd.s32 $0x1000, s7;
	s9 =	sadd.s32 $0x2000, s7  }
0x11: {  	s10 =	sadd.s32 $0x3000, s7;
	s11 =	sadd.s32 $0x4000, s7;
	s2 =	sshrl.u32 s20, $0x3  }
0x12: {  	s13 =	sadd.s32 s0, s12;
	s26 =	smax.u32 s5, $0x1;
	s20 =	simm.s32 $0x5  }
0x13: {  	s3 =	simm.s32 $0x7;
	s5 =	simm.s32 $0x8;
	s12 =	sadd.s32 s0, s2  }
0x14: {  	s22 =	sadd.s32 $0x9C00, s13;
	s25 =	sadd.s32 $0x1D480, s13;
	[dreg:$0xa] =	wrdreg s26  }
0x15: {  	s0 =	simm.s32 $0x4;
	s2 =	simm.s32 $0x6;
	[dreg:$0x6] =	wrdreg s22  }
0x16: {  	s24 =	sadd.s32 $0x13880, s12;
	[dreg:$0x9] =	wrdreg s25;
	s22 =	simm.s32 $0x80  }
0x17: {  	v1 =	vimm.f32 $0.0e+00;
	v0 =	vmov s17;
	s25 =	simm.s32 $0xC000;
	[dreg:$0x8] =	wrdreg s24;
	s24 =	simm.s32 $0x9F80  }
.LBB2_1:
0x18: {  	s6 =	simm.s32 $0x0;
	s13 =	rddreg [dreg:$0x3]  }
0x19: {  	[tilespmem:s6], [sflag:$0x9] =	stream.linear.gather [hbm4b:s13+s6], $0x5000, $0x38;
	[tilespmem:$0x13000] =	vst v63  }
0x1a: {  	_ =	swait.ge [sflag:s19], $0x5000  }
0x1b: {  	[sflag:s19] =	ssyncset.done $0x0  }
0x1c: {  	s16 =	simm.s32 $0x5000;
	s26 =	rddreg [dreg:$0x4];
	[sflag:s19] =	ssyncadd.s32 $0xFFFFB000  }
0x1d: {  	[tilespmem:s16], [sflag:$0x9] =	stream.linear.gather [hbm4b:s26+s6], $0x5000, $0x38;
	[tilespmem:$0x13000] =	vst v63  }
0x1e: {  	_ =	swait.ge [sflag:s19], $0x5000  }
0x1f: {  	[sflag:s19] =	ssyncset.done $0x0  }
0x20: {  	s6 =	simm.s32 $0x0;
	[sflag:s19] =	ssyncadd.s32 $0xFFFFB000  }
0x21: {  	v4 =	vld [tilespmem:s6+$0x0]  }
0x22: {  	v6 =	vld [tilespmem:s6+$0x10]  }
0x23: {  	v5 =	vld [tilespmem:s6+$0x20]  }
0x24: {  	v3 =	vld [tilespmem:s6+$0x30]  }
0x25: {  	v2 =	vld [tilespmem:s6+$0x40]  }
0x26: {  	v7 =	vadd.s32 v0, v4;
	v4 =	vld [tilespmem:s6+$0x50]  }
0x27: {  	s16 =	simm.s32 $0x200;
	[tilespmem:s6+$0x0] =	vst v7;
	v7 =	vadd.s32 v0, v6;
	v6 =	vld [tilespmem:s6+$0x60]  }
.LBB2_2:
0x28: {  	s17 =	sshra.s32 s16, $0x2;
	p1 =	sne.s32 s16, $0x13E00;
	[tilespmem:s6+$0x10] =	vst v7;
	v5 =	vadd.s32 v0, v5;
	v7 =	vld [tilespmem:s6+$0x70]  }
0x29: {  	v8 =	vld [tilespmem:s17+$0x0];
	[tilespmem:s6+$0x20] =	vst v5;
	v3 =	vadd.s32 v0, v3  }
0x2a: {  	v9 =	vld [tilespmem:s17+$0x10];
	[tilespmem:s6+$0x30] =	vst v3;
	v2 =	vadd.s32 v0, v2  }
.Ltmp0:
0x2b: {  	v5 =	vld [tilespmem:s17+$0x20];
	[tilespmem:s6+$0x40] =	vst v2;
	v2 =	vadd.s32 v0, v4;
	(pc) =	sbr.rel @p1 .LBB2_2-.Ltmp0, $4  }
0x2c: {  	v3 =	vld [tilespmem:s17+$0x30];
	[tilespmem:s6+$0x50] =	vst v2;
	v4 =	vadd.s32 v0, v6  }
0x2d: {  	v2 =	vld [tilespmem:s17+$0x40];
	[tilespmem:s6+$0x60] =	vst v4;
	v6 =	vadd.s32 v0, v7  }
0x2e: {  	v7 =	vadd.s32 v0, v8;
	v4 =	vld [tilespmem:s17+$0x50];
	[tilespmem:s6+$0x70] =	vst v6;
	s6 =	smov.u32 s17  }
0x2f: {  	s16 =	sadd.s32 $0x200, s16;
	[tilespmem:s6+$0x0] =	vst v7;
	v7 =	vadd.s32 v0, v9;
	v6 =	vld [tilespmem:s6+$0x60]  }
0x30: {  	[tilespmem:s6+$0x10] =	vst v7;
	v5 =	vadd.s32 v0, v5;
	v63 =	vld [tilespmem:s6+$0x70]  }
0x31: {  	[tilespmem:s6+$0x20] =	vst v5;
	v3 =	vadd.s32 v0, v3  }
0x32: {  	[tilespmem:s6+$0x30] =	vst v3;
	v2 =	vadd.s32 v0, v2  }
0x33: {  	[tilespmem:s6+$0x40] =	vst v2;
	v2 =	vadd.s32 v0, v4  }
0x34: {  	[tilespmem:s6+$0x50] =	vst v2;
	v2 =	vadd.s32 v0, v6  }
0x35: {  	[tilespmem:s6+$0x60] =	vst v2;
	v2 =	vadd.s32 v0, v63  }
0x36: {  	s16 =	simm.s32 $0x0;
	[tilespmem:s6+$0x70] =	vst v2;
	s6 =	simm.s32 $0x80  }
.LBB2_4:
0x37: {  	p1 =	sne.s32 s6, $0x3F80;
	[tilespmem:s16+$0xA000] =	vst v1;
	s17 =	smov.u32 s6;
	s6 =	sadd.s32 $0x80, s6  }
.Ltmp1:
0x38: {  	[tilespmem:s16+$0xA010] =	vst v1;
	(pc) =	sbr.rel @p1 .LBB2_4-.Ltmp1, $2  }
0x39: {  	_ =	sdelay $0x2  }
0x3a: {  	s16 =	sshra.s32 s17, $0x2  }
0x3b: {  	[tilespmem:s16+$0xA000] =	vst v1  }
0x3c: {  	[tilespmem:s16+$0xA010] =	vst v1  }
0x3d: {  	[spmem:s7] =	stream.linear.scatter [tilespmem:s21], [sflag:$0x9], $0x1000, $0x38;
	[tilespmem:$0x13000] =	vst v63  }
0x3e: {  	_ =	swait.ge [sflag:s19], $0x1000  }
0x3f: {  	[sflag:s19] =	ssyncset.done $0x0  }
0x40: {  	[sflag:s19] =	ssyncadd.s32 $0xFFFFF000  }
0x41: {  	[spmem:s8] =	stream.linear.scatter [tilespmem:s21], [sflag:$0x9], $0x1000, $0x38;
	[tilespmem:$0x13000] =	vst v63  }
0x42: {  	_ =	swait.ge [sflag:s19], $0x1000  }
0x43: {  	[sflag:s19] =	ssyncset.done $0x0  }
0x44: {  	[sflag:s19] =	ssyncadd.s32 $0xFFFFF000  }
0x45: {  	[spmem:s9] =	stream.linear.scatter [tilespmem:s21], [sflag:$0x9], $0x1000, $0x38;
	[tilespmem:$0x13000] =	vst v63  }
0x46: {  	_ =	swait.ge [sflag:s19], $0x1000  }
0x47: {  	[sflag:s19] =	ssyncset.done $0x0  }
0x48: {  	[sflag:s19] =	ssyncadd.s32 $0xFFFFF000  }
0x49: {  	[spmem:s10] =	stream.linear.scatter [tilespmem:s21], [sflag:$0x9], $0x1000, $0x38;
	[tilespmem:$0x13000] =	vst v63  }
0x4a: {  	_ =	swait.ge [sflag:s19], $0x1000  }
0x4b: {  	[sflag:s19] =	ssyncset.done $0x0  }
0x4c: {  	[sflag:s19] =	ssyncadd.s32 $0xFFFFF000  }
0x4d: {  	[spmem:s11] =	stream.linear.scatter [tilespmem:s21], [sflag:$0x9], $0x1000, $0x38;
	[tilespmem:$0x13000] =	vst v63  }
0x4e: {  	_ =	swait.ge [sflag:s19], $0x1000  }
0x4f: {  	[sflag:s19] =	ssyncset.done $0x0  }
0x50: {  	[sflag:s19] =	ssyncadd.s32 $0xFFFFF000  }
0x51: {  	s6 =	simm.s32 $0x0;
	[bflag:$0x0] =	sbarrier.arrive $0xFFFF  }
0x52: {  	[tilespmem:s21], [sflag:$0x1] =	stream.indirect.gather [hbm4b:s4+s22], $0x20, s6, s22, $0xb8;
	[tilespmem:$0x13000] =	vst v63  }
0x53: {  	_ = 	snop  }
0x54: {  	[tilespmem:s23], [sflag:$0x2] =	stream.indirect.gather [hbm4b:s4+s22], $0x20, s22, s22, $0xb8;
	[tilespmem:$0x13000] =	vst v63  }
0x55: {  	s26 =	simm.s32 $0x100  }
0x56: {  	[tilespmem:s25], [sflag:$0x3] =	stream.indirect.gather [hbm4b:s4+s22], $0x20, s26, s22, $0xb8;
	[tilespmem:$0x13000] =	vst v63  }
0x57: {  	s13 =	simm.s32 $0x180  }
0x58: {  	[tilespmem:s28], [sflag:$0x4] =	stream.indirect.gather [hbm4b:s4+s22], $0x20, s13, s22, $0xb8;
	[tilespmem:$0x13000] =	vst v63  }
0x59: {  	_ =	swait.ge [sflag:s29], $0x1000  }
0x5a: {  	[sflag:s29] =	ssyncset.done $0x0  }
0x5b: {  	s16 =	simm.s32 $0x5000;
	[sflag:s29] =	ssyncadd.s32 $0xFFFFF000  }
0x5c: {  	[spmem:s1] =	stream.indirect.scatter.add.f32 [tilespmem:s21], [sflag:$0x5], $0x20, s16, s22, $0xb8;
	[tilespmem:$0x13000] =	vst v63  }
0x5d: {  	_ =	swait.ge [sflag:s30], $0x1000  }
0x5e: {  	[sflag:s30] =	ssyncset.done $0x0  }
0x5f: {  	s17 =	simm.s32 $0x5080;
	[sflag:s30] =	ssyncadd.s32 $0xFFFFF000  }
0x60: {  	[spmem:s1] =	stream.indirect.scatter.add.f32 [tilespmem:s23], [sflag:$0x6], $0x20, s17, s22, $0xb8;
	[tilespmem:$0x13000] =	vst v63  }
0x61: {  	_ =	swait.ge [sflag:s31], $0x1000  }
0x62: {  	[sflag:s31] =	ssyncset.done $0x0  }
0x63: {  	s26 =	simm.s32 $0x5100;
	[sflag:s31] =	ssyncadd.s32 $0xFFFFF000  }
0x64: {  	[spmem:s1] =	stream.indirect.scatter.add.f32 [tilespmem:s25], [sflag:$0x7], $0x20, s26, s22, $0xb8;
	[tilespmem:$0x13000] =	vst v63  }
0x65: {  	_ =	swait.ge [sflag:s0], $0x1000  }
0x66: {  	[sflag:s0] =	ssyncset.done $0x0  }
0x67: {  	s13 =	simm.s32 $0x5180;
	[sflag:s0] =	ssyncadd.s32 $0xFFFFF000  }
0x68: {  	[spmem:s1] =	stream.indirect.scatter.add.f32 [tilespmem:s28], [sflag:$0x8], $0x20, s13, s22, $0xb8;
	[tilespmem:$0x13000] =	vst v63  }
0x69: {  	_ =	swait.ge [sflag:s20], $0x1000  }
0x6a: {  	[sflag:s20] =	ssyncset.done $0x0  }
0x6b: {  	s16 =	simm.s32 $0x200;
	[sflag:s20] =	ssyncadd.s32 $0xFFFFF000  }
0x6c: {  	[tilespmem:s21], [sflag:$0x1] =	stream.indirect.gather [hbm4b:s4+s22], $0x20, s16, s22, $0xb8;
	[tilespmem:$0x13000] =	vst v63  }
0x6d: {  	_ =	swait.ge [sflag:s2], $0x1000  }
0x6e: {  	[sflag:s2] =	ssyncset.done $0x0  }
0x6f: {  	s17 =	simm.s32 $0x280;
	[sflag:s2] =	ssyncadd.s32 $0xFFFFF000  }
0x70: {  	[tilespmem:s23], [sflag:$0x2] =	stream.indirect.gather [hbm4b:s4+s22], $0x20, s17, s22, $0xb8;
	[tilespmem:$0x13000] =	vst v63  }
0x71: {  	_ =	swait.ge [sflag:s3], $0x1000  }
0x72: {  	[sflag:s3] =	ssyncset.done $0x0  }
0x73: {  	s26 =	simm.s32 $0x300;
	[sflag:s3] =	ssyncadd.s32 $0xFFFFF000  }
0x74: {  	[tilespmem:s25], [sflag:$0x3] =	stream.indirect.gather [hbm4b:s4+s22], $0x20, s26, s22, $0xb8;
	[tilespmem:$0x13000] =	vst v63  }
0x75: {  	_ =	swait.ge [sflag:s5], $0x1000  }
0x76: {  	[sflag:s5] =	ssyncset.done $0x0  }
0x77: {  	s6 =	simm.s32 $0x380;
	s16 =	simm.s32 $0x800;
	[sflag:s5] =	ssyncadd.s32 $0xFFFFF000  }
.LBB2_6:
0x78: {  	[tilespmem:s28], [sflag:$0x4] =	stream.indirect.gather [hbm4b:s4+s22], $0x20, s6, s22, $0xb8;
	[tilespmem:$0x13000] =	vst v63  }
0x79: {  	s6 =	smov.u32 s16  }
0x7a: {  	p1 =	sne.s32 s16, $0x13000;
	s16 =	sadd.s32 $0x800, s16;
	_ =	swait.ge [sflag:s29], $0x1000  }
0x7b: {  	s17 =	sshra.s32 s6, $0x2;
	[sflag:s29] =	ssyncset.done $0x0  }
0x7c: {  	s6 =	sadd.s32 $0x5000, s17;
	[sflag:s29] =	ssyncadd.s32 $0xFFFFF000  }
0x7d: {  	[spmem:s1] =	stream.indirect.scatter.add.f32 [tilespmem:s21], [sflag:$0x5], $0x20, s6, s22, $0xb8;
	[tilespmem:$0x13000] =	vst v63  }
0x7e: {  	_ =	swait.ge [sflag:s30], $0x1000  }
0x7f: {  	[sflag:s30] =	ssyncset.done $0x0  }
0x80: {  	s6 =	sadd.s32 $0x5080, s17;
	[sflag:s30] =	ssyncadd.s32 $0xFFFFF000  }
0x81: {  	[spmem:s1] =	stream.indirect.scatter.add.f32 [tilespmem:s23], [sflag:$0x6], $0x20, s6, s22, $0xb8;
	[tilespmem:$0x13000] =	vst v63  }
0x82: {  	_ =	swait.ge [sflag:s31], $0x1000  }
0x83: {  	[sflag:s31] =	ssyncset.done $0x0  }
0x84: {  	s6 =	sadd.s32 $0x5100, s17;
	[sflag:s31] =	ssyncadd.s32 $0xFFFFF000  }
0x85: {  	[spmem:s1] =	stream.indirect.scatter.add.f32 [tilespmem:s25], [sflag:$0x7], $0x20, s6, s22, $0xb8;
	[tilespmem:$0x13000] =	vst v63  }
0x86: {  	_ =	swait.ge [sflag:s0], $0x1000  }
0x87: {  	[sflag:s0] =	ssyncset.done $0x0  }
0x88: {  	s6 =	sadd.s32 $0x5180, s17;
	[sflag:s0] =	ssyncadd.s32 $0xFFFFF000  }
0x89: {  	[spmem:s1] =	stream.indirect.scatter.add.f32 [tilespmem:s28], [sflag:$0x8], $0x20, s6, s22, $0xb8;
	[tilespmem:$0x13000] =	vst v63  }
0x8a: {  	_ =	swait.ge [sflag:s20], $0x1000  }
0x8b: {  	[sflag:s20] =	ssyncset.done $0x0  }
0x8c: {  	s6 =	sadd.s32 $0x200, s17;
	[sflag:s20] =	ssyncadd.s32 $0xFFFFF000  }
0x8d: {  	[tilespmem:s21], [sflag:$0x1] =	stream.indirect.gather [hbm4b:s4+s22], $0x20, s6, s22, $0xb8;
	[tilespmem:$0x13000] =	vst v63  }
0x8e: {  	_ =	swait.ge [sflag:s2], $0x1000  }
0x8f: {  	[sflag:s2] =	ssyncset.done $0x0  }
0x90: {  	s6 =	sadd.s32 $0x280, s17;
	[sflag:s2] =	ssyncadd.s32 $0xFFFFF000  }
0x91: {  	[tilespmem:s23], [sflag:$0x2] =	stream.indirect.gather [hbm4b:s4+s22], $0x20, s6, s22, $0xb8;
	[tilespmem:$0x13000] =	vst v63  }
0x92: {  	_ =	swait.ge [sflag:s3], $0x1000  }
0x93: {  	[sflag:s3] =	ssyncset.done $0x0  }
.Ltmp2:
0x94: {  	s6 =	sadd.s32 $0x300, s17;
	[sflag:s3] =	ssyncadd.s32 $0xFFFFF000;
	(pc) =	sbr.rel @p1 .LBB2_6-.Ltmp2, $4  }
0x95: {  	[tilespmem:s25], [sflag:$0x3] =	stream.indirect.gather [hbm4b:s4+s22], $0x20, s6, s22, $0xb8;
	[tilespmem:$0x13000] =	vst v63  }
0x96: {  	_ =	swait.ge [sflag:s5], $0x1000  }
0x97: {  	[sflag:s5] =	ssyncset.done $0x0  }
0x98: {  	s6 =	sadd.s32 $0x380, s17;
	[sflag:s5] =	ssyncadd.s32 $0xFFFFF000  }
0x99: {  	[tilespmem:s28], [sflag:$0x4] =	stream.indirect.gather [hbm4b:s4+s22], $0x20, s6, s22, $0xb8;
	[tilespmem:$0x13000] =	vst v63  }
0x9a: {  	_ =	swait.ge [sflag:s29], $0x1000  }
0x9b: {  	[sflag:s29] =	ssyncset.done $0x0  }
0x9c: {  	[sflag:s29] =	ssyncadd.s32 $0xFFFFF000  }
0x9d: {  	[spmem:s1] =	stream.indirect.scatter.add.f32 [tilespmem:s21], [sflag:$0x5], $0x20, s18, s22, $0xb8;
	[tilespmem:$0x13000] =	vst v63  }
0x9e: {  	_ =	swait.ge [sflag:s30], $0x1000  }
0x9f: {  	[sflag:s30] =	ssyncset.done $0x0  }
0xa0: {  	s17 =	simm.s32 $0x9E80;
	[sflag:s30] =	ssyncadd.s32 $0xFFFFF000  }
0xa1: {  	[spmem:s1] =	stream.indirect.scatter.add.f32 [tilespmem:s23], [sflag:$0x6], $0x20, s17, s22, $0xb8;
	[tilespmem:$0x13000] =	vst v63  }
0xa2: {  	_ =	swait.ge [sflag:s31], $0x1000  }
0xa3: {  	[sflag:s31] =	ssyncset.done $0x0  }
0xa4: {  	[sflag:s31] =	ssyncadd.s32 $0xFFFFF000  }
0xa5: {  	[spmem:s1] =	stream.indirect.scatter.add.f32 [tilespmem:s25], [sflag:$0x7], $0x20, s14, s22, $0xb8;
	[tilespmem:$0x13000] =	vst v63  }
0xa6: {  	_ =	swait.ge [sflag:s0], $0x1000  }
0xa7: {  	[sflag:s0] =	ssyncset.done $0x0  }
0xa8: {  	[sflag:s0] =	ssyncadd.s32 $0xFFFFF000  }
0xa9: {  	[spmem:s1] =	stream.indirect.scatter.add.f32 [tilespmem:s28], [sflag:$0x8], $0x20, s24, s22, $0xb8;
	[tilespmem:$0x13000] =	vst v63  }
0xaa: {  	_ =	swait.ge [sflag:s20], $0x1000  }
0xab: {  	[sflag:s20] =	ssyncset.done $0x0  }
0xac: {  	[sflag:s20] =	ssyncadd.s32 $0xFFFFF000  }
0xad: {  	_ =	swait.ge [sflag:s2], $0x1000  }
0xae: {  	[sflag:s2] =	ssyncset.done $0x0  }
0xaf: {  	[sflag:s2] =	ssyncadd.s32 $0xFFFFF000  }
0xb0: {  	_ =	swait.ge [sflag:s3], $0x1000  }
0xb1: {  	[sflag:s3] =	ssyncset.done $0x0  }
0xb2: {  	[sflag:s3] =	ssyncadd.s32 $0xFFFFF000  }
0xb3: {  	_ =	swait.ge [sflag:s5], $0x1000  }
0xb4: {  	[sflag:s5] =	ssyncset.done $0x0  }
0xb5: {  	[sflag:s5] =	ssyncadd.s32 $0xFFFFF000  }
0xb6: {  	s18 =	stileid.u32;
	[bflag:$0x0] =	sbarrier.arrive $0xFFFF  }
0xb7: {  	s6 =	sshll.u32 s18, $0x6;
	s26 =	rddreg [dreg:$0x5]  }
0xb8: {  	s16 =	sor.u32 $0x1C09, s6;
	s17 =	sshrl.u32 s26, $0x3  }
0xb9: {  	[hbm:s12], [sflag:s16] =	dma.local [spmem:s17], $0x9C0  }
0xba: {  	_ =	swait.ge [sflag:s19], $0x9C0  }
0xbb: {  	[sflag:s19] =	ssyncset.done $0x0;
	s6 =	rddreg [dreg:$0x7]  }
0xbc: {  	[sflag:s19] =	ssyncadd.s32 $0xFFFFF640;
	s26 =	sshrl.u32 @!p0 s6, $0x3;
	s6 =	rddreg [dreg:$0x6]  }
0xbd: {  	[hbm:s6], [sflag:s16] =	dma.local @!p0 [spmem:s26], $0x40  }
0xbe: {  	s6 =	simm.s32 @!p0 $0x9  }
0xbf: {  	_ =	swait.ge @!p0 [sflag:s6], $0x40  }
0xc0: {  	[sflag:s6] =	ssyncset.done @!p0 $0x0  }
0xc1: {  	[sflag:s6] =	ssyncadd.s32 @!p0 $0xFFFFFFC0  }
0xc2: {  	s6 =	simm.s32 $0x0;
	[bflag:$0x0] =	sbarrier.arrive $0xFFFF  }
0xc3: {  	v4 =	vld [tilespmem:s6+$0x0]  }
0xc4: {  	v6 =	vld [tilespmem:s6+$0x10]  }
0xc5: {  	v5 =	vld [tilespmem:s6+$0x20]  }
0xc6: {  	v3 =	vld [tilespmem:s6+$0x30]  }
0xc7: {  	v2 =	vld [tilespmem:s6+$0x40]  }
0xc8: {  	v7 =	vadd.s32 $0x4E20, v4;
	v4 =	vld [tilespmem:s6+$0x50]  }
0xc9: {  	s18 =	simm.s32 $0x200;
	[tilespmem:s6+$0x0] =	vst v7;
	v7 =	vadd.s32 $0x4E20, v6;
	v6 =	vld [tilespmem:s6+$0x60]  }
.LBB2_8:
0xca: {  	s13 =	sshra.s32 s18, $0x2;
	p1 =	sne.s32 s18, $0x13E00;
	[tilespmem:s6+$0x10] =	vst v7;
	v5 =	vadd.s32 $0x4E20, v5;
	v7 =	vld [tilespmem:s6+$0x70]  }
0xcb: {  	v8 =	vld [tilespmem:s13+$0x0];
	[tilespmem:s6+$0x20] =	vst v5;
	v3 =	vadd.s32 $0x4E20, v3  }
0xcc: {  	v9 =	vld [tilespmem:s13+$0x10];
	[tilespmem:s6+$0x30] =	vst v3;
	v2 =	vadd.s32 $0x4E20, v2  }
.Ltmp3:
0xcd: {  	v5 =	vld [tilespmem:s13+$0x20];
	[tilespmem:s6+$0x40] =	vst v2;
	v2 =	vadd.s32 $0x4E20, v4;
	(pc) =	sbr.rel @p1 .LBB2_8-.Ltmp3, $4  }
0xce: {  	v3 =	vld [tilespmem:s13+$0x30];
	[tilespmem:s6+$0x50] =	vst v2;
	v4 =	vadd.s32 $0x4E20, v6  }
0xcf: {  	v2 =	vld [tilespmem:s13+$0x40];
	[tilespmem:s6+$0x60] =	vst v4;
	v6 =	vadd.s32 $0x4E20, v7  }
0xd0: {  	v7 =	vadd.s32 $0x4E20, v8;
	v4 =	vld [tilespmem:s13+$0x50];
	[tilespmem:s6+$0x70] =	vst v6;
	s6 =	smov.u32 s13  }
0xd1: {  	s18 =	sadd.s32 $0x200, s18;
	[tilespmem:s6+$0x0] =	vst v7;
	v7 =	vadd.s32 $0x4E20, v9;
	v6 =	vld [tilespmem:s6+$0x60]  }
0xd2: {  	[tilespmem:s6+$0x10] =	vst v7;
	v5 =	vadd.s32 $0x4E20, v5;
	v63 =	vld [tilespmem:s6+$0x70]  }
0xd3: {  	[tilespmem:s6+$0x20] =	vst v5;
	v3 =	vadd.s32 $0x4E20, v3  }
0xd4: {  	[tilespmem:s6+$0x30] =	vst v3;
	v2 =	vadd.s32 $0x4E20, v2  }
0xd5: {  	[tilespmem:s6+$0x40] =	vst v2;
	v2 =	vadd.s32 $0x4E20, v4  }
0xd6: {  	[tilespmem:s6+$0x50] =	vst v2;
	v2 =	vadd.s32 $0x4E20, v6  }
0xd7: {  	[tilespmem:s6+$0x60] =	vst v2;
	v2 =	vadd.s32 $0x4E20, v63  }
0xd8: {  	s18 =	simm.s32 $0x0;
	[tilespmem:s6+$0x70] =	vst v2;
	s6 =	simm.s32 $0x80  }
.LBB2_10:
0xd9: {  	p1 =	sne.s32 s6, $0x3F80;
	[tilespmem:s18+$0xA000] =	vst v1;
	s13 =	smov.u32 s6;
	s6 =	sadd.s32 $0x80, s6  }
.Ltmp4:
0xda: {  	[tilespmem:s18+$0xA010] =	vst v1;
	(pc) =	sbr.rel @p1 .LBB2_10-.Ltmp4, $2  }
0xdb: {  	_ =	sdelay $0x2  }
0xdc: {  	s18 =	sshra.s32 s13, $0x2  }
0xdd: {  	[tilespmem:s18+$0xA000] =	vst v1  }
0xde: {  	[tilespmem:s18+$0xA010] =	vst v1  }
0xdf: {  	[spmem:s7] =	stream.linear.scatter [tilespmem:s21], [sflag:$0x9], $0x1000, $0x38;
	[tilespmem:$0x13000] =	vst v63  }
0xe0: {  	_ =	swait.ge [sflag:s19], $0x1000  }
0xe1: {  	[sflag:s19] =	ssyncset.done $0x0  }
0xe2: {  	[sflag:s19] =	ssyncadd.s32 $0xFFFFF000  }
0xe3: {  	[spmem:s8] =	stream.linear.scatter [tilespmem:s21], [sflag:$0x9], $0x1000, $0x38;
	[tilespmem:$0x13000] =	vst v63  }
0xe4: {  	_ =	swait.ge [sflag:s19], $0x1000  }
0xe5: {  	[sflag:s19] =	ssyncset.done $0x0  }
0xe6: {  	[sflag:s19] =	ssyncadd.s32 $0xFFFFF000  }
0xe7: {  	[spmem:s9] =	stream.linear.scatter [tilespmem:s21], [sflag:$0x9], $0x1000, $0x38;
	[tilespmem:$0x13000] =	vst v63  }
0xe8: {  	_ =	swait.ge [sflag:s19], $0x1000  }
0xe9: {  	[sflag:s19] =	ssyncset.done $0x0  }
0xea: {  	[sflag:s19] =	ssyncadd.s32 $0xFFFFF000  }
0xeb: {  	[spmem:s10] =	stream.linear.scatter [tilespmem:s21], [sflag:$0x9], $0x1000, $0x38;
	[tilespmem:$0x13000] =	vst v63  }
0xec: {  	_ =	swait.ge [sflag:s19], $0x1000  }
0xed: {  	[sflag:s19] =	ssyncset.done $0x0  }
0xee: {  	[sflag:s19] =	ssyncadd.s32 $0xFFFFF000  }
0xef: {  	[spmem:s11] =	stream.linear.scatter [tilespmem:s21], [sflag:$0x9], $0x1000, $0x38;
	[tilespmem:$0x13000] =	vst v63  }
0xf0: {  	_ =	swait.ge [sflag:s19], $0x1000  }
0xf1: {  	[sflag:s19] =	ssyncset.done $0x0  }
0xf2: {  	[sflag:s19] =	ssyncadd.s32 $0xFFFFF000  }
0xf3: {  	s6 =	simm.s32 $0x0;
	[bflag:$0x0] =	sbarrier.arrive $0xFFFF  }
0xf4: {  	[tilespmem:s21], [sflag:$0x1] =	stream.indirect.gather [hbm4b:s4+s22], $0x20, s6, s22, $0xb8;
	[tilespmem:$0x13000] =	vst v63  }
0xf5: {  	_ = 	snop  }
0xf6: {  	[tilespmem:s23], [sflag:$0x2] =	stream.indirect.gather [hbm4b:s4+s22], $0x20, s22, s22, $0xb8;
	[tilespmem:$0x13000] =	vst v63  }
0xf7: {  	s18 =	simm.s32 $0x100  }
0xf8: {  	[tilespmem:s25], [sflag:$0x3] =	stream.indirect.gather [hbm4b:s4+s22], $0x20, s18, s22, $0xb8;
	[tilespmem:$0x13000] =	vst v63  }
0xf9: {  	s13 =	simm.s32 $0x180  }
0xfa: {  	[tilespmem:s28], [sflag:$0x4] =	stream.indirect.gather [hbm4b:s4+s22], $0x20, s13, s22, $0xb8;
	[tilespmem:$0x13000] =	vst v63  }
0xfb: {  	_ =	swait.ge [sflag:s29], $0x1000  }
0xfc: {  	[sflag:s29] =	ssyncset.done $0x0  }
0xfd: {  	s18 =	simm.s32 $0x5000;
	[sflag:s29] =	ssyncadd.s32 $0xFFFFF000  }
0xfe: {  	[spmem:s1] =	stream.indirect.scatter.add.f32 [tilespmem:s21], [sflag:$0x5], $0x20, s18, s22, $0xb8;
	[tilespmem:$0x13000] =	vst v63  }
0xff: {  	_ =	swait.ge [sflag:s30], $0x1000  }
0x100: {  	[sflag:s30] =	ssyncset.done $0x0  }
0x101: {  	s13 =	simm.s32 $0x5080;
	[sflag:s30] =	ssyncadd.s32 $0xFFFFF000  }
0x102: {  	[spmem:s1] =	stream.indirect.scatter.add.f32 [tilespmem:s23], [sflag:$0x6], $0x20, s13, s22, $0xb8;
	[tilespmem:$0x13000] =	vst v63  }
0x103: {  	_ =	swait.ge [sflag:s31], $0x1000  }
0x104: {  	[sflag:s31] =	ssyncset.done $0x0  }
0x105: {  	s18 =	simm.s32 $0x5100;
	[sflag:s31] =	ssyncadd.s32 $0xFFFFF000  }
0x106: {  	[spmem:s1] =	stream.indirect.scatter.add.f32 [tilespmem:s25], [sflag:$0x7], $0x20, s18, s22, $0xb8;
	[tilespmem:$0x13000] =	vst v63  }
0x107: {  	_ =	swait.ge [sflag:s0], $0x1000  }
0x108: {  	[sflag:s0] =	ssyncset.done $0x0  }
0x109: {  	s13 =	simm.s32 $0x5180;
	[sflag:s0] =	ssyncadd.s32 $0xFFFFF000  }
0x10a: {  	[spmem:s1] =	stream.indirect.scatter.add.f32 [tilespmem:s28], [sflag:$0x8], $0x20, s13, s22, $0xb8;
	[tilespmem:$0x13000] =	vst v63  }
0x10b: {  	_ =	swait.ge [sflag:s20], $0x1000  }
0x10c: {  	[sflag:s20] =	ssyncset.done $0x0  }
0x10d: {  	s18 =	simm.s32 $0x200;
	[sflag:s20] =	ssyncadd.s32 $0xFFFFF000  }
0x10e: {  	[tilespmem:s21], [sflag:$0x1] =	stream.indirect.gather [hbm4b:s4+s22], $0x20, s18, s22, $0xb8;
	[tilespmem:$0x13000] =	vst v63  }
0x10f: {  	_ =	swait.ge [sflag:s2], $0x1000  }
0x110: {  	[sflag:s2] =	ssyncset.done $0x0  }
0x111: {  	s13 =	simm.s32 $0x280;
	[sflag:s2] =	ssyncadd.s32 $0xFFFFF000  }
0x112: {  	[tilespmem:s23], [sflag:$0x2] =	stream.indirect.gather [hbm4b:s4+s22], $0x20, s13, s22, $0xb8;
	[tilespmem:$0x13000] =	vst v63  }
0x113: {  	_ =	swait.ge [sflag:s3], $0x1000  }
0x114: {  	[sflag:s3] =	ssyncset.done $0x0  }
0x115: {  	s18 =	simm.s32 $0x300;
	[sflag:s3] =	ssyncadd.s32 $0xFFFFF000  }
0x116: {  	[tilespmem:s25], [sflag:$0x3] =	stream.indirect.gather [hbm4b:s4+s22], $0x20, s18, s22, $0xb8;
	[tilespmem:$0x13000] =	vst v63  }
0x117: {  	_ =	swait.ge [sflag:s5], $0x1000  }
0x118: {  	[sflag:s5] =	ssyncset.done $0x0  }
0x119: {  	s6 =	simm.s32 $0x380;
	s18 =	simm.s32 $0x800;
	[sflag:s5] =	ssyncadd.s32 $0xFFFFF000  }
.LBB2_12:
0x11a: {  	[tilespmem:s28], [sflag:$0x4] =	stream.indirect.gather [hbm4b:s4+s22], $0x20, s6, s22, $0xb8;
	[tilespmem:$0x13000] =	vst v63  }
0x11b: {  	s6 =	smov.u32 s18  }
0x11c: {  	p1 =	sne.s32 s18, $0x13000;
	s18 =	sadd.s32 $0x800, s18;
	_ =	swait.ge [sflag:s29], $0x1000  }
0x11d: {  	s6 =	sshra.s32 s6, $0x2;
	[sflag:s29] =	ssyncset.done $0x0  }
0x11e: {  	s13 =	sadd.s32 $0x5000, s6;
	[sflag:s29] =	ssyncadd.s32 $0xFFFFF000  }
0x11f: {  	[spmem:s1] =	stream.indirect.scatter.add.f32 [tilespmem:s21], [sflag:$0x5], $0x20, s13, s22, $0xb8;
	[tilespmem:$0x13000] =	vst v63  }
0x120: {  	_ =	swait.ge [sflag:s30], $0x1000  }
0x121: {  	[sflag:s30] =	ssyncset.done $0x0  }
0x122: {  	s13 =	sadd.s32 $0x5080, s6;
	[sflag:s30] =	ssyncadd.s32 $0xFFFFF000  }
0x123: {  	[spmem:s1] =	stream.indirect.scatter.add.f32 [tilespmem:s23], [sflag:$0x6], $0x20, s13, s22, $0xb8;
	[tilespmem:$0x13000] =	vst v63  }
0x124: {  	_ =	swait.ge [sflag:s31], $0x1000  }
0x125: {  	[sflag:s31] =	ssyncset.done $0x0  }
0x126: {  	s13 =	sadd.s32 $0x5100, s6;
	[sflag:s31] =	ssyncadd.s32 $0xFFFFF000  }
0x127: {  	[spmem:s1] =	stream.indirect.scatter.add.f32 [tilespmem:s25], [sflag:$0x7], $0x20, s13, s22, $0xb8;
	[tilespmem:$0x13000] =	vst v63  }
0x128: {  	_ =	swait.ge [sflag:s0], $0x1000  }
0x129: {  	[sflag:s0] =	ssyncset.done $0x0  }
0x12a: {  	s13 =	sadd.s32 $0x5180, s6;
	[sflag:s0] =	ssyncadd.s32 $0xFFFFF000  }
0x12b: {  	[spmem:s1] =	stream.indirect.scatter.add.f32 [tilespmem:s28], [sflag:$0x8], $0x20, s13, s22, $0xb8;
	[tilespmem:$0x13000] =	vst v63  }
0x12c: {  	_ =	swait.ge [sflag:s20], $0x1000  }
0x12d: {  	[sflag:s20] =	ssyncset.done $0x0  }
0x12e: {  	s13 =	sadd.s32 $0x200, s6;
	[sflag:s20] =	ssyncadd.s32 $0xFFFFF000  }
0x12f: {  	[tilespmem:s21], [sflag:$0x1] =	stream.indirect.gather [hbm4b:s4+s22], $0x20, s13, s22, $0xb8;
	[tilespmem:$0x13000] =	vst v63  }
0x130: {  	_ =	swait.ge [sflag:s2], $0x1000  }
0x131: {  	[sflag:s2] =	ssyncset.done $0x0  }
0x132: {  	s13 =	sadd.s32 $0x280, s6;
	[sflag:s2] =	ssyncadd.s32 $0xFFFFF000  }
0x133: {  	[tilespmem:s23], [sflag:$0x2] =	stream.indirect.gather [hbm4b:s4+s22], $0x20, s13, s22, $0xb8;
	[tilespmem:$0x13000] =	vst v63  }
0x134: {  	_ =	swait.ge [sflag:s3], $0x1000  }
0x135: {  	[sflag:s3] =	ssyncset.done $0x0  }
.Ltmp5:
0x136: {  	s13 =	sadd.s32 $0x300, s6;
	[sflag:s3] =	ssyncadd.s32 $0xFFFFF000;
	(pc) =	sbr.rel @p1 .LBB2_12-.Ltmp5, $4  }
0x137: {  	[tilespmem:s25], [sflag:$0x3] =	stream.indirect.gather [hbm4b:s4+s22], $0x20, s13, s22, $0xb8;
	[tilespmem:$0x13000] =	vst v63  }
0x138: {  	_ =	swait.ge [sflag:s5], $0x1000  }
0x139: {  	[sflag:s5] =	ssyncset.done $0x0  }
0x13a: {  	s6 =	sadd.s32 $0x380, s6;
	[sflag:s5] =	ssyncadd.s32 $0xFFFFF000  }
0x13b: {  	[tilespmem:s28], [sflag:$0x4] =	stream.indirect.gather [hbm4b:s4+s22], $0x20, s6, s22, $0xb8;
	[tilespmem:$0x13000] =	vst v63  }
0x13c: {  	_ =	swait.ge [sflag:s29], $0x1000  }
0x13d: {  	[sflag:s29] =	ssyncset.done $0x0  }
0x13e: {  	s18 =	simm.s32 $0x9E00;
	[sflag:s29] =	ssyncadd.s32 $0xFFFFF000  }
0x13f: {  	[spmem:s1] =	stream.indirect.scatter.add.f32 [tilespmem:s21], [sflag:$0x5], $0x20, s18, s22, $0xb8;
	[tilespmem:$0x13000] =	vst v63  }
0x140: {  	_ =	swait.ge [sflag:s30], $0x1000  }
0x141: {  	[sflag:s30] =	ssyncset.done $0x0  }
0x142: {  	s13 =	simm.s32 $0x9E80;
	[sflag:s30] =	ssyncadd.s32 $0xFFFFF000  }
0x143: {  	[spmem:s1] =	stream.indirect.scatter.add.f32 [tilespmem:s23], [sflag:$0x6], $0x20, s13, s22, $0xb8;
	[tilespmem:$0x13000] =	vst v63  }
0x144: {  	_ =	swait.ge [sflag:s31], $0x1000  }
0x145: {  	[sflag:s31] =	ssyncset.done $0x0  }
0x146: {  	[sflag:s31] =	ssyncadd.s32 $0xFFFFF000  }
0x147: {  	[spmem:s1] =	stream.indirect.scatter.add.f32 [tilespmem:s25], [sflag:$0x7], $0x20, s14, s22, $0xb8;
	[tilespmem:$0x13000] =	vst v63  }
0x148: {  	_ =	swait.ge [sflag:s0], $0x1000  }
0x149: {  	[sflag:s0] =	ssyncset.done $0x0  }
0x14a: {  	[sflag:s0] =	ssyncadd.s32 $0xFFFFF000  }
0x14b: {  	[spmem:s1] =	stream.indirect.scatter.add.f32 [tilespmem:s28], [sflag:$0x8], $0x20, s24, s22, $0xb8;
	[tilespmem:$0x13000] =	vst v63  }
0x14c: {  	_ =	swait.ge [sflag:s20], $0x1000  }
0x14d: {  	[sflag:s20] =	ssyncset.done $0x0  }
0x14e: {  	[sflag:s20] =	ssyncadd.s32 $0xFFFFF000  }
0x14f: {  	_ =	swait.ge [sflag:s2], $0x1000  }
0x150: {  	[sflag:s2] =	ssyncset.done $0x0  }
0x151: {  	[sflag:s2] =	ssyncadd.s32 $0xFFFFF000  }
0x152: {  	_ =	swait.ge [sflag:s3], $0x1000  }
0x153: {  	[sflag:s3] =	ssyncset.done $0x0  }
0x154: {  	[sflag:s3] =	ssyncadd.s32 $0xFFFFF000  }
0x155: {  	_ =	swait.ge [sflag:s5], $0x1000  }
0x156: {  	[sflag:s5] =	ssyncset.done $0x0  }
0x157: {  	[sflag:s5] =	ssyncadd.s32 $0xFFFFF000  }
0x158: {  	[bflag:$0x0] =	sbarrier.arrive $0xFFFF  }
0x159: {  	s13 =	rddreg [dreg:$0x8]  }
0x15a: {  	[hbm:s13], [sflag:s16] =	dma.local [spmem:s17], $0x9C0  }
0x15b: {  	_ =	swait.ge [sflag:s19], $0x9C0  }
0x15c: {  	[sflag:s19] =	ssyncset.done $0x0  }
0x15d: {  	s6 =	rddreg [dreg:$0x9];
	[sflag:s19] =	ssyncadd.s32 $0xFFFFF640  }
0x15e: {  	[hbm:s6], [sflag:s16] =	dma.local @!p0 [spmem:s26], $0x40  }
0x15f: {  	s6 =	simm.s32 @!p0 $0x9  }
0x160: {  	_ =	swait.ge @!p0 [sflag:s6], $0x40  }
0x161: {  	s15 =	sadd.s32 $0x1, s15;
	s13 =	rddreg [dreg:$0xa]  }
0x162: {  	p1 =	sne.s32 s15, s13  }
.Ltmp6:
0x163: {  	_ = 	snop;
	(pc) =	sbr.rel @p1 .LBB2_1-.Ltmp6, $3  }
0x164: {  	_ =	sdelay $0x1  }
0x165: {  	[sflag:s6] =	ssyncset.done @!p0 $0x0  }
0x166: {  	[sflag:s6] =	ssyncadd.s32 @!p0 $0xFFFFFFC0  }
0x167: {  	_ =	sfence.sel $0x180000  }
0x168: {  	[bflag:$0x0] =	sbarrier.arrive $0xFFFF  }
0x169: {  	_ =	strace $0x9000004D  }
0x16a: {  	s0 =	stileid.u32;
	[bflag:$0x2] =	sbarrier.arrive $0xFFFF  }
0x16b: {  	p0 =	sne.s32 s0, $0x0;
	s0 =	rddreg [dreg:$0x2]  }
0x16c: {  	s0 =	sadd.s32 @!p0 $0x100000, s0  }
0x16d: {  	[sflag:s0] =	ssyncadd.tile.s32 @!p0 $0x1;
	_ =	shalt  }
.Lfunc_end2:
_tile_overlayer_lowered:
.L_overlay_start_2:
0x16e: {  	(tag) =	ssettag $0x2  }
0x16f: {  	s0 =	rddreg [dreg:$0x0];
	s2 =	stileid.u32  }
0x170: {  	s1 =	rddreg [dreg:$0x1];
	p0 =	sne.s32 s2, $0x0  }
0x171: {  	s3 =	rddreg [dreg:$0x2];
	[bflag:$0x3] =	sbarrier.arrive $0xFFFF;
	s2 =	simm.s32 @!p0 $0x1C09  }
0x172: {  	[timem:s3], [sflag:s2] =	dma.local @!p0 [hbm:s0], s1  }
0x173: {  	s0 =	simm.s32 @!p0 $0x9  }
0x174: {  	_ =	swait.ge @!p0 [sflag:s0], s1  }
0x175: {  	s1 =	ssub.s32 @!p0 $0x0, s1;
	[sflag:s0] =	ssyncset.done @!p0 $0x0  }
0x176: {  	[sflag:s0] =	ssyncadd.s32 @!p0 s1  }
0x177: {  	[bflag:$0x3] =	sbarrier.arrive $0xFFFF  }
0x178: {  	_ =	shalt  }

// kernel: kernel.20.cloned.1.call-start
scs
__scs_entry_jumppad:
0x0: {  	(pc) =	sbr.rel $0x88, $3  }
0x1: {  	(tag) =	ssettag $0x0;
	lr =	simm.s32 $0x1  }
0x2: {  	[smem:$0x3F97] =	sst lr;
	_ =	strace $0xD0000000  }
0x3: {  	_ = 	snop  }
0x4: {  	_ = 	snop  }
0x5: {  	_ = 	snop  }
0x6: {  	_ = 	snop  }
0x7: {  	_ = 	snop  }
__scs_overlays_trampoline_lowered:
0x8: {  	[smem:$0x3FA6] =	sst s0  }
0x9: {  	[smem:$0x3FA7] =	sst s1  }
0xa: {  	[smem:$0x3FA8] =	sst s2  }
0xb: {  	[smem:$0x3FA9] =	sst s3  }
0xc: {  	[smem:$0x3FAA] =	sst s4  }
0xd: {  	[smem:$0x3FAB] =	sst s5  }
0xe: {  	[smem:$0x3FAC] =	sst s6  }
0xf: {  	[smem:$0x3FAD] =	sst s7  }
0x10: {  	[smem:$0x3FAE] =	sst s8  }
0x11: {  	[smem:$0x3FAF] =	sst s9;
	s0 =	simm.s32 @!p0 $0x0  }
0x12: {  	s1 =	sld [smem:$0x3F95];
	s0 =	simm.s32 @p0 $0x1  }
0x13: {  	[smem:$0x3FB0] =	sst s0;
	s0 =	simm.s32 @!p1 $0x0  }
0x14: {  	s2 =	sld [smem:$0x3F94];
	s0 =	simm.s32 @p1 $0x1  }
0x15: {  	[smem:$0x3FB1] =	sst s0;
	s0 =	simm.s32 @!p2 $0x0  }
0x16: {  	s3 =	sld [smem:$0x3FDB];
	s0 =	simm.s32 @p2 $0x1  }
0x17: {  	s4 =	simm.s32 $0x1BF5;
	[smem:$0x3FB3] =	sst s0  }
0x18: {  	s0 =	sld [smem:$0x3F96];
	_ =	swait.ge [sflag:s4], $0x0  }
0x19: {  	s7 =	sld [smem:$0x3F97]  }
0x1a: {  	s8 =	sadd.s32 $0xFFFFE003, lr  }
0x1b: {  	s9 =	sadd.s32 $0xFFFFFEF7, lr;
	s5 =	simm.s32 $0xFFFFFFFF;
	p2 =	slt.u32 s8, $0xFFFFF086  }
0x1c: {  	p1 =	slt.u32 s9, $0xF7A;
	s5 =	simm.s32 @!p2 $0x0  }
0x1d: {  	s5 =	simm.s32 @p1 $0x1;
	p0 =	seq.s32 s7, s2  }
0x1e: {  	s7 =	smul.u32 @!p0 $0xF7A, s2;
	p2 =	seq.s32 @!p0 s5, $0x0  }
0x1f: {  	s9 =	smul.u32 $0xF7A, s1;
	s8 =	simm.s32 @!p0 $0x1BF5;
	p2 =	por !p2, p0  }
0x20: {  	[sflag:s8] =	ssyncset.s32 @!p0 $0xFFFFF086;
	s6 =	sadd.s32 @!p0 s3, s7;
	s7 =	simm.s32 @!p0 $0x108  }
0x21: {  	s3 =	sadd.s32 s3, s9;
	s6 =	sadd.s32 @!p0 $0x88, s6;
	s7 =	simm.s32 @p2 $0x1082  }
0x22: {  	[simem:s7], [sflag:s8] =	dma.local @!p0 [hbm:s6], $0xF7A  }
0x23: {  	s9 =	sor.u32 $0xD0000000, s2;
	s6 =	simm.s32 $0x108;
	_ =	swait.ge @!p0 [sflag:s8], $0x0  }
0x24: {  	s3 =	sadd.s32 $0x88, s3;
	s6 =	simm.s32 @!p1 $0x1082;
	[sflag:s4] =	ssyncset.s32 $0xFFFFF086  }
0x25: {  	[simem:s6], [sflag:s4] =	dma.local [hbm:s3], $0xF7A  }
0x26: {  	[smem:$0x3F97] =	sst s1;
	(tag) =	ssettag s2;
	_ =	strace s9  }
0x27: {  	s1 =	sld [smem:$0x3FA7]  }
0x28: {  	s2 =	sld [smem:$0x3FA8]  }
0x29: {  	s4 =	sld [smem:$0x3FAA]  }
0x2a: {  	p0 =	seq.s32 s5, $0x0;
	s5 =	sld [smem:$0x3FAB]  }
0x2b: {  	s6 =	sld [smem:$0x3FAC]  }
0x2c: {  	s7 =	sld [smem:$0x3FAD]  }
0x2d: {  	s3 =	simm.s32 $0x108;
	s8 =	sld [smem:$0x3FAE]  }
0x2e: {  	s3 =	simm.s32 @!p0 $0x1082;
	s9 =	sld [smem:$0x3FAF]  }
0x2f: {  	lr =	sadd.s32 s0, s3;
	s0 =	sld [smem:$0x3FA6]  }
0x30: {  	s3 =	sld [smem:$0x3FA9]  }
0x31: {  	[smem:$0x3FB2] =	sst s10  }
0x32: {  	s10 =	sld [smem:$0x3FB0];
	_ =	sdelay $0x3  }
0x33: {  	p0 =	seq.s32 s10, $0x1;
	s10 =	sld [smem:$0x3FB2];
	_ =	sdelay $0x3  }
0x34: {  	[smem:$0x3FB2] =	sst s10  }
0x35: {  	s10 =	sld [smem:$0x3FB1];
	_ =	sdelay $0x3  }
0x36: {  	p1 =	seq.s32 s10, $0x1;
	s10 =	sld [smem:$0x3FB2];
	_ =	sdelay $0x3  }
0x37: {  	[smem:$0x3FB2] =	sst s10  }
0x38: {  	s10 =	sld [smem:$0x3FB3]  }
0x39: {  	_ = 	snop;
	(pc) =	sbr.ind lr, $3  }
0x3a: {  	_ = 	snop  }
0x3b: {  	_ = 	snop  }
0x3c: {  	p2 =	seq.s32 s10, $0x1;
	s10 =	sld [smem:$0x3FB2]  }
0x3d: {  	_ =	shalt  }
0x3e: {  	_ =	shalt  }
0x3f: {  	_ =	shalt  }
0x40: {  	_ =	shalt  }
0x41: {  	_ =	shalt  }
0x42: {  	_ =	shalt  }
0x43: {  	_ =	shalt  }
0x44: {  	_ =	shalt  }
0x45: {  	_ =	shalt  }
0x46: {  	_ =	shalt  }
0x47: {  	_ =	shalt  }
0x48: {  	_ =	shalt  }
0x49: {  	_ =	shalt  }
0x4a: {  	_ =	shalt  }
0x4b: {  	_ =	shalt  }
0x4c: {  	_ =	shalt  }
0x4d: {  	_ =	shalt  }
0x4e: {  	_ =	shalt  }
0x4f: {  	_ =	shalt  }
0x50: {  	_ =	shalt  }
0x51: {  	_ =	shalt  }
0x52: {  	_ =	shalt  }
0x53: {  	_ =	shalt  }
0x54: {  	_ =	shalt  }
0x55: {  	_ =	shalt  }
0x56: {  	_ =	shalt  }
0x57: {  	_ =	shalt  }
0x58: {  	_ =	shalt  }
0x59: {  	_ =	shalt  }
0x5a: {  	_ =	shalt  }
0x5b: {  	_ =	shalt  }
0x5c: {  	_ =	shalt  }
0x5d: {  	_ =	shalt  }
0x5e: {  	_ =	shalt  }
0x5f: {  	_ =	shalt  }
0x60: {  	_ =	shalt  }
0x61: {  	_ =	shalt  }
0x62: {  	_ =	shalt  }
0x63: {  	_ =	shalt  }
0x64: {  	_ =	shalt  }
0x65: {  	_ =	shalt  }
0x66: {  	_ =	shalt  }
0x67: {  	_ =	shalt  }
0x68: {  	_ =	shalt  }
0x69: {  	_ =	shalt  }
0x6a: {  	_ =	shalt  }
0x6b: {  	_ =	shalt  }
0x6c: {  	_ =	shalt  }
0x6d: {  	_ =	shalt  }
0x6e: {  	_ =	shalt  }
0x6f: {  	_ =	shalt  }
0x70: {  	_ =	shalt  }
0x71: {  	_ =	shalt  }
0x72: {  	_ =	shalt  }
0x73: {  	_ =	shalt  }
0x74: {  	_ =	shalt  }
0x75: {  	_ =	shalt  }
0x76: {  	_ =	shalt  }
0x77: {  	_ =	shalt  }
0x78: {  	_ =	shalt  }
0x79: {  	_ =	shalt  }
0x7a: {  	_ =	shalt  }
0x7b: {  	_ =	shalt  }
0x7c: {  	_ =	shalt  }
0x7d: {  	_ =	shalt  }
0x7e: {  	_ =	shalt  }
0x7f: {  	_ =	shalt  }
0x80: {  	_ =	shalt  }
0x81: {  	_ =	shalt  }
0x82: {  	_ =	shalt  }
0x83: {  	_ =	shalt  }
0x84: {  	_ =	shalt  }
0x85: {  	_ =	shalt  }
0x86: {  	_ =	shalt  }
0x87: {  	_ =	shalt  }
.Lfunc_end0:
.L_simem_size_0:
called_computation.3_lowered:
.L_overlay_start_0:
0x88: {  	s2 =	sld [smem:$0x3FD9]  }
0x89: {  	s3 =	sld [smem:$0x3FFE];
	_ =	sdelay $0x1  }
0x8a: {  	s1 =	srdreg.scid  }
0x8b: {  	s0 =	sand.u32 $0x1, s1  }
0x8c: {  	s17 =	sshll.u32 s0, $0xA;
	s2 =	sadd.s32 s3, s2  }
0x8d: {  	s2 =	sadd.s32 s2, s17  }
0x8e: {  	[smem:$0x3FBE] =	sst s2  }
0x8f: {  	_ = 	snop  }
0x90: {  	s2 =	sld [smem:$0x3FD0];
	(tm) =	ssettm $0x1  }
0x91: {  	s18 =	sld [smem:$0x3FFB];
	_ =	sdelay $0x3  }
0x92: {  	_ =	strace s18  }
0x93: {  	s3 =	sld [smem:$0x3FFC];
	_ =	sdelay $0x3  }
0x94: {  	_ =	strace s3  }
0x95: {  	s3 =	sld [smem:$0x3FFD];
	_ =	sdelay $0x3  }
0x96: {  	_ =	strace s3  }
0x97: {  	_ =	strace $0x8FFFFFFF  }
0x98: {  	s19 =	sld [smem:$0x3FDB];
	_ =	sdelay $0x1  }
0x99: {  	s4 =	simm.s32 $_scs_section_size  }
0x9a: {  	s5 =	simm.s32 $_size__tile_overlayer_lowered;
	s6 =	simm.s32 $_tile_overlayer_lowered  }
0x9b: {  	s22 =	simm.s32 $0x1BFF;
	s21 =	sshll.u32 s6, $0x1;
	s3 =	sadd.s32 s4, s19  }
0x9c: {  	s7 =	simm.s32 $0x0;
	s20 =	sshll.u32 s5, $0x1;
	s5 =	sadd.s32 s21, s3  }
0x9d: {  	[timem:s7], [sflag:s22] =	dma.local [hbm:s5], s20  }
0x9e: {  	_ =	swait.ge [sflag:s22], s20  }
0x9f: {  	s4 =	ssub.s32 $0x0, s20;
	[sflag:s22] =	ssyncset.done $0x0  }
0xa0: {  	[sflag:s22] =	ssyncadd.s32 s4;
	_ =	sdelay $0x1  }
0xa1: {  	s23 =	simm.s32 $0x1B8B  }
0xa2: {  	_ =	swait.ge [sflag:s23], $0x1  }
0xa3: {  	[sflag:s23] =	ssyncset.done $0x0  }
0xa4: {  	s25 =	simm.s32 $0x1B8E;
	s24 =	sld [smem:$0x3FFE];
	[sflag:s23] =	ssyncadd.s32 $0xFFFFFFFF  }
0xa5: {  	s26 =	simm.s32 $execute0_lowered;
	[smem:$0x3FD2] =	sst s25  }
0xa6: {  	s5 =	sshll.u32 s26, $0x1;
	_ =	strace $0x8000004F;
	[dreg:$0x1] =	wrdreg $0xFFFFFFFF  }
0xa7: {  	s28 =	simm.s32 $_size_execute0_lowered;
	s3 =	sadd.s32 s3, s5;
	[dreg:$0x0] =	wrdreg $0x0  }
0xa8: {  	s5 =	sshll.u32 s28, $0x1;
	[dreg:$0x2] =	wrdreg s3  }
0xa9: {  	[dreg:$0x3] =	wrdreg s5  }
0xaa: {  	[dreg:$0x4] =	wrdreg $0xC0  }
0xab: {  	_ =	task [dreg:s7], $0x5FFFF  }
0xac: {  	[dreg:$0x1] =	wrdreg $0xFFFFFFFF  }
0xad: {  	[dreg:$0x0] =	wrdreg $0x60  }
0xae: {  	[dreg:$0x2] =	wrdreg s2  }
0xaf: {  	[dreg:$0x3] =	wrdreg s24  }
0xb0: {  	[dreg:$0x4] =	wrdreg $0x70000  }
0xb1: {  	[dreg:$0x5] =	wrdreg $0x9  }
0xb2: {  	_ =	task.clear_ibuf [dreg:s7], $0x6FFFF;
	_ =	strace $0x9000004F  }
0xb3: {  	s29 =	simm.s32 $0x9;
	_ =	strace $0x80000051  }
0xb4: {  	_ =	swait.ge [sflag:s29], $0x1  }
0xb5: {  	[sflag:s29] =	ssyncadd.s32 $0xFFFFFFFF  }
0xb6: {  	_ =	strace $0x90000051  }
0xb7: {  	_ =	sfence  }
0xb8: {  	s30 =	sld [smem:$0x0];
	_ =	sdelay $0x2  }
0xb9: {  	s31 =	sshll.u32 s1, $0xD;
	s1 =	sshrl.u32 s1, $0x2  }
0xba: {  	s3 =	sand.u32 $0x4000, s31;
	s1 =	sadd.s32 s1, s30  }
0xbb: {  	s0 =	sor.u32 s3, s0;
	s1 =	sshll.u32 s1, $0x11  }
0xbc: {  	s0 =	sor.u32 s1, s0  }
0xbd: {  	s0 =	sadd.s32 $0x8F2B, s0  }
0xbe: {  	[sflag:s0] =	ssyncadd.remote.s32 $0x1  }
0xbf: {  	_ =	sfence.sel $0xFFFF  }
0xc0: {  	[dreg:$0x0] =	wrdreg $0xFFFFFFFF;
	(pc) =	sbr.abs _section_cstart, $3  }
0xc1: {  	[dreg:$0x1] =	wrdreg $0xFFFFFFFF  }
0xc2: {  	_ =	task.clear_ibuf [dreg:s7], $0x2FFFF;
	_ =	strace $0x9FFFFFFF  }
0xc3: {  	(tm) =	ssettm $0x7FFFFFFF  }
tec
execute0_lowered:
.L_overlay_start_1:
0x0: {  	(tag) =	ssettag $0x1  }
0x1: {  	s0 =	rddreg [dreg:$0x0]  }
0x2: {  	s1 =	rddreg [dreg:$0x1];
	s2 =	srdreg.scid  }
0x3: {  	s3 =	rddreg [dreg:$0x2];
	s16 =	stileid.u32;
	s6 =	simm.s32 $0x0  }
0x4: {  	s15 =	simm.s32 $0x9;
	s17 =	simm.s32 $0x5000;
	s18 =	simm.s32 $0x80  }
0x5: {  	s19 =	simm.s32 $0x5800;
	s21 =	simm.s32 $0x6000;
	s28 =	simm.s32 $0x2  }
0x6: {  	s29 =	simm.s32 $0x3;
	s30 =	simm.s32 $0x4;
	s5 =	smul.u32 $0x50, s16  }
0x7: {  	s31 =	simm.s32 $0x5;
	s20 =	simm.s32 $0x0;
	s23 =	smul.u32 $0xA000, s16  }
0x8: {  	s2 =	sand.u32 $0x1, s2;
	[smem:$0x7FF] =	sst s6;
	s13 =	smul.u32 $0x2700, s16  }
0x9: {  	p0 =	sne.s32 s16, $0xF;
	s16 =	simm.s32 $0x7;
	s4 =	smul.u32 $0x500, s2  }
0xa: {  	_ =	strace $0x80000050;
	s22 =	ssub.s32 $0x2, s2;
	s2 =	smul.u32 $0x27100, s2  }
0xb: {  	s7 =	sshrl.u32 s22, $0x1;
	s6 =	sshrl.u32 s23, $0x2;
	s26 =	sadd.s32 s13, s3  }
0xc: {  	s23 =	simm.s32 $0x6800;
	s4 =	sadd.s32 s5, s4;
	s14 =	ssub.s32 s22, s7  }
0xd: {  	s6 =	sadd.s32 s6, s3;
	s25 =	sadd.s32 s13, s2;
	s2 =	sshrl.u32 s2, $0x3  }
0xe: {  	s4 =	sshll.u32 s4, $0x4;
	s8 =	sadd.s32 $0x800, s6;
	s9 =	sadd.s32 $0x1000, s6  }
0xf: {  	s10 =	sadd.s32 $0x1800, s6;
	s11 =	sadd.s32 $0x2000, s6;
	s4 =	sadd.s32 s4, s1  }
0x10: {  	s14 =	smax.u32 s14, $0x1;
	s1 =	sadd.s32 $0x16200, s1;
	s24 =	sadd.s32 $0xC200, s4  }
0x11: {  	s7 =	sadd.s32 $0x2200, s4;
	s4 =	sshrl.u32 s25, $0x3;
	s2 =	sadd.s32 s1, s2  }
0x12: {  	[dreg:$0x4] =	wrdreg s24;
	s12 =	sadd.s32 s1, s4;
	s13 =	sadd.s32 $0x4E00, s2  }
0x13: {  	s2 =	sadd.s32 $0x27000, s3;
	s24 =	sshrl.u32 s26, $0x3;
	s26 =	simm.s32 $0x1  }
0x14: {  	v0 =	vimm.f32 $0.0e+00;
	s1 =	simm.s32 $0x6;
	s25 =	sshrl.u32 @!p0 s2, $0x3;
	s2 =	simm.s32 $0x8  }
.LBB2_1:
0x15: {  	s4 =	simm.s32 $0x0;
	s5 =	rddreg [dreg:$0x4]  }
0x16: {  	[tilespmem:s4], [sflag:$0x9] =	stream.linear.gather [hbm4b:s5+s4], $0x2800, $0x38;
	[tilespmem:$0x9800] =	vst v63  }
0x17: {  	_ =	swait.ge [sflag:s15], $0x2800  }
0x18: {  	[sflag:s15] =	ssyncset.done $0x0  }
0x19: {  	s22 =	simm.s32 $0x2800;
	[sflag:s15] =	ssyncadd.s32 $0xFFFFD800  }
0x1a: {  	[tilespmem:s22], [sflag:$0x9] =	stream.linear.gather [hbm4b:s7+s4], $0x2800, $0x38;
	[tilespmem:$0x9800] =	vst v63  }
0x1b: {  	_ =	swait.ge [sflag:s15], $0x2800  }
0x1c: {  	[sflag:s15] =	ssyncset.done $0x0  }
0x1d: {  	s4 =	simm.s32 $0x40;
	s22 =	simm.s32 $0x0;
	[sflag:s15] =	ssyncadd.s32 $0xFFFFD800  }
.LBB2_2:
0x1e: {  	p1 =	sne.s32 s4, $0x1FC0;
	[tilespmem:s22+$0x5000] =	vst v0;
	s22 =	smov.u32 s4;
	s4 =	sadd.s32 $0x40, s4  }
.Ltmp0:
0x1f: {  	(pc) =	sbr.rel @p1 .LBB2_2-.Ltmp0, $2  }
0x20: {  	_ =	sdelay $0x2  }
0x21: {  	s22 =	sshra.s32 s22, $0x2  }
0x22: {  	[tilespmem:s22+$0x5000] =	vst v0  }
0x23: {  	[spmem:s6] =	stream.linear.scatter [tilespmem:s17], [sflag:$0x9], $0x800, $0x38;
	[tilespmem:$0x9800] =	vst v63  }
0x24: {  	_ =	swait.ge [sflag:s15], $0x800  }
0x25: {  	[sflag:s15] =	ssyncset.done $0x0  }
0x26: {  	[sflag:s15] =	ssyncadd.s32 $0xFFFFF800  }
0x27: {  	[spmem:s8] =	stream.linear.scatter [tilespmem:s17], [sflag:$0x9], $0x800, $0x38;
	[tilespmem:$0x9800] =	vst v63  }
0x28: {  	_ =	swait.ge [sflag:s15], $0x800  }
0x29: {  	[sflag:s15] =	ssyncset.done $0x0  }
0x2a: {  	[sflag:s15] =	ssyncadd.s32 $0xFFFFF800  }
0x2b: {  	[spmem:s9] =	stream.linear.scatter [tilespmem:s17], [sflag:$0x9], $0x800, $0x38;
	[tilespmem:$0x9800] =	vst v63  }
0x2c: {  	_ =	swait.ge [sflag:s15], $0x800  }
0x2d: {  	[sflag:s15] =	ssyncset.done $0x0  }
0x2e: {  	[sflag:s15] =	ssyncadd.s32 $0xFFFFF800  }
0x2f: {  	[spmem:s10] =	stream.linear.scatter [tilespmem:s17], [sflag:$0x9], $0x800, $0x38;
	[tilespmem:$0x9800] =	vst v63  }
0x30: {  	_ =	swait.ge [sflag:s15], $0x800  }
0x31: {  	[sflag:s15] =	ssyncset.done $0x0  }
0x32: {  	[sflag:s15] =	ssyncadd.s32 $0xFFFFF800  }
0x33: {  	[spmem:s11] =	stream.linear.scatter [tilespmem:s17], [sflag:$0x9], $0x800, $0x38;
	[tilespmem:$0x9800] =	vst v63  }
0x34: {  	_ =	swait.ge [sflag:s15], $0x800  }
0x35: {  	[sflag:s15] =	ssyncset.done $0x0  }
0x36: {  	[sflag:s15] =	ssyncadd.s32 $0xFFFFF800  }
0x37: {  	s4 =	simm.s32 $0x0;
	[bflag:$0x0] =	sbarrier.arrive $0xFFFF  }
0x38: {  	[tilespmem:s17], [sflag:$0x1] =	stream.indirect.gather [hbm4b:s0+s18], $0x10, s4, s18, $0xb8;
	[tilespmem:$0x9800] =	vst v63  }
0x39: {  	_ = 	snop  }
0x3a: {  	[tilespmem:s19], [sflag:$0x2] =	stream.indirect.gather [hbm4b:s0+s18], $0x10, s18, s18, $0xb8;
	[tilespmem:$0x9800] =	vst v63  }
0x3b: {  	s22 =	simm.s32 $0x100  }
0x3c: {  	[tilespmem:s21], [sflag:$0x3] =	stream.indirect.gather [hbm4b:s0+s18], $0x10, s22, s18, $0xb8;
	[tilespmem:$0x9800] =	vst v63  }
0x3d: {  	s5 =	simm.s32 $0x180  }
0x3e: {  	[tilespmem:s23], [sflag:$0x4] =	stream.indirect.gather [hbm4b:s0+s18], $0x10, s5, s18, $0xb8;
	[tilespmem:$0x9800] =	vst v63  }
0x3f: {  	_ =	swait.ge [sflag:s26], $0x800  }
0x40: {  	[sflag:s26] =	ssyncset.done $0x0  }
0x41: {  	s22 =	simm.s32 $0x2800;
	[sflag:s26] =	ssyncadd.s32 $0xFFFFF800  }
0x42: {  	[spmem:s3] =	stream.indirect.scatter.add.f32 [tilespmem:s17], [sflag:$0x5], $0x10, s22, s18, $0xb8;
	[tilespmem:$0x9800] =	vst v63  }
0x43: {  	_ =	swait.ge [sflag:s28], $0x800  }
0x44: {  	[sflag:s28] =	ssyncset.done $0x0  }
0x45: {  	s5 =	simm.s32 $0x2880;
	[sflag:s28] =	ssyncadd.s32 $0xFFFFF800  }
0x46: {  	[spmem:s3] =	stream.indirect.scatter.add.f32 [tilespmem:s19], [sflag:$0x6], $0x10, s5, s18, $0xb8;
	[tilespmem:$0x9800] =	vst v63  }
0x47: {  	_ =	swait.ge [sflag:s29], $0x800  }
0x48: {  	[sflag:s29] =	ssyncset.done $0x0  }
0x49: {  	s22 =	simm.s32 $0x2900;
	[sflag:s29] =	ssyncadd.s32 $0xFFFFF800  }
0x4a: {  	[spmem:s3] =	stream.indirect.scatter.add.f32 [tilespmem:s21], [sflag:$0x7], $0x10, s22, s18, $0xb8;
	[tilespmem:$0x9800] =	vst v63  }
0x4b: {  	_ =	swait.ge [sflag:s30], $0x800  }
0x4c: {  	[sflag:s30] =	ssyncset.done $0x0  }
0x4d: {  	s5 =	simm.s32 $0x2980;
	[sflag:s30] =	ssyncadd.s32 $0xFFFFF800  }
0x4e: {  	[spmem:s3] =	stream.indirect.scatter.add.f32 [tilespmem:s23], [sflag:$0x8], $0x10, s5, s18, $0xb8;
	[tilespmem:$0x9800] =	vst v63  }
0x4f: {  	_ =	swait.ge [sflag:s31], $0x800  }
0x50: {  	[sflag:s31] =	ssyncset.done $0x0  }
0x51: {  	s22 =	simm.s32 $0x200;
	[sflag:s31] =	ssyncadd.s32 $0xFFFFF800  }
0x52: {  	[tilespmem:s17], [sflag:$0x1] =	stream.indirect.gather [hbm4b:s0+s18], $0x10, s22, s18, $0xb8;
	[tilespmem:$0x9800] =	vst v63  }
0x53: {  	_ =	swait.ge [sflag:s1], $0x800  }
0x54: {  	[sflag:s1] =	ssyncset.done $0x0  }
0x55: {  	s5 =	simm.s32 $0x280;
	[sflag:s1] =	ssyncadd.s32 $0xFFFFF800  }
0x56: {  	[tilespmem:s19], [sflag:$0x2] =	stream.indirect.gather [hbm4b:s0+s18], $0x10, s5, s18, $0xb8;
	[tilespmem:$0x9800] =	vst v63  }
0x57: {  	_ =	swait.ge [sflag:s16], $0x800  }
0x58: {  	[sflag:s16] =	ssyncset.done $0x0  }
0x59: {  	s22 =	simm.s32 $0x300;
	[sflag:s16] =	ssyncadd.s32 $0xFFFFF800  }
0x5a: {  	[tilespmem:s21], [sflag:$0x3] =	stream.indirect.gather [hbm4b:s0+s18], $0x10, s22, s18, $0xb8;
	[tilespmem:$0x9800] =	vst v63  }
0x5b: {  	_ =	swait.ge [sflag:s2], $0x800  }
0x5c: {  	[sflag:s2] =	ssyncset.done $0x0  }
0x5d: {  	s4 =	simm.s32 $0x380;
	s22 =	simm.s32 $0x800;
	[sflag:s2] =	ssyncadd.s32 $0xFFFFF800  }
.LBB2_4:
0x5e: {  	[tilespmem:s23], [sflag:$0x4] =	stream.indirect.gather [hbm4b:s0+s18], $0x10, s4, s18, $0xb8;
	[tilespmem:$0x9800] =	vst v63  }
0x5f: {  	s4 =	smov.u32 s22  }
0x60: {  	p1 =	sne.s32 s22, $0x9000;
	s22 =	sadd.s32 $0x800, s22;
	_ =	swait.ge [sflag:s26], $0x800  }
0x61: {  	s4 =	sshra.s32 s4, $0x2;
	[sflag:s26] =	ssyncset.done $0x0  }
0x62: {  	s5 =	sadd.s32 $0x2800, s4;
	[sflag:s26] =	ssyncadd.s32 $0xFFFFF800  }
0x63: {  	[spmem:s3] =	stream.indirect.scatter.add.f32 [tilespmem:s17], [sflag:$0x5], $0x10, s5, s18, $0xb8;
	[tilespmem:$0x9800] =	vst v63  }
0x64: {  	_ =	swait.ge [sflag:s28], $0x800  }
0x65: {  	[sflag:s28] =	ssyncset.done $0x0  }
0x66: {  	s5 =	sadd.s32 $0x2880, s4;
	[sflag:s28] =	ssyncadd.s32 $0xFFFFF800  }
0x67: {  	[spmem:s3] =	stream.indirect.scatter.add.f32 [tilespmem:s19], [sflag:$0x6], $0x10, s5, s18, $0xb8;
	[tilespmem:$0x9800] =	vst v63  }
0x68: {  	_ =	swait.ge [sflag:s29], $0x800  }
0x69: {  	[sflag:s29] =	ssyncset.done $0x0  }
0x6a: {  	s5 =	sadd.s32 $0x2900, s4;
	[sflag:s29] =	ssyncadd.s32 $0xFFFFF800  }
0x6b: {  	[spmem:s3] =	stream.indirect.scatter.add.f32 [tilespmem:s21], [sflag:$0x7], $0x10, s5, s18, $0xb8;
	[tilespmem:$0x9800] =	vst v63  }
0x6c: {  	_ =	swait.ge [sflag:s30], $0x800  }
0x6d: {  	[sflag:s30] =	ssyncset.done $0x0  }
0x6e: {  	s5 =	sadd.s32 $0x2980, s4;
	[sflag:s30] =	ssyncadd.s32 $0xFFFFF800  }
0x6f: {  	[spmem:s3] =	stream.indirect.scatter.add.f32 [tilespmem:s23], [sflag:$0x8], $0x10, s5, s18, $0xb8;
	[tilespmem:$0x9800] =	vst v63  }
0x70: {  	_ =	swait.ge [sflag:s31], $0x800  }
0x71: {  	[sflag:s31] =	ssyncset.done $0x0  }
0x72: {  	s5 =	sadd.s32 $0x200, s4;
	[sflag:s31] =	ssyncadd.s32 $0xFFFFF800  }
0x73: {  	[tilespmem:s17], [sflag:$0x1] =	stream.indirect.gather [hbm4b:s0+s18], $0x10, s5, s18, $0xb8;
	[tilespmem:$0x9800] =	vst v63  }
0x74: {  	_ =	swait.ge [sflag:s1], $0x800  }
0x75: {  	[sflag:s1] =	ssyncset.done $0x0  }
0x76: {  	s5 =	sadd.s32 $0x280, s4;
	[sflag:s1] =	ssyncadd.s32 $0xFFFFF800  }
0x77: {  	[tilespmem:s19], [sflag:$0x2] =	stream.indirect.gather [hbm4b:s0+s18], $0x10, s5, s18, $0xb8;
	[tilespmem:$0x9800] =	vst v63  }
0x78: {  	_ =	swait.ge [sflag:s16], $0x800  }
0x79: {  	[sflag:s16] =	ssyncset.done $0x0  }
.Ltmp1:
0x7a: {  	s5 =	sadd.s32 $0x300, s4;
	[sflag:s16] =	ssyncadd.s32 $0xFFFFF800;
	(pc) =	sbr.rel @p1 .LBB2_4-.Ltmp1, $4  }
0x7b: {  	[tilespmem:s21], [sflag:$0x3] =	stream.indirect.gather [hbm4b:s0+s18], $0x10, s5, s18, $0xb8;
	[tilespmem:$0x9800] =	vst v63  }
0x7c: {  	_ =	swait.ge [sflag:s2], $0x800  }
0x7d: {  	[sflag:s2] =	ssyncset.done $0x0  }
0x7e: {  	s4 =	sadd.s32 $0x380, s4;
	[sflag:s2] =	ssyncadd.s32 $0xFFFFF800  }
0x7f: {  	[tilespmem:s23], [sflag:$0x4] =	stream.indirect.gather [hbm4b:s0+s18], $0x10, s4, s18, $0xb8;
	[tilespmem:$0x9800] =	vst v63  }
0x80: {  	_ =	swait.ge [sflag:s26], $0x800  }
0x81: {  	[sflag:s26] =	ssyncset.done $0x0  }
0x82: {  	s22 =	simm.s32 $0x4E00;
	[sflag:s26] =	ssyncadd.s32 $0xFFFFF800  }
0x83: {  	[spmem:s3] =	stream.indirect.scatter.add.f32 [tilespmem:s17], [sflag:$0x5], $0x10, s22, s18, $0xb8;
	[tilespmem:$0x9800] =	vst v63  }
0x84: {  	_ =	swait.ge [sflag:s28], $0x800  }
0x85: {  	[sflag:s28] =	ssyncset.done $0x0  }
0x86: {  	s5 =	simm.s32 $0x4E80;
	[sflag:s28] =	ssyncadd.s32 $0xFFFFF800  }
0x87: {  	[spmem:s3] =	stream.indirect.scatter.add.f32 [tilespmem:s19], [sflag:$0x6], $0x10, s5, s18, $0xb8;
	[tilespmem:$0x9800] =	vst v63  }
0x88: {  	_ =	swait.ge [sflag:s29], $0x800  }
0x89: {  	[sflag:s29] =	ssyncset.done $0x0  }
0x8a: {  	s22 =	simm.s32 $0x4F00;
	[sflag:s29] =	ssyncadd.s32 $0xFFFFF800  }
0x8b: {  	[spmem:s3] =	stream.indirect.scatter.add.f32 [tilespmem:s21], [sflag:$0x7], $0x10, s22, s18, $0xb8;
	[tilespmem:$0x9800] =	vst v63  }
0x8c: {  	_ =	swait.ge [sflag:s30], $0x800  }
0x8d: {  	[sflag:s30] =	ssyncset.done $0x0  }
0x8e: {  	s5 =	simm.s32 $0x4F80;
	[sflag:s30] =	ssyncadd.s32 $0xFFFFF800  }
0x8f: {  	[spmem:s3] =	stream.indirect.scatter.add.f32 [tilespmem:s23], [sflag:$0x8], $0x10, s5, s18, $0xb8;
	[tilespmem:$0x9800] =	vst v63  }
0x90: {  	_ =	swait.ge [sflag:s31], $0x800  }
0x91: {  	[sflag:s31] =	ssyncset.done $0x0  }
0x92: {  	[sflag:s31] =	ssyncadd.s32 $0xFFFFF800  }
0x93: {  	_ =	swait.ge [sflag:s1], $0x800  }
0x94: {  	[sflag:s1] =	ssyncset.done $0x0  }
0x95: {  	[sflag:s1] =	ssyncadd.s32 $0xFFFFF800  }
0x96: {  	_ =	swait.ge [sflag:s16], $0x800  }
0x97: {  	[sflag:s16] =	ssyncset.done $0x0  }
0x98: {  	[sflag:s16] =	ssyncadd.s32 $0xFFFFF800  }
0x99: {  	_ =	swait.ge [sflag:s2], $0x800  }
0x9a: {  	s22 =	stileid.u32;
	[sflag:s2] =	ssyncset.done $0x0  }
0x9b: {  	s4 =	sshll.u32 s22, $0x6;
	[sflag:s2] =	ssyncadd.s32 $0xFFFFF800  }
0x9c: {  	s4 =	sor.u32 $0x1C09, s4;
	[bflag:$0x0] =	sbarrier.arrive $0xFFFF  }
0x9d: {  	[hbm:s12], [sflag:s4] =	dma.local [spmem:s24], $0x4E0  }
0x9e: {  	_ =	swait.ge [sflag:s15], $0x4E0  }
0x9f: {  	s20 =	sadd.s32 $0x1, s20;
	[sflag:s15] =	ssyncset.done $0x0  }
0xa0: {  	p1 =	sne.s32 s20, s14;
	[sflag:s15] =	ssyncadd.s32 $0xFFFFFB20  }
0xa1: {  	[hbm:s13], [sflag:s4] =	dma.local @!p0 [spmem:s25], $0x20  }
.Ltmp2:
0xa2: {  	_ = 	snop;
	(pc) =	sbr.rel @p1 .LBB2_1-.Ltmp2, $4  }
0xa3: {  	s4 =	simm.s32 @!p0 $0x9  }
0xa4: {  	_ =	swait.ge @!p0 [sflag:s4], $0x20  }
0xa5: {  	[sflag:s4] =	ssyncset.done @!p0 $0x0  }
0xa6: {  	[sflag:s4] =	ssyncadd.s32 @!p0 $0xFFFFFFE0  }
0xa7: {  	_ =	sfence.sel $0x180000  }
0xa8: {  	[bflag:$0x0] =	sbarrier.arrive $0xFFFF  }
0xa9: {  	_ =	strace $0x90000050  }
0xaa: {  	s0 =	stileid.u32;
	[bflag:$0x2] =	sbarrier.arrive $0xFFFF  }
0xab: {  	p0 =	sne.s32 s0, $0x0;
	s0 =	rddreg [dreg:$0x3]  }
0xac: {  	s0 =	sadd.s32 @!p0 $0x100000, s0  }
0xad: {  	[sflag:s0] =	ssyncadd.tile.s32 @!p0 $0x1;
	_ =	shalt  }
.Lfunc_end2:
_tile_overlayer_lowered:
.L_overlay_start_2:
0xae: {  	(tag) =	ssettag $0x2  }
0xaf: {  	s0 =	rddreg [dreg:$0x0];
	s2 =	stileid.u32  }
0xb0: {  	s1 =	rddreg [dreg:$0x1];
	p0 =	sne.s32 s2, $0x0  }
0xb1: {  	s3 =	rddreg [dreg:$0x2];
	[bflag:$0x3] =	sbarrier.arrive $0xFFFF;
	s2 =	simm.s32 @!p0 $0x1C09  }
0xb2: {  	[timem:s3], [sflag:s2] =	dma.local @!p0 [hbm:s0], s1  }
0xb3: {  	s0 =	simm.s32 @!p0 $0x9  }
0xb4: {  	_ =	swait.ge @!p0 [sflag:s0], s1  }
0xb5: {  	s1 =	ssub.s32 @!p0 $0x0, s1;
	[sflag:s0] =	ssyncset.done @!p0 $0x0  }
0xb6: {  	[sflag:s0] =	ssyncadd.s32 @!p0 s1  }
0xb7: {  	[bflag:$0x3] =	sbarrier.arrive $0xFFFF  }
0xb8: {  	_ =	shalt  }

</sc_bundles>
